<compile_context>
chip_gen: v7x
topology: tpu7x:2x2x1
jax: 0.10.2.dev20260603
libtpu: 0.0.44.dev20260713+nightly
codegen_flags: <defaults>
</compile_context>

<pallas_src>
import functools

import jax
import jax.numpy as jnp
from jax import lax
from jax.experimental import pallas as pl
from jax.experimental.pallas import tpu as pltpu
from jax.experimental.pallas import tpu_sc as plsc

N_NODES = 10000
N_EDGES = 320000
IN_FEATS = 128
H_FEATS = 256
NUM_CLASSES = 64

NC = 2
NS = 16
NB = 5
CHUNK_1 = 40
CHUNK_2 = 80
ISTG_1 = 50
ISTG_2 = 25
ACC_ROWS = 10112
ZROWS_PER_TILE = ACC_ROWS // NS


def _sc_agg_body(F, CHUNK, IDX_STAGE, x_hbm, e_hbm, z_big, z_deg, ms0, ms1, dg0, dg1,
                 acc, dacc, src_v, dst_v, rb0, rb1, rb2, rb3, rb4, ones_v,
                 gs0, gs1, gs2, gs3, gs4, dsem):
    c = lax.axis_index("c")
    s = lax.axis_index("s")
    rows = [rb0, rb1, rb2, rb3, rb4]
    gsem = [gs0, gs1, gs2, gs3, gs4]

    one16 = jnp.ones((16,), jnp.float32)
    for i in range(CHUNK):
        ones_v[i, pl.ds(0, 16)] = one16

    r0 = s * ZROWS_PER_TILE
    pltpu.sync_copy(z_big, rb0)
    for k in range(ZROWS_PER_TILE // CHUNK):
        pltpu.sync_copy(rb0, acc.at[pl.ds(r0 + k * CHUNK, CHUNK)])
    rem = ZROWS_PER_TILE % CHUNK
    pltpu.sync_copy(rb0.at[pl.ds(0, rem)],
                    acc.at[pl.ds(r0 + ZROWS_PER_TILE - rem, rem)])
    pltpu.sync_copy(z_deg, dacc.at[pl.ds(r0, ZROWS_PER_TILE)])

    plsc.subcore_barrier()

    core_chunks = N_EDGES // CHUNK // NC // NS
    tile_base = (c * NS + s) * core_chunks

    def chunk_loop(k, carry):
        for b in range(NB):
            j = NB * k + b
            bn = (b + NB - 1) % NB

            @pl.when(j + NB - 1 < IDX_STAGE)
            def _(j=j, bn=bn):
                pltpu.async_copy(x_hbm.at[src_v.at[j + NB - 1]],
                                 rows[bn], gsem[bn])

            pltpu.make_async_copy(x_hbm.at[src_v.at[j]], rows[b],
                                  gsem[b]).wait()
            d = pltpu.async_copy(ones_v, dacc.at[dst_v.at[j]], dsem, add=True)
            pltpu.sync_copy(rows[b], acc.at[dst_v.at[j]], add=True)
            d.wait()
        return carry

    def stage_loop(h, carry):
        row0 = tile_base + h * IDX_STAGE
        pltpu.sync_copy(e_hbm.at[0, pl.ds(row0, IDX_STAGE)], src_v)
        pltpu.sync_copy(e_hbm.at[1, pl.ds(row0, IDX_STAGE)], dst_v)
        for b in range(NB - 1):
            pltpu.async_copy(x_hbm.at[src_v.at[b]], rows[b], gsem[b])
        lax.fori_loop(0, IDX_STAGE // NB, chunk_loop, 0)
        return carry

    lax.fori_loop(0, core_chunks // IDX_STAGE, stage_loop, 0)

    plsc.subcore_barrier()

    @pl.when(c == 0)
    def _():
        pltpu.sync_copy(acc.at[pl.ds(r0, ZROWS_PER_TILE)],
                        ms0.at[pl.ds(r0, ZROWS_PER_TILE)])
        pltpu.sync_copy(dacc.at[pl.ds(r0, ZROWS_PER_TILE)],
                        dg0.at[pl.ds(r0, ZROWS_PER_TILE)])

    @pl.when(c == 1)
    def _():
        pltpu.sync_copy(acc.at[pl.ds(r0, ZROWS_PER_TILE)],
                        ms1.at[pl.ds(r0, ZROWS_PER_TILE)])
        pltpu.sync_copy(dacc.at[pl.ds(r0, ZROWS_PER_TILE)],
                        dg1.at[pl.ds(r0, ZROWS_PER_TILE)])


def _make_sc_agg(F, CHUNK, IDX_STAGE):
    mesh = plsc.VectorSubcoreMesh(core_axis_name="c", subcore_axis_name="s",
                                  num_cores=NC, num_subcores=NS)
    return pl.kernel(
        functools.partial(_sc_agg_body, F, CHUNK, IDX_STAGE),
        out_type=[
            jax.ShapeDtypeStruct((ACC_ROWS, F), jnp.float32),
            jax.ShapeDtypeStruct((ACC_ROWS, F), jnp.float32),
            jax.ShapeDtypeStruct((ACC_ROWS, 16), jnp.float32),
            jax.ShapeDtypeStruct((ACC_ROWS, 16), jnp.float32),
        ],
        mesh=mesh,
        scratch_types=[
            pltpu.VMEM_SHARED((ACC_ROWS, F), jnp.float32),
            pltpu.VMEM_SHARED((ACC_ROWS, 16), jnp.float32),
            pltpu.VMEM((IDX_STAGE, CHUNK), jnp.int32),
            pltpu.VMEM((IDX_STAGE, CHUNK), jnp.int32),
            pltpu.VMEM((CHUNK, F), jnp.float32),
            pltpu.VMEM((CHUNK, F), jnp.float32),
            pltpu.VMEM((CHUNK, F), jnp.float32),
            pltpu.VMEM((CHUNK, F), jnp.float32),
            pltpu.VMEM((CHUNK, F), jnp.float32),
            pltpu.VMEM((CHUNK, 16), jnp.float32),
            pltpu.SemaphoreType.DMA,
            pltpu.SemaphoreType.DMA,
            pltpu.SemaphoreType.DMA,
            pltpu.SemaphoreType.DMA,
            pltpu.SemaphoreType.DMA,
            pltpu.SemaphoreType.DMA,
        ],
        compiler_params=pltpu.CompilerParams(use_tc_tiling_on_sc=False),
    )


_sc_agg_128 = _make_sc_agg(IN_FEATS, CHUNK_1, ISTG_1)
_sc_agg_64 = _make_sc_agg(NUM_CLASSES, CHUNK_2, ISTG_2)


def _tc1_body(x_ref, ms0_ref, ms1_ref, dg0_ref, dg1_ref,
              w1s_ref, w1n_ref, b1_ref, w2s_ref, w2n_ref, b2_ref,
              p2_ref, s2_ref):
    deg = jnp.maximum(dg0_ref[:, 0:1] + dg1_ref[:, 0:1], 1.0)
    h_n = (ms0_ref[...] + ms1_ref[...]) / deg
    h = (jnp.dot(x_ref[...], w1s_ref[...], preferred_element_type=jnp.float32)
         + jnp.dot(h_n, w1n_ref[...], preferred_element_type=jnp.float32)
         + b1_ref[...])
    h = jnp.maximum(h, 0.0)
    p2_ref[...] = jnp.dot(h, w2n_ref[...], preferred_element_type=jnp.float32)
    s2_ref[...] = (jnp.dot(h, w2s_ref[...], preferred_element_type=jnp.float32)
                   + b2_ref[...])


def _tc2_body(s2_ref, ms0_ref, ms1_ref, dg0_ref, dg1_ref, out_ref):
    deg = jnp.maximum(dg0_ref[:, 0:1] + dg1_ref[:, 0:1], 1.0)
    out_ref[...] = s2_ref[...] + (ms0_ref[...] + ms1_ref[...]) / deg


_TC_ROWS = 1000


def _tc1(x, ms0, ms1, dg0, dg1, w1s, w1n, b1, w2s, w2n, b2):
    grid = (N_NODES // _TC_ROWS,)
    row_block = lambda f: pl.BlockSpec((_TC_ROWS, f), lambda i: (i, 0))
    full = lambda a, b: pl.BlockSpec((a, b), lambda i: (0, 0))
    return pl.pallas_call(
        _tc1_body,
        grid=grid,
        in_specs=[
            row_block(IN_FEATS), row_block(IN_FEATS), row_block(IN_FEATS),
            row_block(16), row_block(16),
            full(IN_FEATS, H_FEATS), full(IN_FEATS, H_FEATS), full(1, H_FEATS),
            full(H_FEATS, NUM_CLASSES), full(H_FEATS, NUM_CLASSES),
            full(1, NUM_CLASSES),
        ],
        out_specs=[row_block(NUM_CLASSES), row_block(NUM_CLASSES)],
        out_shape=[
            jax.ShapeDtypeStruct((N_NODES, NUM_CLASSES), jnp.float32),
            jax.ShapeDtypeStruct((N_NODES, NUM_CLASSES), jnp.float32),
        ],
    )(x, ms0, ms1, dg0, dg1, w1s, w1n, b1, w2s, w2n, b2)


def _tc2(s2, ms0, ms1, dg0, dg1):
    grid = (N_NODES // _TC_ROWS,)
    row_block = lambda f: pl.BlockSpec((_TC_ROWS, f), lambda i: (i, 0))
    return pl.pallas_call(
        _tc2_body,
        grid=grid,
        in_specs=[
            row_block(NUM_CLASSES), row_block(NUM_CLASSES),
            row_block(NUM_CLASSES), row_block(16), row_block(16),
        ],
        out_specs=row_block(NUM_CLASSES),
        out_shape=jax.ShapeDtypeStruct((N_NODES, NUM_CLASSES), jnp.float32),
    )(s2, ms0, ms1, dg0, dg1)


def _pack_edges(edge_index, chunk):
    return edge_index.astype(jnp.int32).reshape(2, N_EDGES // chunk, chunk)


def kernel(x, edge_index1, edge_index2, W1, b1, W2, b2):
    e1 = _pack_edges(edge_index1, CHUNK_1)
    e2 = _pack_edges(edge_index2, CHUNK_2)

    w1s = W1[:, :IN_FEATS].T
    w1n = W1[:, IN_FEATS:].T
    w2s = W2[:, :H_FEATS].T
    w2n = W2[:, H_FEATS:].T
    b1r = b1.reshape(1, H_FEATS)
    b2r = b2.reshape(1, NUM_CLASSES)

    z128 = jnp.zeros((CHUNK_1, IN_FEATS), jnp.float32)
    z64 = jnp.zeros((CHUNK_2, NUM_CLASSES), jnp.float32)
    z16 = jnp.zeros((ZROWS_PER_TILE, 16), jnp.float32)

    ms10, ms11, dg10, dg11 = _sc_agg_128(x, e1, z128, z16)
    p2, s2 = _tc1(x, ms10, ms11, dg10, dg11, w1s, w1n, b1r, w2s, w2n, b2r)
    ms20, ms21, dg20, dg21 = _sc_agg_64(p2, e2, z64, z16)
    return _tc2(s2, ms20, ms21, dg20, dg21)

# --- scband reference (transcript-rebuilt; emitter-appended) ---
"""Pipeline reference for scband-sage-model-18932215840940 (READ-ONLY COPY).

The authoritative reference and input builder live on the scoring server;
editing this copy changes nothing except your own understanding.
"""

import jax, jax.numpy as jnp
import numpy as np

N_NODES = 10000
N_EDGES = 320000
IN_FEATS = 128
H_FEATS = 256
NUM_CLASSES = 64


def setup_inputs(seed: int = 0) -> dict:
    key = jax.random.key(seed)
    k1, k2, k3, k4, k5, k6, k7 = jax.random.split(key, 7)
    x = jax.random.normal(k1, (N_NODES, IN_FEATS), dtype=jnp.float32)
    edge_index1 = jax.random.randint(k2, (2, N_EDGES), 0, N_NODES, dtype=jnp.int64)
    edge_index2 = jax.random.randint(k3, (2, N_EDGES), 0, N_NODES, dtype=jnp.int64)
    # Linear(in_feat*2, out_feat) weights, torch layout [out, in]
    W1 = jax.random.normal(k4, (H_FEATS, 2 * IN_FEATS), dtype=jnp.float32) * (1.0 / np.sqrt(2 * IN_FEATS))
    b1 = jax.random.normal(k5, (H_FEATS,), dtype=jnp.float32) * 0.01
    W2 = jax.random.normal(k6, (NUM_CLASSES, 2 * H_FEATS), dtype=jnp.float32) * (1.0 / np.sqrt(2 * H_FEATS))
    b2 = jax.random.normal(k7, (NUM_CLASSES,), dtype=jnp.float32) * 0.01
    return {"x": x, "edge_index1": edge_index1, "edge_index2": edge_index2,
            "W1": W1, "b1": b1, "W2": W2, "b2": b2}


def _sage_conv(h_src, h_dst, edge_index, W, b):
    # DGL: update_all(copy_u('h','m'), mean('m','h_N'))
    src = edge_index[0]
    dst = edge_index[1]
    n_dst = h_dst.shape[0]
    msg = jnp.take(h_src, src, axis=0)
    msum = jax.ops.segment_sum(msg, dst, num_segments=n_dst)
    deg = jax.ops.segment_sum(jnp.ones((src.shape[0],), dtype=h_src.dtype), dst, num_segments=n_dst)
    h_N = msum / jnp.maximum(deg, 1.0)[:, None]
    h_total = jnp.concatenate([h_dst, h_N], axis=1)
    return h_total @ W.T + b


def reference(x, edge_index1, edge_index2, W1, b1, W2, b2):
    # mfgs[0].num_dst_nodes() == mfgs[1].num_dst_nodes() == N (full-graph MFGs)
    h_dst = x[:N_NODES]
    h = _sage_conv(x, h_dst, edge_index1, W1, b1)
    h = jax.nn.relu(h)
    h_dst2 = h[:N_NODES]
    h = _sage_conv(h, h_dst2, edge_index2, W2, b2)
    return h

if __name__ == "__main__":
    import jax
    _d = setup_inputs()
    print(jax.jit(kernel)(*tuple(_d.values())))

</pallas_src>

<mosaic_0001>
#map = affine_map<(d0, d1) -> (0, 0)>
#map1 = affine_map<(d0, d1) -> (0, 0, 0)>
module attributes {stable_mosaic.version = 14 : i64} {
  func.func @_sc_agg_body(%arg0: i32, %arg1: i32, %arg2: memref<10000x64xf32, #tpu.memory_space<hbm>>, %arg3: memref<2x4000x80xi32, #tpu.memory_space<hbm>>, %arg4: memref<80x64xf32, #tpu.memory_space<hbm>>, %arg5: memref<632x16xf32, #tpu.memory_space<hbm>>, %arg6: memref<10112x64xf32, #tpu.memory_space<hbm>>, %arg7: memref<10112x64xf32, #tpu.memory_space<hbm>>, %arg8: memref<10112x16xf32, #tpu.memory_space<hbm>>, %arg9: memref<10112x16xf32, #tpu.memory_space<hbm>>, %arg10: memref<10112x64xf32, #tpu.memory_space<vmem_shared>>, %arg11: memref<10112x16xf32, #tpu.memory_space<vmem_shared>>, %arg12: memref<25x80xi32, #tpu.memory_space<vmem>>, %arg13: memref<25x80xi32, #tpu.memory_space<vmem>>, %arg14: memref<80x64xf32, #tpu.memory_space<vmem>>, %arg15: memref<80x64xf32, #tpu.memory_space<vmem>>, %arg16: memref<80x64xf32, #tpu.memory_space<vmem>>, %arg17: memref<80x64xf32, #tpu.memory_space<vmem>>, %arg18: memref<80x64xf32, #tpu.memory_space<vmem>>, %arg19: memref<80x16xf32, #tpu.memory_space<vmem>>, %arg20: memref<!tpu.dma_semaphore, #tpu.memory_space<semaphore_mem>>, %arg21: memref<!tpu.dma_semaphore, #tpu.memory_space<semaphore_mem>>, %arg22: memref<!tpu.dma_semaphore, #tpu.memory_space<semaphore_mem>>, %arg23: memref<!tpu.dma_semaphore, #tpu.memory_space<semaphore_mem>>, %arg24: memref<!tpu.dma_semaphore, #tpu.memory_space<semaphore_mem>>, %arg25: memref<!tpu.dma_semaphore, #tpu.memory_space<semaphore_mem>>) attributes {dimension_semantics = [#tpu.dimension_semantics<core_parallel>, #tpu.dimension_semantics<subcore_parallel>], iteration_bounds = array<i64: 2, 16>, scalar_prefetch = 0 : i64, scratch_operands = 16 : i64, tpu.core_type = #tpu.core_type<sc_vector_subcore>, window_params = [{transform_indices = #map}, {transform_indices = #map1}, {transform_indices = #map}, {transform_indices = #map}, {transform_indices = #map}, {transform_indices = #map}, {transform_indices = #map}, {transform_indices = #map}]} {
    %broadcast_in_dim3A = arith.constant 1.000000e+00 : f32
    %broadcast_in_dim3A_0 = vector.broadcast %broadcast_in_dim3A : f32 to vector<16xf32>
    %swap3A = arith.constant 0 : i32
    %swap3A_1 = arith.index_cast %swap3A : i32 to index
    %swap3A_2 = arith.constant 0 : index
    %swap3A_3 = tpu.vector_load %arg19[%swap3A_1, %swap3A_2] {strides = array<i32>} : memref<80x16xf32, #tpu.memory_space<vmem>>, vector<1x16xf32>,
    %swap3A_4 = vector.shape_cast %swap3A_3 : vector<1x16xf32> to vector<16xf32>
    %swap3A_5 = vector.shape_cast %broadcast_in_dim3A_0 : vector<16xf32> to vector<1x16xf32>
    tpu.vector_store %arg19[%swap3A_1, %swap3A_2], %swap3A_5 {strides = array<i32>} : memref<80x16xf32, #tpu.memory_space<vmem>>, vector<1x16xf32>,
    %swap3A_6 = arith.constant 1 : i32
    %swap3A_7 = arith.index_cast %swap3A_6 : i32 to index
    %swap3A_8 = arith.constant 0 : index
    %swap3A_9 = tpu.vector_load %arg19[%swap3A_7, %swap3A_8] {strides = array<i32>} : memref<80x16xf32, #tpu.memory_space<vmem>>, vector<1x16xf32>,
    %swap3A_10 = vector.shape_cast %swap3A_9 : vector<1x16xf32> to vector<16xf32>
    %swap3A_11 = vector.shape_cast %broadcast_in_dim3A_0 : vector<16xf32> to vector<1x16xf32>
    tpu.vector_store %arg19[%swap3A_7, %swap3A_8], %swap3A_11 {strides = array<i32>} : memref<80x16xf32, #tpu.memory_space<vmem>>, vector<1x16xf32>,
    %swap3A_12 = arith.constant 2 : i32
    %swap3A_13 = arith.index_cast %swap3A_12 : i32 to index
    %swap3A_14 = arith.constant 0 : index
    %swap3A_15 = tpu.vector_load %arg19[%swap3A_13, %swap3A_14] {strides = array<i32>} : memref<80x16xf32, #tpu.memory_space<vmem>>, vector<1x16xf32>,
    %swap3A_16 = vector.shape_cast %swap3A_15 : vector<1x16xf32> to vector<16xf32>
    %swap3A_17 = vector.shape_cast %broadcast_in_dim3A_0 : vector<16xf32> to vector<1x16xf32>
    tpu.vector_store %arg19[%swap3A_13, %swap3A_14], %swap3A_17 {strides = array<i32>} : memref<80x16xf32, #tpu.memory_space<vmem>>, vector<1x16xf32>,
    %swap3A_18 = arith.constant 3 : i32
    %swap3A_19 = arith.index_cast %swap3A_18 : i32 to index
    %swap3A_20 = arith.constant 0 : index
    %swap3A_21 = tpu.vector_load %arg19[%swap3A_19, %swap3A_20] {strides = array<i32>} : memref<80x16xf32, #tpu.memory_space<vmem>>, vector<1x16xf32>,
    %swap3A_22 = vector.shape_cast %swap3A_21 : vector<1x16xf32> to vector<16xf32>
    %swap3A_23 = vector.shape_cast %broadcast_in_dim3A_0 : vector<16xf32> to vector<1x16xf32>
    tpu.vector_store %arg19[%swap3A_19, %swap3A_20], %swap3A_23 {strides = array<i32>} : memref<80x16xf32, #tpu.memory_space<vmem>>, vector<1x16xf32>,
    %swap3A_24 = arith.constant 4 : i32
    %swap3A_25 = arith.index_cast %swap3A_24 : i32 to index
    %swap3A_26 = arith.constant 0 : index
    %swap3A_27 = tpu.vector_load %arg19[%swap3A_25, %swap3A_26] {strides = array<i32>} : memref<80x16xf32, #tpu.memory_space<vmem>>, vector<1x16xf32>,
    %swap3A_28 = vector.shape_cast %swap3A_27 : vector<1x16xf32> to vector<16xf32>
    %swap3A_29 = vector.shape_cast %broadcast_in_dim3A_0 : vector<16xf32> to vector<1x16xf32>
    tpu.vector_store %arg19[%swap3A_25, %swap3A_26], %swap3A_29 {strides = array<i32>} : memref<80x16xf32, #tpu.memory_space<vmem>>, vector<1x16xf32>,
    %swap3A_30 = arith.constant 5 : i32
    %swap3A_31 = arith.index_cast %swap3A_30 : i32 to index
    %swap3A_32 = arith.constant 0 : index
    %swap3A_33 = tpu.vector_load %arg19[%swap3A_31, %swap3A_32] {strides = array<i32>} : memref<80x16xf32, #tpu.memory_space<vmem>>, vector<1x16xf32>,
    %swap3A_34 = vector.shape_cast %swap3A_33 : vector<1x16xf32> to vector<16xf32>
    %swap3A_35 = vector.shape_cast %broadcast_in_dim3A_0 : vector<16xf32> to vector<1x16xf32>
    tpu.vector_store %arg19[%swap3A_31, %swap3A_32], %swap3A_35 {strides = array<i32>} : memref<80x16xf32, #tpu.memory_space<vmem>>, vector<1x16xf32>,
    %swap3A_36 = arith.constant 6 : i32
    %swap3A_37 = arith.index_cast %swap3A_36 : i32 to index
    %swap3A_38 = arith.constant 0 : index
    %swap3A_39 = tpu.vector_load %arg19[%swap3A_37, %swap3A_38] {strides = array<i32>} : memref<80x16xf32, #tpu.memory_space<vmem>>, vector<1x16xf32>,
    %swap3A_40 = vector.shape_cast %swap3A_39 : vector<1x16xf32> to vector<16xf32>
    %swap3A_41 = vector.shape_cast %broadcast_in_dim3A_0 : vector<16xf32> to vector<1x16xf32>
    tpu.vector_store %arg19[%swap3A_37, %swap3A_38], %swap3A_41 {strides = array<i32>} : memref<80x16xf32, #tpu.memory_space<vmem>>, vector<1x16xf32>,
    %swap3A_42 = arith.constant 7 : i32
    %swap3A_43 = arith.index_cast %swap3A_42 : i32 to index
    %swap3A_44 = arith.constant 0 : index
    %swap3A_45 = tpu.vector_load %arg19[%swap3A_43, %swap3A_44] {strides = array<i32>} : memref<80x16xf32, #tpu.memory_space<vmem>>, vector<1x16xf32>,
    %swap3A_46 = vector.shape_cast %swap3A_45 : vector<1x16xf32> to vector<16xf32>
    %swap3A_47 = vector.shape_cast %broadcast_in_dim3A_0 : vector<16xf32> to vector<1x16xf32>
    tpu.vector_store %arg19[%swap3A_43, %swap3A_44], %swap3A_47 {strides = array<i32>} : memref<80x16xf32, #tpu.memory_space<vmem>>, vector<1x16xf32>,
    %swap3A_48 = arith.constant 8 : i32
    %swap3A_49 = arith.index_cast %swap3A_48 : i32 to index
    %swap3A_50 = arith.constant 0 : index
    %swap3A_51 = tpu.vector_load %arg19[%swap3A_49, %swap3A_50] {strides = array<i32>} : memref<80x16xf32, #tpu.memory_space<vmem>>, vector<1x16xf32>,
    %swap3A_52 = vector.shape_cast %swap3A_51 : vector<1x16xf32> to vector<16xf32>
    %swap3A_53 = vector.shape_cast %broadcast_in_dim3A_0 : vector<16xf32> to vector<1x16xf32>
    tpu.vector_store %arg19[%swap3A_49, %swap3A_50], %swap3A_53 {strides = array<i32>} : memref<80x16xf32, #tpu.memory_space<vmem>>, vector<1x16xf32>,
    %swap3A_54 = arith.constant 9 : i32
    %swap3A_55 = arith.index_cast %swap3A_54 : i32 to index
    %swap3A_56 = arith.constant 0 : index
    %swap3A_57 = tpu.vector_load %arg19[%swap3A_55, %swap3A_56] {strides = array<i32>} : memref<80x16xf32, #tpu.memory_space<vmem>>, vector<1x16xf32>,
    %swap3A_58 = vector.shape_cast %swap3A_57 : vector<1x16xf32> to vector<16xf32>
    %swap3A_59 = vector.shape_cast %broadcast_in_dim3A_0 : vector<16xf32> to vector<1x16xf32>
    tpu.vector_store %arg19[%swap3A_55, %swap3A_56], %swap3A_59 {strides = array<i32>} : memref<80x16xf32, #tpu.memory_space<vmem>>, vector<1x16xf32>,
    %swap3A_60 = arith.constant 10 : i32
    %swap3A_61 = arith.index_cast %swap3A_60 : i32 to index
    %swap3A_62 = arith.constant 0 : index
    %swap3A_63 = tpu.vector_load %arg19[%swap3A_61, %swap3A_62] {strides = array<i32>} : memref<80x16xf32, #tpu.memory_space<vmem>>, vector<1x16xf32>,
    %swap3A_64 = vector.shape_cast %swap3A_63 : vector<1x16xf32> to vector<16xf32>
    %swap3A_65 = vector.shape_cast %broadcast_in_dim3A_0 : vector<16xf32> to vector<1x16xf32>
    tpu.vector_store %arg19[%swap3A_61, %swap3A_62], %swap3A_65 {strides = array<i32>} : memref<80x16xf32, #tpu.memory_space<vmem>>, vector<1x16xf32>,
    %swap3A_66 = arith.constant 11 : i32
    %swap3A_67 = arith.index_cast %swap3A_66 : i32 to index
    %swap3A_68 = arith.constant 0 : index
    %swap3A_69 = tpu.vector_load %arg19[%swap3A_67, %swap3A_68] {strides = array<i32>} : memref<80x16xf32, #tpu.memory_space<vmem>>, vector<1x16xf32>,
    %swap3A_70 = vector.shape_cast %swap3A_69 : vector<1x16xf32> to vector<16xf32>
    %swap3A_71 = vector.shape_cast %broadcast_in_dim3A_0 : vector<16xf32> to vector<1x16xf32>
    tpu.vector_store %arg19[%swap3A_67, %swap3A_68], %swap3A_71 {strides = array<i32>} : memref<80x16xf32, #tpu.memory_space<vmem>>, vector<1x16xf32>,
    %swap3A_72 = arith.constant 12 : i32
    %swap3A_73 = arith.index_cast %swap3A_72 : i32 to index
    %swap3A_74 = arith.constant 0 : index
    %swap3A_75 = tpu.vector_load %arg19[%swap3A_73, %swap3A_74] {strides = array<i32>} : memref<80x16xf32, #tpu.memory_space<vmem>>, vector<1x16xf32>,
    %swap3A_76 = vector.shape_cast %swap3A_75 : vector<1x16xf32> to vector<16xf32>
    %swap3A_77 = vector.shape_cast %broadcast_in_dim3A_0 : vector<16xf32> to vector<1x16xf32>
    tpu.vector_store %arg19[%swap3A_73, %swap3A_74], %swap3A_77 {strides = array<i32>} : memref<80x16xf32, #tpu.memory_space<vmem>>, vector<1x16xf32>,
    %swap3A_78 = arith.constant 13 : i32
    %swap3A_79 = arith.index_cast %swap3A_78 : i32 to index
    %swap3A_80 = arith.constant 0 : index
    %swap3A_81 = tpu.vector_load %arg19[%swap3A_79, %swap3A_80] {strides = array<i32>} : memref<80x16xf32, #tpu.memory_space<vmem>>, vector<1x16xf32>,
    %swap3A_82 = vector.shape_cast %swap3A_81 : vector<1x16xf32> to vector<16xf32>
    %swap3A_83 = vector.shape_cast %broadcast_in_dim3A_0 : vector<16xf32> to vector<1x16xf32>
    tpu.vector_store %arg19[%swap3A_79, %swap3A_80], %swap3A_83 {strides = array<i32>} : memref<80x16xf32, #tpu.memory_space<vmem>>, vector<1x16xf32>,
    %swap3A_84 = arith.constant 14 : i32
    %swap3A_85 = arith.index_cast %swap3A_84 : i32 to index
    %swap3A_86 = arith.constant 0 : index
    %swap3A_87 = tpu.vector_load %arg19[%swap3A_85, %swap3A_86] {strides = array<i32>} : memref<80x16xf32, #tpu.memory_space<vmem>>, vector<1x16xf32>,
    %swap3A_88 = vector.shape_cast %swap3A_87 : vector<1x16xf32> to vector<16xf32>
    %swap3A_89 = vector.shape_cast %broadcast_in_dim3A_0 : vector<16xf32> to vector<1x16xf32>
    tpu.vector_store %arg19[%swap3A_85, %swap3A_86], %swap3A_89 {strides = array<i32>} : memref<80x16xf32, #tpu.memory_space<vmem>>, vector<1x16xf32>,
    %swap3A_90 = arith.constant 15 : i32
    %swap3A_91 = arith.index_cast %swap3A_90 : i32 to index
    %swap3A_92 = arith.constant 0 : index
    %swap3A_93 = tpu.vector_load %arg19[%swap3A_91, %swap3A_92] {strides = array<i32>} : memref<80x16xf32, #tpu.memory_space<vmem>>, vector<1x16xf32>,
    %swap3A_94 = vector.shape_cast %swap3A_93 : vector<1x16xf32> to vector<16xf32>
    %swap3A_95 = vector.shape_cast %broadcast_in_dim3A_0 : vector<16xf32> to vector<1x16xf32>
    tpu.vector_store %arg19[%swap3A_91, %swap3A_92], %swap3A_95 {strides = array<i32>} : memref<80x16xf32, #tpu.memory_space<vmem>>, vector<1x16xf32>,
    %swap3A_96 = arith.constant 16 : i32
    %swap3A_97 = arith.index_cast %swap3A_96 : i32 to index
    %swap3A_98 = arith.constant 0 : index
    %swap3A_99 = tpu.vector_load %arg19[%swap3A_97, %swap3A_98] {strides = array<i32>} : memref<80x16xf32, #tpu.memory_space<vmem>>, vector<1x16xf32>,
    %swap3A_100 = vector.shape_cast %swap3A_99 : vector<1x16xf32> to vector<16xf32>
    %swap3A_101 = vector.shape_cast %broadcast_in_dim3A_0 : vector<16xf32> to vector<1x16xf32>
    tpu.vector_store %arg19[%swap3A_97, %swap3A_98], %swap3A_101 {strides = array<i32>} : memref<80x16xf32, #tpu.memory_space<vmem>>, vector<1x16xf32>,
    %swap3A_102 = arith.constant 17 : i32
    %swap3A_103 = arith.index_cast %swap3A_102 : i32 to index
    %swap3A_104 = arith.constant 0 : index
    %swap3A_105 = tpu.vector_load %arg19[%swap3A_103, %swap3A_104] {strides = array<i32>} : memref<80x16xf32, #tpu.memory_space<vmem>>, vector<1x16xf32>,
    %swap3A_106 = vector.shape_cast %swap3A_105 : vector<1x16xf32> to vector<16xf32>
    %swap3A_107 = vector.shape_cast %broadcast_in_dim3A_0 : vector<16xf32> to vector<1x16xf32>
    tpu.vector_store %arg19[%swap3A_103, %swap3A_104], %swap3A_107 {strides = array<i32>} : memref<80x16xf32, #tpu.memory_space<vmem>>, vector<1x16xf32>,
    %swap3A_108 = arith.constant 18 : i32
    %swap3A_109 = arith.index_cast %swap3A_108 : i32 to index
    %swap3A_110 = arith.constant 0 : index
    %swap3A_111 = tpu.vector_load %arg19[%swap3A_109, %swap3A_110] {strides = array<i32>} : memref<80x16xf32, #tpu.memory_space<vmem>>, vector<1x16xf32>,
    %swap3A_112 = vector.shape_cast %swap3A_111 : vector<1x16xf32> to vector<16xf32>
    %swap3A_113 = vector.shape_cast %broadcast_in_dim3A_0 : vector<16xf32> to vector<1x16xf32>
    tpu.vector_store %arg19[%swap3A_109, %swap3A_110], %swap3A_113 {strides = array<i32>} : memref<80x16xf32, #tpu.memory_space<vmem>>, vector<1x16xf32>,
    %swap3A_114 = arith.constant 19 : i32
    %swap3A_115 = arith.index_cast %swap3A_114 : i32 to index
    %swap3A_116 = arith.constant 0 : index
    %swap3A_117 = tpu.vector_load %arg19[%swap3A_115, %swap3A_116] {strides = array<i32>} : memref<80x16xf32, #tpu.memory_space<vmem>>, vector<1x16xf32>,
    %swap3A_118 = vector.shape_cast %swap3A_117 : vector<1x16xf32> to vector<16xf32>
    %swap3A_119 = vector.shape_cast %broadcast_in_dim3A_0 : vector<16xf32> to vector<1x16xf32>
    tpu.vector_store %arg19[%swap3A_115, %swap3A_116], %swap3A_119 {strides = array<i32>} : memref<80x16xf32, #tpu.memory_space<vmem>>, vector<1x16xf32>,
    %swap3A_120 = arith.constant 20 : i32
    %swap3A_121 = arith.index_cast %swap3A_120 : i32 to index
    %swap3A_122 = arith.constant 0 : index
    %swap3A_123 = tpu.vector_load %arg19[%swap3A_121, %swap3A_122] {strides = array<i32>} : memref<80x16xf32, #tpu.memory_space<vmem>>, vector<1x16xf32>,
    %swap3A_124 = vector.shape_cast %swap3A_123 : vector<1x16xf32> to vector<16xf32>
    %swap3A_125 = vector.shape_cast %broadcast_in_dim3A_0 : vector<16xf32> to vector<1x16xf32>
    tpu.vector_store %arg19[%swap3A_121, %swap3A_122], %swap3A_125 {strides = array<i32>} : memref<80x16xf32, #tpu.memory_space<vmem>>, vector<1x16xf32>,
    %swap3A_126 = arith.constant 21 : i32
    %swap3A_127 = arith.index_cast %swap3A_126 : i32 to index
    %swap3A_128 = arith.constant 0 : index
    %swap3A_129 = tpu.vector_load %arg19[%swap3A_127, %swap3A_128] {strides = array<i32>} : memref<80x16xf32, #tpu.memory_space<vmem>>, vector<1x16xf32>,
    %swap3A_130 = vector.shape_cast %swap3A_129 : vector<1x16xf32> to vector<16xf32>
    %swap3A_131 = vector.shape_cast %broadcast_in_dim3A_0 : vector<16xf32> to vector<1x16xf32>
    tpu.vector_store %arg19[%swap3A_127, %swap3A_128], %swap3A_131 {strides = array<i32>} : memref<80x16xf32, #tpu.memory_space<vmem>>, vector<1x16xf32>,
    %swap3A_132 = arith.constant 22 : i32
    %swap3A_133 = arith.index_cast %swap3A_132 : i32 to index
    %swap3A_134 = arith.constant 0 : index
    %swap3A_135 = tpu.vector_load %arg19[%swap3A_133, %swap3A_134] {strides = array<i32>} : memref<80x16xf32, #tpu.memory_space<vmem>>, vector<1x16xf32>,
    %swap3A_136 = vector.shape_cast %swap3A_135 : vector<1x16xf32> to vector<16xf32>
    %swap3A_137 = vector.shape_cast %broadcast_in_dim3A_0 : vector<16xf32> to vector<1x16xf32>
    tpu.vector_store %arg19[%swap3A_133, %swap3A_134], %swap3A_137 {strides = array<i32>} : memref<80x16xf32, #tpu.memory_space<vmem>>, vector<1x16xf32>,
    %swap3A_138 = arith.constant 23 : i32
    %swap3A_139 = arith.index_cast %swap3A_138 : i32 to index
    %swap3A_140 = arith.constant 0 : index
    %swap3A_141 = tpu.vector_load %arg19[%swap3A_139, %swap3A_140] {strides = array<i32>} : memref<80x16xf32, #tpu.memory_space<vmem>>, vector<1x16xf32>,
    %swap3A_142 = vector.shape_cast %swap3A_141 : vector<1x16xf32> to vector<16xf32>
    %swap3A_143 = vector.shape_cast %broadcast_in_dim3A_0 : vector<16xf32> to vector<1x16xf32>
    tpu.vector_store %arg19[%swap3A_139, %swap3A_140], %swap3A_143 {strides = array<i32>} : memref<80x16xf32, #tpu.memory_space<vmem>>, vector<1x16xf32>,
    %swap3A_144 = arith.constant 24 : i32
    %swap3A_145 = arith.index_cast %swap3A_144 : i32 to index
    %swap3A_146 = arith.constant 0 : index
    %swap3A_147 = tpu.vector_load %arg19[%swap3A_145, %swap3A_146] {strides = array<i32>} : memref<80x16xf32, #tpu.memory_space<vmem>>, vector<1x16xf32>,
    %swap3A_148 = vector.shape_cast %swap3A_147 : vector<1x16xf32> to vector<16xf32>
    %swap3A_149 = vector.shape_cast %broadcast_in_dim3A_0 : vector<16xf32> to vector<1x16xf32>
    tpu.vector_store %arg19[%swap3A_145, %swap3A_146], %swap3A_149 {strides = array<i32>} : memref<80x16xf32, #tpu.memory_space<vmem>>, vector<1x16xf32>,
    %swap3A_150 = arith.constant 25 : i32
    %swap3A_151 = arith.index_cast %swap3A_150 : i32 to index
    %swap3A_152 = arith.constant 0 : index
    %swap3A_153 = tpu.vector_load %arg19[%swap3A_151, %swap3A_152] {strides = array<i32>} : memref<80x16xf32, #tpu.memory_space<vmem>>, vector<1x16xf32>,
    %swap3A_154 = vector.shape_cast %swap3A_153 : vector<1x16xf32> to vector<16xf32>
    %swap3A_155 = vector.shape_cast %broadcast_in_dim3A_0 : vector<16xf32> to vector<1x16xf32>
    tpu.vector_store %arg19[%swap3A_151, %swap3A_152], %swap3A_155 {strides = array<i32>} : memref<80x16xf32, #tpu.memory_space<vmem>>, vector<1x16xf32>,
    %swap3A_156 = arith.constant 26 : i32
    %swap3A_157 = arith.index_cast %swap3A_156 : i32 to index
    %swap3A_158 = arith.constant 0 : index
    %swap3A_159 = tpu.vector_load %arg19[%swap3A_157, %swap3A_158] {strides = array<i32>} : memref<80x16xf32, #tpu.memory_space<vmem>>, vector<1x16xf32>,
    %swap3A_160 = vector.shape_cast %swap3A_159 : vector<1x16xf32> to vector<16xf32>
    %swap3A_161 = vector.shape_cast %broadcast_in_dim3A_0 : vector<16xf32> to vector<1x16xf32>
    tpu.vector_store %arg19[%swap3A_157, %swap3A_158], %swap3A_161 {strides = array<i32>} : memref<80x16xf32, #tpu.memory_space<vmem>>, vector<1x16xf32>,
    %swap3A_162 = arith.constant 27 : i32
    %swap3A_163 = arith.index_cast %swap3A_162 : i32 to index
    %swap3A_164 = arith.constant 0 : index
    %swap3A_165 = tpu.vector_load %arg19[%swap3A_163, %swap3A_164] {strides = array<i32>} : memref<80x16xf32, #tpu.memory_space<vmem>>, vector<1x16xf32>,
    %swap3A_166 = vector.shape_cast %swap3A_165 : vector<1x16xf32> to vector<16xf32>
    %swap3A_167 = vector.shape_cast %broadcast_in_dim3A_0 : vector<16xf32> to vector<1x16xf32>
    tpu.vector_store %arg19[%swap3A_163, %swap3A_164], %swap3A_167 {strides = array<i32>} : memref<80x16xf32, #tpu.memory_space<vmem>>, vector<1x16xf32>,
    %swap3A_168 = arith.constant 28 : i32
    %swap3A_169 = arith.index_cast %swap3A_168 : i32 to index
    %swap3A_170 = arith.constant 0 : index
    %swap3A_171 = tpu.vector_load %arg19[%swap3A_169, %swap3A_170] {strides = array<i32>} : memref<80x16xf32, #tpu.memory_space<vmem>>, vector<1x16xf32>,
    %swap3A_172 = vector.shape_cast %swap3A_171 : vector<1x16xf32> to vector<16xf32>
    %swap3A_173 = vector.shape_cast %broadcast_in_dim3A_0 : vector<16xf32> to vector<1x16xf32>
    tpu.vector_store %arg19[%swap3A_169, %swap3A_170], %swap3A_173 {strides = array<i32>} : memref<80x16xf32, #tpu.memory_space<vmem>>, vector<1x16xf32>,
    %swap3A_174 = arith.constant 29 : i32
    %swap3A_175 = arith.index_cast %swap3A_174 : i32 to index
    %swap3A_176 = arith.constant 0 : index
    %swap3A_177 = tpu.vector_load %arg19[%swap3A_175, %swap3A_176] {strides = array<i32>} : memref<80x16xf32, #tpu.memory_space<vmem>>, vector<1x16xf32>,
    %swap3A_178 = vector.shape_cast %swap3A_177 : vector<1x16xf32> to vector<16xf32>
    %swap3A_179 = vector.shape_cast %broadcast_in_dim3A_0 : vector<16xf32> to vector<1x16xf32>
    tpu.vector_store %arg19[%swap3A_175, %swap3A_176], %swap3A_179 {strides = array<i32>} : memref<80x16xf32, #tpu.memory_space<vmem>>, vector<1x16xf32>,
    %swap3A_180 = arith.constant 30 : i32
    %swap3A_181 = arith.index_cast %swap3A_180 : i32 to index
    %swap3A_182 = arith.constant 0 : index
    %swap3A_183 = tpu.vector_load %arg19[%swap3A_181, %swap3A_182] {strides = array<i32>} : memref<80x16xf32, #tpu.memory_space<vmem>>, vector<1x16xf32>,
    %swap3A_184 = vector.shape_cast %swap3A_183 : vector<1x16xf32> to vector<16xf32>
    %swap3A_185 = vector.shape_cast %broadcast_in_dim3A_0 : vector<16xf32> to vector<1x16xf32>
    tpu.vector_store %arg19[%swap3A_181, %swap3A_182], %swap3A_185 {strides = array<i32>} : memref<80x16xf32, #tpu.memory_space<vmem>>, vector<1x16xf32>,
    %swap3A_186 = arith.constant 31 : i32
    %swap3A_187 = arith.index_cast %swap3A_186 : i32 to index
    %swap3A_188 = arith.constant 0 : index
    %swap3A_189 = tpu.vector_load %arg19[%swap3A_187, %swap3A_188] {strides = array<i32>} : memref<80x16xf32, #tpu.memory_space<vmem>>, vector<1x16xf32>,
    %swap3A_190 = vector.shape_cast %swap3A_189 : vector<1x16xf32> to vector<16xf32>
    %swap3A_191 = vector.shape_cast %broadcast_in_dim3A_0 : vector<16xf32> to vector<1x16xf32>
    tpu.vector_store %arg19[%swap3A_187, %swap3A_188], %swap3A_191 {strides = array<i32>} : memref<80x16xf32, #tpu.memory_space<vmem>>, vector<1x16xf32>,
    %swap3A_192 = arith.constant 32 : i32
    %swap3A_193 = arith.index_cast %swap3A_192 : i32 to index
    %swap3A_194 = arith.constant 0 : index
    %swap3A_195 = tpu.vector_load %arg19[%swap3A_193, %swap3A_194] {strides = array<i32>} : memref<80x16xf32, #tpu.memory_space<vmem>>, vector<1x16xf32>,
    %swap3A_196 = vector.shape_cast %swap3A_195 : vector<1x16xf32> to vector<16xf32>
    %swap3A_197 = vector.shape_cast %broadcast_in_dim3A_0 : vector<16xf32> to vector<1x16xf32>
    tpu.vector_store %arg19[%swap3A_193, %swap3A_194], %swap3A_197 {strides = array<i32>} : memref<80x16xf32, #tpu.memory_space<vmem>>, vector<1x16xf32>,
    %swap3A_198 = arith.constant 33 : i32
    %swap3A_199 = arith.index_cast %swap3A_198 : i32 to index
    %swap3A_200 = arith.constant 0 : index
    %swap3A_201 = tpu.vector_load %arg19[%swap3A_199, %swap3A_200] {strides = array<i32>} : memref<80x16xf32, #tpu.memory_space<vmem>>, vector<1x16xf32>,
    %swap3A_202 = vector.shape_cast %swap3A_201 : vector<1x16xf32> to vector<16xf32>
    %swap3A_203 = vector.shape_cast %broadcast_in_dim3A_0 : vector<16xf32> to vector<1x16xf32>
    tpu.vector_store %arg19[%swap3A_199, %swap3A_200], %swap3A_203 {strides = array<i32>} : memref<80x16xf32, #tpu.memory_space<vmem>>, vector<1x16xf32>,
    %swap3A_204 = arith.constant 34 : i32
    %swap3A_205 = arith.index_cast %swap3A_204 : i32 to index
    %swap3A_206 = arith.constant 0 : index
    %swap3A_207 = tpu.vector_load %arg19[%swap3A_205, %swap3A_206] {strides = array<i32>} : memref<80x16xf32, #tpu.memory_space<vmem>>, vector<1x16xf32>,
    %swap3A_208 = vector.shape_cast %swap3A_207 : vector<1x16xf32> to vector<16xf32>
    %swap3A_209 = vector.shape_cast %broadcast_in_dim3A_0 : vector<16xf32> to vector<1x16xf32>
    tpu.vector_store %arg19[%swap3A_205, %swap3A_206], %swap3A_209 {strides = array<i32>} : memref<80x16xf32, #tpu.memory_space<vmem>>, vector<1x16xf32>,
    %swap3A_210 = arith.constant 35 : i32
    %swap3A_211 = arith.index_cast %swap3A_210 : i32 to index
    %swap3A_212 = arith.constant 0 : index
    %swap3A_213 = tpu.vector_load %arg19[%swap3A_211, %swap3A_212] {strides = array<i32>} : memref<80x16xf32, #tpu.memory_space<vmem>>, vector<1x16xf32>,
    %swap3A_214 = vector.shape_cast %swap3A_213 : vector<1x16xf32> to vector<16xf32>
    %swap3A_215 = vector.shape_cast %broadcast_in_dim3A_0 : vector<16xf32> to vector<1x16xf32>
    tpu.vector_store %arg19[%swap3A_211, %swap3A_212], %swap3A_215 {strides = array<i32>} : memref<80x16xf32, #tpu.memory_space<vmem>>, vector<1x16xf32>,
    %swap3A_216 = arith.constant 36 : i32
    %swap3A_217 = arith.index_cast %swap3A_216 : i32 to index
    %swap3A_218 = arith.constant 0 : index
    %swap3A_219 = tpu.vector_load %arg19[%swap3A_217, %swap3A_218] {strides = array<i32>} : memref<80x16xf32, #tpu.memory_space<vmem>>, vector<1x16xf32>,
    %swap3A_220 = vector.shape_cast %swap3A_219 : vector<1x16xf32> to vector<16xf32>
    %swap3A_221 = vector.shape_cast %broadcast_in_dim3A_0 : vector<16xf32> to vector<1x16xf32>
    tpu.vector_store %arg19[%swap3A_217, %swap3A_218], %swap3A_221 {strides = array<i32>} : memref<80x16xf32, #tpu.memory_space<vmem>>, vector<1x16xf32>,
    %swap3A_222 = arith.constant 37 : i32
    %swap3A_223 = arith.index_cast %swap3A_222 : i32 to index
    %swap3A_224 = arith.constant 0 : index
    %swap3A_225 = tpu.vector_load %arg19[%swap3A_223, %swap3A_224] {strides = array<i32>} : memref<80x16xf32, #tpu.memory_space<vmem>>, vector<1x16xf32>,
    %swap3A_226 = vector.shape_cast %swap3A_225 : vector<1x16xf32> to vector<16xf32>
    %swap3A_227 = vector.shape_cast %broadcast_in_dim3A_0 : vector<16xf32> to vector<1x16xf32>
    tpu.vector_store %arg19[%swap3A_223, %swap3A_224], %swap3A_227 {strides = array<i32>} : memref<80x16xf32, #tpu.memory_space<vmem>>, vector<1x16xf32>,
    %swap3A_228 = arith.constant 38 : i32
    %swap3A_229 = arith.index_cast %swap3A_228 : i32 to index
    %swap3A_230 = arith.constant 0 : index
    %swap3A_231 = tpu.vector_load %arg19[%swap3A_229, %swap3A_230] {strides = array<i32>} : memref<80x16xf32, #tpu.memory_space<vmem>>, vector<1x16xf32>,
    %swap3A_232 = vector.shape_cast %swap3A_231 : vector<1x16xf32> to vector<16xf32>
    %swap3A_233 = vector.shape_cast %broadcast_in_dim3A_0 : vector<16xf32> to vector<1x16xf32>
    tpu.vector_store %arg19[%swap3A_229, %swap3A_230], %swap3A_233 {strides = array<i32>} : memref<80x16xf32, #tpu.memory_space<vmem>>, vector<1x16xf32>,
    %swap3A_234 = arith.constant 39 : i32
    %swap3A_235 = arith.index_cast %swap3A_234 : i32 to index
    %swap3A_236 = arith.constant 0 : index
    %swap3A_237 = tpu.vector_load %arg19[%swap3A_235, %swap3A_236] {strides = array<i32>} : memref<80x16xf32, #tpu.memory_space<vmem>>, vector<1x16xf32>,
    %swap3A_238 = vector.shape_cast %swap3A_237 : vector<1x16xf32> to vector<16xf32>
    %swap3A_239 = vector.shape_cast %broadcast_in_dim3A_0 : vector<16xf32> to vector<1x16xf32>
    tpu.vector_store %arg19[%swap3A_235, %swap3A_236], %swap3A_239 {strides = array<i32>} : memref<80x16xf32, #tpu.memory_space<vmem>>, vector<1x16xf32>,
    %swap3A_240 = arith.constant 40 : i32
    %swap3A_241 = arith.index_cast %swap3A_240 : i32 to index
    %swap3A_242 = arith.constant 0 : index
    %swap3A_243 = tpu.vector_load %arg19[%swap3A_241, %swap3A_242] {strides = array<i32>} : memref<80x16xf32, #tpu.memory_space<vmem>>, vector<1x16xf32>,
    %swap3A_244 = vector.shape_cast %swap3A_243 : vector<1x16xf32> to vector<16xf32>
    %swap3A_245 = vector.shape_cast %broadcast_in_dim3A_0 : vector<16xf32> to vector<1x16xf32>
    tpu.vector_store %arg19[%swap3A_241, %swap3A_242], %swap3A_245 {strides = array<i32>} : memref<80x16xf32, #tpu.memory_space<vmem>>, vector<1x16xf32>,
    %swap3A_246 = arith.constant 41 : i32
    %swap3A_247 = arith.index_cast %swap3A_246 : i32 to index
    %swap3A_248 = arith.constant 0 : index
    %swap3A_249 = tpu.vector_load %arg19[%swap3A_247, %swap3A_248] {strides = array<i32>} : memref<80x16xf32, #tpu.memory_space<vmem>>, vector<1x16xf32>,
    %swap3A_250 = vector.shape_cast %swap3A_249 : vector<1x16xf32> to vector<16xf32>
    %swap3A_251 = vector.shape_cast %broadcast_in_dim3A_0 : vector<16xf32> to vector<1x16xf32>
    tpu.vector_store %arg19[%swap3A_247, %swap3A_248], %swap3A_251 {strides = array<i32>} : memref<80x16xf32, #tpu.memory_space<vmem>>, vector<1x16xf32>,
    %swap3A_252 = arith.constant 42 : i32
    %swap3A_253 = arith.index_cast %swap3A_252 : i32 to index
    %swap3A_254 = arith.constant 0 : index
    %swap3A_255 = tpu.vector_load %arg19[%swap3A_253, %swap3A_254] {strides = array<i32>} : memref<80x16xf32, #tpu.memory_space<vmem>>, vector<1x16xf32>,
    %swap3A_256 = vector.shape_cast %swap3A_255 : vector<1x16xf32> to vector<16xf32>
    %swap3A_257 = vector.shape_cast %broadcast_in_dim3A_0 : vector<16xf32> to vector<1x16xf32>
    tpu.vector_store %arg19[%swap3A_253, %swap3A_254], %swap3A_257 {strides = array<i32>} : memref<80x16xf32, #tpu.memory_space<vmem>>, vector<1x16xf32>,
    %swap3A_258 = arith.constant 43 : i32
    %swap3A_259 = arith.index_cast %swap3A_258 : i32 to index
    %swap3A_260 = arith.constant 0 : index
    %swap3A_261 = tpu.vector_load %arg19[%swap3A_259, %swap3A_260] {strides = array<i32>} : memref<80x16xf32, #tpu.memory_space<vmem>>, vector<1x16xf32>,
    %swap3A_262 = vector.shape_cast %swap3A_261 : vector<1x16xf32> to vector<16xf32>
    %swap3A_263 = vector.shape_cast %broadcast_in_dim3A_0 : vector<16xf32> to vector<1x16xf32>
    tpu.vector_store %arg19[%swap3A_259, %swap3A_260], %swap3A_263 {strides = array<i32>} : memref<80x16xf32, #tpu.memory_space<vmem>>, vector<1x16xf32>,
    %swap3A_264 = arith.constant 44 : i32
    %swap3A_265 = arith.index_cast %swap3A_264 : i32 to index
    %swap3A_266 = arith.constant 0 : index
    %swap3A_267 = tpu.vector_load %arg19[%swap3A_265, %swap3A_266] {strides = array<i32>} : memref<80x16xf32, #tpu.memory_space<vmem>>, vector<1x16xf32>,
    %swap3A_268 = vector.shape_cast %swap3A_267 : vector<1x16xf32> to vector<16xf32>
    %swap3A_269 = vector.shape_cast %broadcast_in_dim3A_0 : vector<16xf32> to vector<1x16xf32>
    tpu.vector_store %arg19[%swap3A_265, %swap3A_266], %swap3A_269 {strides = array<i32>} : memref<80x16xf32, #tpu.memory_space<vmem>>, vector<1x16xf32>,
    %swap3A_270 = arith.constant 45 : i32
    %swap3A_271 = arith.index_cast %swap3A_270 : i32 to index
    %swap3A_272 = arith.constant 0 : index
    %swap3A_273 = tpu.vector_load %arg19[%swap3A_271, %swap3A_272] {strides = array<i32>} : memref<80x16xf32, #tpu.memory_space<vmem>>, vector<1x16xf32>,
    %swap3A_274 = vector.shape_cast %swap3A_273 : vector<1x16xf32> to vector<16xf32>
    %swap3A_275 = vector.shape_cast %broadcast_in_dim3A_0 : vector<16xf32> to vector<1x16xf32>
    tpu.vector_store %arg19[%swap3A_271, %swap3A_272], %swap3A_275 {strides = array<i32>} : memref<80x16xf32, #tpu.memory_space<vmem>>, vector<1x16xf32>,
    %swap3A_276 = arith.constant 46 : i32
    %swap3A_277 = arith.index_cast %swap3A_276 : i32 to index
    %swap3A_278 = arith.constant 0 : index
    %swap3A_279 = tpu.vector_load %arg19[%swap3A_277, %swap3A_278] {strides = array<i32>} : memref<80x16xf32, #tpu.memory_space<vmem>>, vector<1x16xf32>,
    %swap3A_280 = vector.shape_cast %swap3A_279 : vector<1x16xf32> to vector<16xf32>
    %swap3A_281 = vector.shape_cast %broadcast_in_dim3A_0 : vector<16xf32> to vector<1x16xf32>
    tpu.vector_store %arg19[%swap3A_277, %swap3A_278], %swap3A_281 {strides = array<i32>} : memref<80x16xf32, #tpu.memory_space<vmem>>, vector<1x16xf32>,
    %swap3A_282 = arith.constant 47 : i32
    %swap3A_283 = arith.index_cast %swap3A_282 : i32 to index
    %swap3A_284 = arith.constant 0 : index
    %swap3A_285 = tpu.vector_load %arg19[%swap3A_283, %swap3A_284] {strides = array<i32>} : memref<80x16xf32, #tpu.memory_space<vmem>>, vector<1x16xf32>,
    %swap3A_286 = vector.shape_cast %swap3A_285 : vector<1x16xf32> to vector<16xf32>
    %swap3A_287 = vector.shape_cast %broadcast_in_dim3A_0 : vector<16xf32> to vector<1x16xf32>
    tpu.vector_store %arg19[%swap3A_283, %swap3A_284], %swap3A_287 {strides = array<i32>} : memref<80x16xf32, #tpu.memory_space<vmem>>, vector<1x16xf32>,
    %swap3A_288 = arith.constant 48 : i32
    %swap3A_289 = arith.index_cast %swap3A_288 : i32 to index
    %swap3A_290 = arith.constant 0 : index
    %swap3A_291 = tpu.vector_load %arg19[%swap3A_289, %swap3A_290] {strides = array<i32>} : memref<80x16xf32, #tpu.memory_space<vmem>>, vector<1x16xf32>,
    %swap3A_292 = vector.shape_cast %swap3A_291 : vector<1x16xf32> to vector<16xf32>
    %swap3A_293 = vector.shape_cast %broadcast_in_dim3A_0 : vector<16xf32> to vector<1x16xf32>
    tpu.vector_store %arg19[%swap3A_289, %swap3A_290], %swap3A_293 {strides = array<i32>} : memref<80x16xf32, #tpu.memory_space<vmem>>, vector<1x16xf32>,
    %swap3A_294 = arith.constant 49 : i32
    %swap3A_295 = arith.index_cast %swap3A_294 : i32 to index
    %swap3A_296 = arith.constant 0 : index
    %swap3A_297 = tpu.vector_load %arg19[%swap3A_295, %swap3A_296] {strides = array<i32>} : memref<80x16xf32, #tpu.memory_space<vmem>>, vector<1x16xf32>,
    %swap3A_298 = vector.shape_cast %swap3A_297 : vector<1x16xf32> to vector<16xf32>
    %swap3A_299 = vector.shape_cast %broadcast_in_dim3A_0 : vector<16xf32> to vector<1x16xf32>
    tpu.vector_store %arg19[%swap3A_295, %swap3A_296], %swap3A_299 {strides = array<i32>} : memref<80x16xf32, #tpu.memory_space<vmem>>, vector<1x16xf32>,
    %swap3A_300 = arith.constant 50 : i32
    %swap3A_301 = arith.index_cast %swap3A_300 : i32 to index
    %swap3A_302 = arith.constant 0 : index
    %swap3A_303 = tpu.vector_load %arg19[%swap3A_301, %swap3A_302] {strides = array<i32>} : memref<80x16xf32, #tpu.memory_space<vmem>>, vector<1x16xf32>,
    %swap3A_304 = vector.shape_cast %swap3A_303 : vector<1x16xf32> to vector<16xf32>
    %swap3A_305 = vector.shape_cast %broadcast_in_dim3A_0 : vector<16xf32> to vector<1x16xf32>
    tpu.vector_store %arg19[%swap3A_301, %swap3A_302], %swap3A_305 {strides = array<i32>} : memref<80x16xf32, #tpu.memory_space<vmem>>, vector<1x16xf32>,
    %swap3A_306 = arith.constant 51 : i32
    %swap3A_307 = arith.index_cast %swap3A_306 : i32 to index
    %swap3A_308 = arith.constant 0 : index
    %swap3A_309 = tpu.vector_load %arg19[%swap3A_307, %swap3A_308] {strides = array<i32>} : memref<80x16xf32, #tpu.memory_space<vmem>>, vector<1x16xf32>,
    %swap3A_310 = vector.shape_cast %swap3A_309 : vector<1x16xf32> to vector<16xf32>
    %swap3A_311 = vector.shape_cast %broadcast_in_dim3A_0 : vector<16xf32> to vector<1x16xf32>
    tpu.vector_store %arg19[%swap3A_307, %swap3A_308], %swap3A_311 {strides = array<i32>} : memref<80x16xf32, #tpu.memory_space<vmem>>, vector<1x16xf32>,
    %swap3A_312 = arith.constant 52 : i32
    %swap3A_313 = arith.index_cast %swap3A_312 : i32 to index
    %swap3A_314 = arith.constant 0 : index
    %swap3A_315 = tpu.vector_load %arg19[%swap3A_313, %swap3A_314] {strides = array<i32>} : memref<80x16xf32, #tpu.memory_space<vmem>>, vector<1x16xf32>,
    %swap3A_316 = vector.shape_cast %swap3A_315 : vector<1x16xf32> to vector<16xf32>
    %swap3A_317 = vector.shape_cast %broadcast_in_dim3A_0 : vector<16xf32> to vector<1x16xf32>
    tpu.vector_store %arg19[%swap3A_313, %swap3A_314], %swap3A_317 {strides = array<i32>} : memref<80x16xf32, #tpu.memory_space<vmem>>, vector<1x16xf32>,
    %swap3A_318 = arith.constant 53 : i32
    %swap3A_319 = arith.index_cast %swap3A_318 : i32 to index
    %swap3A_320 = arith.constant 0 : index
    %swap3A_321 = tpu.vector_load %arg19[%swap3A_319, %swap3A_320] {strides = array<i32>} : memref<80x16xf32, #tpu.memory_space<vmem>>, vector<1x16xf32>,
    %swap3A_322 = vector.shape_cast %swap3A_321 : vector<1x16xf32> to vector<16xf32>
    %swap3A_323 = vector.shape_cast %broadcast_in_dim3A_0 : vector<16xf32> to vector<1x16xf32>
    tpu.vector_store %arg19[%swap3A_319, %swap3A_320], %swap3A_323 {strides = array<i32>} : memref<80x16xf32, #tpu.memory_space<vmem>>, vector<1x16xf32>,
    %swap3A_324 = arith.constant 54 : i32
    %swap3A_325 = arith.index_cast %swap3A_324 : i32 to index
    %swap3A_326 = arith.constant 0 : index
    %swap3A_327 = tpu.vector_load %arg19[%swap3A_325, %swap3A_326] {strides = array<i32>} : memref<80x16xf32, #tpu.memory_space<vmem>>, vector<1x16xf32>,
    %swap3A_328 = vector.shape_cast %swap3A_327 : vector<1x16xf32> to vector<16xf32>
    %swap3A_329 = vector.shape_cast %broadcast_in_dim3A_0 : vector<16xf32> to vector<1x16xf32>
    tpu.vector_store %arg19[%swap3A_325, %swap3A_326], %swap3A_329 {strides = array<i32>} : memref<80x16xf32, #tpu.memory_space<vmem>>, vector<1x16xf32>,
    %swap3A_330 = arith.constant 55 : i32
    %swap3A_331 = arith.index_cast %swap3A_330 : i32 to index
    %swap3A_332 = arith.constant 0 : index
    %swap3A_333 = tpu.vector_load %arg19[%swap3A_331, %swap3A_332] {strides = array<i32>} : memref<80x16xf32, #tpu.memory_space<vmem>>, vector<1x16xf32>,
    %swap3A_334 = vector.shape_cast %swap3A_333 : vector<1x16xf32> to vector<16xf32>
    %swap3A_335 = vector.shape_cast %broadcast_in_dim3A_0 : vector<16xf32> to vector<1x16xf32>
    tpu.vector_store %arg19[%swap3A_331, %swap3A_332], %swap3A_335 {strides = array<i32>} : memref<80x16xf32, #tpu.memory_space<vmem>>, vector<1x16xf32>,
    %swap3A_336 = arith.constant 56 : i32
    %swap3A_337 = arith.index_cast %swap3A_336 : i32 to index
    %swap3A_338 = arith.constant 0 : index
    %swap3A_339 = tpu.vector_load %arg19[%swap3A_337, %swap3A_338] {strides = array<i32>} : memref<80x16xf32, #tpu.memory_space<vmem>>, vector<1x16xf32>,
    %swap3A_340 = vector.shape_cast %swap3A_339 : vector<1x16xf32> to vector<16xf32>
    %swap3A_341 = vector.shape_cast %broadcast_in_dim3A_0 : vector<16xf32> to vector<1x16xf32>
    tpu.vector_store %arg19[%swap3A_337, %swap3A_338], %swap3A_341 {strides = array<i32>} : memref<80x16xf32, #tpu.memory_space<vmem>>, vector<1x16xf32>,
    %swap3A_342 = arith.constant 57 : i32
    %swap3A_343 = arith.index_cast %swap3A_342 : i32 to index
    %swap3A_344 = arith.constant 0 : index
    %swap3A_345 = tpu.vector_load %arg19[%swap3A_343, %swap3A_344] {strides = array<i32>} : memref<80x16xf32, #tpu.memory_space<vmem>>, vector<1x16xf32>,
    %swap3A_346 = vector.shape_cast %swap3A_345 : vector<1x16xf32> to vector<16xf32>
    %swap3A_347 = vector.shape_cast %broadcast_in_dim3A_0 : vector<16xf32> to vector<1x16xf32>
    tpu.vector_store %arg19[%swap3A_343, %swap3A_344], %swap3A_347 {strides = array<i32>} : memref<80x16xf32, #tpu.memory_space<vmem>>, vector<1x16xf32>,
    %swap3A_348 = arith.constant 58 : i32
    %swap3A_349 = arith.index_cast %swap3A_348 : i32 to index
    %swap3A_350 = arith.constant 0 : index
    %swap3A_351 = tpu.vector_load %arg19[%swap3A_349, %swap3A_350] {strides = array<i32>} : memref<80x16xf32, #tpu.memory_space<vmem>>, vector<1x16xf32>,
    %swap3A_352 = vector.shape_cast %swap3A_351 : vector<1x16xf32> to vector<16xf32>
    %swap3A_353 = vector.shape_cast %broadcast_in_dim3A_0 : vector<16xf32> to vector<1x16xf32>
    tpu.vector_store %arg19[%swap3A_349, %swap3A_350], %swap3A_353 {strides = array<i32>} : memref<80x16xf32, #tpu.memory_space<vmem>>, vector<1x16xf32>,
    %swap3A_354 = arith.constant 59 : i32
    %swap3A_355 = arith.index_cast %swap3A_354 : i32 to index
    %swap3A_356 = arith.constant 0 : index
    %swap3A_357 = tpu.vector_load %arg19[%swap3A_355, %swap3A_356] {strides = array<i32>} : memref<80x16xf32, #tpu.memory_space<vmem>>, vector<1x16xf32>,
    %swap3A_358 = vector.shape_cast %swap3A_357 : vector<1x16xf32> to vector<16xf32>
    %swap3A_359 = vector.shape_cast %broadcast_in_dim3A_0 : vector<16xf32> to vector<1x16xf32>
    tpu.vector_store %arg19[%swap3A_355, %swap3A_356], %swap3A_359 {strides = array<i32>} : memref<80x16xf32, #tpu.memory_space<vmem>>, vector<1x16xf32>,
    %swap3A_360 = arith.constant 60 : i32
    %swap3A_361 = arith.index_cast %swap3A_360 : i32 to index
    %swap3A_362 = arith.constant 0 : index
    %swap3A_363 = tpu.vector_load %arg19[%swap3A_361, %swap3A_362] {strides = array<i32>} : memref<80x16xf32, #tpu.memory_space<vmem>>, vector<1x16xf32>,
    %swap3A_364 = vector.shape_cast %swap3A_363 : vector<1x16xf32> to vector<16xf32>
    %swap3A_365 = vector.shape_cast %broadcast_in_dim3A_0 : vector<16xf32> to vector<1x16xf32>
    tpu.vector_store %arg19[%swap3A_361, %swap3A_362], %swap3A_365 {strides = array<i32>} : memref<80x16xf32, #tpu.memory_space<vmem>>, vector<1x16xf32>,
    %swap3A_366 = arith.constant 61 : i32
    %swap3A_367 = arith.index_cast %swap3A_366 : i32 to index
    %swap3A_368 = arith.constant 0 : index
    %swap3A_369 = tpu.vector_load %arg19[%swap3A_367, %swap3A_368] {strides = array<i32>} : memref<80x16xf32, #tpu.memory_space<vmem>>, vector<1x16xf32>,
    %swap3A_370 = vector.shape_cast %swap3A_369 : vector<1x16xf32> to vector<16xf32>
    %swap3A_371 = vector.shape_cast %broadcast_in_dim3A_0 : vector<16xf32> to vector<1x16xf32>
    tpu.vector_store %arg19[%swap3A_367, %swap3A_368], %swap3A_371 {strides = array<i32>} : memref<80x16xf32, #tpu.memory_space<vmem>>, vector<1x16xf32>,
    %swap3A_372 = arith.constant 62 : i32
    %swap3A_373 = arith.index_cast %swap3A_372 : i32 to index
    %swap3A_374 = arith.constant 0 : index
    %swap3A_375 = tpu.vector_load %arg19[%swap3A_373, %swap3A_374] {strides = array<i32>} : memref<80x16xf32, #tpu.memory_space<vmem>>, vector<1x16xf32>,
    %swap3A_376 = vector.shape_cast %swap3A_375 : vector<1x16xf32> to vector<16xf32>
    %swap3A_377 = vector.shape_cast %broadcast_in_dim3A_0 : vector<16xf32> to vector<1x16xf32>
    tpu.vector_store %arg19[%swap3A_373, %swap3A_374], %swap3A_377 {strides = array<i32>} : memref<80x16xf32, #tpu.memory_space<vmem>>, vector<1x16xf32>,
    %swap3A_378 = arith.constant 63 : i32
    %swap3A_379 = arith.index_cast %swap3A_378 : i32 to index
    %swap3A_380 = arith.constant 0 : index
    %swap3A_381 = tpu.vector_load %arg19[%swap3A_379, %swap3A_380] {strides = array<i32>} : memref<80x16xf32, #tpu.memory_space<vmem>>, vector<1x16xf32>,
    %swap3A_382 = vector.shape_cast %swap3A_381 : vector<1x16xf32> to vector<16xf32>
    %swap3A_383 = vector.shape_cast %broadcast_in_dim3A_0 : vector<16xf32> to vector<1x16xf32>
    tpu.vector_store %arg19[%swap3A_379, %swap3A_380], %swap3A_383 {strides = array<i32>} : memref<80x16xf32, #tpu.memory_space<vmem>>, vector<1x16xf32>,
    %swap3A_384 = arith.constant 64 : i32
    %swap3A_385 = arith.index_cast %swap3A_384 : i32 to index
    %swap3A_386 = arith.constant 0 : index
    %swap3A_387 = tpu.vector_load %arg19[%swap3A_385, %swap3A_386] {strides = array<i32>} : memref<80x16xf32, #tpu.memory_space<vmem>>, vector<1x16xf32>,
    %swap3A_388 = vector.shape_cast %swap3A_387 : vector<1x16xf32> to vector<16xf32>
    %swap3A_389 = vector.shape_cast %broadcast_in_dim3A_0 : vector<16xf32> to vector<1x16xf32>
    tpu.vector_store %arg19[%swap3A_385, %swap3A_386], %swap3A_389 {strides = array<i32>} : memref<80x16xf32, #tpu.memory_space<vmem>>, vector<1x16xf32>,
    %swap3A_390 = arith.constant 65 : i32
    %swap3A_391 = arith.index_cast %swap3A_390 : i32 to index
    %swap3A_392 = arith.constant 0 : index
    %swap3A_393 = tpu.vector_load %arg19[%swap3A_391, %swap3A_392] {strides = array<i32>} : memref<80x16xf32, #tpu.memory_space<vmem>>, vector<1x16xf32>,
    %swap3A_394 = vector.shape_cast %swap3A_393 : vector<1x16xf32> to vector<16xf32>
    %swap3A_395 = vector.shape_cast %broadcast_in_dim3A_0 : vector<16xf32> to vector<1x16xf32>
    tpu.vector_store %arg19[%swap3A_391, %swap3A_392], %swap3A_395 {strides = array<i32>} : memref<80x16xf32, #tpu.memory_space<vmem>>, vector<1x16xf32>,
    %swap3A_396 = arith.constant 66 : i32
    %swap3A_397 = arith.index_cast %swap3A_396 : i32 to index
    %swap3A_398 = arith.constant 0 : index
    %swap3A_399 = tpu.vector_load %arg19[%swap3A_397, %swap3A_398] {strides = array<i32>} : memref<80x16xf32, #tpu.memory_space<vmem>>, vector<1x16xf32>,
    %swap3A_400 = vector.shape_cast %swap3A_399 : vector<1x16xf32> to vector<16xf32>
    %swap3A_401 = vector.shape_cast %broadcast_in_dim3A_0 : vector<16xf32> to vector<1x16xf32>
    tpu.vector_store %arg19[%swap3A_397, %swap3A_398], %swap3A_401 {strides = array<i32>} : memref<80x16xf32, #tpu.memory_space<vmem>>, vector<1x16xf32>,
    %swap3A_402 = arith.constant 67 : i32
    %swap3A_403 = arith.index_cast %swap3A_402 : i32 to index
    %swap3A_404 = arith.constant 0 : index
    %swap3A_405 = tpu.vector_load %arg19[%swap3A_403, %swap3A_404] {strides = array<i32>} : memref<80x16xf32, #tpu.memory_space<vmem>>, vector<1x16xf32>,
    %swap3A_406 = vector.shape_cast %swap3A_405 : vector<1x16xf32> to vector<16xf32>
    %swap3A_407 = vector.shape_cast %broadcast_in_dim3A_0 : vector<16xf32> to vector<1x16xf32>
    tpu.vector_store %arg19[%swap3A_403, %swap3A_404], %swap3A_407 {strides = array<i32>} : memref<80x16xf32, #tpu.memory_space<vmem>>, vector<1x16xf32>,
    %swap3A_408 = arith.constant 68 : i32
    %swap3A_409 = arith.index_cast %swap3A_408 : i32 to index
    %swap3A_410 = arith.constant 0 : index
    %swap3A_411 = tpu.vector_load %arg19[%swap3A_409, %swap3A_410] {strides = array<i32>} : memref<80x16xf32, #tpu.memory_space<vmem>>, vector<1x16xf32>,
    %swap3A_412 = vector.shape_cast %swap3A_411 : vector<1x16xf32> to vector<16xf32>
    %swap3A_413 = vector.shape_cast %broadcast_in_dim3A_0 : vector<16xf32> to vector<1x16xf32>
    tpu.vector_store %arg19[%swap3A_409, %swap3A_410], %swap3A_413 {strides = array<i32>} : memref<80x16xf32, #tpu.memory_space<vmem>>, vector<1x16xf32>,
    %swap3A_414 = arith.constant 69 : i32
    %swap3A_415 = arith.index_cast %swap3A_414 : i32 to index
    %swap3A_416 = arith.constant 0 : index
    %swap3A_417 = tpu.vector_load %arg19[%swap3A_415, %swap3A_416] {strides = array<i32>} : memref<80x16xf32, #tpu.memory_space<vmem>>, vector<1x16xf32>,
    %swap3A_418 = vector.shape_cast %swap3A_417 : vector<1x16xf32> to vector<16xf32>
    %swap3A_419 = vector.shape_cast %broadcast_in_dim3A_0 : vector<16xf32> to vector<1x16xf32>
    tpu.vector_store %arg19[%swap3A_415, %swap3A_416], %swap3A_419 {strides = array<i32>} : memref<80x16xf32, #tpu.memory_space<vmem>>, vector<1x16xf32>,
    %swap3A_420 = arith.constant 70 : i32
    %swap3A_421 = arith.index_cast %swap3A_420 : i32 to index
    %swap3A_422 = arith.constant 0 : index
    %swap3A_423 = tpu.vector_load %arg19[%swap3A_421, %swap3A_422] {strides = array<i32>} : memref<80x16xf32, #tpu.memory_space<vmem>>, vector<1x16xf32>,
    %swap3A_424 = vector.shape_cast %swap3A_423 : vector<1x16xf32> to vector<16xf32>
    %swap3A_425 = vector.shape_cast %broadcast_in_dim3A_0 : vector<16xf32> to vector<1x16xf32>
    tpu.vector_store %arg19[%swap3A_421, %swap3A_422], %swap3A_425 {strides = array<i32>} : memref<80x16xf32, #tpu.memory_space<vmem>>, vector<1x16xf32>,
    %swap3A_426 = arith.constant 71 : i32
    %swap3A_427 = arith.index_cast %swap3A_426 : i32 to index
    %swap3A_428 = arith.constant 0 : index
    %swap3A_429 = tpu.vector_load %arg19[%swap3A_427, %swap3A_428] {strides = array<i32>} : memref<80x16xf32, #tpu.memory_space<vmem>>, vector<1x16xf32>,
    %swap3A_430 = vector.shape_cast %swap3A_429 : vector<1x16xf32> to vector<16xf32>
    %swap3A_431 = vector.shape_cast %broadcast_in_dim3A_0 : vector<16xf32> to vector<1x16xf32>
    tpu.vector_store %arg19[%swap3A_427, %swap3A_428], %swap3A_431 {strides = array<i32>} : memref<80x16xf32, #tpu.memory_space<vmem>>, vector<1x16xf32>,
    %swap3A_432 = arith.constant 72 : i32
    %swap3A_433 = arith.index_cast %swap3A_432 : i32 to index
    %swap3A_434 = arith.constant 0 : index
    %swap3A_435 = tpu.vector_load %arg19[%swap3A_433, %swap3A_434] {strides = array<i32>} : memref<80x16xf32, #tpu.memory_space<vmem>>, vector<1x16xf32>,
    %swap3A_436 = vector.shape_cast %swap3A_435 : vector<1x16xf32> to vector<16xf32>
    %swap3A_437 = vector.shape_cast %broadcast_in_dim3A_0 : vector<16xf32> to vector<1x16xf32>
    tpu.vector_store %arg19[%swap3A_433, %swap3A_434], %swap3A_437 {strides = array<i32>} : memref<80x16xf32, #tpu.memory_space<vmem>>, vector<1x16xf32>,
    %swap3A_438 = arith.constant 73 : i32
    %swap3A_439 = arith.index_cast %swap3A_438 : i32 to index
    %swap3A_440 = arith.constant 0 : index
    %swap3A_441 = tpu.vector_load %arg19[%swap3A_439, %swap3A_440] {strides = array<i32>} : memref<80x16xf32, #tpu.memory_space<vmem>>, vector<1x16xf32>,
    %swap3A_442 = vector.shape_cast %swap3A_441 : vector<1x16xf32> to vector<16xf32>
    %swap3A_443 = vector.shape_cast %broadcast_in_dim3A_0 : vector<16xf32> to vector<1x16xf32>
    tpu.vector_store %arg19[%swap3A_439, %swap3A_440], %swap3A_443 {strides = array<i32>} : memref<80x16xf32, #tpu.memory_space<vmem>>, vector<1x16xf32>,
    %swap3A_444 = arith.constant 74 : i32
    %swap3A_445 = arith.index_cast %swap3A_444 : i32 to index
    %swap3A_446 = arith.constant 0 : index
    %swap3A_447 = tpu.vector_load %arg19[%swap3A_445, %swap3A_446] {strides = array<i32>} : memref<80x16xf32, #tpu.memory_space<vmem>>, vector<1x16xf32>,
    %swap3A_448 = vector.shape_cast %swap3A_447 : vector<1x16xf32> to vector<16xf32>
    %swap3A_449 = vector.shape_cast %broadcast_in_dim3A_0 : vector<16xf32> to vector<1x16xf32>
    tpu.vector_store %arg19[%swap3A_445, %swap3A_446], %swap3A_449 {strides = array<i32>} : memref<80x16xf32, #tpu.memory_space<vmem>>, vector<1x16xf32>,
    %swap3A_450 = arith.constant 75 : i32
    %swap3A_451 = arith.index_cast %swap3A_450 : i32 to index
    %swap3A_452 = arith.constant 0 : index
    %swap3A_453 = tpu.vector_load %arg19[%swap3A_451, %swap3A_452] {strides = array<i32>} : memref<80x16xf32, #tpu.memory_space<vmem>>, vector<1x16xf32>,
    %swap3A_454 = vector.shape_cast %swap3A_453 : vector<1x16xf32> to vector<16xf32>
    %swap3A_455 = vector.shape_cast %broadcast_in_dim3A_0 : vector<16xf32> to vector<1x16xf32>
    tpu.vector_store %arg19[%swap3A_451, %swap3A_452], %swap3A_455 {strides = array<i32>} : memref<80x16xf32, #tpu.memory_space<vmem>>, vector<1x16xf32>,
    %swap3A_456 = arith.constant 76 : i32
    %swap3A_457 = arith.index_cast %swap3A_456 : i32 to index
    %swap3A_458 = arith.constant 0 : index
    %swap3A_459 = tpu.vector_load %arg19[%swap3A_457, %swap3A_458] {strides = array<i32>} : memref<80x16xf32, #tpu.memory_space<vmem>>, vector<1x16xf32>,
    %swap3A_460 = vector.shape_cast %swap3A_459 : vector<1x16xf32> to vector<16xf32>
    %swap3A_461 = vector.shape_cast %broadcast_in_dim3A_0 : vector<16xf32> to vector<1x16xf32>
    tpu.vector_store %arg19[%swap3A_457, %swap3A_458], %swap3A_461 {strides = array<i32>} : memref<80x16xf32, #tpu.memory_space<vmem>>, vector<1x16xf32>,
    %swap3A_462 = arith.constant 77 : i32
    %swap3A_463 = arith.index_cast %swap3A_462 : i32 to index
    %swap3A_464 = arith.constant 0 : index
    %swap3A_465 = tpu.vector_load %arg19[%swap3A_463, %swap3A_464] {strides = array<i32>} : memref<80x16xf32, #tpu.memory_space<vmem>>, vector<1x16xf32>,
    %swap3A_466 = vector.shape_cast %swap3A_465 : vector<1x16xf32> to vector<16xf32>
    %swap3A_467 = vector.shape_cast %broadcast_in_dim3A_0 : vector<16xf32> to vector<1x16xf32>
    tpu.vector_store %arg19[%swap3A_463, %swap3A_464], %swap3A_467 {strides = array<i32>} : memref<80x16xf32, #tpu.memory_space<vmem>>, vector<1x16xf32>,
    %swap3A_468 = arith.constant 78 : i32
    %swap3A_469 = arith.index_cast %swap3A_468 : i32 to index
    %swap3A_470 = arith.constant 0 : index
    %swap3A_471 = tpu.vector_load %arg19[%swap3A_469, %swap3A_470] {strides = array<i32>} : memref<80x16xf32, #tpu.memory_space<vmem>>, vector<1x16xf32>,
    %swap3A_472 = vector.shape_cast %swap3A_471 : vector<1x16xf32> to vector<16xf32>
    %swap3A_473 = vector.shape_cast %broadcast_in_dim3A_0 : vector<16xf32> to vector<1x16xf32>
    tpu.vector_store %arg19[%swap3A_469, %swap3A_470], %swap3A_473 {strides = array<i32>} : memref<80x16xf32, #tpu.memory_space<vmem>>, vector<1x16xf32>,
    %swap3A_474 = arith.constant 79 : i32
    %swap3A_475 = arith.index_cast %swap3A_474 : i32 to index
    %swap3A_476 = arith.constant 0 : index
    %swap3A_477 = tpu.vector_load %arg19[%swap3A_475, %swap3A_476] {strides = array<i32>} : memref<80x16xf32, #tpu.memory_space<vmem>>, vector<1x16xf32>,
    %swap3A_478 = vector.shape_cast %swap3A_477 : vector<1x16xf32> to vector<16xf32>
    %swap3A_479 = vector.shape_cast %broadcast_in_dim3A_0 : vector<16xf32> to vector<1x16xf32>
    tpu.vector_store %arg19[%swap3A_475, %swap3A_476], %swap3A_479 {strides = array<i32>} : memref<80x16xf32, #tpu.memory_space<vmem>>, vector<1x16xf32>,
    %mul3A = arith.constant 632 : i32
    %mul3A_480 = arith.muli %arg1, %mul3A : i32
    "tpu.region"() ({
      %run_scoped3A = tpu.sem_alloc : memref<!tpu.dma_semaphore, #tpu.memory_space<semaphore_mem>>
      tpu.enqueue_dma source(%arg4 : memref<80x64xf32, #tpu.memory_space<hbm>>) target(%arg14 : memref<80x64xf32, #tpu.memory_space<vmem>>) target_semaphore(%run_scoped3A : memref<!tpu.dma_semaphore, #tpu.memory_space<semaphore_mem>>)
      tpu.wait_dma2 semaphore(%run_scoped3A : memref<!tpu.dma_semaphore, #tpu.memory_space<semaphore_mem>>) src(%arg4 : memref<80x64xf32, #tpu.memory_space<hbm>>) dst(%arg14 : memref<80x64xf32, #tpu.memory_space<vmem>>)
      tpu.yield
    }) : () -> ()
    %add3A = arith.constant 0 : i32
    %add3A_481 = arith.addi %mul3A_480, %add3A : i32
    "tpu.region"() ({
      %run_scoped3A = tpu.sem_alloc : memref<!tpu.dma_semaphore, #tpu.memory_space<semaphore_mem>>
      %dma_start3A = arith.constant 0 : i32
      %dma_start3A_515 = tpu.memref_slice %arg10[%add3A_481, %dma_start3A] : memref<10112x64xf32, #tpu.memory_space<vmem_shared>> -> memref<80x64xf32, #tpu.memory_space<vmem_shared>>
      %dma_start3A_516 = arith.constant 0 : i32
      %dma_start3A_517 = tpu.memref_slice %arg10[%add3A_481, %dma_start3A_516] : memref<10112x64xf32, #tpu.memory_space<vmem_shared>> -> memref<80x64xf32, #tpu.memory_space<vmem_shared>>
      tpu.enqueue_dma source(%arg14 : memref<80x64xf32, #tpu.memory_space<vmem>>) target(%dma_start3A_517 : memref<80x64xf32, #tpu.memory_space<vmem_shared>>) target_semaphore(%run_scoped3A : memref<!tpu.dma_semaphore, #tpu.memory_space<semaphore_mem>>)
      %dma_wait3A = arith.constant 0 : i32
      %dma_wait3A_518 = tpu.memref_slice %arg10[%add3A_481, %dma_wait3A] : memref<10112x64xf32, #tpu.memory_space<vmem_shared>> -> memref<80x64xf32, #tpu.memory_space<vmem_shared>>
      %dma_wait3A_519 = arith.constant 0 : i32
      %dma_wait3A_520 = tpu.memref_slice %arg10[%add3A_481, %dma_wait3A_519] : memref<10112x64xf32, #tpu.memory_space<vmem_shared>> -> memref<80x64xf32, #tpu.memory_space<vmem_shared>>
      tpu.wait_dma2 semaphore(%run_scoped3A : memref<!tpu.dma_semaphore, #tpu.memory_space<semaphore_mem>>) src(%arg14 : memref<80x64xf32, #tpu.memory_space<vmem>>) dst(%dma_wait3A_520 : memref<80x64xf32, #tpu.memory_space<vmem_shared>>)
      tpu.yield
    }) : () -> ()
    %add3A_482 = arith.constant 80 : i32
    %add3A_483 = arith.addi %mul3A_480, %add3A_482 : i32
    "tpu.region"() ({
      %run_scoped3A = tpu.sem_alloc : memref<!tpu.dma_semaphore, #tpu.memory_space<semaphore_mem>>
      %dma_start3A = arith.constant 0 : i32
      %dma_start3A_515 = tpu.memref_slice %arg10[%add3A_483, %dma_start3A] : memref<10112x64xf32, #tpu.memory_space<vmem_shared>> -> memref<80x64xf32, #tpu.memory_space<vmem_shared>>
      %dma_start3A_516 = arith.constant 0 : i32
      %dma_start3A_517 = tpu.memref_slice %arg10[%add3A_483, %dma_start3A_516] : memref<10112x64xf32, #tpu.memory_space<vmem_shared>> -> memref<80x64xf32, #tpu.memory_space<vmem_shared>>
      tpu.enqueue_dma source(%arg14 : memref<80x64xf32, #tpu.memory_space<vmem>>) target(%dma_start3A_517 : memref<80x64xf32, #tpu.memory_space<vmem_shared>>) target_semaphore(%run_scoped3A : memref<!tpu.dma_semaphore, #tpu.memory_space<semaphore_mem>>)
      %dma_wait3A = arith.constant 0 : i32
      %dma_wait3A_518 = tpu.memref_slice %arg10[%add3A_483, %dma_wait3A] : memref<10112x64xf32, #tpu.memory_space<vmem_shared>> -> memref<80x64xf32, #tpu.memory_space<vmem_shared>>
      %dma_wait3A_519 = arith.constant 0 : i32
      %dma_wait3A_520 = tpu.memref_slice %arg10[%add3A_483, %dma_wait3A_519] : memref<10112x64xf32, #tpu.memory_space<vmem_shared>> -> memref<80x64xf32, #tpu.memory_space<vmem_shared>>
      tpu.wait_dma2 semaphore(%run_scoped3A : memref<!tpu.dma_semaphore, #tpu.memory_space<semaphore_mem>>) src(%arg14 : memref<80x64xf32, #tpu.memory_space<vmem>>) dst(%dma_wait3A_520 : memref<80x64xf32, #tpu.memory_space<vmem_shared>>)
      tpu.yield
    }) : () -> ()
    %add3A_484 = arith.constant 160 : i32
    %add3A_485 = arith.addi %mul3A_480, %add3A_484 : i32
    "tpu.region"() ({
      %run_scoped3A = tpu.sem_alloc : memref<!tpu.dma_semaphore, #tpu.memory_space<semaphore_mem>>
      %dma_start3A = arith.constant 0 : i32
      %dma_start3A_515 = tpu.memref_slice %arg10[%add3A_485, %dma_start3A] : memref<10112x64xf32, #tpu.memory_space<vmem_shared>> -> memref<80x64xf32, #tpu.memory_space<vmem_shared>>
      %dma_start3A_516 = arith.constant 0 : i32
      %dma_start3A_517 = tpu.memref_slice %arg10[%add3A_485, %dma_start3A_516] : memref<10112x64xf32, #tpu.memory_space<vmem_shared>> -> memref<80x64xf32, #tpu.memory_space<vmem_shared>>
      tpu.enqueue_dma source(%arg14 : memref<80x64xf32, #tpu.memory_space<vmem>>) target(%dma_start3A_517 : memref<80x64xf32, #tpu.memory_space<vmem_shared>>) target_semaphore(%run_scoped3A : memref<!tpu.dma_semaphore, #tpu.memory_space<semaphore_mem>>)
      %dma_wait3A = arith.constant 0 : i32
      %dma_wait3A_518 = tpu.memref_slice %arg10[%add3A_485, %dma_wait3A] : memref<10112x64xf32, #tpu.memory_space<vmem_shared>> -> memref<80x64xf32, #tpu.memory_space<vmem_shared>>
      %dma_wait3A_519 = arith.constant 0 : i32
      %dma_wait3A_520 = tpu.memref_slice %arg10[%add3A_485, %dma_wait3A_519] : memref<10112x64xf32, #tpu.memory_space<vmem_shared>> -> memref<80x64xf32, #tpu.memory_space<vmem_shared>>
      tpu.wait_dma2 semaphore(%run_scoped3A : memref<!tpu.dma_semaphore, #tpu.memory_space<semaphore_mem>>) src(%arg14 : memref<80x64xf32, #tpu.memory_space<vmem>>) dst(%dma_wait3A_520 : memref<80x64xf32, #tpu.memory_space<vmem_shared>>)
      tpu.yield
    }) : () -> ()
    %add3A_486 = arith.constant 240 : i32
    %add3A_487 = arith.addi %mul3A_480, %add3A_486 : i32
    "tpu.region"() ({
      %run_scoped3A = tpu.sem_alloc : memref<!tpu.dma_semaphore, #tpu.memory_space<semaphore_mem>>
      %dma_start3A = arith.constant 0 : i32
      %dma_start3A_515 = tpu.memref_slice %arg10[%add3A_487, %dma_start3A] : memref<10112x64xf32, #tpu.memory_space<vmem_shared>> -> memref<80x64xf32, #tpu.memory_space<vmem_shared>>
      %dma_start3A_516 = arith.constant 0 : i32
      %dma_start3A_517 = tpu.memref_slice %arg10[%add3A_487, %dma_start3A_516] : memref<10112x64xf32, #tpu.memory_space<vmem_shared>> -> memref<80x64xf32, #tpu.memory_space<vmem_shared>>
      tpu.enqueue_dma source(%arg14 : memref<80x64xf32, #tpu.memory_space<vmem>>) target(%dma_start3A_517 : memref<80x64xf32, #tpu.memory_space<vmem_shared>>) target_semaphore(%run_scoped3A : memref<!tpu.dma_semaphore, #tpu.memory_space<semaphore_mem>>)
      %dma_wait3A = arith.constant 0 : i32
      %dma_wait3A_518 = tpu.memref_slice %arg10[%add3A_487, %dma_wait3A] : memref<10112x64xf32, #tpu.memory_space<vmem_shared>> -> memref<80x64xf32, #tpu.memory_space<vmem_shared>>
      %dma_wait3A_519 = arith.constant 0 : i32
      %dma_wait3A_520 = tpu.memref_slice %arg10[%add3A_487, %dma_wait3A_519] : memref<10112x64xf32, #tpu.memory_space<vmem_shared>> -> memref<80x64xf32, #tpu.memory_space<vmem_shared>>
      tpu.wait_dma2 semaphore(%run_scoped3A : memref<!tpu.dma_semaphore, #tpu.memory_space<semaphore_mem>>) src(%arg14 : memref<80x64xf32, #tpu.memory_space<vmem>>) dst(%dma_wait3A_520 : memref<80x64xf32, #tpu.memory_space<vmem_shared>>)
      tpu.yield
    }) : () -> ()
    %add3A_488 = arith.constant 320 : i32
    %add3A_489 = arith.addi %mul3A_480, %add3A_488 : i32
    "tpu.region"() ({
      %run_scoped3A = tpu.sem_alloc : memref<!tpu.dma_semaphore, #tpu.memory_space<semaphore_mem>>
      %dma_start3A = arith.constant 0 : i32
      %dma_start3A_515 = tpu.memref_slice %arg10[%add3A_489, %dma_start3A] : memref<10112x64xf32, #tpu.memory_space<vmem_shared>> -> memref<80x64xf32, #tpu.memory_space<vmem_shared>>
      %dma_start3A_516 = arith.constant 0 : i32
      %dma_start3A_517 = tpu.memref_slice %arg10[%add3A_489, %dma_start3A_516] : memref<10112x64xf32, #tpu.memory_space<vmem_shared>> -> memref<80x64xf32, #tpu.memory_space<vmem_shared>>
      tpu.enqueue_dma source(%arg14 : memref<80x64xf32, #tpu.memory_space<vmem>>) target(%dma_start3A_517 : memref<80x64xf32, #tpu.memory_space<vmem_shared>>) target_semaphore(%run_scoped3A : memref<!tpu.dma_semaphore, #tpu.memory_space<semaphore_mem>>)
      %dma_wait3A = arith.constant 0 : i32
      %dma_wait3A_518 = tpu.memref_slice %arg10[%add3A_489, %dma_wait3A] : memref<10112x64xf32, #tpu.memory_space<vmem_shared>> -> memref<80x64xf32, #tpu.memory_space<vmem_shared>>
      %dma_wait3A_519 = arith.constant 0 : i32
      %dma_wait3A_520 = tpu.memref_slice %arg10[%add3A_489, %dma_wait3A_519] : memref<10112x64xf32, #tpu.memory_space<vmem_shared>> -> memref<80x64xf32, #tpu.memory_space<vmem_shared>>
      tpu.wait_dma2 semaphore(%run_scoped3A : memref<!tpu.dma_semaphore, #tpu.memory_space<semaphore_mem>>) src(%arg14 : memref<80x64xf32, #tpu.memory_space<vmem>>) dst(%dma_wait3A_520 : memref<80x64xf32, #tpu.memory_space<vmem_shared>>)
      tpu.yield
    }) : () -> ()
    %add3A_490 = arith.constant 400 : i32
    %add3A_491 = arith.addi %mul3A_480, %add3A_490 : i32
    "tpu.region"() ({
      %run_scoped3A = tpu.sem_alloc : memref<!tpu.dma_semaphore, #tpu.memory_space<semaphore_mem>>
      %dma_start3A = arith.constant 0 : i32
      %dma_start3A_515 = tpu.memref_slice %arg10[%add3A_491, %dma_start3A] : memref<10112x64xf32, #tpu.memory_space<vmem_shared>> -> memref<80x64xf32, #tpu.memory_space<vmem_shared>>
      %dma_start3A_516 = arith.constant 0 : i32
      %dma_start3A_517 = tpu.memref_slice %arg10[%add3A_491, %dma_start3A_516] : memref<10112x64xf32, #tpu.memory_space<vmem_shared>> -> memref<80x64xf32, #tpu.memory_space<vmem_shared>>
      tpu.enqueue_dma source(%arg14 : memref<80x64xf32, #tpu.memory_space<vmem>>) target(%dma_start3A_517 : memref<80x64xf32, #tpu.memory_space<vmem_shared>>) target_semaphore(%run_scoped3A : memref<!tpu.dma_semaphore, #tpu.memory_space<semaphore_mem>>)
      %dma_wait3A = arith.constant 0 : i32
      %dma_wait3A_518 = tpu.memref_slice %arg10[%add3A_491, %dma_wait3A] : memref<10112x64xf32, #tpu.memory_space<vmem_shared>> -> memref<80x64xf32, #tpu.memory_space<vmem_shared>>
      %dma_wait3A_519 = arith.constant 0 : i32
      %dma_wait3A_520 = tpu.memref_slice %arg10[%add3A_491, %dma_wait3A_519] : memref<10112x64xf32, #tpu.memory_space<vmem_shared>> -> memref<80x64xf32, #tpu.memory_space<vmem_shared>>
      tpu.wait_dma2 semaphore(%run_scoped3A : memref<!tpu.dma_semaphore, #tpu.memory_space<semaphore_mem>>) src(%arg14 : memref<80x64xf32, #tpu.memory_space<vmem>>) dst(%dma_wait3A_520 : memref<80x64xf32, #tpu.memory_space<vmem_shared>>)
      tpu.yield
    }) : () -> ()
    %add3A_492 = arith.constant 480 : i32
    %add3A_493 = arith.addi %mul3A_480, %add3A_492 : i32
    "tpu.region"() ({
      %run_scoped3A = tpu.sem_alloc : memref<!tpu.dma_semaphore, #tpu.memory_space<semaphore_mem>>
      %dma_start3A = arith.constant 0 : i32
      %dma_start3A_515 = tpu.memref_slice %arg10[%add3A_493, %dma_start3A] : memref<10112x64xf32, #tpu.memory_space<vmem_shared>> -> memref<80x64xf32, #tpu.memory_space<vmem_shared>>
      %dma_start3A_516 = arith.constant 0 : i32
      %dma_start3A_517 = tpu.memref_slice %arg10[%add3A_493, %dma_start3A_516] : memref<10112x64xf32, #tpu.memory_space<vmem_shared>> -> memref<80x64xf32, #tpu.memory_space<vmem_shared>>
      tpu.enqueue_dma source(%arg14 : memref<80x64xf32, #tpu.memory_space<vmem>>) target(%dma_start3A_517 : memref<80x64xf32, #tpu.memory_space<vmem_shared>>) target_semaphore(%run_scoped3A : memref<!tpu.dma_semaphore, #tpu.memory_space<semaphore_mem>>)
      %dma_wait3A = arith.constant 0 : i32
      %dma_wait3A_518 = tpu.memref_slice %arg10[%add3A_493, %dma_wait3A] : memref<10112x64xf32, #tpu.memory_space<vmem_shared>> -> memref<80x64xf32, #tpu.memory_space<vmem_shared>>
      %dma_wait3A_519 = arith.constant 0 : i32
      %dma_wait3A_520 = tpu.memref_slice %arg10[%add3A_493, %dma_wait3A_519] : memref<10112x64xf32, #tpu.memory_space<vmem_shared>> -> memref<80x64xf32, #tpu.memory_space<vmem_shared>>
      tpu.wait_dma2 semaphore(%run_scoped3A : memref<!tpu.dma_semaphore, #tpu.memory_space<semaphore_mem>>) src(%arg14 : memref<80x64xf32, #tpu.memory_space<vmem>>) dst(%dma_wait3A_520 : memref<80x64xf32, #tpu.memory_space<vmem_shared>>)
      tpu.yield
    }) : () -> ()
    %add3A_494 = arith.constant 632 : i32
    %add3A_495 = arith.addi %mul3A_480, %add3A_494 : i32
    %sub3A = arith.constant 72 : i32
    %sub3A_496 = arith.subi %add3A_495, %sub3A : i32
    "tpu.region"() ({
      %run_scoped3A = tpu.sem_alloc : memref<!tpu.dma_semaphore, #tpu.memory_space<semaphore_mem>>
      %dma_start3A = arith.constant 0 : i32
      %dma_start3A_515 = arith.constant 0 : i32
      %dma_start3A_516 = tpu.memref_slice %arg14[%dma_start3A, %dma_start3A_515] : memref<80x64xf32, #tpu.memory_space<vmem>> -> memref<72x64xf32, #tpu.memory_space<vmem>>
      %dma_start3A_517 = arith.constant 0 : i32
      %dma_start3A_518 = tpu.memref_slice %arg10[%sub3A_496, %dma_start3A_517] : memref<10112x64xf32, #tpu.memory_space<vmem_shared>> -> memref<72x64xf32, #tpu.memory_space<vmem_shared>>
      %dma_start3A_519 = arith.constant 0 : i32
      %dma_start3A_520 = tpu.memref_slice %arg10[%sub3A_496, %dma_start3A_519] : memref<10112x64xf32, #tpu.memory_space<vmem_shared>> -> memref<72x64xf32, #tpu.memory_space<vmem_shared>>
      %dma_start3A_521 = arith.constant 0 : i32
      %dma_start3A_522 = arith.constant 0 : i32
      %dma_start3A_523 = tpu.memref_slice %arg14[%dma_start3A_521, %dma_start3A_522] : memref<80x64xf32, #tpu.memory_space<vmem>> -> memref<72x64xf32, #tpu.memory_space<vmem>>
      tpu.enqueue_dma source(%dma_start3A_523 : memref<72x64xf32, #tpu.memory_space<vmem>>) target(%dma_start3A_520 : memref<72x64xf32, #tpu.memory_space<vmem_shared>>) target_semaphore(%run_scoped3A : memref<!tpu.dma_semaphore, #tpu.memory_space<semaphore_mem>>)
      %dma_wait3A = arith.constant 0 : i32
      %dma_wait3A_524 = arith.constant 0 : i32
      %dma_wait3A_525 = tpu.memref_slice %arg14[%dma_wait3A, %dma_wait3A_524] : memref<80x64xf32, #tpu.memory_space<vmem>> -> memref<72x64xf32, #tpu.memory_space<vmem>>
      %dma_wait3A_526 = arith.constant 0 : i32
      %dma_wait3A_527 = tpu.memref_slice %arg10[%sub3A_496, %dma_wait3A_526] : memref<10112x64xf32, #tpu.memory_space<vmem_shared>> -> memref<72x64xf32, #tpu.memory_space<vmem_shared>>
      %dma_wait3A_528 = arith.constant 0 : i32
      %dma_wait3A_529 = tpu.memref_slice %arg10[%sub3A_496, %dma_wait3A_528] : memref<10112x64xf32, #tpu.memory_space<vmem_shared>> -> memref<72x64xf32, #tpu.memory_space<vmem_shared>>
      %dma_wait3A_530 = arith.constant 0 : i32
      %dma_wait3A_531 = arith.constant 0 : i32
      %dma_wait3A_532 = tpu.memref_slice %arg14[%dma_wait3A_530, %dma_wait3A_531] : memref<80x64xf32, #tpu.memory_space<vmem>> -> memref<72x64xf32, #tpu.memory_space<vmem>>
      tpu.wait_dma2 semaphore(%run_scoped3A : memref<!tpu.dma_semaphore, #tpu.memory_space<semaphore_mem>>) src(%dma_wait3A_532 : memref<72x64xf32, #tpu.memory_space<vmem>>) dst(%dma_wait3A_529 : memref<72x64xf32, #tpu.memory_space<vmem_shared>>)
      tpu.yield
    }) : () -> ()
    "tpu.region"() ({
      %run_scoped3A = tpu.sem_alloc : memref<!tpu.dma_semaphore, #tpu.memory_space<semaphore_mem>>
      %dma_start3A = arith.constant 0 : i32
      %dma_start3A_515 = tpu.memref_slice %arg11[%mul3A_480, %dma_start3A] : memref<10112x16xf32, #tpu.memory_space<vmem_shared>> -> memref<632x16xf32, #tpu.memory_space<vmem_shared>>
      tpu.enqueue_dma source(%arg5 : memref<632x16xf32, #tpu.memory_space<hbm>>) target(%dma_start3A_515 : memref<632x16xf32, #tpu.memory_space<vmem_shared>>) target_semaphore(%run_scoped3A : memref<!tpu.dma_semaphore, #tpu.memory_space<semaphore_mem>>)
      %dma_wait3A = arith.constant 0 : i32
      %dma_wait3A_516 = tpu.memref_slice %arg11[%mul3A_480, %dma_wait3A] : memref<10112x16xf32, #tpu.memory_space<vmem_shared>> -> memref<632x16xf32, #tpu.memory_space<vmem_shared>>
      tpu.wait_dma2 semaphore(%run_scoped3A : memref<!tpu.dma_semaphore, #tpu.memory_space<semaphore_mem>>) src(%arg5 : memref<632x16xf32, #tpu.memory_space<hbm>>) dst(%dma_wait3A_516 : memref<632x16xf32, #tpu.memory_space<vmem_shared>>)
      tpu.yield
    }) : () -> ()
    %barrier3A = arith.constant 0 : index
    tpu.barrier barrier_id(%barrier3A)
    %mul3A_497 = arith.constant 16 : i32
    %mul3A_498 = arith.muli %arg0, %mul3A_497 : i32
    %add3A_499 = arith.addi %mul3A_498, %arg1 : i32
    %mul3A_500 = arith.constant 125 : i32
    %mul3A_501 = arith.muli %add3A_499, %mul3A_500 : i32
    %scan3A = arith.constant 0 : i32
    %scan3A_502 = arith.constant 0 : i32
    %scan3A_503 = arith.constant 5 : i32
    %scan3A_504 = arith.addi %scan3A_502, %scan3A_503 : i32
    %scan3A_505 = arith.constant 1 : i32
    scf.for %scan3A_515 = %scan3A_502 to %scan3A_504 step %scan3A_505  : i32 {
      %mul3A_516 = arith.constant 25 : i32
      %mul3A_517 = arith.muli %scan3A_515, %mul3A_516 : i32
      %add3A_518 = arith.addi %mul3A_501, %mul3A_517 : i32
      %run_scoped3A = arith.constant 0 : i32
      "tpu.region"() ({
        %run_scoped3A_553 = tpu.sem_alloc : memref<!tpu.dma_semaphore, #tpu.memory_space<semaphore_mem>>
        %dma_start3A_554 = arith.constant 0 : i32
        %dma_start3A_555 = tpu.memref_slice %arg3[%run_scoped3A, %add3A_518, %dma_start3A_554] : memref<2x4000x80xi32, #tpu.memory_space<hbm>> -> memref<1x25x80xi32, #tpu.memory_space<hbm>>
        %dma_start3A_556 = tpu.memref_squeeze %dma_start3A_555 : memref<1x25x80xi32, #tpu.memory_space<hbm>> -> memref<25x80xi32, #tpu.memory_space<hbm>>
        %dma_start3A_557 = arith.constant 0 : i32
        %dma_start3A_558 = tpu.memref_slice %arg3[%run_scoped3A, %add3A_518, %dma_start3A_557] : memref<2x4000x80xi32, #tpu.memory_space<hbm>> -> memref<1x25x80xi32, #tpu.memory_space<hbm>>
        %dma_start3A_559 = tpu.memref_squeeze %dma_start3A_558 : memref<1x25x80xi32, #tpu.memory_space<hbm>> -> memref<25x80xi32, #tpu.memory_space<hbm>>
        tpu.enqueue_dma source(%dma_start3A_559 : memref<25x80xi32, #tpu.memory_space<hbm>>) target(%arg12 : memref<25x80xi32, #tpu.memory_space<vmem>>) target_semaphore(%run_scoped3A_553 : memref<!tpu.dma_semaphore, #tpu.memory_space<semaphore_mem>>)
        %dma_wait3A = arith.constant 0 : i32
        %dma_wait3A_560 = tpu.memref_slice %arg3[%run_scoped3A, %add3A_518, %dma_wait3A] : memref<2x4000x80xi32, #tpu.memory_space<hbm>> -> memref<1x25x80xi32, #tpu.memory_space<hbm>>
        %dma_wait3A_561 = tpu.memref_squeeze %dma_wait3A_560 : memref<1x25x80xi32, #tpu.memory_space<hbm>> -> memref<25x80xi32, #tpu.memory_space<hbm>>
        %dma_wait3A_562 = arith.constant 0 : i32
        %dma_wait3A_563 = tpu.memref_slice %arg3[%run_scoped3A, %add3A_518, %dma_wait3A_562] : memref<2x4000x80xi32, #tpu.memory_space<hbm>> -> memref<1x25x80xi32, #tpu.memory_space<hbm>>
        %dma_wait3A_564 = tpu.memref_squeeze %dma_wait3A_563 : memref<1x25x80xi32, #tpu.memory_space<hbm>> -> memref<25x80xi32, #tpu.memory_space<hbm>>
        tpu.wait_dma2 semaphore(%run_scoped3A_553 : memref<!tpu.dma_semaphore, #tpu.memory_space<semaphore_mem>>) src(%dma_wait3A_564 : memref<25x80xi32, #tpu.memory_space<hbm>>) dst(%arg12 : memref<25x80xi32, #tpu.memory_space<vmem>>)
        tpu.yield
      }) : () -> ()
      %run_scoped3A_519 = arith.constant 1 : i32
      "tpu.region"() ({
        %run_scoped3A_553 = tpu.sem_alloc : memref<!tpu.dma_semaphore, #tpu.memory_space<semaphore_mem>>
        %dma_start3A_554 = arith.constant 0 : i32
        %dma_start3A_555 = tpu.memref_slice %arg3[%run_scoped3A_519, %add3A_518, %dma_start3A_554] : memref<2x4000x80xi32, #tpu.memory_space<hbm>> -> memref<1x25x80xi32, #tpu.memory_space<hbm>>
        %dma_start3A_556 = tpu.memref_squeeze %dma_start3A_555 : memref<1x25x80xi32, #tpu.memory_space<hbm>> -> memref<25x80xi32, #tpu.memory_space<hbm>>
        %dma_start3A_557 = arith.constant 0 : i32
        %dma_start3A_558 = tpu.memref_slice %arg3[%run_scoped3A_519, %add3A_518, %dma_start3A_557] : memref<2x4000x80xi32, #tpu.memory_space<hbm>> -> memref<1x25x80xi32, #tpu.memory_space<hbm>>
        %dma_start3A_559 = tpu.memref_squeeze %dma_start3A_558 : memref<1x25x80xi32, #tpu.memory_space<hbm>> -> memref<25x80xi32, #tpu.memory_space<hbm>>
        tpu.enqueue_dma source(%dma_start3A_559 : memref<25x80xi32, #tpu.memory_space<hbm>>) target(%arg13 : memref<25x80xi32, #tpu.memory_space<vmem>>) target_semaphore(%run_scoped3A_553 : memref<!tpu.dma_semaphore, #tpu.memory_space<semaphore_mem>>)
        %dma_wait3A = arith.constant 0 : i32
        %dma_wait3A_560 = tpu.memref_slice %arg3[%run_scoped3A_519, %add3A_518, %dma_wait3A] : memref<2x4000x80xi32, #tpu.memory_space<hbm>> -> memref<1x25x80xi32, #tpu.memory_space<hbm>>
        %dma_wait3A_561 = tpu.memref_squeeze %dma_wait3A_560 : memref<1x25x80xi32, #tpu.memory_space<hbm>> -> memref<25x80xi32, #tpu.memory_space<hbm>>
        %dma_wait3A_562 = arith.constant 0 : i32
        %dma_wait3A_563 = tpu.memref_slice %arg3[%run_scoped3A_519, %add3A_518, %dma_wait3A_562] : memref<2x4000x80xi32, #tpu.memory_space<hbm>> -> memref<1x25x80xi32, #tpu.memory_space<hbm>>
        %dma_wait3A_564 = tpu.memref_squeeze %dma_wait3A_563 : memref<1x25x80xi32, #tpu.memory_space<hbm>> -> memref<25x80xi32, #tpu.memory_space<hbm>>
        tpu.wait_dma2 semaphore(%run_scoped3A_553 : memref<!tpu.dma_semaphore, #tpu.memory_space<semaphore_mem>>) src(%dma_wait3A_564 : memref<25x80xi32, #tpu.memory_space<hbm>>) dst(%arg13 : memref<25x80xi32, #tpu.memory_space<vmem>>)
        tpu.yield
      }) : () -> ()
      %dma_start3A = arith.constant 0 : i32
      %dma_start3A_520 = arith.constant 0 : i32
      %dma_start3A_521 = tpu.memref_slice %arg12[%dma_start3A, %dma_start3A_520] : memref<25x80xi32, #tpu.memory_space<vmem>> -> memref<1x80xi32, #tpu.memory_space<vmem>>
      %dma_start3A_522 = tpu.memref_squeeze %dma_start3A_521 : memref<1x80xi32, #tpu.memory_space<vmem>> -> memref<80xi32, #tpu.memory_space<vmem>>
      %dma_start3A_523 = arith.constant 0 : i32
      %dma_start3A_524 = arith.constant 0 : i32
      %dma_start3A_525 = tpu.memref_slice %arg2[%dma_start3A_523, %dma_start3A_524] : memref<10000x64xf32, #tpu.memory_space<hbm>> -> memref<10000x64xf32, #tpu.memory_space<hbm>>
      tpu.enqueue_indirect_dma source(%dma_start3A_525 : memref<10000x64xf32, #tpu.memory_space<hbm>>) target(%arg14 : memref<80x64xf32, #tpu.memory_space<vmem>>) offsets(%dma_start3A_522 : memref<80xi32, #tpu.memory_space<vmem>>) semaphore(%arg20 : memref<!tpu.dma_semaphore, #tpu.memory_space<semaphore_mem>>)
      %dma_start3A_526 = arith.constant 1 : i32
      %dma_start3A_527 = arith.constant 0 : i32
      %dma_start3A_528 = tpu.memref_slice %arg12[%dma_start3A_526, %dma_start3A_527] : memref<25x80xi32, #tpu.memory_space<vmem>> -> memref<1x80xi32, #tpu.memory_space<vmem>>
      %dma_start3A_529 = tpu.memref_squeeze %dma_start3A_528 : memref<1x80xi32, #tpu.memory_space<vmem>> -> memref<80xi32, #tpu.memory_space<vmem>>
      %dma_start3A_530 = arith.constant 0 : i32
      %dma_start3A_531 = arith.constant 0 : i32
      %dma_start3A_532 = tpu.memref_slice %arg2[%dma_start3A_530, %dma_start3A_531] : memref<10000x64xf32, #tpu.memory_space<hbm>> -> memref<10000x64xf32, #tpu.memory_space<hbm>>
      tpu.enqueue_indirect_dma source(%dma_start3A_532 : memref<10000x64xf32, #tpu.memory_space<hbm>>) target(%arg15 : memref<80x64xf32, #tpu.memory_space<vmem>>) offsets(%dma_start3A_529 : memref<80xi32, #tpu.memory_space<vmem>>) semaphore(%arg21 : memref<!tpu.dma_semaphore, #tpu.memory_space<semaphore_mem>>)
      %dma_start3A_533 = arith.constant 2 : i32
      %dma_start3A_534 = arith.constant 0 : i32
      %dma_start3A_535 = tpu.memref_slice %arg12[%dma_start3A_533, %dma_start3A_534] : memref<25x80xi32, #tpu.memory_space<vmem>> -> memref<1x80xi32, #tpu.memory_space<vmem>>
      %dma_start3A_536 = tpu.memref_squeeze %dma_start3A_535 : memref<1x80xi32, #tpu.memory_space<vmem>> -> memref<80xi32, #tpu.memory_space<vmem>>
      %dma_start3A_537 = arith.constant 0 : i32
      %dma_start3A_538 = arith.constant 0 : i32
      %dma_start3A_539 = tpu.memref_slice %arg2[%dma_start3A_537, %dma_start3A_538] : memref<10000x64xf32, #tpu.memory_space<hbm>> -> memref<10000x64xf32, #tpu.memory_space<hbm>>
      tpu.enqueue_indirect_dma source(%dma_start3A_539 : memref<10000x64xf32, #tpu.memory_space<hbm>>) target(%arg16 : memref<80x64xf32, #tpu.memory_space<vmem>>) offsets(%dma_start3A_536 : memref<80xi32, #tpu.memory_space<vmem>>) semaphore(%arg22 : memref<!tpu.dma_semaphore, #tpu.memory_space<semaphore_mem>>)
      %dma_start3A_540 = arith.constant 3 : i32
      %dma_start3A_541 = arith.constant 0 : i32
      %dma_start3A_542 = tpu.memref_slice %arg12[%dma_start3A_540, %dma_start3A_541] : memref<25x80xi32, #tpu.memory_space<vmem>> -> memref<1x80xi32, #tpu.memory_space<vmem>>
      %dma_start3A_543 = tpu.memref_squeeze %dma_start3A_542 : memref<1x80xi32, #tpu.memory_space<vmem>> -> memref<80xi32, #tpu.memory_space<vmem>>
      %dma_start3A_544 = arith.constant 0 : i32
      %dma_start3A_545 = arith.constant 0 : i32
      %dma_start3A_546 = tpu.memref_slice %arg2[%dma_start3A_544, %dma_start3A_545] : memref<10000x64xf32, #tpu.memory_space<hbm>> -> memref<10000x64xf32, #tpu.memory_space<hbm>>
      tpu.enqueue_indirect_dma source(%dma_start3A_546 : memref<10000x64xf32, #tpu.memory_space<hbm>>) target(%arg17 : memref<80x64xf32, #tpu.memory_space<vmem>>) offsets(%dma_start3A_543 : memref<80xi32, #tpu.memory_space<vmem>>) semaphore(%arg23 : memref<!tpu.dma_semaphore, #tpu.memory_space<semaphore_mem>>)
      %scan3A_547 = arith.constant 0 : i32
      %scan3A_548 = arith.constant 0 : i32
      %scan3A_549 = arith.constant 5 : i32
      %scan3A_550 = arith.addi %scan3A_548, %scan3A_549 : i32
      %scan3A_551 = arith.constant 1 : i32
      scf.for %scan3A_553 = %scan3A_548 to %scan3A_550 step %scan3A_551  : i32 {
        %mul3A_554 = arith.constant 5 : i32
        %mul3A_555 = arith.muli %mul3A_554, %scan3A_553 : i32
        %add3A_556 = arith.constant 0 : i32
        %add3A_557 = arith.addi %mul3A_555, %add3A_556 : i32
        %add3A_558 = arith.constant 5 : i32
        %add3A_559 = arith.addi %add3A_557, %add3A_558 : i32
        %sub3A_560 = arith.constant 1 : i32
        %sub3A_561 = arith.subi %add3A_559, %sub3A_560 : i32
        %lt3A = arith.constant 25 : i32
        %lt3A_562 = arith.cmpi slt, %sub3A_561, %lt3A : i32
        %convert_element_type3A_563 = arith.extui %lt3A_562 : i1 to i32
        %cond3A_564 = arith.constant 0 : i32
        %cond3A_565 = arith.cmpi ne, %convert_element_type3A_563, %cond3A_564 : i32
        scf.if %cond3A_565 {
          %add3A_707 = arith.constant 5 : i32
          %add3A_708 = arith.addi %add3A_557, %add3A_707 : i32
          %sub3A_709 = arith.constant 1 : i32
          %sub3A_710 = arith.subi %add3A_708, %sub3A_709 : i32
          %dma_start3A_711 = arith.constant 0 : i32
          %dma_start3A_712 = tpu.memref_slice %arg12[%sub3A_710, %dma_start3A_711] : memref<25x80xi32, #tpu.memory_space<vmem>> -> memref<1x80xi32, #tpu.memory_space<vmem>>
          %dma_start3A_713 = tpu.memref_squeeze %dma_start3A_712 : memref<1x80xi32, #tpu.memory_space<vmem>> -> memref<80xi32, #tpu.memory_space<vmem>>
          %dma_start3A_714 = arith.constant 0 : i32
          %dma_start3A_715 = arith.constant 0 : i32
          %dma_start3A_716 = tpu.memref_slice %arg2[%dma_start3A_714, %dma_start3A_715] : memref<10000x64xf32, #tpu.memory_space<hbm>> -> memref<10000x64xf32, #tpu.memory_space<hbm>>
          tpu.enqueue_indirect_dma source(%dma_start3A_716 : memref<10000x64xf32, #tpu.memory_space<hbm>>) target(%arg18 : memref<80x64xf32, #tpu.memory_space<vmem>>) offsets(%dma_start3A_713 : memref<80xi32, #tpu.memory_space<vmem>>) semaphore(%arg24 : memref<!tpu.dma_semaphore, #tpu.memory_space<semaphore_mem>>)
        } else {
        }
        %dma_wait3A = arith.constant 0 : i32
        %dma_wait3A_566 = tpu.memref_slice %arg12[%add3A_557, %dma_wait3A] : memref<25x80xi32, #tpu.memory_space<vmem>> -> memref<1x80xi32, #tpu.memory_space<vmem>>
        %dma_wait3A_567 = tpu.memref_squeeze %dma_wait3A_566 : memref<1x80xi32, #tpu.memory_space<vmem>> -> memref<80xi32, #tpu.memory_space<vmem>>
        %dma_wait3A_568 = arith.constant 0 : i32
        %dma_wait3A_569 = arith.constant 0 : i32
        %dma_wait3A_570 = tpu.memref_slice %arg2[%dma_wait3A_568, %dma_wait3A_569] : memref<10000x64xf32, #tpu.memory_space<hbm>> -> memref<10000x64xf32, #tpu.memory_space<hbm>>
        tpu.wait_indirect_dma semaphore(%arg20 : memref<!tpu.dma_semaphore, #tpu.memory_space<semaphore_mem>>) src(%dma_wait3A_570 : memref<10000x64xf32, #tpu.memory_space<hbm>>) dst(%arg14 : memref<80x64xf32, #tpu.memory_space<vmem>>)
        %dma_start3A_571 = arith.constant 0 : i32
        %dma_start3A_572 = tpu.memref_slice %arg13[%add3A_557, %dma_start3A_571] : memref<25x80xi32, #tpu.memory_space<vmem>> -> memref<1x80xi32, #tpu.memory_space<vmem>>
        %dma_start3A_573 = tpu.memref_squeeze %dma_start3A_572 : memref<1x80xi32, #tpu.memory_space<vmem>> -> memref<80xi32, #tpu.memory_space<vmem>>
        %dma_start3A_574 = arith.constant 0 : i32
        %dma_start3A_575 = arith.constant 0 : i32
        %dma_start3A_576 = tpu.memref_slice %arg11[%dma_start3A_574, %dma_start3A_575] : memref<10112x16xf32, #tpu.memory_space<vmem_shared>> -> memref<10112x16xf32, #tpu.memory_space<vmem_shared>>
        tpu.enqueue_indirect_dma source(%arg19 : memref<80x16xf32, #tpu.memory_space<vmem>>) target(%dma_start3A_576 : memref<10112x16xf32, #tpu.memory_space<vmem_shared>>) offsets(%dma_start3A_573 : memref<80xi32, #tpu.memory_space<vmem>>) semaphore(%arg25 : memref<!tpu.dma_semaphore, #tpu.memory_space<semaphore_mem>>) {add = true}
        "tpu.region"() ({
          %run_scoped3A_707 = tpu.sem_alloc : memref<!tpu.dma_semaphore, #tpu.memory_space<semaphore_mem>>
          %dma_start3A_708 = arith.constant 0 : i32
          %dma_start3A_709 = tpu.memref_slice %arg13[%add3A_557, %dma_start3A_708] : memref<25x80xi32, #tpu.memory_space<vmem>> -> memref<1x80xi32, #tpu.memory_space<vmem>>
          %dma_start3A_710 = tpu.memref_squeeze %dma_start3A_709 : memref<1x80xi32, #tpu.memory_space<vmem>> -> memref<80xi32, #tpu.memory_space<vmem>>
          %dma_start3A_711 = arith.constant 0 : i32
          %dma_start3A_712 = arith.constant 0 : i32
          %dma_start3A_713 = tpu.memref_slice %arg10[%dma_start3A_711, %dma_start3A_712] : memref<10112x64xf32, #tpu.memory_space<vmem_shared>> -> memref<10112x64xf32, #tpu.memory_space<vmem_shared>>
          tpu.enqueue_indirect_dma source(%arg14 : memref<80x64xf32, #tpu.memory_space<vmem>>) target(%dma_start3A_713 : memref<10112x64xf32, #tpu.memory_space<vmem_shared>>) offsets(%dma_start3A_710 : memref<80xi32, #tpu.memory_space<vmem>>) semaphore(%run_scoped3A_707 : memref<!tpu.dma_semaphore, #tpu.memory_space<semaphore_mem>>) {add = true}
          %dma_wait3A_714 = arith.constant 0 : i32
          %dma_wait3A_715 = tpu.memref_slice %arg13[%add3A_557, %dma_wait3A_714] : memref<25x80xi32, #tpu.memory_space<vmem>> -> memref<1x80xi32, #tpu.memory_space<vmem>>
          %dma_wait3A_716 = tpu.memref_squeeze %dma_wait3A_715 : memref<1x80xi32, #tpu.memory_space<vmem>> -> memref<80xi32, #tpu.memory_space<vmem>>
          %dma_wait3A_717 = arith.constant 0 : i32
          %dma_wait3A_718 = arith.constant 0 : i32
          %dma_wait3A_719 = tpu.memref_slice %arg10[%dma_wait3A_717, %dma_wait3A_718] : memref<10112x64xf32, #tpu.memory_space<vmem_shared>> -> memref<10112x64xf32, #tpu.memory_space<vmem_shared>>
          tpu.wait_indirect_dma semaphore(%run_scoped3A_707 : memref<!tpu.dma_semaphore, #tpu.memory_space<semaphore_mem>>) src(%arg14 : memref<80x64xf32, #tpu.memory_space<vmem>>) dst(%dma_wait3A_719 : memref<10112x64xf32, #tpu.memory_space<vmem_shared>>)
          tpu.yield
        }) : () -> ()
        %dma_wait3A_577 = arith.constant 0 : i32
        %dma_wait3A_578 = tpu.memref_slice %arg13[%add3A_557, %dma_wait3A_577] : memref<25x80xi32, #tpu.memory_space<vmem>> -> memref<1x80xi32, #tpu.memory_space<vmem>>
        %dma_wait3A_579 = tpu.memref_squeeze %dma_wait3A_578 : memref<1x80xi32, #tpu.memory_space<vmem>> -> memref<80xi32, #tpu.memory_space<vmem>>
        %dma_wait3A_580 = arith.constant 0 : i32
        %dma_wait3A_581 = arith.constant 0 : i32
        %dma_wait3A_582 = tpu.memref_slice %arg11[%dma_wait3A_580, %dma_wait3A_581] : memref<10112x16xf32, #tpu.memory_space<vmem_shared>> -> memref<10112x16xf32, #tpu.memory_space<vmem_shared>>
        tpu.wait_indirect_dma semaphore(%arg25 : memref<!tpu.dma_semaphore, #tpu.memory_space<semaphore_mem>>) src(%arg19 : memref<80x16xf32, #tpu.memory_space<vmem>>) dst(%dma_wait3A_582 : memref<10112x16xf32, #tpu.memory_space<vmem_shared>>)
        %mul3A_583 = arith.constant 5 : i32
        %mul3A_584 = arith.muli %mul3A_583, %scan3A_553 : i32
        %add3A_585 = arith.constant 1 : i32
        %add3A_586 = arith.addi %mul3A_584, %add3A_585 : i32
        %add3A_587 = arith.constant 5 : i32
        %add3A_588 = arith.addi %add3A_586, %add3A_587 : i32
        %sub3A_589 = arith.constant 1 : i32
        %sub3A_590 = arith.subi %add3A_588, %sub3A_589 : i32
        %lt3A_591 = arith.constant 25 : i32
        %lt3A_592 = arith.cmpi slt, %sub3A_590, %lt3A_591 : i32
        %convert_element_type3A_593 = arith.extui %lt3A_592 : i1 to i32
        %cond3A_594 = arith.constant 0 : i32
        %cond3A_595 = arith.cmpi ne, %convert_element_type3A_593, %cond3A_594 : i32
        scf.if %cond3A_595 {
          %add3A_707 = arith.constant 5 : i32
          %add3A_708 = arith.addi %add3A_586, %add3A_707 : i32
          %sub3A_709 = arith.constant 1 : i32
          %sub3A_710 = arith.subi %add3A_708, %sub3A_709 : i32
          %dma_start3A_711 = arith.constant 0 : i32
          %dma_start3A_712 = tpu.memref_slice %arg12[%sub3A_710, %dma_start3A_711] : memref<25x80xi32, #tpu.memory_space<vmem>> -> memref<1x80xi32, #tpu.memory_space<vmem>>
          %dma_start3A_713 = tpu.memref_squeeze %dma_start3A_712 : memref<1x80xi32, #tpu.memory_space<vmem>> -> memref<80xi32, #tpu.memory_space<vmem>>
          %dma_start3A_714 = arith.constant 0 : i32
          %dma_start3A_715 = arith.constant 0 : i32
          %dma_start3A_716 = tpu.memref_slice %arg2[%dma_start3A_714, %dma_start3A_715] : memref<10000x64xf32, #tpu.memory_space<hbm>> -> memref<10000x64xf32, #tpu.memory_space<hbm>>
          tpu.enqueue_indirect_dma source(%dma_start3A_716 : memref<10000x64xf32, #tpu.memory_space<hbm>>) target(%arg14 : memref<80x64xf32, #tpu.memory_space<vmem>>) offsets(%dma_start3A_713 : memref<80xi32, #tpu.memory_space<vmem>>) semaphore(%arg20 : memref<!tpu.dma_semaphore, #tpu.memory_space<semaphore_mem>>)
        } else {
        }
        %dma_wait3A_596 = arith.constant 0 : i32
        %dma_wait3A_597 = tpu.memref_slice %arg12[%add3A_586, %dma_wait3A_596] : memref<25x80xi32, #tpu.memory_space<vmem>> -> memref<1x80xi32, #tpu.memory_space<vmem>>
        %dma_wait3A_598 = tpu.memref_squeeze %dma_wait3A_597 : memref<1x80xi32, #tpu.memory_space<vmem>> -> memref<80xi32, #tpu.memory_space<vmem>>
        %dma_wait3A_599 = arith.constant 0 : i32
        %dma_wait3A_600 = arith.constant 0 : i32
        %dma_wait3A_601 = tpu.memref_slice %arg2[%dma_wait3A_599, %dma_wait3A_600] : memref<10000x64xf32, #tpu.memory_space<hbm>> -> memref<10000x64xf32, #tpu.memory_space<hbm>>
        tpu.wait_indirect_dma semaphore(%arg21 : memref<!tpu.dma_semaphore, #tpu.memory_space<semaphore_mem>>) src(%dma_wait3A_601 : memref<10000x64xf32, #tpu.memory_space<hbm>>) dst(%arg15 : memref<80x64xf32, #tpu.memory_space<vmem>>)
        %dma_start3A_602 = arith.constant 0 : i32
        %dma_start3A_603 = tpu.memref_slice %arg13[%add3A_586, %dma_start3A_602] : memref<25x80xi32, #tpu.memory_space<vmem>> -> memref<1x80xi32, #tpu.memory_space<vmem>>
        %dma_start3A_604 = tpu.memref_squeeze %dma_start3A_603 : memref<1x80xi32, #tpu.memory_space<vmem>> -> memref<80xi32, #tpu.memory_space<vmem>>
        %dma_start3A_605 = arith.constant 0 : i32
        %dma_start3A_606 = arith.constant 0 : i32
        %dma_start3A_607 = tpu.memref_slice %arg11[%dma_start3A_605, %dma_start3A_606] : memref<10112x16xf32, #tpu.memory_space<vmem_shared>> -> memref<10112x16xf32, #tpu.memory_space<vmem_shared>>
        tpu.enqueue_indirect_dma source(%arg19 : memref<80x16xf32, #tpu.memory_space<vmem>>) target(%dma_start3A_607 : memref<10112x16xf32, #tpu.memory_space<vmem_shared>>) offsets(%dma_start3A_604 : memref<80xi32, #tpu.memory_space<vmem>>) semaphore(%arg25 : memref<!tpu.dma_semaphore, #tpu.memory_space<semaphore_mem>>) {add = true}
        "tpu.region"() ({
          %run_scoped3A_707 = tpu.sem_alloc : memref<!tpu.dma_semaphore, #tpu.memory_space<semaphore_mem>>
          %dma_start3A_708 = arith.constant 0 : i32
          %dma_start3A_709 = tpu.memref_slice %arg13[%add3A_586, %dma_start3A_708] : memref<25x80xi32, #tpu.memory_space<vmem>> -> memref<1x80xi32, #tpu.memory_space<vmem>>
          %dma_start3A_710 = tpu.memref_squeeze %dma_start3A_709 : memref<1x80xi32, #tpu.memory_space<vmem>> -> memref<80xi32, #tpu.memory_space<vmem>>
          %dma_start3A_711 = arith.constant 0 : i32
          %dma_start3A_712 = arith.constant 0 : i32
          %dma_start3A_713 = tpu.memref_slice %arg10[%dma_start3A_711, %dma_start3A_712] : memref<10112x64xf32, #tpu.memory_space<vmem_shared>> -> memref<10112x64xf32, #tpu.memory_space<vmem_shared>>
          tpu.enqueue_indirect_dma source(%arg15 : memref<80x64xf32, #tpu.memory_space<vmem>>) target(%dma_start3A_713 : memref<10112x64xf32, #tpu.memory_space<vmem_shared>>) offsets(%dma_start3A_710 : memref<80xi32, #tpu.memory_space<vmem>>) semaphore(%run_scoped3A_707 : memref<!tpu.dma_semaphore, #tpu.memory_space<semaphore_mem>>) {add = true}
          %dma_wait3A_714 = arith.constant 0 : i32
          %dma_wait3A_715 = tpu.memref_slice %arg13[%add3A_586, %dma_wait3A_714] : memref<25x80xi32, #tpu.memory_space<vmem>> -> memref<1x80xi32, #tpu.memory_space<vmem>>
          %dma_wait3A_716 = tpu.memref_squeeze %dma_wait3A_715 : memref<1x80xi32, #tpu.memory_space<vmem>> -> memref<80xi32, #tpu.memory_space<vmem>>
          %dma_wait3A_717 = arith.constant 0 : i32
          %dma_wait3A_718 = arith.constant 0 : i32
          %dma_wait3A_719 = tpu.memref_slice %arg10[%dma_wait3A_717, %dma_wait3A_718] : memref<10112x64xf32, #tpu.memory_space<vmem_shared>> -> memref<10112x64xf32, #tpu.memory_space<vmem_shared>>
          tpu.wait_indirect_dma semaphore(%run_scoped3A_707 : memref<!tpu.dma_semaphore, #tpu.memory_space<semaphore_mem>>) src(%arg15 : memref<80x64xf32, #tpu.memory_space<vmem>>) dst(%dma_wait3A_719 : memref<10112x64xf32, #tpu.memory_space<vmem_shared>>)
          tpu.yield
        }) : () -> ()
        %dma_wait3A_608 = arith.constant 0 : i32
        %dma_wait3A_609 = tpu.memref_slice %arg13[%add3A_586, %dma_wait3A_608] : memref<25x80xi32, #tpu.memory_space<vmem>> -> memref<1x80xi32, #tpu.memory_space<vmem>>
        %dma_wait3A_610 = tpu.memref_squeeze %dma_wait3A_609 : memref<1x80xi32, #tpu.memory_space<vmem>> -> memref<80xi32, #tpu.memory_space<vmem>>
        %dma_wait3A_611 = arith.constant 0 : i32
        %dma_wait3A_612 = arith.constant 0 : i32
        %dma_wait3A_613 = tpu.memref_slice %arg11[%dma_wait3A_611, %dma_wait3A_612] : memref<10112x16xf32, #tpu.memory_space<vmem_shared>> -> memref<10112x16xf32, #tpu.memory_space<vmem_shared>>
        tpu.wait_indirect_dma semaphore(%arg25 : memref<!tpu.dma_semaphore, #tpu.memory_space<semaphore_mem>>) src(%arg19 : memref<80x16xf32, #tpu.memory_space<vmem>>) dst(%dma_wait3A_613 : memref<10112x16xf32, #tpu.memory_space<vmem_shared>>)
        %mul3A_614 = arith.constant 5 : i32
        %mul3A_615 = arith.muli %mul3A_614, %scan3A_553 : i32
        %add3A_616 = arith.constant 2 : i32
        %add3A_617 = arith.addi %mul3A_615, %add3A_616 : i32
        %add3A_618 = arith.constant 5 : i32
        %add3A_619 = arith.addi %add3A_617, %add3A_618 : i32
        %sub3A_620 = arith.constant 1 : i32
        %sub3A_621 = arith.subi %add3A_619, %sub3A_620 : i32
        %lt3A_622 = arith.constant 25 : i32
        %lt3A_623 = arith.cmpi slt, %sub3A_621, %lt3A_622 : i32
        %convert_element_type3A_624 = arith.extui %lt3A_623 : i1 to i32
        %cond3A_625 = arith.constant 0 : i32
        %cond3A_626 = arith.cmpi ne, %convert_element_type3A_624, %cond3A_625 : i32
        scf.if %cond3A_626 {
          %add3A_707 = arith.constant 5 : i32
          %add3A_708 = arith.addi %add3A_617, %add3A_707 : i32
          %sub3A_709 = arith.constant 1 : i32
          %sub3A_710 = arith.subi %add3A_708, %sub3A_709 : i32
          %dma_start3A_711 = arith.constant 0 : i32
          %dma_start3A_712 = tpu.memref_slice %arg12[%sub3A_710, %dma_start3A_711] : memref<25x80xi32, #tpu.memory_space<vmem>> -> memref<1x80xi32, #tpu.memory_space<vmem>>
          %dma_start3A_713 = tpu.memref_squeeze %dma_start3A_712 : memref<1x80xi32, #tpu.memory_space<vmem>> -> memref<80xi32, #tpu.memory_space<vmem>>
          %dma_start3A_714 = arith.constant 0 : i32
          %dma_start3A_715 = arith.constant 0 : i32
          %dma_start3A_716 = tpu.memref_slice %arg2[%dma_start3A_714, %dma_start3A_715] : memref<10000x64xf32, #tpu.memory_space<hbm>> -> memref<10000x64xf32, #tpu.memory_space<hbm>>
          tpu.enqueue_indirect_dma source(%dma_start3A_716 : memref<10000x64xf32, #tpu.memory_space<hbm>>) target(%arg15 : memref<80x64xf32, #tpu.memory_space<vmem>>) offsets(%dma_start3A_713 : memref<80xi32, #tpu.memory_space<vmem>>) semaphore(%arg21 : memref<!tpu.dma_semaphore, #tpu.memory_space<semaphore_mem>>)
        } else {
        }
        %dma_wait3A_627 = arith.constant 0 : i32
        %dma_wait3A_628 = tpu.memref_slice %arg12[%add3A_617, %dma_wait3A_627] : memref<25x80xi32, #tpu.memory_space<vmem>> -> memref<1x80xi32, #tpu.memory_space<vmem>>
        %dma_wait3A_629 = tpu.memref_squeeze %dma_wait3A_628 : memref<1x80xi32, #tpu.memory_space<vmem>> -> memref<80xi32, #tpu.memory_space<vmem>>
        %dma_wait3A_630 = arith.constant 0 : i32
        %dma_wait3A_631 = arith.constant 0 : i32
        %dma_wait3A_632 = tpu.memref_slice %arg2[%dma_wait3A_630, %dma_wait3A_631] : memref<10000x64xf32, #tpu.memory_space<hbm>> -> memref<10000x64xf32, #tpu.memory_space<hbm>>
        tpu.wait_indirect_dma semaphore(%arg22 : memref<!tpu.dma_semaphore, #tpu.memory_space<semaphore_mem>>) src(%dma_wait3A_632 : memref<10000x64xf32, #tpu.memory_space<hbm>>) dst(%arg16 : memref<80x64xf32, #tpu.memory_space<vmem>>)
        %dma_start3A_633 = arith.constant 0 : i32
        %dma_start3A_634 = tpu.memref_slice %arg13[%add3A_617, %dma_start3A_633] : memref<25x80xi32, #tpu.memory_space<vmem>> -> memref<1x80xi32, #tpu.memory_space<vmem>>
        %dma_start3A_635 = tpu.memref_squeeze %dma_start3A_634 : memref<1x80xi32, #tpu.memory_space<vmem>> -> memref<80xi32, #tpu.memory_space<vmem>>
        %dma_start3A_636 = arith.constant 0 : i32
        %dma_start3A_637 = arith.constant 0 : i32
        %dma_start3A_638 = tpu.memref_slice %arg11[%dma_start3A_636, %dma_start3A_637] : memref<10112x16xf32, #tpu.memory_space<vmem_shared>> -> memref<10112x16xf32, #tpu.memory_space<vmem_shared>>
        tpu.enqueue_indirect_dma source(%arg19 : memref<80x16xf32, #tpu.memory_space<vmem>>) target(%dma_start3A_638 : memref<10112x16xf32, #tpu.memory_space<vmem_shared>>) offsets(%dma_start3A_635 : memref<80xi32, #tpu.memory_space<vmem>>) semaphore(%arg25 : memref<!tpu.dma_semaphore, #tpu.memory_space<semaphore_mem>>) {add = true}
        "tpu.region"() ({
          %run_scoped3A_707 = tpu.sem_alloc : memref<!tpu.dma_semaphore, #tpu.memory_space<semaphore_mem>>
          %dma_start3A_708 = arith.constant 0 : i32
          %dma_start3A_709 = tpu.memref_slice %arg13[%add3A_617, %dma_start3A_708] : memref<25x80xi32, #tpu.memory_space<vmem>> -> memref<1x80xi32, #tpu.memory_space<vmem>>
          %dma_start3A_710 = tpu.memref_squeeze %dma_start3A_709 : memref<1x80xi32, #tpu.memory_space<vmem>> -> memref<80xi32, #tpu.memory_space<vmem>>
          %dma_start3A_711 = arith.constant 0 : i32
          %dma_start3A_712 = arith.constant 0 : i32
          %dma_start3A_713 = tpu.memref_slice %arg10[%dma_start3A_711, %dma_start3A_712] : memref<10112x64xf32, #tpu.memory_space<vmem_shared>> -> memref<10112x64xf32, #tpu.memory_space<vmem_shared>>
          tpu.enqueue_indirect_dma source(%arg16 : memref<80x64xf32, #tpu.memory_space<vmem>>) target(%dma_start3A_713 : memref<10112x64xf32, #tpu.memory_space<vmem_shared>>) offsets(%dma_start3A_710 : memref<80xi32, #tpu.memory_space<vmem>>) semaphore(%run_scoped3A_707 : memref<!tpu.dma_semaphore, #tpu.memory_space<semaphore_mem>>) {add = true}
          %dma_wait3A_714 = arith.constant 0 : i32
          %dma_wait3A_715 = tpu.memref_slice %arg13[%add3A_617, %dma_wait3A_714] : memref<25x80xi32, #tpu.memory_space<vmem>> -> memref<1x80xi32, #tpu.memory_space<vmem>>
          %dma_wait3A_716 = tpu.memref_squeeze %dma_wait3A_715 : memref<1x80xi32, #tpu.memory_space<vmem>> -> memref<80xi32, #tpu.memory_space<vmem>>
          %dma_wait3A_717 = arith.constant 0 : i32
          %dma_wait3A_718 = arith.constant 0 : i32
          %dma_wait3A_719 = tpu.memref_slice %arg10[%dma_wait3A_717, %dma_wait3A_718] : memref<10112x64xf32, #tpu.memory_space<vmem_shared>> -> memref<10112x64xf32, #tpu.memory_space<vmem_shared>>
          tpu.wait_indirect_dma semaphore(%run_scoped3A_707 : memref<!tpu.dma_semaphore, #tpu.memory_space<semaphore_mem>>) src(%arg16 : memref<80x64xf32, #tpu.memory_space<vmem>>) dst(%dma_wait3A_719 : memref<10112x64xf32, #tpu.memory_space<vmem_shared>>)
          tpu.yield
        }) : () -> ()
        %dma_wait3A_639 = arith.constant 0 : i32
        %dma_wait3A_640 = tpu.memref_slice %arg13[%add3A_617, %dma_wait3A_639] : memref<25x80xi32, #tpu.memory_space<vmem>> -> memref<1x80xi32, #tpu.memory_space<vmem>>
        %dma_wait3A_641 = tpu.memref_squeeze %dma_wait3A_640 : memref<1x80xi32, #tpu.memory_space<vmem>> -> memref<80xi32, #tpu.memory_space<vmem>>
        %dma_wait3A_642 = arith.constant 0 : i32
        %dma_wait3A_643 = arith.constant 0 : i32
        %dma_wait3A_644 = tpu.memref_slice %arg11[%dma_wait3A_642, %dma_wait3A_643] : memref<10112x16xf32, #tpu.memory_space<vmem_shared>> -> memref<10112x16xf32, #tpu.memory_space<vmem_shared>>
        tpu.wait_indirect_dma semaphore(%arg25 : memref<!tpu.dma_semaphore, #tpu.memory_space<semaphore_mem>>) src(%arg19 : memref<80x16xf32, #tpu.memory_space<vmem>>) dst(%dma_wait3A_644 : memref<10112x16xf32, #tpu.memory_space<vmem_shared>>)
        %mul3A_645 = arith.constant 5 : i32
        %mul3A_646 = arith.muli %mul3A_645, %scan3A_553 : i32
        %add3A_647 = arith.constant 3 : i32
        %add3A_648 = arith.addi %mul3A_646, %add3A_647 : i32
        %add3A_649 = arith.constant 5 : i32
        %add3A_650 = arith.addi %add3A_648, %add3A_649 : i32
        %sub3A_651 = arith.constant 1 : i32
        %sub3A_652 = arith.subi %add3A_650, %sub3A_651 : i32
        %lt3A_653 = arith.constant 25 : i32
        %lt3A_654 = arith.cmpi slt, %sub3A_652, %lt3A_653 : i32
        %convert_element_type3A_655 = arith.extui %lt3A_654 : i1 to i32
        %cond3A_656 = arith.constant 0 : i32
        %cond3A_657 = arith.cmpi ne, %convert_element_type3A_655, %cond3A_656 : i32
        scf.if %cond3A_657 {
          %add3A_707 = arith.constant 5 : i32
          %add3A_708 = arith.addi %add3A_648, %add3A_707 : i32
          %sub3A_709 = arith.constant 1 : i32
          %sub3A_710 = arith.subi %add3A_708, %sub3A_709 : i32
          %dma_start3A_711 = arith.constant 0 : i32
          %dma_start3A_712 = tpu.memref_slice %arg12[%sub3A_710, %dma_start3A_711] : memref<25x80xi32, #tpu.memory_space<vmem>> -> memref<1x80xi32, #tpu.memory_space<vmem>>
          %dma_start3A_713 = tpu.memref_squeeze %dma_start3A_712 : memref<1x80xi32, #tpu.memory_space<vmem>> -> memref<80xi32, #tpu.memory_space<vmem>>
          %dma_start3A_714 = arith.constant 0 : i32
          %dma_start3A_715 = arith.constant 0 : i32
          %dma_start3A_716 = tpu.memref_slice %arg2[%dma_start3A_714, %dma_start3A_715] : memref<10000x64xf32, #tpu.memory_space<hbm>> -> memref<10000x64xf32, #tpu.memory_space<hbm>>
          tpu.enqueue_indirect_dma source(%dma_start3A_716 : memref<10000x64xf32, #tpu.memory_space<hbm>>) target(%arg16 : memref<80x64xf32, #tpu.memory_space<vmem>>) offsets(%dma_start3A_713 : memref<80xi32, #tpu.memory_space<vmem>>) semaphore(%arg22 : memref<!tpu.dma_semaphore, #tpu.memory_space<semaphore_mem>>)
        } else {
        }
        %dma_wait3A_658 = arith.constant 0 : i32
        %dma_wait3A_659 = tpu.memref_slice %arg12[%add3A_648, %dma_wait3A_658] : memref<25x80xi32, #tpu.memory_space<vmem>> -> memref<1x80xi32, #tpu.memory_space<vmem>>
        %dma_wait3A_660 = tpu.memref_squeeze %dma_wait3A_659 : memref<1x80xi32, #tpu.memory_space<vmem>> -> memref<80xi32, #tpu.memory_space<vmem>>
        %dma_wait3A_661 = arith.constant 0 : i32
        %dma_wait3A_662 = arith.constant 0 : i32
        %dma_wait3A_663 = tpu.memref_slice %arg2[%dma_wait3A_661, %dma_wait3A_662] : memref<10000x64xf32, #tpu.memory_space<hbm>> -> memref<10000x64xf32, #tpu.memory_space<hbm>>
        tpu.wait_indirect_dma semaphore(%arg23 : memref<!tpu.dma_semaphore, #tpu.memory_space<semaphore_mem>>) src(%dma_wait3A_663 : memref<10000x64xf32, #tpu.memory_space<hbm>>) dst(%arg17 : memref<80x64xf32, #tpu.memory_space<vmem>>)
        %dma_start3A_664 = arith.constant 0 : i32
        %dma_start3A_665 = tpu.memref_slice %arg13[%add3A_648, %dma_start3A_664] : memref<25x80xi32, #tpu.memory_space<vmem>> -> memref<1x80xi32, #tpu.memory_space<vmem>>
        %dma_start3A_666 = tpu.memref_squeeze %dma_start3A_665 : memref<1x80xi32, #tpu.memory_space<vmem>> -> memref<80xi32, #tpu.memory_space<vmem>>
        %dma_start3A_667 = arith.constant 0 : i32
        %dma_start3A_668 = arith.constant 0 : i32
        %dma_start3A_669 = tpu.memref_slice %arg11[%dma_start3A_667, %dma_start3A_668] : memref<10112x16xf32, #tpu.memory_space<vmem_shared>> -> memref<10112x16xf32, #tpu.memory_space<vmem_shared>>
        tpu.enqueue_indirect_dma source(%arg19 : memref<80x16xf32, #tpu.memory_space<vmem>>) target(%dma_start3A_669 : memref<10112x16xf32, #tpu.memory_space<vmem_shared>>) offsets(%dma_start3A_666 : memref<80xi32, #tpu.memory_space<vmem>>) semaphore(%arg25 : memref<!tpu.dma_semaphore, #tpu.memory_space<semaphore_mem>>) {add = true}
        "tpu.region"() ({
          %run_scoped3A_707 = tpu.sem_alloc : memref<!tpu.dma_semaphore, #tpu.memory_space<semaphore_mem>>
          %dma_start3A_708 = arith.constant 0 : i32
          %dma_start3A_709 = tpu.memref_slice %arg13[%add3A_648, %dma_start3A_708] : memref<25x80xi32, #tpu.memory_space<vmem>> -> memref<1x80xi32, #tpu.memory_space<vmem>>
          %dma_start3A_710 = tpu.memref_squeeze %dma_start3A_709 : memref<1x80xi32, #tpu.memory_space<vmem>> -> memref<80xi32, #tpu.memory_space<vmem>>
          %dma_start3A_711 = arith.constant 0 : i32
          %dma_start3A_712 = arith.constant 0 : i32
          %dma_start3A_713 = tpu.memref_slice %arg10[%dma_start3A_711, %dma_start3A_712] : memref<10112x64xf32, #tpu.memory_space<vmem_shared>> -> memref<10112x64xf32, #tpu.memory_space<vmem_shared>>
          tpu.enqueue_indirect_dma source(%arg17 : memref<80x64xf32, #tpu.memory_space<vmem>>) target(%dma_start3A_713 : memref<10112x64xf32, #tpu.memory_space<vmem_shared>>) offsets(%dma_start3A_710 : memref<80xi32, #tpu.memory_space<vmem>>) semaphore(%run_scoped3A_707 : memref<!tpu.dma_semaphore, #tpu.memory_space<semaphore_mem>>) {add = true}
          %dma_wait3A_714 = arith.constant 0 : i32
          %dma_wait3A_715 = tpu.memref_slice %arg13[%add3A_648, %dma_wait3A_714] : memref<25x80xi32, #tpu.memory_space<vmem>> -> memref<1x80xi32, #tpu.memory_space<vmem>>
          %dma_wait3A_716 = tpu.memref_squeeze %dma_wait3A_715 : memref<1x80xi32, #tpu.memory_space<vmem>> -> memref<80xi32, #tpu.memory_space<vmem>>
          %dma_wait3A_717 = arith.constant 0 : i32
          %dma_wait3A_718 = arith.constant 0 : i32
          %dma_wait3A_719 = tpu.memref_slice %arg10[%dma_wait3A_717, %dma_wait3A_718] : memref<10112x64xf32, #tpu.memory_space<vmem_shared>> -> memref<10112x64xf32, #tpu.memory_space<vmem_shared>>
          tpu.wait_indirect_dma semaphore(%run_scoped3A_707 : memref<!tpu.dma_semaphore, #tpu.memory_space<semaphore_mem>>) src(%arg17 : memref<80x64xf32, #tpu.memory_space<vmem>>) dst(%dma_wait3A_719 : memref<10112x64xf32, #tpu.memory_space<vmem_shared>>)
          tpu.yield
        }) : () -> ()
        %dma_wait3A_670 = arith.constant 0 : i32
        %dma_wait3A_671 = tpu.memref_slice %arg13[%add3A_648, %dma_wait3A_670] : memref<25x80xi32, #tpu.memory_space<vmem>> -> memref<1x80xi32, #tpu.memory_space<vmem>>
        %dma_wait3A_672 = tpu.memref_squeeze %dma_wait3A_671 : memref<1x80xi32, #tpu.memory_space<vmem>> -> memref<80xi32, #tpu.memory_space<vmem>>
        %dma_wait3A_673 = arith.constant 0 : i32
        %dma_wait3A_674 = arith.constant 0 : i32
        %dma_wait3A_675 = tpu.memref_slice %arg11[%dma_wait3A_673, %dma_wait3A_674] : memref<10112x16xf32, #tpu.memory_space<vmem_shared>> -> memref<10112x16xf32, #tpu.memory_space<vmem_shared>>
        tpu.wait_indirect_dma semaphore(%arg25 : memref<!tpu.dma_semaphore, #tpu.memory_space<semaphore_mem>>) src(%arg19 : memref<80x16xf32, #tpu.memory_space<vmem>>) dst(%dma_wait3A_675 : memref<10112x16xf32, #tpu.memory_space<vmem_shared>>)
        %mul3A_676 = arith.constant 5 : i32
        %mul3A_677 = arith.muli %mul3A_676, %scan3A_553 : i32
        %add3A_678 = arith.constant 4 : i32
        %add3A_679 = arith.addi %mul3A_677, %add3A_678 : i32
        %add3A_680 = arith.constant 5 : i32
        %add3A_681 = arith.addi %add3A_679, %add3A_680 : i32
        %sub3A_682 = arith.constant 1 : i32
        %sub3A_683 = arith.subi %add3A_681, %sub3A_682 : i32
        %lt3A_684 = arith.constant 25 : i32
        %lt3A_685 = arith.cmpi slt, %sub3A_683, %lt3A_684 : i32
        %convert_element_type3A_686 = arith.extui %lt3A_685 : i1 to i32
        %cond3A_687 = arith.constant 0 : i32
        %cond3A_688 = arith.cmpi ne, %convert_element_type3A_686, %cond3A_687 : i32
        scf.if %cond3A_688 {
          %add3A_707 = arith.constant 5 : i32
          %add3A_708 = arith.addi %add3A_679, %add3A_707 : i32
          %sub3A_709 = arith.constant 1 : i32
          %sub3A_710 = arith.subi %add3A_708, %sub3A_709 : i32
          %dma_start3A_711 = arith.constant 0 : i32
          %dma_start3A_712 = tpu.memref_slice %arg12[%sub3A_710, %dma_start3A_711] : memref<25x80xi32, #tpu.memory_space<vmem>> -> memref<1x80xi32, #tpu.memory_space<vmem>>
          %dma_start3A_713 = tpu.memref_squeeze %dma_start3A_712 : memref<1x80xi32, #tpu.memory_space<vmem>> -> memref<80xi32, #tpu.memory_space<vmem>>
          %dma_start3A_714 = arith.constant 0 : i32
          %dma_start3A_715 = arith.constant 0 : i32
          %dma_start3A_716 = tpu.memref_slice %arg2[%dma_start3A_714, %dma_start3A_715] : memref<10000x64xf32, #tpu.memory_space<hbm>> -> memref<10000x64xf32, #tpu.memory_space<hbm>>
          tpu.enqueue_indirect_dma source(%dma_start3A_716 : memref<10000x64xf32, #tpu.memory_space<hbm>>) target(%arg17 : memref<80x64xf32, #tpu.memory_space<vmem>>) offsets(%dma_start3A_713 : memref<80xi32, #tpu.memory_space<vmem>>) semaphore(%arg23 : memref<!tpu.dma_semaphore, #tpu.memory_space<semaphore_mem>>)
        } else {
        }
        %dma_wait3A_689 = arith.constant 0 : i32
        %dma_wait3A_690 = tpu.memref_slice %arg12[%add3A_679, %dma_wait3A_689] : memref<25x80xi32, #tpu.memory_space<vmem>> -> memref<1x80xi32, #tpu.memory_space<vmem>>
        %dma_wait3A_691 = tpu.memref_squeeze %dma_wait3A_690 : memref<1x80xi32, #tpu.memory_space<vmem>> -> memref<80xi32, #tpu.memory_space<vmem>>
        %dma_wait3A_692 = arith.constant 0 : i32
        %dma_wait3A_693 = arith.constant 0 : i32
        %dma_wait3A_694 = tpu.memref_slice %arg2[%dma_wait3A_692, %dma_wait3A_693] : memref<10000x64xf32, #tpu.memory_space<hbm>> -> memref<10000x64xf32, #tpu.memory_space<hbm>>
        tpu.wait_indirect_dma semaphore(%arg24 : memref<!tpu.dma_semaphore, #tpu.memory_space<semaphore_mem>>) src(%dma_wait3A_694 : memref<10000x64xf32, #tpu.memory_space<hbm>>) dst(%arg18 : memref<80x64xf32, #tpu.memory_space<vmem>>)
        %dma_start3A_695 = arith.constant 0 : i32
        %dma_start3A_696 = tpu.memref_slice %arg13[%add3A_679, %dma_start3A_695] : memref<25x80xi32, #tpu.memory_space<vmem>> -> memref<1x80xi32, #tpu.memory_space<vmem>>
        %dma_start3A_697 = tpu.memref_squeeze %dma_start3A_696 : memref<1x80xi32, #tpu.memory_space<vmem>> -> memref<80xi32, #tpu.memory_space<vmem>>
        %dma_start3A_698 = arith.constant 0 : i32
        %dma_start3A_699 = arith.constant 0 : i32
        %dma_start3A_700 = tpu.memref_slice %arg11[%dma_start3A_698, %dma_start3A_699] : memref<10112x16xf32, #tpu.memory_space<vmem_shared>> -> memref<10112x16xf32, #tpu.memory_space<vmem_shared>>
        tpu.enqueue_indirect_dma source(%arg19 : memref<80x16xf32, #tpu.memory_space<vmem>>) target(%dma_start3A_700 : memref<10112x16xf32, #tpu.memory_space<vmem_shared>>) offsets(%dma_start3A_697 : memref<80xi32, #tpu.memory_space<vmem>>) semaphore(%arg25 : memref<!tpu.dma_semaphore, #tpu.memory_space<semaphore_mem>>) {add = true}
        "tpu.region"() ({
          %run_scoped3A_707 = tpu.sem_alloc : memref<!tpu.dma_semaphore, #tpu.memory_space<semaphore_mem>>
          %dma_start3A_708 = arith.constant 0 : i32
          %dma_start3A_709 = tpu.memref_slice %arg13[%add3A_679, %dma_start3A_708] : memref<25x80xi32, #tpu.memory_space<vmem>> -> memref<1x80xi32, #tpu.memory_space<vmem>>
          %dma_start3A_710 = tpu.memref_squeeze %dma_start3A_709 : memref<1x80xi32, #tpu.memory_space<vmem>> -> memref<80xi32, #tpu.memory_space<vmem>>
          %dma_start3A_711 = arith.constant 0 : i32
          %dma_start3A_712 = arith.constant 0 : i32
          %dma_start3A_713 = tpu.memref_slice %arg10[%dma_start3A_711, %dma_start3A_712] : memref<10112x64xf32, #tpu.memory_space<vmem_shared>> -> memref<10112x64xf32, #tpu.memory_space<vmem_shared>>
          tpu.enqueue_indirect_dma source(%arg18 : memref<80x64xf32, #tpu.memory_space<vmem>>) target(%dma_start3A_713 : memref<10112x64xf32, #tpu.memory_space<vmem_shared>>) offsets(%dma_start3A_710 : memref<80xi32, #tpu.memory_space<vmem>>) semaphore(%run_scoped3A_707 : memref<!tpu.dma_semaphore, #tpu.memory_space<semaphore_mem>>) {add = true}
          %dma_wait3A_714 = arith.constant 0 : i32
          %dma_wait3A_715 = tpu.memref_slice %arg13[%add3A_679, %dma_wait3A_714] : memref<25x80xi32, #tpu.memory_space<vmem>> -> memref<1x80xi32, #tpu.memory_space<vmem>>
          %dma_wait3A_716 = tpu.memref_squeeze %dma_wait3A_715 : memref<1x80xi32, #tpu.memory_space<vmem>> -> memref<80xi32, #tpu.memory_space<vmem>>
          %dma_wait3A_717 = arith.constant 0 : i32
          %dma_wait3A_718 = arith.constant 0 : i32
          %dma_wait3A_719 = tpu.memref_slice %arg10[%dma_wait3A_717, %dma_wait3A_718] : memref<10112x64xf32, #tpu.memory_space<vmem_shared>> -> memref<10112x64xf32, #tpu.memory_space<vmem_shared>>
          tpu.wait_indirect_dma semaphore(%run_scoped3A_707 : memref<!tpu.dma_semaphore, #tpu.memory_space<semaphore_mem>>) src(%arg18 : memref<80x64xf32, #tpu.memory_space<vmem>>) dst(%dma_wait3A_719 : memref<10112x64xf32, #tpu.memory_space<vmem_shared>>)
          tpu.yield
        }) : () -> ()
        %dma_wait3A_701 = arith.constant 0 : i32
        %dma_wait3A_702 = tpu.memref_slice %arg13[%add3A_679, %dma_wait3A_701] : memref<25x80xi32, #tpu.memory_space<vmem>> -> memref<1x80xi32, #tpu.memory_space<vmem>>
        %dma_wait3A_703 = tpu.memref_squeeze %dma_wait3A_702 : memref<1x80xi32, #tpu.memory_space<vmem>> -> memref<80xi32, #tpu.memory_space<vmem>>
        %dma_wait3A_704 = arith.constant 0 : i32
        %dma_wait3A_705 = arith.constant 0 : i32
        %dma_wait3A_706 = tpu.memref_slice %arg11[%dma_wait3A_704, %dma_wait3A_705] : memref<10112x16xf32, #tpu.memory_space<vmem_shared>> -> memref<10112x16xf32, #tpu.memory_space<vmem_shared>>
        tpu.wait_indirect_dma semaphore(%arg25 : memref<!tpu.dma_semaphore, #tpu.memory_space<semaphore_mem>>) src(%arg19 : memref<80x16xf32, #tpu.memory_space<vmem>>) dst(%dma_wait3A_706 : memref<10112x16xf32, #tpu.memory_space<vmem_shared>>)
      }
      %scan3A_552 = arith.constant 5 : i32
    }
    %scan3A_506 = arith.constant 5 : i32
    %barrier3A_507 = arith.constant 0 : index
    tpu.barrier barrier_id(%barrier3A_507)
    %eq3A = arith.constant 0 : i32
    %eq3A_508 = arith.cmpi eq, %arg0, %eq3A : i32
    %convert_element_type3A = arith.extui %eq3A_508 : i1 to i32
    %cond3A = arith.constant 0 : i32
    %cond3A_509 = arith.cmpi ne, %convert_element_type3A, %cond3A : i32
    scf.if %cond3A_509 {
      "tpu.region"() ({
        %run_scoped3A = tpu.sem_alloc : memref<!tpu.dma_semaphore, #tpu.memory_space<semaphore_mem>>
        %dma_start3A = arith.constant 0 : i32
        %dma_start3A_515 = tpu.memref_slice %arg6[%mul3A_480, %dma_start3A] : memref<10112x64xf32, #tpu.memory_space<hbm>> -> memref<632x64xf32, #tpu.memory_space<hbm>>
        %dma_start3A_516 = arith.constant 0 : i32
        %dma_start3A_517 = tpu.memref_slice %arg10[%mul3A_480, %dma_start3A_516] : memref<10112x64xf32, #tpu.memory_space<vmem_shared>> -> memref<632x64xf32, #tpu.memory_space<vmem_shared>>
        tpu.enqueue_dma source(%dma_start3A_517 : memref<632x64xf32, #tpu.memory_space<vmem_shared>>) target(%dma_start3A_515 : memref<632x64xf32, #tpu.memory_space<hbm>>) target_semaphore(%run_scoped3A : memref<!tpu.dma_semaphore, #tpu.memory_space<semaphore_mem>>)
        %dma_wait3A = arith.constant 0 : i32
        %dma_wait3A_518 = tpu.memref_slice %arg6[%mul3A_480, %dma_wait3A] : memref<10112x64xf32, #tpu.memory_space<hbm>> -> memref<632x64xf32, #tpu.memory_space<hbm>>
        %dma_wait3A_519 = arith.constant 0 : i32
        %dma_wait3A_520 = tpu.memref_slice %arg10[%mul3A_480, %dma_wait3A_519] : memref<10112x64xf32, #tpu.memory_space<vmem_shared>> -> memref<632x64xf32, #tpu.memory_space<vmem_shared>>
        tpu.wait_dma2 semaphore(%run_scoped3A : memref<!tpu.dma_semaphore, #tpu.memory_space<semaphore_mem>>) src(%dma_wait3A_520 : memref<632x64xf32, #tpu.memory_space<vmem_shared>>) dst(%dma_wait3A_518 : memref<632x64xf32, #tpu.memory_space<hbm>>)
        tpu.yield
      }) : () -> ()
      "tpu.region"() ({
        %run_scoped3A = tpu.sem_alloc : memref<!tpu.dma_semaphore, #tpu.memory_space<semaphore_mem>>
        %dma_start3A = arith.constant 0 : i32
        %dma_start3A_515 = tpu.memref_slice %arg8[%mul3A_480, %dma_start3A] : memref<10112x16xf32, #tpu.memory_space<hbm>> -> memref<632x16xf32, #tpu.memory_space<hbm>>
        %dma_start3A_516 = arith.constant 0 : i32
        %dma_start3A_517 = tpu.memref_slice %arg11[%mul3A_480, %dma_start3A_516] : memref<10112x16xf32, #tpu.memory_space<vmem_shared>> -> memref<632x16xf32, #tpu.memory_space<vmem_shared>>
        tpu.enqueue_dma source(%dma_start3A_517 : memref<632x16xf32, #tpu.memory_space<vmem_shared>>) target(%dma_start3A_515 : memref<632x16xf32, #tpu.memory_space<hbm>>) target_semaphore(%run_scoped3A : memref<!tpu.dma_semaphore, #tpu.memory_space<semaphore_mem>>)
        %dma_wait3A = arith.constant 0 : i32
        %dma_wait3A_518 = tpu.memref_slice %arg8[%mul3A_480, %dma_wait3A] : memref<10112x16xf32, #tpu.memory_space<hbm>> -> memref<632x16xf32, #tpu.memory_space<hbm>>
        %dma_wait3A_519 = arith.constant 0 : i32
        %dma_wait3A_520 = tpu.memref_slice %arg11[%mul3A_480, %dma_wait3A_519] : memref<10112x16xf32, #tpu.memory_space<vmem_shared>> -> memref<632x16xf32, #tpu.memory_space<vmem_shared>>
        tpu.wait_dma2 semaphore(%run_scoped3A : memref<!tpu.dma_semaphore, #tpu.memory_space<semaphore_mem>>) src(%dma_wait3A_520 : memref<632x16xf32, #tpu.memory_space<vmem_shared>>) dst(%dma_wait3A_518 : memref<632x16xf32, #tpu.memory_space<hbm>>)
        tpu.yield
      }) : () -> ()
    } else {
    }
    %eq3A_510 = arith.constant 1 : i32
    %eq3A_511 = arith.cmpi eq, %arg0, %eq3A_510 : i32
    %convert_element_type3A_512 = arith.extui %eq3A_511 : i1 to i32
    %cond3A_513 = arith.constant 0 : i32
    %cond3A_514 = arith.cmpi ne, %convert_element_type3A_512, %cond3A_513 : i32
    scf.if %cond3A_514 {
      "tpu.region"() ({
        %run_scoped3A = tpu.sem_alloc : memref<!tpu.dma_semaphore, #tpu.memory_space<semaphore_mem>>
        %dma_start3A = arith.constant 0 : i32
        %dma_start3A_515 = tpu.memref_slice %arg7[%mul3A_480, %dma_start3A] : memref<10112x64xf32, #tpu.memory_space<hbm>> -> memref<632x64xf32, #tpu.memory_space<hbm>>
        %dma_start3A_516 = arith.constant 0 : i32
        %dma_start3A_517 = tpu.memref_slice %arg10[%mul3A_480, %dma_start3A_516] : memref<10112x64xf32, #tpu.memory_space<vmem_shared>> -> memref<632x64xf32, #tpu.memory_space<vmem_shared>>
        tpu.enqueue_dma source(%dma_start3A_517 : memref<632x64xf32, #tpu.memory_space<vmem_shared>>) target(%dma_start3A_515 : memref<632x64xf32, #tpu.memory_space<hbm>>) target_semaphore(%run_scoped3A : memref<!tpu.dma_semaphore, #tpu.memory_space<semaphore_mem>>)
        %dma_wait3A = arith.constant 0 : i32
        %dma_wait3A_518 = tpu.memref_slice %arg7[%mul3A_480, %dma_wait3A] : memref<10112x64xf32, #tpu.memory_space<hbm>> -> memref<632x64xf32, #tpu.memory_space<hbm>>
        %dma_wait3A_519 = arith.constant 0 : i32
        %dma_wait3A_520 = tpu.memref_slice %arg10[%mul3A_480, %dma_wait3A_519] : memref<10112x64xf32, #tpu.memory_space<vmem_shared>> -> memref<632x64xf32, #tpu.memory_space<vmem_shared>>
        tpu.wait_dma2 semaphore(%run_scoped3A : memref<!tpu.dma_semaphore, #tpu.memory_space<semaphore_mem>>) src(%dma_wait3A_520 : memref<632x64xf32, #tpu.memory_space<vmem_shared>>) dst(%dma_wait3A_518 : memref<632x64xf32, #tpu.memory_space<hbm>>)
        tpu.yield
      }) : () -> ()
      "tpu.region"() ({
        %run_scoped3A = tpu.sem_alloc : memref<!tpu.dma_semaphore, #tpu.memory_space<semaphore_mem>>
        %dma_start3A = arith.constant 0 : i32
        %dma_start3A_515 = tpu.memref_slice %arg9[%mul3A_480, %dma_start3A] : memref<10112x16xf32, #tpu.memory_space<hbm>> -> memref<632x16xf32, #tpu.memory_space<hbm>>
        %dma_start3A_516 = arith.constant 0 : i32
        %dma_start3A_517 = tpu.memref_slice %arg11[%mul3A_480, %dma_start3A_516] : memref<10112x16xf32, #tpu.memory_space<vmem_shared>> -> memref<632x16xf32, #tpu.memory_space<vmem_shared>>
        tpu.enqueue_dma source(%dma_start3A_517 : memref<632x16xf32, #tpu.memory_space<vmem_shared>>) target(%dma_start3A_515 : memref<632x16xf32, #tpu.memory_space<hbm>>) target_semaphore(%run_scoped3A : memref<!tpu.dma_semaphore, #tpu.memory_space<semaphore_mem>>)
        %dma_wait3A = arith.constant 0 : i32
        %dma_wait3A_518 = tpu.memref_slice %arg9[%mul3A_480, %dma_wait3A] : memref<10112x16xf32, #tpu.memory_space<hbm>> -> memref<632x16xf32, #tpu.memory_space<hbm>>
        %dma_wait3A_519 = arith.constant 0 : i32
        %dma_wait3A_520 = tpu.memref_slice %arg11[%mul3A_480, %dma_wait3A_519] : memref<10112x16xf32, #tpu.memory_space<vmem_shared>> -> memref<632x16xf32, #tpu.memory_space<vmem_shared>>
        tpu.wait_dma2 semaphore(%run_scoped3A : memref<!tpu.dma_semaphore, #tpu.memory_space<semaphore_mem>>) src(%dma_wait3A_520 : memref<632x16xf32, #tpu.memory_space<vmem_shared>>) dst(%dma_wait3A_518 : memref<632x16xf32, #tpu.memory_space<hbm>>)
        tpu.yield
      }) : () -> ()
    } else {
    }
    return
  }
}

#map = affine_map<(d0, d1) -> (0, 0)>
#map1 = affine_map<(d0, d1) -> (0, 0, 0)>
module attributes {stable_mosaic.version = 14 : i64} {
  func.func @_sc_agg_body(%arg0: i32, %arg1: i32, %arg2: memref<10000x128xf32, #tpu.memory_space<hbm>>, %arg3: memref<2x8000x40xi32, #tpu.memory_space<hbm>>, %arg4: memref<40x128xf32, #tpu.memory_space<hbm>>, %arg5: memref<632x16xf32, #tpu.memory_space<hbm>>, %arg6: memref<10112x128xf32, #tpu.memory_space<hbm>>, %arg7: memref<10112x128xf32, #tpu.memory_space<hbm>>, %arg8: memref<10112x16xf32, #tpu.memory_space<hbm>>, %arg9: memref<10112x16xf32, #tpu.memory_space<hbm>>, %arg10: memref<10112x128xf32, #tpu.memory_space<vmem_shared>>, %arg11: memref<10112x16xf32, #tpu.memory_space<vmem_shared>>, %arg12: memref<50x40xi32, #tpu.memory_space<vmem>>, %arg13: memref<50x40xi32, #tpu.memory_space<vmem>>, %arg14: memref<40x128xf32, #tpu.memory_space<vmem>>, %arg15: memref<40x128xf32, #tpu.memory_space<vmem>>, %arg16: memref<40x128xf32, #tpu.memory_space<vmem>>, %arg17: memref<40x128xf32, #tpu.memory_space<vmem>>, %arg18: memref<40x128xf32, #tpu.memory_space<vmem>>, %arg19: memref<40x16xf32, #tpu.memory_space<vmem>>, %arg20: memref<!tpu.dma_semaphore, #tpu.memory_space<semaphore_mem>>, %arg21: memref<!tpu.dma_semaphore, #tpu.memory_space<semaphore_mem>>, %arg22: memref<!tpu.dma_semaphore, #tpu.memory_space<semaphore_mem>>, %arg23: memref<!tpu.dma_semaphore, #tpu.memory_space<semaphore_mem>>, %arg24: memref<!tpu.dma_semaphore, #tpu.memory_space<semaphore_mem>>, %arg25: memref<!tpu.dma_semaphore, #tpu.memory_space<semaphore_mem>>) attributes {dimension_semantics = [#tpu.dimension_semantics<core_parallel>, #tpu.dimension_semantics<subcore_parallel>], iteration_bounds = array<i64: 2, 16>, scalar_prefetch = 0 : i64, scratch_operands = 16 : i64, tpu.core_type = #tpu.core_type<sc_vector_subcore>, window_params = [{transform_indices = #map}, {transform_indices = #map1}, {transform_indices = #map}, {transform_indices = #map}, {transform_indices = #map}, {transform_indices = #map}, {transform_indices = #map}, {transform_indices = #map}]} {
    %broadcast_in_dim3A = arith.constant 1.000000e+00 : f32
    %broadcast_in_dim3A_0 = vector.broadcast %broadcast_in_dim3A : f32 to vector<16xf32>
    %swap3A = arith.constant 0 : i32
    %swap3A_1 = arith.index_cast %swap3A : i32 to index
    %swap3A_2 = arith.constant 0 : index
    %swap3A_3 = tpu.vector_load %arg19[%swap3A_1, %swap3A_2] {strides = array<i32>} : memref<40x16xf32, #tpu.memory_space<vmem>>, vector<1x16xf32>,
    %swap3A_4 = vector.shape_cast %swap3A_3 : vector<1x16xf32> to vector<16xf32>
    %swap3A_5 = vector.shape_cast %broadcast_in_dim3A_0 : vector<16xf32> to vector<1x16xf32>
    tpu.vector_store %arg19[%swap3A_1, %swap3A_2], %swap3A_5 {strides = array<i32>} : memref<40x16xf32, #tpu.memory_space<vmem>>, vector<1x16xf32>,
    %swap3A_6 = arith.constant 1 : i32
    %swap3A_7 = arith.index_cast %swap3A_6 : i32 to index
    %swap3A_8 = arith.constant 0 : index
    %swap3A_9 = tpu.vector_load %arg19[%swap3A_7, %swap3A_8] {strides = array<i32>} : memref<40x16xf32, #tpu.memory_space<vmem>>, vector<1x16xf32>,
    %swap3A_10 = vector.shape_cast %swap3A_9 : vector<1x16xf32> to vector<16xf32>
    %swap3A_11 = vector.shape_cast %broadcast_in_dim3A_0 : vector<16xf32> to vector<1x16xf32>
    tpu.vector_store %arg19[%swap3A_7, %swap3A_8], %swap3A_11 {strides = array<i32>} : memref<40x16xf32, #tpu.memory_space<vmem>>, vector<1x16xf32>,
    %swap3A_12 = arith.constant 2 : i32
    %swap3A_13 = arith.index_cast %swap3A_12 : i32 to index
    %swap3A_14 = arith.constant 0 : index
    %swap3A_15 = tpu.vector_load %arg19[%swap3A_13, %swap3A_14] {strides = array<i32>} : memref<40x16xf32, #tpu.memory_space<vmem>>, vector<1x16xf32>,
    %swap3A_16 = vector.shape_cast %swap3A_15 : vector<1x16xf32> to vector<16xf32>
    %swap3A_17 = vector.shape_cast %broadcast_in_dim3A_0 : vector<16xf32> to vector<1x16xf32>
    tpu.vector_store %arg19[%swap3A_13, %swap3A_14], %swap3A_17 {strides = array<i32>} : memref<40x16xf32, #tpu.memory_space<vmem>>, vector<1x16xf32>,
    %swap3A_18 = arith.constant 3 : i32
    %swap3A_19 = arith.index_cast %swap3A_18 : i32 to index
    %swap3A_20 = arith.constant 0 : index
    %swap3A_21 = tpu.vector_load %arg19[%swap3A_19, %swap3A_20] {strides = array<i32>} : memref<40x16xf32, #tpu.memory_space<vmem>>, vector<1x16xf32>,
    %swap3A_22 = vector.shape_cast %swap3A_21 : vector<1x16xf32> to vector<16xf32>
    %swap3A_23 = vector.shape_cast %broadcast_in_dim3A_0 : vector<16xf32> to vector<1x16xf32>
    tpu.vector_store %arg19[%swap3A_19, %swap3A_20], %swap3A_23 {strides = array<i32>} : memref<40x16xf32, #tpu.memory_space<vmem>>, vector<1x16xf32>,
    %swap3A_24 = arith.constant 4 : i32
    %swap3A_25 = arith.index_cast %swap3A_24 : i32 to index
    %swap3A_26 = arith.constant 0 : index
    %swap3A_27 = tpu.vector_load %arg19[%swap3A_25, %swap3A_26] {strides = array<i32>} : memref<40x16xf32, #tpu.memory_space<vmem>>, vector<1x16xf32>,
    %swap3A_28 = vector.shape_cast %swap3A_27 : vector<1x16xf32> to vector<16xf32>
    %swap3A_29 = vector.shape_cast %broadcast_in_dim3A_0 : vector<16xf32> to vector<1x16xf32>
    tpu.vector_store %arg19[%swap3A_25, %swap3A_26], %swap3A_29 {strides = array<i32>} : memref<40x16xf32, #tpu.memory_space<vmem>>, vector<1x16xf32>,
    %swap3A_30 = arith.constant 5 : i32
    %swap3A_31 = arith.index_cast %swap3A_30 : i32 to index
    %swap3A_32 = arith.constant 0 : index
    %swap3A_33 = tpu.vector_load %arg19[%swap3A_31, %swap3A_32] {strides = array<i32>} : memref<40x16xf32, #tpu.memory_space<vmem>>, vector<1x16xf32>,
    %swap3A_34 = vector.shape_cast %swap3A_33 : vector<1x16xf32> to vector<16xf32>
    %swap3A_35 = vector.shape_cast %broadcast_in_dim3A_0 : vector<16xf32> to vector<1x16xf32>
    tpu.vector_store %arg19[%swap3A_31, %swap3A_32], %swap3A_35 {strides = array<i32>} : memref<40x16xf32, #tpu.memory_space<vmem>>, vector<1x16xf32>,
    %swap3A_36 = arith.constant 6 : i32
    %swap3A_37 = arith.index_cast %swap3A_36 : i32 to index
    %swap3A_38 = arith.constant 0 : index
    %swap3A_39 = tpu.vector_load %arg19[%swap3A_37, %swap3A_38] {strides = array<i32>} : memref<40x16xf32, #tpu.memory_space<vmem>>, vector<1x16xf32>,
    %swap3A_40 = vector.shape_cast %swap3A_39 : vector<1x16xf32> to vector<16xf32>
    %swap3A_41 = vector.shape_cast %broadcast_in_dim3A_0 : vector<16xf32> to vector<1x16xf32>
    tpu.vector_store %arg19[%swap3A_37, %swap3A_38], %swap3A_41 {strides = array<i32>} : memref<40x16xf32, #tpu.memory_space<vmem>>, vector<1x16xf32>,
    %swap3A_42 = arith.constant 7 : i32
    %swap3A_43 = arith.index_cast %swap3A_42 : i32 to index
    %swap3A_44 = arith.constant 0 : index
    %swap3A_45 = tpu.vector_load %arg19[%swap3A_43, %swap3A_44] {strides = array<i32>} : memref<40x16xf32, #tpu.memory_space<vmem>>, vector<1x16xf32>,
    %swap3A_46 = vector.shape_cast %swap3A_45 : vector<1x16xf32> to vector<16xf32>
    %swap3A_47 = vector.shape_cast %broadcast_in_dim3A_0 : vector<16xf32> to vector<1x16xf32>
    tpu.vector_store %arg19[%swap3A_43, %swap3A_44], %swap3A_47 {strides = array<i32>} : memref<40x16xf32, #tpu.memory_space<vmem>>, vector<1x16xf32>,
    %swap3A_48 = arith.constant 8 : i32
    %swap3A_49 = arith.index_cast %swap3A_48 : i32 to index
    %swap3A_50 = arith.constant 0 : index
    %swap3A_51 = tpu.vector_load %arg19[%swap3A_49, %swap3A_50] {strides = array<i32>} : memref<40x16xf32, #tpu.memory_space<vmem>>, vector<1x16xf32>,
    %swap3A_52 = vector.shape_cast %swap3A_51 : vector<1x16xf32> to vector<16xf32>
    %swap3A_53 = vector.shape_cast %broadcast_in_dim3A_0 : vector<16xf32> to vector<1x16xf32>
    tpu.vector_store %arg19[%swap3A_49, %swap3A_50], %swap3A_53 {strides = array<i32>} : memref<40x16xf32, #tpu.memory_space<vmem>>, vector<1x16xf32>,
    %swap3A_54 = arith.constant 9 : i32
    %swap3A_55 = arith.index_cast %swap3A_54 : i32 to index
    %swap3A_56 = arith.constant 0 : index
    %swap3A_57 = tpu.vector_load %arg19[%swap3A_55, %swap3A_56] {strides = array<i32>} : memref<40x16xf32, #tpu.memory_space<vmem>>, vector<1x16xf32>,
    %swap3A_58 = vector.shape_cast %swap3A_57 : vector<1x16xf32> to vector<16xf32>
    %swap3A_59 = vector.shape_cast %broadcast_in_dim3A_0 : vector<16xf32> to vector<1x16xf32>
    tpu.vector_store %arg19[%swap3A_55, %swap3A_56], %swap3A_59 {strides = array<i32>} : memref<40x16xf32, #tpu.memory_space<vmem>>, vector<1x16xf32>,
    %swap3A_60 = arith.constant 10 : i32
    %swap3A_61 = arith.index_cast %swap3A_60 : i32 to index
    %swap3A_62 = arith.constant 0 : index
    %swap3A_63 = tpu.vector_load %arg19[%swap3A_61, %swap3A_62] {strides = array<i32>} : memref<40x16xf32, #tpu.memory_space<vmem>>, vector<1x16xf32>,
    %swap3A_64 = vector.shape_cast %swap3A_63 : vector<1x16xf32> to vector<16xf32>
    %swap3A_65 = vector.shape_cast %broadcast_in_dim3A_0 : vector<16xf32> to vector<1x16xf32>
    tpu.vector_store %arg19[%swap3A_61, %swap3A_62], %swap3A_65 {strides = array<i32>} : memref<40x16xf32, #tpu.memory_space<vmem>>, vector<1x16xf32>,
    %swap3A_66 = arith.constant 11 : i32
    %swap3A_67 = arith.index_cast %swap3A_66 : i32 to index
    %swap3A_68 = arith.constant 0 : index
    %swap3A_69 = tpu.vector_load %arg19[%swap3A_67, %swap3A_68] {strides = array<i32>} : memref<40x16xf32, #tpu.memory_space<vmem>>, vector<1x16xf32>,
    %swap3A_70 = vector.shape_cast %swap3A_69 : vector<1x16xf32> to vector<16xf32>
    %swap3A_71 = vector.shape_cast %broadcast_in_dim3A_0 : vector<16xf32> to vector<1x16xf32>
    tpu.vector_store %arg19[%swap3A_67, %swap3A_68], %swap3A_71 {strides = array<i32>} : memref<40x16xf32, #tpu.memory_space<vmem>>, vector<1x16xf32>,
    %swap3A_72 = arith.constant 12 : i32
    %swap3A_73 = arith.index_cast %swap3A_72 : i32 to index
    %swap3A_74 = arith.constant 0 : index
    %swap3A_75 = tpu.vector_load %arg19[%swap3A_73, %swap3A_74] {strides = array<i32>} : memref<40x16xf32, #tpu.memory_space<vmem>>, vector<1x16xf32>,
    %swap3A_76 = vector.shape_cast %swap3A_75 : vector<1x16xf32> to vector<16xf32>
    %swap3A_77 = vector.shape_cast %broadcast_in_dim3A_0 : vector<16xf32> to vector<1x16xf32>
    tpu.vector_store %arg19[%swap3A_73, %swap3A_74], %swap3A_77 {strides = array<i32>} : memref<40x16xf32, #tpu.memory_space<vmem>>, vector<1x16xf32>,
    %swap3A_78 = arith.constant 13 : i32
    %swap3A_79 = arith.index_cast %swap3A_78 : i32 to index
    %swap3A_80 = arith.constant 0 : index
    %swap3A_81 = tpu.vector_load %arg19[%swap3A_79, %swap3A_80] {strides = array<i32>} : memref<40x16xf32, #tpu.memory_space<vmem>>, vector<1x16xf32>,
    %swap3A_82 = vector.shape_cast %swap3A_81 : vector<1x16xf32> to vector<16xf32>
    %swap3A_83 = vector.shape_cast %broadcast_in_dim3A_0 : vector<16xf32> to vector<1x16xf32>
    tpu.vector_store %arg19[%swap3A_79, %swap3A_80], %swap3A_83 {strides = array<i32>} : memref<40x16xf32, #tpu.memory_space<vmem>>, vector<1x16xf32>,
    %swap3A_84 = arith.constant 14 : i32
    %swap3A_85 = arith.index_cast %swap3A_84 : i32 to index
    %swap3A_86 = arith.constant 0 : index
    %swap3A_87 = tpu.vector_load %arg19[%swap3A_85, %swap3A_86] {strides = array<i32>} : memref<40x16xf32, #tpu.memory_space<vmem>>, vector<1x16xf32>,
    %swap3A_88 = vector.shape_cast %swap3A_87 : vector<1x16xf32> to vector<16xf32>
    %swap3A_89 = vector.shape_cast %broadcast_in_dim3A_0 : vector<16xf32> to vector<1x16xf32>
    tpu.vector_store %arg19[%swap3A_85, %swap3A_86], %swap3A_89 {strides = array<i32>} : memref<40x16xf32, #tpu.memory_space<vmem>>, vector<1x16xf32>,
    %swap3A_90 = arith.constant 15 : i32
    %swap3A_91 = arith.index_cast %swap3A_90 : i32 to index
    %swap3A_92 = arith.constant 0 : index
    %swap3A_93 = tpu.vector_load %arg19[%swap3A_91, %swap3A_92] {strides = array<i32>} : memref<40x16xf32, #tpu.memory_space<vmem>>, vector<1x16xf32>,
    %swap3A_94 = vector.shape_cast %swap3A_93 : vector<1x16xf32> to vector<16xf32>
    %swap3A_95 = vector.shape_cast %broadcast_in_dim3A_0 : vector<16xf32> to vector<1x16xf32>
    tpu.vector_store %arg19[%swap3A_91, %swap3A_92], %swap3A_95 {strides = array<i32>} : memref<40x16xf32, #tpu.memory_space<vmem>>, vector<1x16xf32>,
    %swap3A_96 = arith.constant 16 : i32
    %swap3A_97 = arith.index_cast %swap3A_96 : i32 to index
    %swap3A_98 = arith.constant 0 : index
    %swap3A_99 = tpu.vector_load %arg19[%swap3A_97, %swap3A_98] {strides = array<i32>} : memref<40x16xf32, #tpu.memory_space<vmem>>, vector<1x16xf32>,
    %swap3A_100 = vector.shape_cast %swap3A_99 : vector<1x16xf32> to vector<16xf32>
    %swap3A_101 = vector.shape_cast %broadcast_in_dim3A_0 : vector<16xf32> to vector<1x16xf32>
    tpu.vector_store %arg19[%swap3A_97, %swap3A_98], %swap3A_101 {strides = array<i32>} : memref<40x16xf32, #tpu.memory_space<vmem>>, vector<1x16xf32>,
    %swap3A_102 = arith.constant 17 : i32
    %swap3A_103 = arith.index_cast %swap3A_102 : i32 to index
    %swap3A_104 = arith.constant 0 : index
    %swap3A_105 = tpu.vector_load %arg19[%swap3A_103, %swap3A_104] {strides = array<i32>} : memref<40x16xf32, #tpu.memory_space<vmem>>, vector<1x16xf32>,
    %swap3A_106 = vector.shape_cast %swap3A_105 : vector<1x16xf32> to vector<16xf32>
    %swap3A_107 = vector.shape_cast %broadcast_in_dim3A_0 : vector<16xf32> to vector<1x16xf32>
    tpu.vector_store %arg19[%swap3A_103, %swap3A_104], %swap3A_107 {strides = array<i32>} : memref<40x16xf32, #tpu.memory_space<vmem>>, vector<1x16xf32>,
    %swap3A_108 = arith.constant 18 : i32
    %swap3A_109 = arith.index_cast %swap3A_108 : i32 to index
    %swap3A_110 = arith.constant 0 : index
    %swap3A_111 = tpu.vector_load %arg19[%swap3A_109, %swap3A_110] {strides = array<i32>} : memref<40x16xf32, #tpu.memory_space<vmem>>, vector<1x16xf32>,
    %swap3A_112 = vector.shape_cast %swap3A_111 : vector<1x16xf32> to vector<16xf32>
    %swap3A_113 = vector.shape_cast %broadcast_in_dim3A_0 : vector<16xf32> to vector<1x16xf32>
    tpu.vector_store %arg19[%swap3A_109, %swap3A_110], %swap3A_113 {strides = array<i32>} : memref<40x16xf32, #tpu.memory_space<vmem>>, vector<1x16xf32>,
    %swap3A_114 = arith.constant 19 : i32
    %swap3A_115 = arith.index_cast %swap3A_114 : i32 to index
    %swap3A_116 = arith.constant 0 : index
    %swap3A_117 = tpu.vector_load %arg19[%swap3A_115, %swap3A_116] {strides = array<i32>} : memref<40x16xf32, #tpu.memory_space<vmem>>, vector<1x16xf32>,
    %swap3A_118 = vector.shape_cast %swap3A_117 : vector<1x16xf32> to vector<16xf32>
    %swap3A_119 = vector.shape_cast %broadcast_in_dim3A_0 : vector<16xf32> to vector<1x16xf32>
    tpu.vector_store %arg19[%swap3A_115, %swap3A_116], %swap3A_119 {strides = array<i32>} : memref<40x16xf32, #tpu.memory_space<vmem>>, vector<1x16xf32>,
    %swap3A_120 = arith.constant 20 : i32
    %swap3A_121 = arith.index_cast %swap3A_120 : i32 to index
    %swap3A_122 = arith.constant 0 : index
    %swap3A_123 = tpu.vector_load %arg19[%swap3A_121, %swap3A_122] {strides = array<i32>} : memref<40x16xf32, #tpu.memory_space<vmem>>, vector<1x16xf32>,
    %swap3A_124 = vector.shape_cast %swap3A_123 : vector<1x16xf32> to vector<16xf32>
    %swap3A_125 = vector.shape_cast %broadcast_in_dim3A_0 : vector<16xf32> to vector<1x16xf32>
    tpu.vector_store %arg19[%swap3A_121, %swap3A_122], %swap3A_125 {strides = array<i32>} : memref<40x16xf32, #tpu.memory_space<vmem>>, vector<1x16xf32>,
    %swap3A_126 = arith.constant 21 : i32
    %swap3A_127 = arith.index_cast %swap3A_126 : i32 to index
    %swap3A_128 = arith.constant 0 : index
    %swap3A_129 = tpu.vector_load %arg19[%swap3A_127, %swap3A_128] {strides = array<i32>} : memref<40x16xf32, #tpu.memory_space<vmem>>, vector<1x16xf32>,
    %swap3A_130 = vector.shape_cast %swap3A_129 : vector<1x16xf32> to vector<16xf32>
    %swap3A_131 = vector.shape_cast %broadcast_in_dim3A_0 : vector<16xf32> to vector<1x16xf32>
    tpu.vector_store %arg19[%swap3A_127, %swap3A_128], %swap3A_131 {strides = array<i32>} : memref<40x16xf32, #tpu.memory_space<vmem>>, vector<1x16xf32>,
    %swap3A_132 = arith.constant 22 : i32
    %swap3A_133 = arith.index_cast %swap3A_132 : i32 to index
    %swap3A_134 = arith.constant 0 : index
    %swap3A_135 = tpu.vector_load %arg19[%swap3A_133, %swap3A_134] {strides = array<i32>} : memref<40x16xf32, #tpu.memory_space<vmem>>, vector<1x16xf32>,
    %swap3A_136 = vector.shape_cast %swap3A_135 : vector<1x16xf32> to vector<16xf32>
    %swap3A_137 = vector.shape_cast %broadcast_in_dim3A_0 : vector<16xf32> to vector<1x16xf32>
    tpu.vector_store %arg19[%swap3A_133, %swap3A_134], %swap3A_137 {strides = array<i32>} : memref<40x16xf32, #tpu.memory_space<vmem>>, vector<1x16xf32>,
    %swap3A_138 = arith.constant 23 : i32
    %swap3A_139 = arith.index_cast %swap3A_138 : i32 to index
    %swap3A_140 = arith.constant 0 : index
    %swap3A_141 = tpu.vector_load %arg19[%swap3A_139, %swap3A_140] {strides = array<i32>} : memref<40x16xf32, #tpu.memory_space<vmem>>, vector<1x16xf32>,
    %swap3A_142 = vector.shape_cast %swap3A_141 : vector<1x16xf32> to vector<16xf32>
    %swap3A_143 = vector.shape_cast %broadcast_in_dim3A_0 : vector<16xf32> to vector<1x16xf32>
    tpu.vector_store %arg19[%swap3A_139, %swap3A_140], %swap3A_143 {strides = array<i32>} : memref<40x16xf32, #tpu.memory_space<vmem>>, vector<1x16xf32>,
    %swap3A_144 = arith.constant 24 : i32
    %swap3A_145 = arith.index_cast %swap3A_144 : i32 to index
    %swap3A_146 = arith.constant 0 : index
    %swap3A_147 = tpu.vector_load %arg19[%swap3A_145, %swap3A_146] {strides = array<i32>} : memref<40x16xf32, #tpu.memory_space<vmem>>, vector<1x16xf32>,
    %swap3A_148 = vector.shape_cast %swap3A_147 : vector<1x16xf32> to vector<16xf32>
    %swap3A_149 = vector.shape_cast %broadcast_in_dim3A_0 : vector<16xf32> to vector<1x16xf32>
    tpu.vector_store %arg19[%swap3A_145, %swap3A_146], %swap3A_149 {strides = array<i32>} : memref<40x16xf32, #tpu.memory_space<vmem>>, vector<1x16xf32>,
    %swap3A_150 = arith.constant 25 : i32
    %swap3A_151 = arith.index_cast %swap3A_150 : i32 to index
    %swap3A_152 = arith.constant 0 : index
    %swap3A_153 = tpu.vector_load %arg19[%swap3A_151, %swap3A_152] {strides = array<i32>} : memref<40x16xf32, #tpu.memory_space<vmem>>, vector<1x16xf32>,
    %swap3A_154 = vector.shape_cast %swap3A_153 : vector<1x16xf32> to vector<16xf32>
    %swap3A_155 = vector.shape_cast %broadcast_in_dim3A_0 : vector<16xf32> to vector<1x16xf32>
    tpu.vector_store %arg19[%swap3A_151, %swap3A_152], %swap3A_155 {strides = array<i32>} : memref<40x16xf32, #tpu.memory_space<vmem>>, vector<1x16xf32>,
    %swap3A_156 = arith.constant 26 : i32
    %swap3A_157 = arith.index_cast %swap3A_156 : i32 to index
    %swap3A_158 = arith.constant 0 : index
    %swap3A_159 = tpu.vector_load %arg19[%swap3A_157, %swap3A_158] {strides = array<i32>} : memref<40x16xf32, #tpu.memory_space<vmem>>, vector<1x16xf32>,
    %swap3A_160 = vector.shape_cast %swap3A_159 : vector<1x16xf32> to vector<16xf32>
    %swap3A_161 = vector.shape_cast %broadcast_in_dim3A_0 : vector<16xf32> to vector<1x16xf32>
    tpu.vector_store %arg19[%swap3A_157, %swap3A_158], %swap3A_161 {strides = array<i32>} : memref<40x16xf32, #tpu.memory_space<vmem>>, vector<1x16xf32>,
    %swap3A_162 = arith.constant 27 : i32
    %swap3A_163 = arith.index_cast %swap3A_162 : i32 to index
    %swap3A_164 = arith.constant 0 : index
    %swap3A_165 = tpu.vector_load %arg19[%swap3A_163, %swap3A_164] {strides = array<i32>} : memref<40x16xf32, #tpu.memory_space<vmem>>, vector<1x16xf32>,
    %swap3A_166 = vector.shape_cast %swap3A_165 : vector<1x16xf32> to vector<16xf32>
    %swap3A_167 = vector.shape_cast %broadcast_in_dim3A_0 : vector<16xf32> to vector<1x16xf32>
    tpu.vector_store %arg19[%swap3A_163, %swap3A_164], %swap3A_167 {strides = array<i32>} : memref<40x16xf32, #tpu.memory_space<vmem>>, vector<1x16xf32>,
    %swap3A_168 = arith.constant 28 : i32
    %swap3A_169 = arith.index_cast %swap3A_168 : i32 to index
    %swap3A_170 = arith.constant 0 : index
    %swap3A_171 = tpu.vector_load %arg19[%swap3A_169, %swap3A_170] {strides = array<i32>} : memref<40x16xf32, #tpu.memory_space<vmem>>, vector<1x16xf32>,
    %swap3A_172 = vector.shape_cast %swap3A_171 : vector<1x16xf32> to vector<16xf32>
    %swap3A_173 = vector.shape_cast %broadcast_in_dim3A_0 : vector<16xf32> to vector<1x16xf32>
    tpu.vector_store %arg19[%swap3A_169, %swap3A_170], %swap3A_173 {strides = array<i32>} : memref<40x16xf32, #tpu.memory_space<vmem>>, vector<1x16xf32>,
    %swap3A_174 = arith.constant 29 : i32
    %swap3A_175 = arith.index_cast %swap3A_174 : i32 to index
    %swap3A_176 = arith.constant 0 : index
    %swap3A_177 = tpu.vector_load %arg19[%swap3A_175, %swap3A_176] {strides = array<i32>} : memref<40x16xf32, #tpu.memory_space<vmem>>, vector<1x16xf32>,
    %swap3A_178 = vector.shape_cast %swap3A_177 : vector<1x16xf32> to vector<16xf32>
    %swap3A_179 = vector.shape_cast %broadcast_in_dim3A_0 : vector<16xf32> to vector<1x16xf32>
    tpu.vector_store %arg19[%swap3A_175, %swap3A_176], %swap3A_179 {strides = array<i32>} : memref<40x16xf32, #tpu.memory_space<vmem>>, vector<1x16xf32>,
    %swap3A_180 = arith.constant 30 : i32
    %swap3A_181 = arith.index_cast %swap3A_180 : i32 to index
    %swap3A_182 = arith.constant 0 : index
    %swap3A_183 = tpu.vector_load %arg19[%swap3A_181, %swap3A_182] {strides = array<i32>} : memref<40x16xf32, #tpu.memory_space<vmem>>, vector<1x16xf32>,
    %swap3A_184 = vector.shape_cast %swap3A_183 : vector<1x16xf32> to vector<16xf32>
    %swap3A_185 = vector.shape_cast %broadcast_in_dim3A_0 : vector<16xf32> to vector<1x16xf32>
    tpu.vector_store %arg19[%swap3A_181, %swap3A_182], %swap3A_185 {strides = array<i32>} : memref<40x16xf32, #tpu.memory_space<vmem>>, vector<1x16xf32>,
    %swap3A_186 = arith.constant 31 : i32
    %swap3A_187 = arith.index_cast %swap3A_186 : i32 to index
    %swap3A_188 = arith.constant 0 : index
    %swap3A_189 = tpu.vector_load %arg19[%swap3A_187, %swap3A_188] {strides = array<i32>} : memref<40x16xf32, #tpu.memory_space<vmem>>, vector<1x16xf32>,
    %swap3A_190 = vector.shape_cast %swap3A_189 : vector<1x16xf32> to vector<16xf32>
    %swap3A_191 = vector.shape_cast %broadcast_in_dim3A_0 : vector<16xf32> to vector<1x16xf32>
    tpu.vector_store %arg19[%swap3A_187, %swap3A_188], %swap3A_191 {strides = array<i32>} : memref<40x16xf32, #tpu.memory_space<vmem>>, vector<1x16xf32>,
    %swap3A_192 = arith.constant 32 : i32
    %swap3A_193 = arith.index_cast %swap3A_192 : i32 to index
    %swap3A_194 = arith.constant 0 : index
    %swap3A_195 = tpu.vector_load %arg19[%swap3A_193, %swap3A_194] {strides = array<i32>} : memref<40x16xf32, #tpu.memory_space<vmem>>, vector<1x16xf32>,
    %swap3A_196 = vector.shape_cast %swap3A_195 : vector<1x16xf32> to vector<16xf32>
    %swap3A_197 = vector.shape_cast %broadcast_in_dim3A_0 : vector<16xf32> to vector<1x16xf32>
    tpu.vector_store %arg19[%swap3A_193, %swap3A_194], %swap3A_197 {strides = array<i32>} : memref<40x16xf32, #tpu.memory_space<vmem>>, vector<1x16xf32>,
    %swap3A_198 = arith.constant 33 : i32
    %swap3A_199 = arith.index_cast %swap3A_198 : i32 to index
    %swap3A_200 = arith.constant 0 : index
    %swap3A_201 = tpu.vector_load %arg19[%swap3A_199, %swap3A_200] {strides = array<i32>} : memref<40x16xf32, #tpu.memory_space<vmem>>, vector<1x16xf32>,
    %swap3A_202 = vector.shape_cast %swap3A_201 : vector<1x16xf32> to vector<16xf32>
    %swap3A_203 = vector.shape_cast %broadcast_in_dim3A_0 : vector<16xf32> to vector<1x16xf32>
    tpu.vector_store %arg19[%swap3A_199, %swap3A_200], %swap3A_203 {strides = array<i32>} : memref<40x16xf32, #tpu.memory_space<vmem>>, vector<1x16xf32>,
    %swap3A_204 = arith.constant 34 : i32
    %swap3A_205 = arith.index_cast %swap3A_204 : i32 to index
    %swap3A_206 = arith.constant 0 : index
    %swap3A_207 = tpu.vector_load %arg19[%swap3A_205, %swap3A_206] {strides = array<i32>} : memref<40x16xf32, #tpu.memory_space<vmem>>, vector<1x16xf32>,
    %swap3A_208 = vector.shape_cast %swap3A_207 : vector<1x16xf32> to vector<16xf32>
    %swap3A_209 = vector.shape_cast %broadcast_in_dim3A_0 : vector<16xf32> to vector<1x16xf32>
    tpu.vector_store %arg19[%swap3A_205, %swap3A_206], %swap3A_209 {strides = array<i32>} : memref<40x16xf32, #tpu.memory_space<vmem>>, vector<1x16xf32>,
    %swap3A_210 = arith.constant 35 : i32
    %swap3A_211 = arith.index_cast %swap3A_210 : i32 to index
    %swap3A_212 = arith.constant 0 : index
    %swap3A_213 = tpu.vector_load %arg19[%swap3A_211, %swap3A_212] {strides = array<i32>} : memref<40x16xf32, #tpu.memory_space<vmem>>, vector<1x16xf32>,
    %swap3A_214 = vector.shape_cast %swap3A_213 : vector<1x16xf32> to vector<16xf32>
    %swap3A_215 = vector.shape_cast %broadcast_in_dim3A_0 : vector<16xf32> to vector<1x16xf32>
    tpu.vector_store %arg19[%swap3A_211, %swap3A_212], %swap3A_215 {strides = array<i32>} : memref<40x16xf32, #tpu.memory_space<vmem>>, vector<1x16xf32>,
    %swap3A_216 = arith.constant 36 : i32
    %swap3A_217 = arith.index_cast %swap3A_216 : i32 to index
    %swap3A_218 = arith.constant 0 : index
    %swap3A_219 = tpu.vector_load %arg19[%swap3A_217, %swap3A_218] {strides = array<i32>} : memref<40x16xf32, #tpu.memory_space<vmem>>, vector<1x16xf32>,
    %swap3A_220 = vector.shape_cast %swap3A_219 : vector<1x16xf32> to vector<16xf32>
    %swap3A_221 = vector.shape_cast %broadcast_in_dim3A_0 : vector<16xf32> to vector<1x16xf32>
    tpu.vector_store %arg19[%swap3A_217, %swap3A_218], %swap3A_221 {strides = array<i32>} : memref<40x16xf32, #tpu.memory_space<vmem>>, vector<1x16xf32>,
    %swap3A_222 = arith.constant 37 : i32
    %swap3A_223 = arith.index_cast %swap3A_222 : i32 to index
    %swap3A_224 = arith.constant 0 : index
    %swap3A_225 = tpu.vector_load %arg19[%swap3A_223, %swap3A_224] {strides = array<i32>} : memref<40x16xf32, #tpu.memory_space<vmem>>, vector<1x16xf32>,
    %swap3A_226 = vector.shape_cast %swap3A_225 : vector<1x16xf32> to vector<16xf32>
    %swap3A_227 = vector.shape_cast %broadcast_in_dim3A_0 : vector<16xf32> to vector<1x16xf32>
    tpu.vector_store %arg19[%swap3A_223, %swap3A_224], %swap3A_227 {strides = array<i32>} : memref<40x16xf32, #tpu.memory_space<vmem>>, vector<1x16xf32>,
    %swap3A_228 = arith.constant 38 : i32
    %swap3A_229 = arith.index_cast %swap3A_228 : i32 to index
    %swap3A_230 = arith.constant 0 : index
    %swap3A_231 = tpu.vector_load %arg19[%swap3A_229, %swap3A_230] {strides = array<i32>} : memref<40x16xf32, #tpu.memory_space<vmem>>, vector<1x16xf32>,
    %swap3A_232 = vector.shape_cast %swap3A_231 : vector<1x16xf32> to vector<16xf32>
    %swap3A_233 = vector.shape_cast %broadcast_in_dim3A_0 : vector<16xf32> to vector<1x16xf32>
    tpu.vector_store %arg19[%swap3A_229, %swap3A_230], %swap3A_233 {strides = array<i32>} : memref<40x16xf32, #tpu.memory_space<vmem>>, vector<1x16xf32>,
    %swap3A_234 = arith.constant 39 : i32
    %swap3A_235 = arith.index_cast %swap3A_234 : i32 to index
    %swap3A_236 = arith.constant 0 : index
    %swap3A_237 = tpu.vector_load %arg19[%swap3A_235, %swap3A_236] {strides = array<i32>} : memref<40x16xf32, #tpu.memory_space<vmem>>, vector<1x16xf32>,
    %swap3A_238 = vector.shape_cast %swap3A_237 : vector<1x16xf32> to vector<16xf32>
    %swap3A_239 = vector.shape_cast %broadcast_in_dim3A_0 : vector<16xf32> to vector<1x16xf32>
    tpu.vector_store %arg19[%swap3A_235, %swap3A_236], %swap3A_239 {strides = array<i32>} : memref<40x16xf32, #tpu.memory_space<vmem>>, vector<1x16xf32>,
    %mul3A = arith.constant 632 : i32
    %mul3A_240 = arith.muli %arg1, %mul3A : i32
    "tpu.region"() ({
      %run_scoped3A = tpu.sem_alloc : memref<!tpu.dma_semaphore, #tpu.memory_space<semaphore_mem>>
      tpu.enqueue_dma source(%arg4 : memref<40x128xf32, #tpu.memory_space<hbm>>) target(%arg14 : memref<40x128xf32, #tpu.memory_space<vmem>>) target_semaphore(%run_scoped3A : memref<!tpu.dma_semaphore, #tpu.memory_space<semaphore_mem>>)
      tpu.wait_dma2 semaphore(%run_scoped3A : memref<!tpu.dma_semaphore, #tpu.memory_space<semaphore_mem>>) src(%arg4 : memref<40x128xf32, #tpu.memory_space<hbm>>) dst(%arg14 : memref<40x128xf32, #tpu.memory_space<vmem>>)
      tpu.yield
    }) : () -> ()
    %add3A = arith.constant 0 : i32
    %add3A_241 = arith.addi %mul3A_240, %add3A : i32
    "tpu.region"() ({
      %run_scoped3A = tpu.sem_alloc : memref<!tpu.dma_semaphore, #tpu.memory_space<semaphore_mem>>
      %dma_start3A = arith.constant 0 : i32
      %dma_start3A_291 = tpu.memref_slice %arg10[%add3A_241, %dma_start3A] : memref<10112x128xf32, #tpu.memory_space<vmem_shared>> -> memref<40x128xf32, #tpu.memory_space<vmem_shared>>
      %dma_start3A_292 = arith.constant 0 : i32
      %dma_start3A_293 = tpu.memref_slice %arg10[%add3A_241, %dma_start3A_292] : memref<10112x128xf32, #tpu.memory_space<vmem_shared>> -> memref<40x128xf32, #tpu.memory_space<vmem_shared>>
      tpu.enqueue_dma source(%arg14 : memref<40x128xf32, #tpu.memory_space<vmem>>) target(%dma_start3A_293 : memref<40x128xf32, #tpu.memory_space<vmem_shared>>) target_semaphore(%run_scoped3A : memref<!tpu.dma_semaphore, #tpu.memory_space<semaphore_mem>>)
      %dma_wait3A = arith.constant 0 : i32
      %dma_wait3A_294 = tpu.memref_slice %arg10[%add3A_241, %dma_wait3A] : memref<10112x128xf32, #tpu.memory_space<vmem_shared>> -> memref<40x128xf32, #tpu.memory_space<vmem_shared>>
      %dma_wait3A_295 = arith.constant 0 : i32
      %dma_wait3A_296 = tpu.memref_slice %arg10[%add3A_241, %dma_wait3A_295] : memref<10112x128xf32, #tpu.memory_space<vmem_shared>> -> memref<40x128xf32, #tpu.memory_space<vmem_shared>>
      tpu.wait_dma2 semaphore(%run_scoped3A : memref<!tpu.dma_semaphore, #tpu.memory_space<semaphore_mem>>) src(%arg14 : memref<40x128xf32, #tpu.memory_space<vmem>>) dst(%dma_wait3A_296 : memref<40x128xf32, #tpu.memory_space<vmem_shared>>)
      tpu.yield
    }) : () -> ()
    %add3A_242 = arith.constant 40 : i32
    %add3A_243 = arith.addi %mul3A_240, %add3A_242 : i32
    "tpu.region"() ({
      %run_scoped3A = tpu.sem_alloc : memref<!tpu.dma_semaphore, #tpu.memory_space<semaphore_mem>>
      %dma_start3A = arith.constant 0 : i32
      %dma_start3A_291 = tpu.memref_slice %arg10[%add3A_243, %dma_start3A] : memref<10112x128xf32, #tpu.memory_space<vmem_shared>> -> memref<40x128xf32, #tpu.memory_space<vmem_shared>>
      %dma_start3A_292 = arith.constant 0 : i32
      %dma_start3A_293 = tpu.memref_slice %arg10[%add3A_243, %dma_start3A_292] : memref<10112x128xf32, #tpu.memory_space<vmem_shared>> -> memref<40x128xf32, #tpu.memory_space<vmem_shared>>
      tpu.enqueue_dma source(%arg14 : memref<40x128xf32, #tpu.memory_space<vmem>>) target(%dma_start3A_293 : memref<40x128xf32, #tpu.memory_space<vmem_shared>>) target_semaphore(%run_scoped3A : memref<!tpu.dma_semaphore, #tpu.memory_space<semaphore_mem>>)
      %dma_wait3A = arith.constant 0 : i32
      %dma_wait3A_294 = tpu.memref_slice %arg10[%add3A_243, %dma_wait3A] : memref<10112x128xf32, #tpu.memory_space<vmem_shared>> -> memref<40x128xf32, #tpu.memory_space<vmem_shared>>
      %dma_wait3A_295 = arith.constant 0 : i32
      %dma_wait3A_296 = tpu.memref_slice %arg10[%add3A_243, %dma_wait3A_295] : memref<10112x128xf32, #tpu.memory_space<vmem_shared>> -> memref<40x128xf32, #tpu.memory_space<vmem_shared>>
      tpu.wait_dma2 semaphore(%run_scoped3A : memref<!tpu.dma_semaphore, #tpu.memory_space<semaphore_mem>>) src(%arg14 : memref<40x128xf32, #tpu.memory_space<vmem>>) dst(%dma_wait3A_296 : memref<40x128xf32, #tpu.memory_space<vmem_shared>>)
      tpu.yield
    }) : () -> ()
    %add3A_244 = arith.constant 80 : i32
    %add3A_245 = arith.addi %mul3A_240, %add3A_244 : i32
    "tpu.region"() ({
      %run_scoped3A = tpu.sem_alloc : memref<!tpu.dma_semaphore, #tpu.memory_space<semaphore_mem>>
      %dma_start3A = arith.constant 0 : i32
      %dma_start3A_291 = tpu.memref_slice %arg10[%add3A_245, %dma_start3A] : memref<10112x128xf32, #tpu.memory_space<vmem_shared>> -> memref<40x128xf32, #tpu.memory_space<vmem_shared>>
      %dma_start3A_292 = arith.constant 0 : i32
      %dma_start3A_293 = tpu.memref_slice %arg10[%add3A_245, %dma_start3A_292] : memref<10112x128xf32, #tpu.memory_space<vmem_shared>> -> memref<40x128xf32, #tpu.memory_space<vmem_shared>>
      tpu.enqueue_dma source(%arg14 : memref<40x128xf32, #tpu.memory_space<vmem>>) target(%dma_start3A_293 : memref<40x128xf32, #tpu.memory_space<vmem_shared>>) target_semaphore(%run_scoped3A : memref<!tpu.dma_semaphore, #tpu.memory_space<semaphore_mem>>)
      %dma_wait3A = arith.constant 0 : i32
      %dma_wait3A_294 = tpu.memref_slice %arg10[%add3A_245, %dma_wait3A] : memref<10112x128xf32, #tpu.memory_space<vmem_shared>> -> memref<40x128xf32, #tpu.memory_space<vmem_shared>>
      %dma_wait3A_295 = arith.constant 0 : i32
      %dma_wait3A_296 = tpu.memref_slice %arg10[%add3A_245, %dma_wait3A_295] : memref<10112x128xf32, #tpu.memory_space<vmem_shared>> -> memref<40x128xf32, #tpu.memory_space<vmem_shared>>
      tpu.wait_dma2 semaphore(%run_scoped3A : memref<!tpu.dma_semaphore, #tpu.memory_space<semaphore_mem>>) src(%arg14 : memref<40x128xf32, #tpu.memory_space<vmem>>) dst(%dma_wait3A_296 : memref<40x128xf32, #tpu.memory_space<vmem_shared>>)
      tpu.yield
    }) : () -> ()
    %add3A_246 = arith.constant 120 : i32
    %add3A_247 = arith.addi %mul3A_240, %add3A_246 : i32
    "tpu.region"() ({
      %run_scoped3A = tpu.sem_alloc : memref<!tpu.dma_semaphore, #tpu.memory_space<semaphore_mem>>
      %dma_start3A = arith.constant 0 : i32
      %dma_start3A_291 = tpu.memref_slice %arg10[%add3A_247, %dma_start3A] : memref<10112x128xf32, #tpu.memory_space<vmem_shared>> -> memref<40x128xf32, #tpu.memory_space<vmem_shared>>
      %dma_start3A_292 = arith.constant 0 : i32
      %dma_start3A_293 = tpu.memref_slice %arg10[%add3A_247, %dma_start3A_292] : memref<10112x128xf32, #tpu.memory_space<vmem_shared>> -> memref<40x128xf32, #tpu.memory_space<vmem_shared>>
      tpu.enqueue_dma source(%arg14 : memref<40x128xf32, #tpu.memory_space<vmem>>) target(%dma_start3A_293 : memref<40x128xf32, #tpu.memory_space<vmem_shared>>) target_semaphore(%run_scoped3A : memref<!tpu.dma_semaphore, #tpu.memory_space<semaphore_mem>>)
      %dma_wait3A = arith.constant 0 : i32
      %dma_wait3A_294 = tpu.memref_slice %arg10[%add3A_247, %dma_wait3A] : memref<10112x128xf32, #tpu.memory_space<vmem_shared>> -> memref<40x128xf32, #tpu.memory_space<vmem_shared>>
      %dma_wait3A_295 = arith.constant 0 : i32
      %dma_wait3A_296 = tpu.memref_slice %arg10[%add3A_247, %dma_wait3A_295] : memref<10112x128xf32, #tpu.memory_space<vmem_shared>> -> memref<40x128xf32, #tpu.memory_space<vmem_shared>>
      tpu.wait_dma2 semaphore(%run_scoped3A : memref<!tpu.dma_semaphore, #tpu.memory_space<semaphore_mem>>) src(%arg14 : memref<40x128xf32, #tpu.memory_space<vmem>>) dst(%dma_wait3A_296 : memref<40x128xf32, #tpu.memory_space<vmem_shared>>)
      tpu.yield
    }) : () -> ()
    %add3A_248 = arith.constant 160 : i32
    %add3A_249 = arith.addi %mul3A_240, %add3A_248 : i32
    "tpu.region"() ({
      %run_scoped3A = tpu.sem_alloc : memref<!tpu.dma_semaphore, #tpu.memory_space<semaphore_mem>>
      %dma_start3A = arith.constant 0 : i32
      %dma_start3A_291 = tpu.memref_slice %arg10[%add3A_249, %dma_start3A] : memref<10112x128xf32, #tpu.memory_space<vmem_shared>> -> memref<40x128xf32, #tpu.memory_space<vmem_shared>>
      %dma_start3A_292 = arith.constant 0 : i32
      %dma_start3A_293 = tpu.memref_slice %arg10[%add3A_249, %dma_start3A_292] : memref<10112x128xf32, #tpu.memory_space<vmem_shared>> -> memref<40x128xf32, #tpu.memory_space<vmem_shared>>
      tpu.enqueue_dma source(%arg14 : memref<40x128xf32, #tpu.memory_space<vmem>>) target(%dma_start3A_293 : memref<40x128xf32, #tpu.memory_space<vmem_shared>>) target_semaphore(%run_scoped3A : memref<!tpu.dma_semaphore, #tpu.memory_space<semaphore_mem>>)
      %dma_wait3A = arith.constant 0 : i32
      %dma_wait3A_294 = tpu.memref_slice %arg10[%add3A_249, %dma_wait3A] : memref<10112x128xf32, #tpu.memory_space<vmem_shared>> -> memref<40x128xf32, #tpu.memory_space<vmem_shared>>
      %dma_wait3A_295 = arith.constant 0 : i32
      %dma_wait3A_296 = tpu.memref_slice %arg10[%add3A_249, %dma_wait3A_295] : memref<10112x128xf32, #tpu.memory_space<vmem_shared>> -> memref<40x128xf32, #tpu.memory_space<vmem_shared>>
      tpu.wait_dma2 semaphore(%run_scoped3A : memref<!tpu.dma_semaphore, #tpu.memory_space<semaphore_mem>>) src(%arg14 : memref<40x128xf32, #tpu.memory_space<vmem>>) dst(%dma_wait3A_296 : memref<40x128xf32, #tpu.memory_space<vmem_shared>>)
      tpu.yield
    }) : () -> ()
    %add3A_250 = arith.constant 200 : i32
    %add3A_251 = arith.addi %mul3A_240, %add3A_250 : i32
    "tpu.region"() ({
      %run_scoped3A = tpu.sem_alloc : memref<!tpu.dma_semaphore, #tpu.memory_space<semaphore_mem>>
      %dma_start3A = arith.constant 0 : i32
      %dma_start3A_291 = tpu.memref_slice %arg10[%add3A_251, %dma_start3A] : memref<10112x128xf32, #tpu.memory_space<vmem_shared>> -> memref<40x128xf32, #tpu.memory_space<vmem_shared>>
      %dma_start3A_292 = arith.constant 0 : i32
      %dma_start3A_293 = tpu.memref_slice %arg10[%add3A_251, %dma_start3A_292] : memref<10112x128xf32, #tpu.memory_space<vmem_shared>> -> memref<40x128xf32, #tpu.memory_space<vmem_shared>>
      tpu.enqueue_dma source(%arg14 : memref<40x128xf32, #tpu.memory_space<vmem>>) target(%dma_start3A_293 : memref<40x128xf32, #tpu.memory_space<vmem_shared>>) target_semaphore(%run_scoped3A : memref<!tpu.dma_semaphore, #tpu.memory_space<semaphore_mem>>)
      %dma_wait3A = arith.constant 0 : i32
      %dma_wait3A_294 = tpu.memref_slice %arg10[%add3A_251, %dma_wait3A] : memref<10112x128xf32, #tpu.memory_space<vmem_shared>> -> memref<40x128xf32, #tpu.memory_space<vmem_shared>>
      %dma_wait3A_295 = arith.constant 0 : i32
      %dma_wait3A_296 = tpu.memref_slice %arg10[%add3A_251, %dma_wait3A_295] : memref<10112x128xf32, #tpu.memory_space<vmem_shared>> -> memref<40x128xf32, #tpu.memory_space<vmem_shared>>
      tpu.wait_dma2 semaphore(%run_scoped3A : memref<!tpu.dma_semaphore, #tpu.memory_space<semaphore_mem>>) src(%arg14 : memref<40x128xf32, #tpu.memory_space<vmem>>) dst(%dma_wait3A_296 : memref<40x128xf32, #tpu.memory_space<vmem_shared>>)
      tpu.yield
    }) : () -> ()
    %add3A_252 = arith.constant 240 : i32
    %add3A_253 = arith.addi %mul3A_240, %add3A_252 : i32
    "tpu.region"() ({
      %run_scoped3A = tpu.sem_alloc : memref<!tpu.dma_semaphore, #tpu.memory_space<semaphore_mem>>
      %dma_start3A = arith.constant 0 : i32
      %dma_start3A_291 = tpu.memref_slice %arg10[%add3A_253, %dma_start3A] : memref<10112x128xf32, #tpu.memory_space<vmem_shared>> -> memref<40x128xf32, #tpu.memory_space<vmem_shared>>
      %dma_start3A_292 = arith.constant 0 : i32
      %dma_start3A_293 = tpu.memref_slice %arg10[%add3A_253, %dma_start3A_292] : memref<10112x128xf32, #tpu.memory_space<vmem_shared>> -> memref<40x128xf32, #tpu.memory_space<vmem_shared>>
      tpu.enqueue_dma source(%arg14 : memref<40x128xf32, #tpu.memory_space<vmem>>) target(%dma_start3A_293 : memref<40x128xf32, #tpu.memory_space<vmem_shared>>) target_semaphore(%run_scoped3A : memref<!tpu.dma_semaphore, #tpu.memory_space<semaphore_mem>>)
      %dma_wait3A = arith.constant 0 : i32
      %dma_wait3A_294 = tpu.memref_slice %arg10[%add3A_253, %dma_wait3A] : memref<10112x128xf32, #tpu.memory_space<vmem_shared>> -> memref<40x128xf32, #tpu.memory_space<vmem_shared>>
      %dma_wait3A_295 = arith.constant 0 : i32
      %dma_wait3A_296 = tpu.memref_slice %arg10[%add3A_253, %dma_wait3A_295] : memref<10112x128xf32, #tpu.memory_space<vmem_shared>> -> memref<40x128xf32, #tpu.memory_space<vmem_shared>>
      tpu.wait_dma2 semaphore(%run_scoped3A : memref<!tpu.dma_semaphore, #tpu.memory_space<semaphore_mem>>) src(%arg14 : memref<40x128xf32, #tpu.memory_space<vmem>>) dst(%dma_wait3A_296 : memref<40x128xf32, #tpu.memory_space<vmem_shared>>)
      tpu.yield
    }) : () -> ()
    %add3A_254 = arith.constant 280 : i32
    %add3A_255 = arith.addi %mul3A_240, %add3A_254 : i32
    "tpu.region"() ({
      %run_scoped3A = tpu.sem_alloc : memref<!tpu.dma_semaphore, #tpu.memory_space<semaphore_mem>>
      %dma_start3A = arith.constant 0 : i32
      %dma_start3A_291 = tpu.memref_slice %arg10[%add3A_255, %dma_start3A] : memref<10112x128xf32, #tpu.memory_space<vmem_shared>> -> memref<40x128xf32, #tpu.memory_space<vmem_shared>>
      %dma_start3A_292 = arith.constant 0 : i32
      %dma_start3A_293 = tpu.memref_slice %arg10[%add3A_255, %dma_start3A_292] : memref<10112x128xf32, #tpu.memory_space<vmem_shared>> -> memref<40x128xf32, #tpu.memory_space<vmem_shared>>
      tpu.enqueue_dma source(%arg14 : memref<40x128xf32, #tpu.memory_space<vmem>>) target(%dma_start3A_293 : memref<40x128xf32, #tpu.memory_space<vmem_shared>>) target_semaphore(%run_scoped3A : memref<!tpu.dma_semaphore, #tpu.memory_space<semaphore_mem>>)
      %dma_wait3A = arith.constant 0 : i32
      %dma_wait3A_294 = tpu.memref_slice %arg10[%add3A_255, %dma_wait3A] : memref<10112x128xf32, #tpu.memory_space<vmem_shared>> -> memref<40x128xf32, #tpu.memory_space<vmem_shared>>
      %dma_wait3A_295 = arith.constant 0 : i32
      %dma_wait3A_296 = tpu.memref_slice %arg10[%add3A_255, %dma_wait3A_295] : memref<10112x128xf32, #tpu.memory_space<vmem_shared>> -> memref<40x128xf32, #tpu.memory_space<vmem_shared>>
      tpu.wait_dma2 semaphore(%run_scoped3A : memref<!tpu.dma_semaphore, #tpu.memory_space<semaphore_mem>>) src(%arg14 : memref<40x128xf32, #tpu.memory_space<vmem>>) dst(%dma_wait3A_296 : memref<40x128xf32, #tpu.memory_space<vmem_shared>>)
      tpu.yield
    }) : () -> ()
    %add3A_256 = arith.constant 320 : i32
    %add3A_257 = arith.addi %mul3A_240, %add3A_256 : i32
    "tpu.region"() ({
      %run_scoped3A = tpu.sem_alloc : memref<!tpu.dma_semaphore, #tpu.memory_space<semaphore_mem>>
      %dma_start3A = arith.constant 0 : i32
      %dma_start3A_291 = tpu.memref_slice %arg10[%add3A_257, %dma_start3A] : memref<10112x128xf32, #tpu.memory_space<vmem_shared>> -> memref<40x128xf32, #tpu.memory_space<vmem_shared>>
      %dma_start3A_292 = arith.constant 0 : i32
      %dma_start3A_293 = tpu.memref_slice %arg10[%add3A_257, %dma_start3A_292] : memref<10112x128xf32, #tpu.memory_space<vmem_shared>> -> memref<40x128xf32, #tpu.memory_space<vmem_shared>>
      tpu.enqueue_dma source(%arg14 : memref<40x128xf32, #tpu.memory_space<vmem>>) target(%dma_start3A_293 : memref<40x128xf32, #tpu.memory_space<vmem_shared>>) target_semaphore(%run_scoped3A : memref<!tpu.dma_semaphore, #tpu.memory_space<semaphore_mem>>)
      %dma_wait3A = arith.constant 0 : i32
      %dma_wait3A_294 = tpu.memref_slice %arg10[%add3A_257, %dma_wait3A] : memref<10112x128xf32, #tpu.memory_space<vmem_shared>> -> memref<40x128xf32, #tpu.memory_space<vmem_shared>>
      %dma_wait3A_295 = arith.constant 0 : i32
      %dma_wait3A_296 = tpu.memref_slice %arg10[%add3A_257, %dma_wait3A_295] : memref<10112x128xf32, #tpu.memory_space<vmem_shared>> -> memref<40x128xf32, #tpu.memory_space<vmem_shared>>
      tpu.wait_dma2 semaphore(%run_scoped3A : memref<!tpu.dma_semaphore, #tpu.memory_space<semaphore_mem>>) src(%arg14 : memref<40x128xf32, #tpu.memory_space<vmem>>) dst(%dma_wait3A_296 : memref<40x128xf32, #tpu.memory_space<vmem_shared>>)
      tpu.yield
    }) : () -> ()
    %add3A_258 = arith.constant 360 : i32
    %add3A_259 = arith.addi %mul3A_240, %add3A_258 : i32
    "tpu.region"() ({
      %run_scoped3A = tpu.sem_alloc : memref<!tpu.dma_semaphore, #tpu.memory_space<semaphore_mem>>
      %dma_start3A = arith.constant 0 : i32
      %dma_start3A_291 = tpu.memref_slice %arg10[%add3A_259, %dma_start3A] : memref<10112x128xf32, #tpu.memory_space<vmem_shared>> -> memref<40x128xf32, #tpu.memory_space<vmem_shared>>
      %dma_start3A_292 = arith.constant 0 : i32
      %dma_start3A_293 = tpu.memref_slice %arg10[%add3A_259, %dma_start3A_292] : memref<10112x128xf32, #tpu.memory_space<vmem_shared>> -> memref<40x128xf32, #tpu.memory_space<vmem_shared>>
      tpu.enqueue_dma source(%arg14 : memref<40x128xf32, #tpu.memory_space<vmem>>) target(%dma_start3A_293 : memref<40x128xf32, #tpu.memory_space<vmem_shared>>) target_semaphore(%run_scoped3A : memref<!tpu.dma_semaphore, #tpu.memory_space<semaphore_mem>>)
      %dma_wait3A = arith.constant 0 : i32
      %dma_wait3A_294 = tpu.memref_slice %arg10[%add3A_259, %dma_wait3A] : memref<10112x128xf32, #tpu.memory_space<vmem_shared>> -> memref<40x128xf32, #tpu.memory_space<vmem_shared>>
      %dma_wait3A_295 = arith.constant 0 : i32
      %dma_wait3A_296 = tpu.memref_slice %arg10[%add3A_259, %dma_wait3A_295] : memref<10112x128xf32, #tpu.memory_space<vmem_shared>> -> memref<40x128xf32, #tpu.memory_space<vmem_shared>>
      tpu.wait_dma2 semaphore(%run_scoped3A : memref<!tpu.dma_semaphore, #tpu.memory_space<semaphore_mem>>) src(%arg14 : memref<40x128xf32, #tpu.memory_space<vmem>>) dst(%dma_wait3A_296 : memref<40x128xf32, #tpu.memory_space<vmem_shared>>)
      tpu.yield
    }) : () -> ()
    %add3A_260 = arith.constant 400 : i32
    %add3A_261 = arith.addi %mul3A_240, %add3A_260 : i32
    "tpu.region"() ({
      %run_scoped3A = tpu.sem_alloc : memref<!tpu.dma_semaphore, #tpu.memory_space<semaphore_mem>>
      %dma_start3A = arith.constant 0 : i32
      %dma_start3A_291 = tpu.memref_slice %arg10[%add3A_261, %dma_start3A] : memref<10112x128xf32, #tpu.memory_space<vmem_shared>> -> memref<40x128xf32, #tpu.memory_space<vmem_shared>>
      %dma_start3A_292 = arith.constant 0 : i32
      %dma_start3A_293 = tpu.memref_slice %arg10[%add3A_261, %dma_start3A_292] : memref<10112x128xf32, #tpu.memory_space<vmem_shared>> -> memref<40x128xf32, #tpu.memory_space<vmem_shared>>
      tpu.enqueue_dma source(%arg14 : memref<40x128xf32, #tpu.memory_space<vmem>>) target(%dma_start3A_293 : memref<40x128xf32, #tpu.memory_space<vmem_shared>>) target_semaphore(%run_scoped3A : memref<!tpu.dma_semaphore, #tpu.memory_space<semaphore_mem>>)
      %dma_wait3A = arith.constant 0 : i32
      %dma_wait3A_294 = tpu.memref_slice %arg10[%add3A_261, %dma_wait3A] : memref<10112x128xf32, #tpu.memory_space<vmem_shared>> -> memref<40x128xf32, #tpu.memory_space<vmem_shared>>
      %dma_wait3A_295 = arith.constant 0 : i32
      %dma_wait3A_296 = tpu.memref_slice %arg10[%add3A_261, %dma_wait3A_295] : memref<10112x128xf32, #tpu.memory_space<vmem_shared>> -> memref<40x128xf32, #tpu.memory_space<vmem_shared>>
      tpu.wait_dma2 semaphore(%run_scoped3A : memref<!tpu.dma_semaphore, #tpu.memory_space<semaphore_mem>>) src(%arg14 : memref<40x128xf32, #tpu.memory_space<vmem>>) dst(%dma_wait3A_296 : memref<40x128xf32, #tpu.memory_space<vmem_shared>>)
      tpu.yield
    }) : () -> ()
    %add3A_262 = arith.constant 440 : i32
    %add3A_263 = arith.addi %mul3A_240, %add3A_262 : i32
    "tpu.region"() ({
      %run_scoped3A = tpu.sem_alloc : memref<!tpu.dma_semaphore, #tpu.memory_space<semaphore_mem>>
      %dma_start3A = arith.constant 0 : i32
      %dma_start3A_291 = tpu.memref_slice %arg10[%add3A_263, %dma_start3A] : memref<10112x128xf32, #tpu.memory_space<vmem_shared>> -> memref<40x128xf32, #tpu.memory_space<vmem_shared>>
      %dma_start3A_292 = arith.constant 0 : i32
      %dma_start3A_293 = tpu.memref_slice %arg10[%add3A_263, %dma_start3A_292] : memref<10112x128xf32, #tpu.memory_space<vmem_shared>> -> memref<40x128xf32, #tpu.memory_space<vmem_shared>>
      tpu.enqueue_dma source(%arg14 : memref<40x128xf32, #tpu.memory_space<vmem>>) target(%dma_start3A_293 : memref<40x128xf32, #tpu.memory_space<vmem_shared>>) target_semaphore(%run_scoped3A : memref<!tpu.dma_semaphore, #tpu.memory_space<semaphore_mem>>)
      %dma_wait3A = arith.constant 0 : i32
      %dma_wait3A_294 = tpu.memref_slice %arg10[%add3A_263, %dma_wait3A] : memref<10112x128xf32, #tpu.memory_space<vmem_shared>> -> memref<40x128xf32, #tpu.memory_space<vmem_shared>>
      %dma_wait3A_295 = arith.constant 0 : i32
      %dma_wait3A_296 = tpu.memref_slice %arg10[%add3A_263, %dma_wait3A_295] : memref<10112x128xf32, #tpu.memory_space<vmem_shared>> -> memref<40x128xf32, #tpu.memory_space<vmem_shared>>
      tpu.wait_dma2 semaphore(%run_scoped3A : memref<!tpu.dma_semaphore, #tpu.memory_space<semaphore_mem>>) src(%arg14 : memref<40x128xf32, #tpu.memory_space<vmem>>) dst(%dma_wait3A_296 : memref<40x128xf32, #tpu.memory_space<vmem_shared>>)
      tpu.yield
    }) : () -> ()
    %add3A_264 = arith.constant 480 : i32
    %add3A_265 = arith.addi %mul3A_240, %add3A_264 : i32
    "tpu.region"() ({
      %run_scoped3A = tpu.sem_alloc : memref<!tpu.dma_semaphore, #tpu.memory_space<semaphore_mem>>
      %dma_start3A = arith.constant 0 : i32
      %dma_start3A_291 = tpu.memref_slice %arg10[%add3A_265, %dma_start3A] : memref<10112x128xf32, #tpu.memory_space<vmem_shared>> -> memref<40x128xf32, #tpu.memory_space<vmem_shared>>
      %dma_start3A_292 = arith.constant 0 : i32
      %dma_start3A_293 = tpu.memref_slice %arg10[%add3A_265, %dma_start3A_292] : memref<10112x128xf32, #tpu.memory_space<vmem_shared>> -> memref<40x128xf32, #tpu.memory_space<vmem_shared>>
      tpu.enqueue_dma source(%arg14 : memref<40x128xf32, #tpu.memory_space<vmem>>) target(%dma_start3A_293 : memref<40x128xf32, #tpu.memory_space<vmem_shared>>) target_semaphore(%run_scoped3A : memref<!tpu.dma_semaphore, #tpu.memory_space<semaphore_mem>>)
      %dma_wait3A = arith.constant 0 : i32
      %dma_wait3A_294 = tpu.memref_slice %arg10[%add3A_265, %dma_wait3A] : memref<10112x128xf32, #tpu.memory_space<vmem_shared>> -> memref<40x128xf32, #tpu.memory_space<vmem_shared>>
      %dma_wait3A_295 = arith.constant 0 : i32
      %dma_wait3A_296 = tpu.memref_slice %arg10[%add3A_265, %dma_wait3A_295] : memref<10112x128xf32, #tpu.memory_space<vmem_shared>> -> memref<40x128xf32, #tpu.memory_space<vmem_shared>>
      tpu.wait_dma2 semaphore(%run_scoped3A : memref<!tpu.dma_semaphore, #tpu.memory_space<semaphore_mem>>) src(%arg14 : memref<40x128xf32, #tpu.memory_space<vmem>>) dst(%dma_wait3A_296 : memref<40x128xf32, #tpu.memory_space<vmem_shared>>)
      tpu.yield
    }) : () -> ()
    %add3A_266 = arith.constant 520 : i32
    %add3A_267 = arith.addi %mul3A_240, %add3A_266 : i32
    "tpu.region"() ({
      %run_scoped3A = tpu.sem_alloc : memref<!tpu.dma_semaphore, #tpu.memory_space<semaphore_mem>>
      %dma_start3A = arith.constant 0 : i32
      %dma_start3A_291 = tpu.memref_slice %arg10[%add3A_267, %dma_start3A] : memref<10112x128xf32, #tpu.memory_space<vmem_shared>> -> memref<40x128xf32, #tpu.memory_space<vmem_shared>>
      %dma_start3A_292 = arith.constant 0 : i32
      %dma_start3A_293 = tpu.memref_slice %arg10[%add3A_267, %dma_start3A_292] : memref<10112x128xf32, #tpu.memory_space<vmem_shared>> -> memref<40x128xf32, #tpu.memory_space<vmem_shared>>
      tpu.enqueue_dma source(%arg14 : memref<40x128xf32, #tpu.memory_space<vmem>>) target(%dma_start3A_293 : memref<40x128xf32, #tpu.memory_space<vmem_shared>>) target_semaphore(%run_scoped3A : memref<!tpu.dma_semaphore, #tpu.memory_space<semaphore_mem>>)
      %dma_wait3A = arith.constant 0 : i32
      %dma_wait3A_294 = tpu.memref_slice %arg10[%add3A_267, %dma_wait3A] : memref<10112x128xf32, #tpu.memory_space<vmem_shared>> -> memref<40x128xf32, #tpu.memory_space<vmem_shared>>
      %dma_wait3A_295 = arith.constant 0 : i32
      %dma_wait3A_296 = tpu.memref_slice %arg10[%add3A_267, %dma_wait3A_295] : memref<10112x128xf32, #tpu.memory_space<vmem_shared>> -> memref<40x128xf32, #tpu.memory_space<vmem_shared>>
      tpu.wait_dma2 semaphore(%run_scoped3A : memref<!tpu.dma_semaphore, #tpu.memory_space<semaphore_mem>>) src(%arg14 : memref<40x128xf32, #tpu.memory_space<vmem>>) dst(%dma_wait3A_296 : memref<40x128xf32, #tpu.memory_space<vmem_shared>>)
      tpu.yield
    }) : () -> ()
    %add3A_268 = arith.constant 560 : i32
    %add3A_269 = arith.addi %mul3A_240, %add3A_268 : i32
    "tpu.region"() ({
      %run_scoped3A = tpu.sem_alloc : memref<!tpu.dma_semaphore, #tpu.memory_space<semaphore_mem>>
      %dma_start3A = arith.constant 0 : i32
      %dma_start3A_291 = tpu.memref_slice %arg10[%add3A_269, %dma_start3A] : memref<10112x128xf32, #tpu.memory_space<vmem_shared>> -> memref<40x128xf32, #tpu.memory_space<vmem_shared>>
      %dma_start3A_292 = arith.constant 0 : i32
      %dma_start3A_293 = tpu.memref_slice %arg10[%add3A_269, %dma_start3A_292] : memref<10112x128xf32, #tpu.memory_space<vmem_shared>> -> memref<40x128xf32, #tpu.memory_space<vmem_shared>>
      tpu.enqueue_dma source(%arg14 : memref<40x128xf32, #tpu.memory_space<vmem>>) target(%dma_start3A_293 : memref<40x128xf32, #tpu.memory_space<vmem_shared>>) target_semaphore(%run_scoped3A : memref<!tpu.dma_semaphore, #tpu.memory_space<semaphore_mem>>)
      %dma_wait3A = arith.constant 0 : i32
      %dma_wait3A_294 = tpu.memref_slice %arg10[%add3A_269, %dma_wait3A] : memref<10112x128xf32, #tpu.memory_space<vmem_shared>> -> memref<40x128xf32, #tpu.memory_space<vmem_shared>>
      %dma_wait3A_295 = arith.constant 0 : i32
      %dma_wait3A_296 = tpu.memref_slice %arg10[%add3A_269, %dma_wait3A_295] : memref<10112x128xf32, #tpu.memory_space<vmem_shared>> -> memref<40x128xf32, #tpu.memory_space<vmem_shared>>
      tpu.wait_dma2 semaphore(%run_scoped3A : memref<!tpu.dma_semaphore, #tpu.memory_space<semaphore_mem>>) src(%arg14 : memref<40x128xf32, #tpu.memory_space<vmem>>) dst(%dma_wait3A_296 : memref<40x128xf32, #tpu.memory_space<vmem_shared>>)
      tpu.yield
    }) : () -> ()
    %add3A_270 = arith.constant 632 : i32
    %add3A_271 = arith.addi %mul3A_240, %add3A_270 : i32
    %sub3A = arith.constant 32 : i32
    %sub3A_272 = arith.subi %add3A_271, %sub3A : i32
    "tpu.region"() ({
      %run_scoped3A = tpu.sem_alloc : memref<!tpu.dma_semaphore, #tpu.memory_space<semaphore_mem>>
      %dma_start3A = arith.constant 0 : i32
      %dma_start3A_291 = arith.constant 0 : i32
      %dma_start3A_292 = tpu.memref_slice %arg14[%dma_start3A, %dma_start3A_291] : memref<40x128xf32, #tpu.memory_space<vmem>> -> memref<32x128xf32, #tpu.memory_space<vmem>>
      %dma_start3A_293 = arith.constant 0 : i32
      %dma_start3A_294 = tpu.memref_slice %arg10[%sub3A_272, %dma_start3A_293] : memref<10112x128xf32, #tpu.memory_space<vmem_shared>> -> memref<32x128xf32, #tpu.memory_space<vmem_shared>>
      %dma_start3A_295 = arith.constant 0 : i32
      %dma_start3A_296 = tpu.memref_slice %arg10[%sub3A_272, %dma_start3A_295] : memref<10112x128xf32, #tpu.memory_space<vmem_shared>> -> memref<32x128xf32, #tpu.memory_space<vmem_shared>>
      %dma_start3A_297 = arith.constant 0 : i32
      %dma_start3A_298 = arith.constant 0 : i32
      %dma_start3A_299 = tpu.memref_slice %arg14[%dma_start3A_297, %dma_start3A_298] : memref<40x128xf32, #tpu.memory_space<vmem>> -> memref<32x128xf32, #tpu.memory_space<vmem>>
      tpu.enqueue_dma source(%dma_start3A_299 : memref<32x128xf32, #tpu.memory_space<vmem>>) target(%dma_start3A_296 : memref<32x128xf32, #tpu.memory_space<vmem_shared>>) target_semaphore(%run_scoped3A : memref<!tpu.dma_semaphore, #tpu.memory_space<semaphore_mem>>)
      %dma_wait3A = arith.constant 0 : i32
      %dma_wait3A_300 = arith.constant 0 : i32
      %dma_wait3A_301 = tpu.memref_slice %arg14[%dma_wait3A, %dma_wait3A_300] : memref<40x128xf32, #tpu.memory_space<vmem>> -> memref<32x128xf32, #tpu.memory_space<vmem>>
      %dma_wait3A_302 = arith.constant 0 : i32
      %dma_wait3A_303 = tpu.memref_slice %arg10[%sub3A_272, %dma_wait3A_302] : memref<10112x128xf32, #tpu.memory_space<vmem_shared>> -> memref<32x128xf32, #tpu.memory_space<vmem_shared>>
      %dma_wait3A_304 = arith.constant 0 : i32
      %dma_wait3A_305 = tpu.memref_slice %arg10[%sub3A_272, %dma_wait3A_304] : memref<10112x128xf32, #tpu.memory_space<vmem_shared>> -> memref<32x128xf32, #tpu.memory_space<vmem_shared>>
      %dma_wait3A_306 = arith.constant 0 : i32
      %dma_wait3A_307 = arith.constant 0 : i32
      %dma_wait3A_308 = tpu.memref_slice %arg14[%dma_wait3A_306, %dma_wait3A_307] : memref<40x128xf32, #tpu.memory_space<vmem>> -> memref<32x128xf32, #tpu.memory_space<vmem>>
      tpu.wait_dma2 semaphore(%run_scoped3A : memref<!tpu.dma_semaphore, #tpu.memory_space<semaphore_mem>>) src(%dma_wait3A_308 : memref<32x128xf32, #tpu.memory_space<vmem>>) dst(%dma_wait3A_305 : memref<32x128xf32, #tpu.memory_space<vmem_shared>>)
      tpu.yield
    }) : () -> ()
    "tpu.region"() ({
      %run_scoped3A = tpu.sem_alloc : memref<!tpu.dma_semaphore, #tpu.memory_space<semaphore_mem>>
      %dma_start3A = arith.constant 0 : i32
      %dma_start3A_291 = tpu.memref_slice %arg11[%mul3A_240, %dma_start3A] : memref<10112x16xf32, #tpu.memory_space<vmem_shared>> -> memref<632x16xf32, #tpu.memory_space<vmem_shared>>
      tpu.enqueue_dma source(%arg5 : memref<632x16xf32, #tpu.memory_space<hbm>>) target(%dma_start3A_291 : memref<632x16xf32, #tpu.memory_space<vmem_shared>>) target_semaphore(%run_scoped3A : memref<!tpu.dma_semaphore, #tpu.memory_space<semaphore_mem>>)
      %dma_wait3A = arith.constant 0 : i32
      %dma_wait3A_292 = tpu.memref_slice %arg11[%mul3A_240, %dma_wait3A] : memref<10112x16xf32, #tpu.memory_space<vmem_shared>> -> memref<632x16xf32, #tpu.memory_space<vmem_shared>>
      tpu.wait_dma2 semaphore(%run_scoped3A : memref<!tpu.dma_semaphore, #tpu.memory_space<semaphore_mem>>) src(%arg5 : memref<632x16xf32, #tpu.memory_space<hbm>>) dst(%dma_wait3A_292 : memref<632x16xf32, #tpu.memory_space<vmem_shared>>)
      tpu.yield
    }) : () -> ()
    %barrier3A = arith.constant 0 : index
    tpu.barrier barrier_id(%barrier3A)
    %mul3A_273 = arith.constant 16 : i32
    %mul3A_274 = arith.muli %arg0, %mul3A_273 : i32
    %add3A_275 = arith.addi %mul3A_274, %arg1 : i32
    %mul3A_276 = arith.constant 250 : i32
    %mul3A_277 = arith.muli %add3A_275, %mul3A_276 : i32
    %scan3A = arith.constant 0 : i32
    %scan3A_278 = arith.constant 0 : i32
    %scan3A_279 = arith.constant 5 : i32
    %scan3A_280 = arith.addi %scan3A_278, %scan3A_279 : i32
    %scan3A_281 = arith.constant 1 : i32
    scf.for %scan3A_291 = %scan3A_278 to %scan3A_280 step %scan3A_281  : i32 {
      %mul3A_292 = arith.constant 50 : i32
      %mul3A_293 = arith.muli %scan3A_291, %mul3A_292 : i32
      %add3A_294 = arith.addi %mul3A_277, %mul3A_293 : i32
      %run_scoped3A = arith.constant 0 : i32
      "tpu.region"() ({
        %run_scoped3A_329 = tpu.sem_alloc : memref<!tpu.dma_semaphore, #tpu.memory_space<semaphore_mem>>
        %dma_start3A_330 = arith.constant 0 : i32
        %dma_start3A_331 = tpu.memref_slice %arg3[%run_scoped3A, %add3A_294, %dma_start3A_330] : memref<2x8000x40xi32, #tpu.memory_space<hbm>> -> memref<1x50x40xi32, #tpu.memory_space<hbm>>
        %dma_start3A_332 = tpu.memref_squeeze %dma_start3A_331 : memref<1x50x40xi32, #tpu.memory_space<hbm>> -> memref<50x40xi32, #tpu.memory_space<hbm>>
        %dma_start3A_333 = arith.constant 0 : i32
        %dma_start3A_334 = tpu.memref_slice %arg3[%run_scoped3A, %add3A_294, %dma_start3A_333] : memref<2x8000x40xi32, #tpu.memory_space<hbm>> -> memref<1x50x40xi32, #tpu.memory_space<hbm>>
        %dma_start3A_335 = tpu.memref_squeeze %dma_start3A_334 : memref<1x50x40xi32, #tpu.memory_space<hbm>> -> memref<50x40xi32, #tpu.memory_space<hbm>>
        tpu.enqueue_dma source(%dma_start3A_335 : memref<50x40xi32, #tpu.memory_space<hbm>>) target(%arg12 : memref<50x40xi32, #tpu.memory_space<vmem>>) target_semaphore(%run_scoped3A_329 : memref<!tpu.dma_semaphore, #tpu.memory_space<semaphore_mem>>)
        %dma_wait3A = arith.constant 0 : i32
        %dma_wait3A_336 = tpu.memref_slice %arg3[%run_scoped3A, %add3A_294, %dma_wait3A] : memref<2x8000x40xi32, #tpu.memory_space<hbm>> -> memref<1x50x40xi32, #tpu.memory_space<hbm>>
        %dma_wait3A_337 = tpu.memref_squeeze %dma_wait3A_336 : memref<1x50x40xi32, #tpu.memory_space<hbm>> -> memref<50x40xi32, #tpu.memory_space<hbm>>
        %dma_wait3A_338 = arith.constant 0 : i32
        %dma_wait3A_339 = tpu.memref_slice %arg3[%run_scoped3A, %add3A_294, %dma_wait3A_338] : memref<2x8000x40xi32, #tpu.memory_space<hbm>> -> memref<1x50x40xi32, #tpu.memory_space<hbm>>
        %dma_wait3A_340 = tpu.memref_squeeze %dma_wait3A_339 : memref<1x50x40xi32, #tpu.memory_space<hbm>> -> memref<50x40xi32, #tpu.memory_space<hbm>>
        tpu.wait_dma2 semaphore(%run_scoped3A_329 : memref<!tpu.dma_semaphore, #tpu.memory_space<semaphore_mem>>) src(%dma_wait3A_340 : memref<50x40xi32, #tpu.memory_space<hbm>>) dst(%arg12 : memref<50x40xi32, #tpu.memory_space<vmem>>)
        tpu.yield
      }) : () -> ()
      %run_scoped3A_295 = arith.constant 1 : i32
      "tpu.region"() ({
        %run_scoped3A_329 = tpu.sem_alloc : memref<!tpu.dma_semaphore, #tpu.memory_space<semaphore_mem>>
        %dma_start3A_330 = arith.constant 0 : i32
        %dma_start3A_331 = tpu.memref_slice %arg3[%run_scoped3A_295, %add3A_294, %dma_start3A_330] : memref<2x8000x40xi32, #tpu.memory_space<hbm>> -> memref<1x50x40xi32, #tpu.memory_space<hbm>>
        %dma_start3A_332 = tpu.memref_squeeze %dma_start3A_331 : memref<1x50x40xi32, #tpu.memory_space<hbm>> -> memref<50x40xi32, #tpu.memory_space<hbm>>
        %dma_start3A_333 = arith.constant 0 : i32
        %dma_start3A_334 = tpu.memref_slice %arg3[%run_scoped3A_295, %add3A_294, %dma_start3A_333] : memref<2x8000x40xi32, #tpu.memory_space<hbm>> -> memref<1x50x40xi32, #tpu.memory_space<hbm>>
        %dma_start3A_335 = tpu.memref_squeeze %dma_start3A_334 : memref<1x50x40xi32, #tpu.memory_space<hbm>> -> memref<50x40xi32, #tpu.memory_space<hbm>>
        tpu.enqueue_dma source(%dma_start3A_335 : memref<50x40xi32, #tpu.memory_space<hbm>>) target(%arg13 : memref<50x40xi32, #tpu.memory_space<vmem>>) target_semaphore(%run_scoped3A_329 : memref<!tpu.dma_semaphore, #tpu.memory_space<semaphore_mem>>)
        %dma_wait3A = arith.constant 0 : i32
        %dma_wait3A_336 = tpu.memref_slice %arg3[%run_scoped3A_295, %add3A_294, %dma_wait3A] : memref<2x8000x40xi32, #tpu.memory_space<hbm>> -> memref<1x50x40xi32, #tpu.memory_space<hbm>>
        %dma_wait3A_337 = tpu.memref_squeeze %dma_wait3A_336 : memref<1x50x40xi32, #tpu.memory_space<hbm>> -> memref<50x40xi32, #tpu.memory_space<hbm>>
        %dma_wait3A_338 = arith.constant 0 : i32
        %dma_wait3A_339 = tpu.memref_slice %arg3[%run_scoped3A_295, %add3A_294, %dma_wait3A_338] : memref<2x8000x40xi32, #tpu.memory_space<hbm>> -> memref<1x50x40xi32, #tpu.memory_space<hbm>>
        %dma_wait3A_340 = tpu.memref_squeeze %dma_wait3A_339 : memref<1x50x40xi32, #tpu.memory_space<hbm>> -> memref<50x40xi32, #tpu.memory_space<hbm>>
        tpu.wait_dma2 semaphore(%run_scoped3A_329 : memref<!tpu.dma_semaphore, #tpu.memory_space<semaphore_mem>>) src(%dma_wait3A_340 : memref<50x40xi32, #tpu.memory_space<hbm>>) dst(%arg13 : memref<50x40xi32, #tpu.memory_space<vmem>>)
        tpu.yield
      }) : () -> ()
      %dma_start3A = arith.constant 0 : i32
      %dma_start3A_296 = arith.constant 0 : i32
      %dma_start3A_297 = tpu.memref_slice %arg12[%dma_start3A, %dma_start3A_296] : memref<50x40xi32, #tpu.memory_space<vmem>> -> memref<1x40xi32, #tpu.memory_space<vmem>>
      %dma_start3A_298 = tpu.memref_squeeze %dma_start3A_297 : memref<1x40xi32, #tpu.memory_space<vmem>> -> memref<40xi32, #tpu.memory_space<vmem>>
      %dma_start3A_299 = arith.constant 0 : i32
      %dma_start3A_300 = arith.constant 0 : i32
      %dma_start3A_301 = tpu.memref_slice %arg2[%dma_start3A_299, %dma_start3A_300] : memref<10000x128xf32, #tpu.memory_space<hbm>> -> memref<10000x128xf32, #tpu.memory_space<hbm>>
      tpu.enqueue_indirect_dma source(%dma_start3A_301 : memref<10000x128xf32, #tpu.memory_space<hbm>>) target(%arg14 : memref<40x128xf32, #tpu.memory_space<vmem>>) offsets(%dma_start3A_298 : memref<40xi32, #tpu.memory_space<vmem>>) semaphore(%arg20 : memref<!tpu.dma_semaphore, #tpu.memory_space<semaphore_mem>>)
      %dma_start3A_302 = arith.constant 1 : i32
      %dma_start3A_303 = arith.constant 0 : i32
      %dma_start3A_304 = tpu.memref_slice %arg12[%dma_start3A_302, %dma_start3A_303] : memref<50x40xi32, #tpu.memory_space<vmem>> -> memref<1x40xi32, #tpu.memory_space<vmem>>
      %dma_start3A_305 = tpu.memref_squeeze %dma_start3A_304 : memref<1x40xi32, #tpu.memory_space<vmem>> -> memref<40xi32, #tpu.memory_space<vmem>>
      %dma_start3A_306 = arith.constant 0 : i32
      %dma_start3A_307 = arith.constant 0 : i32
      %dma_start3A_308 = tpu.memref_slice %arg2[%dma_start3A_306, %dma_start3A_307] : memref<10000x128xf32, #tpu.memory_space<hbm>> -> memref<10000x128xf32, #tpu.memory_space<hbm>>
      tpu.enqueue_indirect_dma source(%dma_start3A_308 : memref<10000x128xf32, #tpu.memory_space<hbm>>) target(%arg15 : memref<40x128xf32, #tpu.memory_space<vmem>>) offsets(%dma_start3A_305 : memref<40xi32, #tpu.memory_space<vmem>>) semaphore(%arg21 : memref<!tpu.dma_semaphore, #tpu.memory_space<semaphore_mem>>)
      %dma_start3A_309 = arith.constant 2 : i32
      %dma_start3A_310 = arith.constant 0 : i32
      %dma_start3A_311 = tpu.memref_slice %arg12[%dma_start3A_309, %dma_start3A_310] : memref<50x40xi32, #tpu.memory_space<vmem>> -> memref<1x40xi32, #tpu.memory_space<vmem>>
      %dma_start3A_312 = tpu.memref_squeeze %dma_start3A_311 : memref<1x40xi32, #tpu.memory_space<vmem>> -> memref<40xi32, #tpu.memory_space<vmem>>
      %dma_start3A_313 = arith.constant 0 : i32
      %dma_start3A_314 = arith.constant 0 : i32
      %dma_start3A_315 = tpu.memref_slice %arg2[%dma_start3A_313, %dma_start3A_314] : memref<10000x128xf32, #tpu.memory_space<hbm>> -> memref<10000x128xf32, #tpu.memory_space<hbm>>
      tpu.enqueue_indirect_dma source(%dma_start3A_315 : memref<10000x128xf32, #tpu.memory_space<hbm>>) target(%arg16 : memref<40x128xf32, #tpu.memory_space<vmem>>) offsets(%dma_start3A_312 : memref<40xi32, #tpu.memory_space<vmem>>) semaphore(%arg22 : memref<!tpu.dma_semaphore, #tpu.memory_space<semaphore_mem>>)
      %dma_start3A_316 = arith.constant 3 : i32
      %dma_start3A_317 = arith.constant 0 : i32
      %dma_start3A_318 = tpu.memref_slice %arg12[%dma_start3A_316, %dma_start3A_317] : memref<50x40xi32, #tpu.memory_space<vmem>> -> memref<1x40xi32, #tpu.memory_space<vmem>>
      %dma_start3A_319 = tpu.memref_squeeze %dma_start3A_318 : memref<1x40xi32, #tpu.memory_space<vmem>> -> memref<40xi32, #tpu.memory_space<vmem>>
      %dma_start3A_320 = arith.constant 0 : i32
      %dma_start3A_321 = arith.constant 0 : i32
      %dma_start3A_322 = tpu.memref_slice %arg2[%dma_start3A_320, %dma_start3A_321] : memref<10000x128xf32, #tpu.memory_space<hbm>> -> memref<10000x128xf32, #tpu.memory_space<hbm>>
      tpu.enqueue_indirect_dma source(%dma_start3A_322 : memref<10000x128xf32, #tpu.memory_space<hbm>>) target(%arg17 : memref<40x128xf32, #tpu.memory_space<vmem>>) offsets(%dma_start3A_319 : memref<40xi32, #tpu.memory_space<vmem>>) semaphore(%arg23 : memref<!tpu.dma_semaphore, #tpu.memory_space<semaphore_mem>>)
      %scan3A_323 = arith.constant 0 : i32
      %scan3A_324 = arith.constant 0 : i32
      %scan3A_325 = arith.constant 10 : i32
      %scan3A_326 = arith.addi %scan3A_324, %scan3A_325 : i32
      %scan3A_327 = arith.constant 1 : i32
      scf.for %scan3A_329 = %scan3A_324 to %scan3A_326 step %scan3A_327  : i32 {
        %mul3A_330 = arith.constant 5 : i32
        %mul3A_331 = arith.muli %mul3A_330, %scan3A_329 : i32
        %add3A_332 = arith.constant 0 : i32
        %add3A_333 = arith.addi %mul3A_331, %add3A_332 : i32
        %add3A_334 = arith.constant 5 : i32
        %add3A_335 = arith.addi %add3A_333, %add3A_334 : i32
        %sub3A_336 = arith.constant 1 : i32
        %sub3A_337 = arith.subi %add3A_335, %sub3A_336 : i32
        %lt3A = arith.constant 50 : i32
        %lt3A_338 = arith.cmpi slt, %sub3A_337, %lt3A : i32
        %convert_element_type3A_339 = arith.extui %lt3A_338 : i1 to i32
        %cond3A_340 = arith.constant 0 : i32
        %cond3A_341 = arith.cmpi ne, %convert_element_type3A_339, %cond3A_340 : i32
        scf.if %cond3A_341 {
          %add3A_483 = arith.constant 5 : i32
          %add3A_484 = arith.addi %add3A_333, %add3A_483 : i32
          %sub3A_485 = arith.constant 1 : i32
          %sub3A_486 = arith.subi %add3A_484, %sub3A_485 : i32
          %dma_start3A_487 = arith.constant 0 : i32
          %dma_start3A_488 = tpu.memref_slice %arg12[%sub3A_486, %dma_start3A_487] : memref<50x40xi32, #tpu.memory_space<vmem>> -> memref<1x40xi32, #tpu.memory_space<vmem>>
          %dma_start3A_489 = tpu.memref_squeeze %dma_start3A_488 : memref<1x40xi32, #tpu.memory_space<vmem>> -> memref<40xi32, #tpu.memory_space<vmem>>
          %dma_start3A_490 = arith.constant 0 : i32
          %dma_start3A_491 = arith.constant 0 : i32
          %dma_start3A_492 = tpu.memref_slice %arg2[%dma_start3A_490, %dma_start3A_491] : memref<10000x128xf32, #tpu.memory_space<hbm>> -> memref<10000x128xf32, #tpu.memory_space<hbm>>
          tpu.enqueue_indirect_dma source(%dma_start3A_492 : memref<10000x128xf32, #tpu.memory_space<hbm>>) target(%arg18 : memref<40x128xf32, #tpu.memory_space<vmem>>) offsets(%dma_start3A_489 : memref<40xi32, #tpu.memory_space<vmem>>) semaphore(%arg24 : memref<!tpu.dma_semaphore, #tpu.memory_space<semaphore_mem>>)
        } else {
        }
        %dma_wait3A = arith.constant 0 : i32
        %dma_wait3A_342 = tpu.memref_slice %arg12[%add3A_333, %dma_wait3A] : memref<50x40xi32, #tpu.memory_space<vmem>> -> memref<1x40xi32, #tpu.memory_space<vmem>>
        %dma_wait3A_343 = tpu.memref_squeeze %dma_wait3A_342 : memref<1x40xi32, #tpu.memory_space<vmem>> -> memref<40xi32, #tpu.memory_space<vmem>>
        %dma_wait3A_344 = arith.constant 0 : i32
        %dma_wait3A_345 = arith.constant 0 : i32
        %dma_wait3A_346 = tpu.memref_slice %arg2[%dma_wait3A_344, %dma_wait3A_345] : memref<10000x128xf32, #tpu.memory_space<hbm>> -> memref<10000x128xf32, #tpu.memory_space<hbm>>
        tpu.wait_indirect_dma semaphore(%arg20 : memref<!tpu.dma_semaphore, #tpu.memory_space<semaphore_mem>>) src(%dma_wait3A_346 : memref<10000x128xf32, #tpu.memory_space<hbm>>) dst(%arg14 : memref<40x128xf32, #tpu.memory_space<vmem>>)
        %dma_start3A_347 = arith.constant 0 : i32
        %dma_start3A_348 = tpu.memref_slice %arg13[%add3A_333, %dma_start3A_347] : memref<50x40xi32, #tpu.memory_space<vmem>> -> memref<1x40xi32, #tpu.memory_space<vmem>>
        %dma_start3A_349 = tpu.memref_squeeze %dma_start3A_348 : memref<1x40xi32, #tpu.memory_space<vmem>> -> memref<40xi32, #tpu.memory_space<vmem>>
        %dma_start3A_350 = arith.constant 0 : i32
        %dma_start3A_351 = arith.constant 0 : i32
        %dma_start3A_352 = tpu.memref_slice %arg11[%dma_start3A_350, %dma_start3A_351] : memref<10112x16xf32, #tpu.memory_space<vmem_shared>> -> memref<10112x16xf32, #tpu.memory_space<vmem_shared>>
        tpu.enqueue_indirect_dma source(%arg19 : memref<40x16xf32, #tpu.memory_space<vmem>>) target(%dma_start3A_352 : memref<10112x16xf32, #tpu.memory_space<vmem_shared>>) offsets(%dma_start3A_349 : memref<40xi32, #tpu.memory_space<vmem>>) semaphore(%arg25 : memref<!tpu.dma_semaphore, #tpu.memory_space<semaphore_mem>>) {add = true}
        "tpu.region"() ({
          %run_scoped3A_483 = tpu.sem_alloc : memref<!tpu.dma_semaphore, #tpu.memory_space<semaphore_mem>>
          %dma_start3A_484 = arith.constant 0 : i32
          %dma_start3A_485 = tpu.memref_slice %arg13[%add3A_333, %dma_start3A_484] : memref<50x40xi32, #tpu.memory_space<vmem>> -> memref<1x40xi32, #tpu.memory_space<vmem>>
          %dma_start3A_486 = tpu.memref_squeeze %dma_start3A_485 : memref<1x40xi32, #tpu.memory_space<vmem>> -> memref<40xi32, #tpu.memory_space<vmem>>
          %dma_start3A_487 = arith.constant 0 : i32
          %dma_start3A_488 = arith.constant 0 : i32
          %dma_start3A_489 = tpu.memref_slice %arg10[%dma_start3A_487, %dma_start3A_488] : memref<10112x128xf32, #tpu.memory_space<vmem_shared>> -> memref<10112x128xf32, #tpu.memory_space<vmem_shared>>
          tpu.enqueue_indirect_dma source(%arg14 : memref<40x128xf32, #tpu.memory_space<vmem>>) target(%dma_start3A_489 : memref<10112x128xf32, #tpu.memory_space<vmem_shared>>) offsets(%dma_start3A_486 : memref<40xi32, #tpu.memory_space<vmem>>) semaphore(%run_scoped3A_483 : memref<!tpu.dma_semaphore, #tpu.memory_space<semaphore_mem>>) {add = true}
          %dma_wait3A_490 = arith.constant 0 : i32
          %dma_wait3A_491 = tpu.memref_slice %arg13[%add3A_333, %dma_wait3A_490] : memref<50x40xi32, #tpu.memory_space<vmem>> -> memref<1x40xi32, #tpu.memory_space<vmem>>
          %dma_wait3A_492 = tpu.memref_squeeze %dma_wait3A_491 : memref<1x40xi32, #tpu.memory_space<vmem>> -> memref<40xi32, #tpu.memory_space<vmem>>
          %dma_wait3A_493 = arith.constant 0 : i32
          %dma_wait3A_494 = arith.constant 0 : i32
          %dma_wait3A_495 = tpu.memref_slice %arg10[%dma_wait3A_493, %dma_wait3A_494] : memref<10112x128xf32, #tpu.memory_space<vmem_shared>> -> memref<10112x128xf32, #tpu.memory_space<vmem_shared>>
          tpu.wait_indirect_dma semaphore(%run_scoped3A_483 : memref<!tpu.dma_semaphore, #tpu.memory_space<semaphore_mem>>) src(%arg14 : memref<40x128xf32, #tpu.memory_space<vmem>>) dst(%dma_wait3A_495 : memref<10112x128xf32, #tpu.memory_space<vmem_shared>>)
          tpu.yield
        }) : () -> ()
        %dma_wait3A_353 = arith.constant 0 : i32
        %dma_wait3A_354 = tpu.memref_slice %arg13[%add3A_333, %dma_wait3A_353] : memref<50x40xi32, #tpu.memory_space<vmem>> -> memref<1x40xi32, #tpu.memory_space<vmem>>
        %dma_wait3A_355 = tpu.memref_squeeze %dma_wait3A_354 : memref<1x40xi32, #tpu.memory_space<vmem>> -> memref<40xi32, #tpu.memory_space<vmem>>
        %dma_wait3A_356 = arith.constant 0 : i32
        %dma_wait3A_357 = arith.constant 0 : i32
        %dma_wait3A_358 = tpu.memref_slice %arg11[%dma_wait3A_356, %dma_wait3A_357] : memref<10112x16xf32, #tpu.memory_space<vmem_shared>> -> memref<10112x16xf32, #tpu.memory_space<vmem_shared>>
        tpu.wait_indirect_dma semaphore(%arg25 : memref<!tpu.dma_semaphore, #tpu.memory_space<semaphore_mem>>) src(%arg19 : memref<40x16xf32, #tpu.memory_space<vmem>>) dst(%dma_wait3A_358 : memref<10112x16xf32, #tpu.memory_space<vmem_shared>>)
        %mul3A_359 = arith.constant 5 : i32
        %mul3A_360 = arith.muli %mul3A_359, %scan3A_329 : i32
        %add3A_361 = arith.constant 1 : i32
        %add3A_362 = arith.addi %mul3A_360, %add3A_361 : i32
        %add3A_363 = arith.constant 5 : i32
        %add3A_364 = arith.addi %add3A_362, %add3A_363 : i32
        %sub3A_365 = arith.constant 1 : i32
        %sub3A_366 = arith.subi %add3A_364, %sub3A_365 : i32
        %lt3A_367 = arith.constant 50 : i32
        %lt3A_368 = arith.cmpi slt, %sub3A_366, %lt3A_367 : i32
        %convert_element_type3A_369 = arith.extui %lt3A_368 : i1 to i32
        %cond3A_370 = arith.constant 0 : i32
        %cond3A_371 = arith.cmpi ne, %convert_element_type3A_369, %cond3A_370 : i32
        scf.if %cond3A_371 {
          %add3A_483 = arith.constant 5 : i32
          %add3A_484 = arith.addi %add3A_362, %add3A_483 : i32
          %sub3A_485 = arith.constant 1 : i32
          %sub3A_486 = arith.subi %add3A_484, %sub3A_485 : i32
          %dma_start3A_487 = arith.constant 0 : i32
          %dma_start3A_488 = tpu.memref_slice %arg12[%sub3A_486, %dma_start3A_487] : memref<50x40xi32, #tpu.memory_space<vmem>> -> memref<1x40xi32, #tpu.memory_space<vmem>>
          %dma_start3A_489 = tpu.memref_squeeze %dma_start3A_488 : memref<1x40xi32, #tpu.memory_space<vmem>> -> memref<40xi32, #tpu.memory_space<vmem>>
          %dma_start3A_490 = arith.constant 0 : i32
          %dma_start3A_491 = arith.constant 0 : i32
          %dma_start3A_492 = tpu.memref_slice %arg2[%dma_start3A_490, %dma_start3A_491] : memref<10000x128xf32, #tpu.memory_space<hbm>> -> memref<10000x128xf32, #tpu.memory_space<hbm>>
          tpu.enqueue_indirect_dma source(%dma_start3A_492 : memref<10000x128xf32, #tpu.memory_space<hbm>>) target(%arg14 : memref<40x128xf32, #tpu.memory_space<vmem>>) offsets(%dma_start3A_489 : memref<40xi32, #tpu.memory_space<vmem>>) semaphore(%arg20 : memref<!tpu.dma_semaphore, #tpu.memory_space<semaphore_mem>>)
        } else {
        }
        %dma_wait3A_372 = arith.constant 0 : i32
        %dma_wait3A_373 = tpu.memref_slice %arg12[%add3A_362, %dma_wait3A_372] : memref<50x40xi32, #tpu.memory_space<vmem>> -> memref<1x40xi32, #tpu.memory_space<vmem>>
        %dma_wait3A_374 = tpu.memref_squeeze %dma_wait3A_373 : memref<1x40xi32, #tpu.memory_space<vmem>> -> memref<40xi32, #tpu.memory_space<vmem>>
        %dma_wait3A_375 = arith.constant 0 : i32
        %dma_wait3A_376 = arith.constant 0 : i32
        %dma_wait3A_377 = tpu.memref_slice %arg2[%dma_wait3A_375, %dma_wait3A_376] : memref<10000x128xf32, #tpu.memory_space<hbm>> -> memref<10000x128xf32, #tpu.memory_space<hbm>>
        tpu.wait_indirect_dma semaphore(%arg21 : memref<!tpu.dma_semaphore, #tpu.memory_space<semaphore_mem>>) src(%dma_wait3A_377 : memref<10000x128xf32, #tpu.memory_space<hbm>>) dst(%arg15 : memref<40x128xf32, #tpu.memory_space<vmem>>)
        %dma_start3A_378 = arith.constant 0 : i32
        %dma_start3A_379 = tpu.memref_slice %arg13[%add3A_362, %dma_start3A_378] : memref<50x40xi32, #tpu.memory_space<vmem>> -> memref<1x40xi32, #tpu.memory_space<vmem>>
        %dma_start3A_380 = tpu.memref_squeeze %dma_start3A_379 : memref<1x40xi32, #tpu.memory_space<vmem>> -> memref<40xi32, #tpu.memory_space<vmem>>
        %dma_start3A_381 = arith.constant 0 : i32
        %dma_start3A_382 = arith.constant 0 : i32
        %dma_start3A_383 = tpu.memref_slice %arg11[%dma_start3A_381, %dma_start3A_382] : memref<10112x16xf32, #tpu.memory_space<vmem_shared>> -> memref<10112x16xf32, #tpu.memory_space<vmem_shared>>
        tpu.enqueue_indirect_dma source(%arg19 : memref<40x16xf32, #tpu.memory_space<vmem>>) target(%dma_start3A_383 : memref<10112x16xf32, #tpu.memory_space<vmem_shared>>) offsets(%dma_start3A_380 : memref<40xi32, #tpu.memory_space<vmem>>) semaphore(%arg25 : memref<!tpu.dma_semaphore, #tpu.memory_space<semaphore_mem>>) {add = true}
        "tpu.region"() ({
          %run_scoped3A_483 = tpu.sem_alloc : memref<!tpu.dma_semaphore, #tpu.memory_space<semaphore_mem>>
          %dma_start3A_484 = arith.constant 0 : i32
          %dma_start3A_485 = tpu.memref_slice %arg13[%add3A_362, %dma_start3A_484] : memref<50x40xi32, #tpu.memory_space<vmem>> -> memref<1x40xi32, #tpu.memory_space<vmem>>
          %dma_start3A_486 = tpu.memref_squeeze %dma_start3A_485 : memref<1x40xi32, #tpu.memory_space<vmem>> -> memref<40xi32, #tpu.memory_space<vmem>>
          %dma_start3A_487 = arith.constant 0 : i32
          %dma_start3A_488 = arith.constant 0 : i32
          %dma_start3A_489 = tpu.memref_slice %arg10[%dma_start3A_487, %dma_start3A_488] : memref<10112x128xf32, #tpu.memory_space<vmem_shared>> -> memref<10112x128xf32, #tpu.memory_space<vmem_shared>>
          tpu.enqueue_indirect_dma source(%arg15 : memref<40x128xf32, #tpu.memory_space<vmem>>) target(%dma_start3A_489 : memref<10112x128xf32, #tpu.memory_space<vmem_shared>>) offsets(%dma_start3A_486 : memref<40xi32, #tpu.memory_space<vmem>>) semaphore(%run_scoped3A_483 : memref<!tpu.dma_semaphore, #tpu.memory_space<semaphore_mem>>) {add = true}
          %dma_wait3A_490 = arith.constant 0 : i32
          %dma_wait3A_491 = tpu.memref_slice %arg13[%add3A_362, %dma_wait3A_490] : memref<50x40xi32, #tpu.memory_space<vmem>> -> memref<1x40xi32, #tpu.memory_space<vmem>>
          %dma_wait3A_492 = tpu.memref_squeeze %dma_wait3A_491 : memref<1x40xi32, #tpu.memory_space<vmem>> -> memref<40xi32, #tpu.memory_space<vmem>>
          %dma_wait3A_493 = arith.constant 0 : i32
          %dma_wait3A_494 = arith.constant 0 : i32
          %dma_wait3A_495 = tpu.memref_slice %arg10[%dma_wait3A_493, %dma_wait3A_494] : memref<10112x128xf32, #tpu.memory_space<vmem_shared>> -> memref<10112x128xf32, #tpu.memory_space<vmem_shared>>
          tpu.wait_indirect_dma semaphore(%run_scoped3A_483 : memref<!tpu.dma_semaphore, #tpu.memory_space<semaphore_mem>>) src(%arg15 : memref<40x128xf32, #tpu.memory_space<vmem>>) dst(%dma_wait3A_495 : memref<10112x128xf32, #tpu.memory_space<vmem_shared>>)
          tpu.yield
        }) : () -> ()
        %dma_wait3A_384 = arith.constant 0 : i32
        %dma_wait3A_385 = tpu.memref_slice %arg13[%add3A_362, %dma_wait3A_384] : memref<50x40xi32, #tpu.memory_space<vmem>> -> memref<1x40xi32, #tpu.memory_space<vmem>>
        %dma_wait3A_386 = tpu.memref_squeeze %dma_wait3A_385 : memref<1x40xi32, #tpu.memory_space<vmem>> -> memref<40xi32, #tpu.memory_space<vmem>>
        %dma_wait3A_387 = arith.constant 0 : i32
        %dma_wait3A_388 = arith.constant 0 : i32
        %dma_wait3A_389 = tpu.memref_slice %arg11[%dma_wait3A_387, %dma_wait3A_388] : memref<10112x16xf32, #tpu.memory_space<vmem_shared>> -> memref<10112x16xf32, #tpu.memory_space<vmem_shared>>
        tpu.wait_indirect_dma semaphore(%arg25 : memref<!tpu.dma_semaphore, #tpu.memory_space<semaphore_mem>>) src(%arg19 : memref<40x16xf32, #tpu.memory_space<vmem>>) dst(%dma_wait3A_389 : memref<10112x16xf32, #tpu.memory_space<vmem_shared>>)
        %mul3A_390 = arith.constant 5 : i32
        %mul3A_391 = arith.muli %mul3A_390, %scan3A_329 : i32
        %add3A_392 = arith.constant 2 : i32
        %add3A_393 = arith.addi %mul3A_391, %add3A_392 : i32
        %add3A_394 = arith.constant 5 : i32
        %add3A_395 = arith.addi %add3A_393, %add3A_394 : i32
        %sub3A_396 = arith.constant 1 : i32
        %sub3A_397 = arith.subi %add3A_395, %sub3A_396 : i32
        %lt3A_398 = arith.constant 50 : i32
        %lt3A_399 = arith.cmpi slt, %sub3A_397, %lt3A_398 : i32
        %convert_element_type3A_400 = arith.extui %lt3A_399 : i1 to i32
        %cond3A_401 = arith.constant 0 : i32
        %cond3A_402 = arith.cmpi ne, %convert_element_type3A_400, %cond3A_401 : i32
        scf.if %cond3A_402 {
          %add3A_483 = arith.constant 5 : i32
          %add3A_484 = arith.addi %add3A_393, %add3A_483 : i32
          %sub3A_485 = arith.constant 1 : i32
          %sub3A_486 = arith.subi %add3A_484, %sub3A_485 : i32
          %dma_start3A_487 = arith.constant 0 : i32
          %dma_start3A_488 = tpu.memref_slice %arg12[%sub3A_486, %dma_start3A_487] : memref<50x40xi32, #tpu.memory_space<vmem>> -> memref<1x40xi32, #tpu.memory_space<vmem>>
          %dma_start3A_489 = tpu.memref_squeeze %dma_start3A_488 : memref<1x40xi32, #tpu.memory_space<vmem>> -> memref<40xi32, #tpu.memory_space<vmem>>
          %dma_start3A_490 = arith.constant 0 : i32
          %dma_start3A_491 = arith.constant 0 : i32
          %dma_start3A_492 = tpu.memref_slice %arg2[%dma_start3A_490, %dma_start3A_491] : memref<10000x128xf32, #tpu.memory_space<hbm>> -> memref<10000x128xf32, #tpu.memory_space<hbm>>
          tpu.enqueue_indirect_dma source(%dma_start3A_492 : memref<10000x128xf32, #tpu.memory_space<hbm>>) target(%arg15 : memref<40x128xf32, #tpu.memory_space<vmem>>) offsets(%dma_start3A_489 : memref<40xi32, #tpu.memory_space<vmem>>) semaphore(%arg21 : memref<!tpu.dma_semaphore, #tpu.memory_space<semaphore_mem>>)
        } else {
        }
        %dma_wait3A_403 = arith.constant 0 : i32
        %dma_wait3A_404 = tpu.memref_slice %arg12[%add3A_393, %dma_wait3A_403] : memref<50x40xi32, #tpu.memory_space<vmem>> -> memref<1x40xi32, #tpu.memory_space<vmem>>
        %dma_wait3A_405 = tpu.memref_squeeze %dma_wait3A_404 : memref<1x40xi32, #tpu.memory_space<vmem>> -> memref<40xi32, #tpu.memory_space<vmem>>
        %dma_wait3A_406 = arith.constant 0 : i32
        %dma_wait3A_407 = arith.constant 0 : i32
        %dma_wait3A_408 = tpu.memref_slice %arg2[%dma_wait3A_406, %dma_wait3A_407] : memref<10000x128xf32, #tpu.memory_space<hbm>> -> memref<10000x128xf32, #tpu.memory_space<hbm>>
        tpu.wait_indirect_dma semaphore(%arg22 : memref<!tpu.dma_semaphore, #tpu.memory_space<semaphore_mem>>) src(%dma_wait3A_408 : memref<10000x128xf32, #tpu.memory_space<hbm>>) dst(%arg16 : memref<40x128xf32, #tpu.memory_space<vmem>>)
        %dma_start3A_409 = arith.constant 0 : i32
        %dma_start3A_410 = tpu.memref_slice %arg13[%add3A_393, %dma_start3A_409] : memref<50x40xi32, #tpu.memory_space<vmem>> -> memref<1x40xi32, #tpu.memory_space<vmem>>
        %dma_start3A_411 = tpu.memref_squeeze %dma_start3A_410 : memref<1x40xi32, #tpu.memory_space<vmem>> -> memref<40xi32, #tpu.memory_space<vmem>>
        %dma_start3A_412 = arith.constant 0 : i32
        %dma_start3A_413 = arith.constant 0 : i32
        %dma_start3A_414 = tpu.memref_slice %arg11[%dma_start3A_412, %dma_start3A_413] : memref<10112x16xf32, #tpu.memory_space<vmem_shared>> -> memref<10112x16xf32, #tpu.memory_space<vmem_shared>>
        tpu.enqueue_indirect_dma source(%arg19 : memref<40x16xf32, #tpu.memory_space<vmem>>) target(%dma_start3A_414 : memref<10112x16xf32, #tpu.memory_space<vmem_shared>>) offsets(%dma_start3A_411 : memref<40xi32, #tpu.memory_space<vmem>>) semaphore(%arg25 : memref<!tpu.dma_semaphore, #tpu.memory_space<semaphore_mem>>) {add = true}
        "tpu.region"() ({
          %run_scoped3A_483 = tpu.sem_alloc : memref<!tpu.dma_semaphore, #tpu.memory_space<semaphore_mem>>
          %dma_start3A_484 = arith.constant 0 : i32
          %dma_start3A_485 = tpu.memref_slice %arg13[%add3A_393, %dma_start3A_484] : memref<50x40xi32, #tpu.memory_space<vmem>> -> memref<1x40xi32, #tpu.memory_space<vmem>>
          %dma_start3A_486 = tpu.memref_squeeze %dma_start3A_485 : memref<1x40xi32, #tpu.memory_space<vmem>> -> memref<40xi32, #tpu.memory_space<vmem>>
          %dma_start3A_487 = arith.constant 0 : i32
          %dma_start3A_488 = arith.constant 0 : i32
          %dma_start3A_489 = tpu.memref_slice %arg10[%dma_start3A_487, %dma_start3A_488] : memref<10112x128xf32, #tpu.memory_space<vmem_shared>> -> memref<10112x128xf32, #tpu.memory_space<vmem_shared>>
          tpu.enqueue_indirect_dma source(%arg16 : memref<40x128xf32, #tpu.memory_space<vmem>>) target(%dma_start3A_489 : memref<10112x128xf32, #tpu.memory_space<vmem_shared>>) offsets(%dma_start3A_486 : memref<40xi32, #tpu.memory_space<vmem>>) semaphore(%run_scoped3A_483 : memref<!tpu.dma_semaphore, #tpu.memory_space<semaphore_mem>>) {add = true}
          %dma_wait3A_490 = arith.constant 0 : i32
          %dma_wait3A_491 = tpu.memref_slice %arg13[%add3A_393, %dma_wait3A_490] : memref<50x40xi32, #tpu.memory_space<vmem>> -> memref<1x40xi32, #tpu.memory_space<vmem>>
          %dma_wait3A_492 = tpu.memref_squeeze %dma_wait3A_491 : memref<1x40xi32, #tpu.memory_space<vmem>> -> memref<40xi32, #tpu.memory_space<vmem>>
          %dma_wait3A_493 = arith.constant 0 : i32
          %dma_wait3A_494 = arith.constant 0 : i32
          %dma_wait3A_495 = tpu.memref_slice %arg10[%dma_wait3A_493, %dma_wait3A_494] : memref<10112x128xf32, #tpu.memory_space<vmem_shared>> -> memref<10112x128xf32, #tpu.memory_space<vmem_shared>>
          tpu.wait_indirect_dma semaphore(%run_scoped3A_483 : memref<!tpu.dma_semaphore, #tpu.memory_space<semaphore_mem>>) src(%arg16 : memref<40x128xf32, #tpu.memory_space<vmem>>) dst(%dma_wait3A_495 : memref<10112x128xf32, #tpu.memory_space<vmem_shared>>)
          tpu.yield
        }) : () -> ()
        %dma_wait3A_415 = arith.constant 0 : i32
        %dma_wait3A_416 = tpu.memref_slice %arg13[%add3A_393, %dma_wait3A_415] : memref<50x40xi32, #tpu.memory_space<vmem>> -> memref<1x40xi32, #tpu.memory_space<vmem>>
        %dma_wait3A_417 = tpu.memref_squeeze %dma_wait3A_416 : memref<1x40xi32, #tpu.memory_space<vmem>> -> memref<40xi32, #tpu.memory_space<vmem>>
        %dma_wait3A_418 = arith.constant 0 : i32
        %dma_wait3A_419 = arith.constant 0 : i32
        %dma_wait3A_420 = tpu.memref_slice %arg11[%dma_wait3A_418, %dma_wait3A_419] : memref<10112x16xf32, #tpu.memory_space<vmem_shared>> -> memref<10112x16xf32, #tpu.memory_space<vmem_shared>>
        tpu.wait_indirect_dma semaphore(%arg25 : memref<!tpu.dma_semaphore, #tpu.memory_space<semaphore_mem>>) src(%arg19 : memref<40x16xf32, #tpu.memory_space<vmem>>) dst(%dma_wait3A_420 : memref<10112x16xf32, #tpu.memory_space<vmem_shared>>)
        %mul3A_421 = arith.constant 5 : i32
        %mul3A_422 = arith.muli %mul3A_421, %scan3A_329 : i32
        %add3A_423 = arith.constant 3 : i32
        %add3A_424 = arith.addi %mul3A_422, %add3A_423 : i32
        %add3A_425 = arith.constant 5 : i32
        %add3A_426 = arith.addi %add3A_424, %add3A_425 : i32
        %sub3A_427 = arith.constant 1 : i32
        %sub3A_428 = arith.subi %add3A_426, %sub3A_427 : i32
        %lt3A_429 = arith.constant 50 : i32
        %lt3A_430 = arith.cmpi slt, %sub3A_428, %lt3A_429 : i32
        %convert_element_type3A_431 = arith.extui %lt3A_430 : i1 to i32
        %cond3A_432 = arith.constant 0 : i32
        %cond3A_433 = arith.cmpi ne, %convert_element_type3A_431, %cond3A_432 : i32
        scf.if %cond3A_433 {
          %add3A_483 = arith.constant 5 : i32
          %add3A_484 = arith.addi %add3A_424, %add3A_483 : i32
          %sub3A_485 = arith.constant 1 : i32
          %sub3A_486 = arith.subi %add3A_484, %sub3A_485 : i32
          %dma_start3A_487 = arith.constant 0 : i32
          %dma_start3A_488 = tpu.memref_slice %arg12[%sub3A_486, %dma_start3A_487] : memref<50x40xi32, #tpu.memory_space<vmem>> -> memref<1x40xi32, #tpu.memory_space<vmem>>
          %dma_start3A_489 = tpu.memref_squeeze %dma_start3A_488 : memref<1x40xi32, #tpu.memory_space<vmem>> -> memref<40xi32, #tpu.memory_space<vmem>>
          %dma_start3A_490 = arith.constant 0 : i32
          %dma_start3A_491 = arith.constant 0 : i32
          %dma_start3A_492 = tpu.memref_slice %arg2[%dma_start3A_490, %dma_start3A_491] : memref<10000x128xf32, #tpu.memory_space<hbm>> -> memref<10000x128xf32, #tpu.memory_space<hbm>>
          tpu.enqueue_indirect_dma source(%dma_start3A_492 : memref<10000x128xf32, #tpu.memory_space<hbm>>) target(%arg16 : memref<40x128xf32, #tpu.memory_space<vmem>>) offsets(%dma_start3A_489 : memref<40xi32, #tpu.memory_space<vmem>>) semaphore(%arg22 : memref<!tpu.dma_semaphore, #tpu.memory_space<semaphore_mem>>)
        } else {
        }
        %dma_wait3A_434 = arith.constant 0 : i32
        %dma_wait3A_435 = tpu.memref_slice %arg12[%add3A_424, %dma_wait3A_434] : memref<50x40xi32, #tpu.memory_space<vmem>> -> memref<1x40xi32, #tpu.memory_space<vmem>>
        %dma_wait3A_436 = tpu.memref_squeeze %dma_wait3A_435 : memref<1x40xi32, #tpu.memory_space<vmem>> -> memref<40xi32, #tpu.memory_space<vmem>>
        %dma_wait3A_437 = arith.constant 0 : i32
        %dma_wait3A_438 = arith.constant 0 : i32
        %dma_wait3A_439 = tpu.memref_slice %arg2[%dma_wait3A_437, %dma_wait3A_438] : memref<10000x128xf32, #tpu.memory_space<hbm>> -> memref<10000x128xf32, #tpu.memory_space<hbm>>
        tpu.wait_indirect_dma semaphore(%arg23 : memref<!tpu.dma_semaphore, #tpu.memory_space<semaphore_mem>>) src(%dma_wait3A_439 : memref<10000x128xf32, #tpu.memory_space<hbm>>) dst(%arg17 : memref<40x128xf32, #tpu.memory_space<vmem>>)
        %dma_start3A_440 = arith.constant 0 : i32
        %dma_start3A_441 = tpu.memref_slice %arg13[%add3A_424, %dma_start3A_440] : memref<50x40xi32, #tpu.memory_space<vmem>> -> memref<1x40xi32, #tpu.memory_space<vmem>>
        %dma_start3A_442 = tpu.memref_squeeze %dma_start3A_441 : memref<1x40xi32, #tpu.memory_space<vmem>> -> memref<40xi32, #tpu.memory_space<vmem>>
        %dma_start3A_443 = arith.constant 0 : i32
        %dma_start3A_444 = arith.constant 0 : i32
        %dma_start3A_445 = tpu.memref_slice %arg11[%dma_start3A_443, %dma_start3A_444] : memref<10112x16xf32, #tpu.memory_space<vmem_shared>> -> memref<10112x16xf32, #tpu.memory_space<vmem_shared>>
        tpu.enqueue_indirect_dma source(%arg19 : memref<40x16xf32, #tpu.memory_space<vmem>>) target(%dma_start3A_445 : memref<10112x16xf32, #tpu.memory_space<vmem_shared>>) offsets(%dma_start3A_442 : memref<40xi32, #tpu.memory_space<vmem>>) semaphore(%arg25 : memref<!tpu.dma_semaphore, #tpu.memory_space<semaphore_mem>>) {add = true}
        "tpu.region"() ({
          %run_scoped3A_483 = tpu.sem_alloc : memref<!tpu.dma_semaphore, #tpu.memory_space<semaphore_mem>>
          %dma_start3A_484 = arith.constant 0 : i32
          %dma_start3A_485 = tpu.memref_slice %arg13[%add3A_424, %dma_start3A_484] : memref<50x40xi32, #tpu.memory_space<vmem>> -> memref<1x40xi32, #tpu.memory_space<vmem>>
          %dma_start3A_486 = tpu.memref_squeeze %dma_start3A_485 : memref<1x40xi32, #tpu.memory_space<vmem>> -> memref<40xi32, #tpu.memory_space<vmem>>
          %dma_start3A_487 = arith.constant 0 : i32
          %dma_start3A_488 = arith.constant 0 : i32
          %dma_start3A_489 = tpu.memref_slice %arg10[%dma_start3A_487, %dma_start3A_488] : memref<10112x128xf32, #tpu.memory_space<vmem_shared>> -> memref<10112x128xf32, #tpu.memory_space<vmem_shared>>
          tpu.enqueue_indirect_dma source(%arg17 : memref<40x128xf32, #tpu.memory_space<vmem>>) target(%dma_start3A_489 : memref<10112x128xf32, #tpu.memory_space<vmem_shared>>) offsets(%dma_start3A_486 : memref<40xi32, #tpu.memory_space<vmem>>) semaphore(%run_scoped3A_483 : memref<!tpu.dma_semaphore, #tpu.memory_space<semaphore_mem>>) {add = true}
          %dma_wait3A_490 = arith.constant 0 : i32
          %dma_wait3A_491 = tpu.memref_slice %arg13[%add3A_424, %dma_wait3A_490] : memref<50x40xi32, #tpu.memory_space<vmem>> -> memref<1x40xi32, #tpu.memory_space<vmem>>
          %dma_wait3A_492 = tpu.memref_squeeze %dma_wait3A_491 : memref<1x40xi32, #tpu.memory_space<vmem>> -> memref<40xi32, #tpu.memory_space<vmem>>
          %dma_wait3A_493 = arith.constant 0 : i32
          %dma_wait3A_494 = arith.constant 0 : i32
          %dma_wait3A_495 = tpu.memref_slice %arg10[%dma_wait3A_493, %dma_wait3A_494] : memref<10112x128xf32, #tpu.memory_space<vmem_shared>> -> memref<10112x128xf32, #tpu.memory_space<vmem_shared>>
          tpu.wait_indirect_dma semaphore(%run_scoped3A_483 : memref<!tpu.dma_semaphore, #tpu.memory_space<semaphore_mem>>) src(%arg17 : memref<40x128xf32, #tpu.memory_space<vmem>>) dst(%dma_wait3A_495 : memref<10112x128xf32, #tpu.memory_space<vmem_shared>>)
          tpu.yield
        }) : () -> ()
        %dma_wait3A_446 = arith.constant 0 : i32
        %dma_wait3A_447 = tpu.memref_slice %arg13[%add3A_424, %dma_wait3A_446] : memref<50x40xi32, #tpu.memory_space<vmem>> -> memref<1x40xi32, #tpu.memory_space<vmem>>
        %dma_wait3A_448 = tpu.memref_squeeze %dma_wait3A_447 : memref<1x40xi32, #tpu.memory_space<vmem>> -> memref<40xi32, #tpu.memory_space<vmem>>
        %dma_wait3A_449 = arith.constant 0 : i32
        %dma_wait3A_450 = arith.constant 0 : i32
        %dma_wait3A_451 = tpu.memref_slice %arg11[%dma_wait3A_449, %dma_wait3A_450] : memref<10112x16xf32, #tpu.memory_space<vmem_shared>> -> memref<10112x16xf32, #tpu.memory_space<vmem_shared>>
        tpu.wait_indirect_dma semaphore(%arg25 : memref<!tpu.dma_semaphore, #tpu.memory_space<semaphore_mem>>) src(%arg19 : memref<40x16xf32, #tpu.memory_space<vmem>>) dst(%dma_wait3A_451 : memref<10112x16xf32, #tpu.memory_space<vmem_shared>>)
        %mul3A_452 = arith.constant 5 : i32
        %mul3A_453 = arith.muli %mul3A_452, %scan3A_329 : i32
        %add3A_454 = arith.constant 4 : i32
        %add3A_455 = arith.addi %mul3A_453, %add3A_454 : i32
        %add3A_456 = arith.constant 5 : i32
        %add3A_457 = arith.addi %add3A_455, %add3A_456 : i32
        %sub3A_458 = arith.constant 1 : i32
        %sub3A_459 = arith.subi %add3A_457, %sub3A_458 : i32
        %lt3A_460 = arith.constant 50 : i32
        %lt3A_461 = arith.cmpi slt, %sub3A_459, %lt3A_460 : i32
        %convert_element_type3A_462 = arith.extui %lt3A_461 : i1 to i32
        %cond3A_463 = arith.constant 0 : i32
        %cond3A_464 = arith.cmpi ne, %convert_element_type3A_462, %cond3A_463 : i32
        scf.if %cond3A_464 {
          %add3A_483 = arith.constant 5 : i32
          %add3A_484 = arith.addi %add3A_455, %add3A_483 : i32
          %sub3A_485 = arith.constant 1 : i32
          %sub3A_486 = arith.subi %add3A_484, %sub3A_485 : i32
          %dma_start3A_487 = arith.constant 0 : i32
          %dma_start3A_488 = tpu.memref_slice %arg12[%sub3A_486, %dma_start3A_487] : memref<50x40xi32, #tpu.memory_space<vmem>> -> memref<1x40xi32, #tpu.memory_space<vmem>>
          %dma_start3A_489 = tpu.memref_squeeze %dma_start3A_488 : memref<1x40xi32, #tpu.memory_space<vmem>> -> memref<40xi32, #tpu.memory_space<vmem>>
          %dma_start3A_490 = arith.constant 0 : i32
          %dma_start3A_491 = arith.constant 0 : i32
          %dma_start3A_492 = tpu.memref_slice %arg2[%dma_start3A_490, %dma_start3A_491] : memref<10000x128xf32, #tpu.memory_space<hbm>> -> memref<10000x128xf32, #tpu.memory_space<hbm>>
          tpu.enqueue_indirect_dma source(%dma_start3A_492 : memref<10000x128xf32, #tpu.memory_space<hbm>>) target(%arg17 : memref<40x128xf32, #tpu.memory_space<vmem>>) offsets(%dma_start3A_489 : memref<40xi32, #tpu.memory_space<vmem>>) semaphore(%arg23 : memref<!tpu.dma_semaphore, #tpu.memory_space<semaphore_mem>>)
        } else {
        }
        %dma_wait3A_465 = arith.constant 0 : i32
        %dma_wait3A_466 = tpu.memref_slice %arg12[%add3A_455, %dma_wait3A_465] : memref<50x40xi32, #tpu.memory_space<vmem>> -> memref<1x40xi32, #tpu.memory_space<vmem>>
        %dma_wait3A_467 = tpu.memref_squeeze %dma_wait3A_466 : memref<1x40xi32, #tpu.memory_space<vmem>> -> memref<40xi32, #tpu.memory_space<vmem>>
        %dma_wait3A_468 = arith.constant 0 : i32
        %dma_wait3A_469 = arith.constant 0 : i32
        %dma_wait3A_470 = tpu.memref_slice %arg2[%dma_wait3A_468, %dma_wait3A_469] : memref<10000x128xf32, #tpu.memory_space<hbm>> -> memref<10000x128xf32, #tpu.memory_space<hbm>>
        tpu.wait_indirect_dma semaphore(%arg24 : memref<!tpu.dma_semaphore, #tpu.memory_space<semaphore_mem>>) src(%dma_wait3A_470 : memref<10000x128xf32, #tpu.memory_space<hbm>>) dst(%arg18 : memref<40x128xf32, #tpu.memory_space<vmem>>)
        %dma_start3A_471 = arith.constant 0 : i32
        %dma_start3A_472 = tpu.memref_slice %arg13[%add3A_455, %dma_start3A_471] : memref<50x40xi32, #tpu.memory_space<vmem>> -> memref<1x40xi32, #tpu.memory_space<vmem>>
        %dma_start3A_473 = tpu.memref_squeeze %dma_start3A_472 : memref<1x40xi32, #tpu.memory_space<vmem>> -> memref<40xi32, #tpu.memory_space<vmem>>
        %dma_start3A_474 = arith.constant 0 : i32
        %dma_start3A_475 = arith.constant 0 : i32
        %dma_start3A_476 = tpu.memref_slice %arg11[%dma_start3A_474, %dma_start3A_475] : memref<10112x16xf32, #tpu.memory_space<vmem_shared>> -> memref<10112x16xf32, #tpu.memory_space<vmem_shared>>
        tpu.enqueue_indirect_dma source(%arg19 : memref<40x16xf32, #tpu.memory_space<vmem>>) target(%dma_start3A_476 : memref<10112x16xf32, #tpu.memory_space<vmem_shared>>) offsets(%dma_start3A_473 : memref<40xi32, #tpu.memory_space<vmem>>) semaphore(%arg25 : memref<!tpu.dma_semaphore, #tpu.memory_space<semaphore_mem>>) {add = true}
        "tpu.region"() ({
          %run_scoped3A_483 = tpu.sem_alloc : memref<!tpu.dma_semaphore, #tpu.memory_space<semaphore_mem>>
          %dma_start3A_484 = arith.constant 0 : i32
          %dma_start3A_485 = tpu.memref_slice %arg13[%add3A_455, %dma_start3A_484] : memref<50x40xi32, #tpu.memory_space<vmem>> -> memref<1x40xi32, #tpu.memory_space<vmem>>
          %dma_start3A_486 = tpu.memref_squeeze %dma_start3A_485 : memref<1x40xi32, #tpu.memory_space<vmem>> -> memref<40xi32, #tpu.memory_space<vmem>>
          %dma_start3A_487 = arith.constant 0 : i32
          %dma_start3A_488 = arith.constant 0 : i32
          %dma_start3A_489 = tpu.memref_slice %arg10[%dma_start3A_487, %dma_start3A_488] : memref<10112x128xf32, #tpu.memory_space<vmem_shared>> -> memref<10112x128xf32, #tpu.memory_space<vmem_shared>>
          tpu.enqueue_indirect_dma source(%arg18 : memref<40x128xf32, #tpu.memory_space<vmem>>) target(%dma_start3A_489 : memref<10112x128xf32, #tpu.memory_space<vmem_shared>>) offsets(%dma_start3A_486 : memref<40xi32, #tpu.memory_space<vmem>>) semaphore(%run_scoped3A_483 : memref<!tpu.dma_semaphore, #tpu.memory_space<semaphore_mem>>) {add = true}
          %dma_wait3A_490 = arith.constant 0 : i32
          %dma_wait3A_491 = tpu.memref_slice %arg13[%add3A_455, %dma_wait3A_490] : memref<50x40xi32, #tpu.memory_space<vmem>> -> memref<1x40xi32, #tpu.memory_space<vmem>>
          %dma_wait3A_492 = tpu.memref_squeeze %dma_wait3A_491 : memref<1x40xi32, #tpu.memory_space<vmem>> -> memref<40xi32, #tpu.memory_space<vmem>>
          %dma_wait3A_493 = arith.constant 0 : i32
          %dma_wait3A_494 = arith.constant 0 : i32
          %dma_wait3A_495 = tpu.memref_slice %arg10[%dma_wait3A_493, %dma_wait3A_494] : memref<10112x128xf32, #tpu.memory_space<vmem_shared>> -> memref<10112x128xf32, #tpu.memory_space<vmem_shared>>
          tpu.wait_indirect_dma semaphore(%run_scoped3A_483 : memref<!tpu.dma_semaphore, #tpu.memory_space<semaphore_mem>>) src(%arg18 : memref<40x128xf32, #tpu.memory_space<vmem>>) dst(%dma_wait3A_495 : memref<10112x128xf32, #tpu.memory_space<vmem_shared>>)
          tpu.yield
        }) : () -> ()
        %dma_wait3A_477 = arith.constant 0 : i32
        %dma_wait3A_478 = tpu.memref_slice %arg13[%add3A_455, %dma_wait3A_477] : memref<50x40xi32, #tpu.memory_space<vmem>> -> memref<1x40xi32, #tpu.memory_space<vmem>>
        %dma_wait3A_479 = tpu.memref_squeeze %dma_wait3A_478 : memref<1x40xi32, #tpu.memory_space<vmem>> -> memref<40xi32, #tpu.memory_space<vmem>>
        %dma_wait3A_480 = arith.constant 0 : i32
        %dma_wait3A_481 = arith.constant 0 : i32
        %dma_wait3A_482 = tpu.memref_slice %arg11[%dma_wait3A_480, %dma_wait3A_481] : memref<10112x16xf32, #tpu.memory_space<vmem_shared>> -> memref<10112x16xf32, #tpu.memory_space<vmem_shared>>
        tpu.wait_indirect_dma semaphore(%arg25 : memref<!tpu.dma_semaphore, #tpu.memory_space<semaphore_mem>>) src(%arg19 : memref<40x16xf32, #tpu.memory_space<vmem>>) dst(%dma_wait3A_482 : memref<10112x16xf32, #tpu.memory_space<vmem_shared>>)
      }
      %scan3A_328 = arith.constant 10 : i32
    }
    %scan3A_282 = arith.constant 5 : i32
    %barrier3A_283 = arith.constant 0 : index
    tpu.barrier barrier_id(%barrier3A_283)
    %eq3A = arith.constant 0 : i32
    %eq3A_284 = arith.cmpi eq, %arg0, %eq3A : i32
    %convert_element_type3A = arith.extui %eq3A_284 : i1 to i32
    %cond3A = arith.constant 0 : i32
    %cond3A_285 = arith.cmpi ne, %convert_element_type3A, %cond3A : i32
    scf.if %cond3A_285 {
      "tpu.region"() ({
        %run_scoped3A = tpu.sem_alloc : memref<!tpu.dma_semaphore, #tpu.memory_space<semaphore_mem>>
        %dma_start3A = arith.constant 0 : i32
        %dma_start3A_291 = tpu.memref_slice %arg6[%mul3A_240, %dma_start3A] : memref<10112x128xf32, #tpu.memory_space<hbm>> -> memref<632x128xf32, #tpu.memory_space<hbm>>
        %dma_start3A_292 = arith.constant 0 : i32
        %dma_start3A_293 = tpu.memref_slice %arg10[%mul3A_240, %dma_start3A_292] : memref<10112x128xf32, #tpu.memory_space<vmem_shared>> -> memref<632x128xf32, #tpu.memory_space<vmem_shared>>
        tpu.enqueue_dma source(%dma_start3A_293 : memref<632x128xf32, #tpu.memory_space<vmem_shared>>) target(%dma_start3A_291 : memref<632x128xf32, #tpu.memory_space<hbm>>) target_semaphore(%run_scoped3A : memref<!tpu.dma_semaphore, #tpu.memory_space<semaphore_mem>>)
        %dma_wait3A = arith.constant 0 : i32
        %dma_wait3A_294 = tpu.memref_slice %arg6[%mul3A_240, %dma_wait3A] : memref<10112x128xf32, #tpu.memory_space<hbm>> -> memref<632x128xf32, #tpu.memory_space<hbm>>
        %dma_wait3A_295 = arith.constant 0 : i32
        %dma_wait3A_296 = tpu.memref_slice %arg10[%mul3A_240, %dma_wait3A_295] : memref<10112x128xf32, #tpu.memory_space<vmem_shared>> -> memref<632x128xf32, #tpu.memory_space<vmem_shared>>
        tpu.wait_dma2 semaphore(%run_scoped3A : memref<!tpu.dma_semaphore, #tpu.memory_space<semaphore_mem>>) src(%dma_wait3A_296 : memref<632x128xf32, #tpu.memory_space<vmem_shared>>) dst(%dma_wait3A_294 : memref<632x128xf32, #tpu.memory_space<hbm>>)
        tpu.yield
      }) : () -> ()
      "tpu.region"() ({
        %run_scoped3A = tpu.sem_alloc : memref<!tpu.dma_semaphore, #tpu.memory_space<semaphore_mem>>
        %dma_start3A = arith.constant 0 : i32
        %dma_start3A_291 = tpu.memref_slice %arg8[%mul3A_240, %dma_start3A] : memref<10112x16xf32, #tpu.memory_space<hbm>> -> memref<632x16xf32, #tpu.memory_space<hbm>>
        %dma_start3A_292 = arith.constant 0 : i32
        %dma_start3A_293 = tpu.memref_slice %arg11[%mul3A_240, %dma_start3A_292] : memref<10112x16xf32, #tpu.memory_space<vmem_shared>> -> memref<632x16xf32, #tpu.memory_space<vmem_shared>>
        tpu.enqueue_dma source(%dma_start3A_293 : memref<632x16xf32, #tpu.memory_space<vmem_shared>>) target(%dma_start3A_291 : memref<632x16xf32, #tpu.memory_space<hbm>>) target_semaphore(%run_scoped3A : memref<!tpu.dma_semaphore, #tpu.memory_space<semaphore_mem>>)
        %dma_wait3A = arith.constant 0 : i32
        %dma_wait3A_294 = tpu.memref_slice %arg8[%mul3A_240, %dma_wait3A] : memref<10112x16xf32, #tpu.memory_space<hbm>> -> memref<632x16xf32, #tpu.memory_space<hbm>>
        %dma_wait3A_295 = arith.constant 0 : i32
        %dma_wait3A_296 = tpu.memref_slice %arg11[%mul3A_240, %dma_wait3A_295] : memref<10112x16xf32, #tpu.memory_space<vmem_shared>> -> memref<632x16xf32, #tpu.memory_space<vmem_shared>>
        tpu.wait_dma2 semaphore(%run_scoped3A : memref<!tpu.dma_semaphore, #tpu.memory_space<semaphore_mem>>) src(%dma_wait3A_296 : memref<632x16xf32, #tpu.memory_space<vmem_shared>>) dst(%dma_wait3A_294 : memref<632x16xf32, #tpu.memory_space<hbm>>)
        tpu.yield
      }) : () -> ()
    } else {
    }
    %eq3A_286 = arith.constant 1 : i32
    %eq3A_287 = arith.cmpi eq, %arg0, %eq3A_286 : i32
    %convert_element_type3A_288 = arith.extui %eq3A_287 : i1 to i32
    %cond3A_289 = arith.constant 0 : i32
    %cond3A_290 = arith.cmpi ne, %convert_element_type3A_288, %cond3A_289 : i32
    scf.if %cond3A_290 {
      "tpu.region"() ({
        %run_scoped3A = tpu.sem_alloc : memref<!tpu.dma_semaphore, #tpu.memory_space<semaphore_mem>>
        %dma_start3A = arith.constant 0 : i32
        %dma_start3A_291 = tpu.memref_slice %arg7[%mul3A_240, %dma_start3A] : memref<10112x128xf32, #tpu.memory_space<hbm>> -> memref<632x128xf32, #tpu.memory_space<hbm>>
        %dma_start3A_292 = arith.constant 0 : i32
        %dma_start3A_293 = tpu.memref_slice %arg10[%mul3A_240, %dma_start3A_292] : memref<10112x128xf32, #tpu.memory_space<vmem_shared>> -> memref<632x128xf32, #tpu.memory_space<vmem_shared>>
        tpu.enqueue_dma source(%dma_start3A_293 : memref<632x128xf32, #tpu.memory_space<vmem_shared>>) target(%dma_start3A_291 : memref<632x128xf32, #tpu.memory_space<hbm>>) target_semaphore(%run_scoped3A : memref<!tpu.dma_semaphore, #tpu.memory_space<semaphore_mem>>)
        %dma_wait3A = arith.constant 0 : i32
        %dma_wait3A_294 = tpu.memref_slice %arg7[%mul3A_240, %dma_wait3A] : memref<10112x128xf32, #tpu.memory_space<hbm>> -> memref<632x128xf32, #tpu.memory_space<hbm>>
        %dma_wait3A_295 = arith.constant 0 : i32
        %dma_wait3A_296 = tpu.memref_slice %arg10[%mul3A_240, %dma_wait3A_295] : memref<10112x128xf32, #tpu.memory_space<vmem_shared>> -> memref<632x128xf32, #tpu.memory_space<vmem_shared>>
        tpu.wait_dma2 semaphore(%run_scoped3A : memref<!tpu.dma_semaphore, #tpu.memory_space<semaphore_mem>>) src(%dma_wait3A_296 : memref<632x128xf32, #tpu.memory_space<vmem_shared>>) dst(%dma_wait3A_294 : memref<632x128xf32, #tpu.memory_space<hbm>>)
        tpu.yield
      }) : () -> ()
      "tpu.region"() ({
        %run_scoped3A = tpu.sem_alloc : memref<!tpu.dma_semaphore, #tpu.memory_space<semaphore_mem>>
        %dma_start3A = arith.constant 0 : i32
        %dma_start3A_291 = tpu.memref_slice %arg9[%mul3A_240, %dma_start3A] : memref<10112x16xf32, #tpu.memory_space<hbm>> -> memref<632x16xf32, #tpu.memory_space<hbm>>
        %dma_start3A_292 = arith.constant 0 : i32
        %dma_start3A_293 = tpu.memref_slice %arg11[%mul3A_240, %dma_start3A_292] : memref<10112x16xf32, #tpu.memory_space<vmem_shared>> -> memref<632x16xf32, #tpu.memory_space<vmem_shared>>
        tpu.enqueue_dma source(%dma_start3A_293 : memref<632x16xf32, #tpu.memory_space<vmem_shared>>) target(%dma_start3A_291 : memref<632x16xf32, #tpu.memory_space<hbm>>) target_semaphore(%run_scoped3A : memref<!tpu.dma_semaphore, #tpu.memory_space<semaphore_mem>>)
        %dma_wait3A = arith.constant 0 : i32
        %dma_wait3A_294 = tpu.memref_slice %arg9[%mul3A_240, %dma_wait3A] : memref<10112x16xf32, #tpu.memory_space<hbm>> -> memref<632x16xf32, #tpu.memory_space<hbm>>
        %dma_wait3A_295 = arith.constant 0 : i32
        %dma_wait3A_296 = tpu.memref_slice %arg11[%mul3A_240, %dma_wait3A_295] : memref<10112x16xf32, #tpu.memory_space<vmem_shared>> -> memref<632x16xf32, #tpu.memory_space<vmem_shared>>
        tpu.wait_dma2 semaphore(%run_scoped3A : memref<!tpu.dma_semaphore, #tpu.memory_space<semaphore_mem>>) src(%dma_wait3A_296 : memref<632x16xf32, #tpu.memory_space<vmem_shared>>) dst(%dma_wait3A_294 : memref<632x16xf32, #tpu.memory_space<hbm>>)
        tpu.yield
      }) : () -> ()
    } else {
    }
    return
  }
}

module attributes {stable_mosaic.version = 14 : i64} {
  func.func @_tc1_body(%arg0: i32, %arg1: memref<1000x128xf32, #tpu.memory_space<vmem>>, %arg2: memref<1000x128xf32, #tpu.memory_space<vmem>>, %arg3: memref<1000x128xf32, #tpu.memory_space<vmem>>, %arg4: memref<1000x16xf32, #tpu.memory_space<vmem>>, %arg5: memref<1000x16xf32, #tpu.memory_space<vmem>>, %arg6: memref<128x256xf32, #tpu.memory_space<vmem>>, %arg7: memref<128x256xf32, #tpu.memory_space<vmem>>, %arg8: memref<1x256xf32, #tpu.memory_space<vmem>>, %arg9: memref<256x64xf32, #tpu.memory_space<vmem>>, %arg10: memref<256x64xf32, #tpu.memory_space<vmem>>, %arg11: memref<1x64xf32, #tpu.memory_space<vmem>>, %arg12: memref<1000x64xf32, #tpu.memory_space<vmem>>, %arg13: memref<1000x64xf32, #tpu.memory_space<vmem>>) attributes {dimension_semantics = [#tpu.dimension_semantics<arbitrary>], iteration_bounds = array<i64: 10>, scalar_prefetch = 0 : i64, scratch_operands = 0 : i64, tpu.core_type = #tpu.core_type<tc>, window_params = [{transform_indices = @transform_0, window_bounds = array<i64: 1000, 128>}, {transform_indices = @transform_1, window_bounds = array<i64: 1000, 128>}, {transform_indices = @transform_2, window_bounds = array<i64: 1000, 128>}, {transform_indices = @transform_3, window_bounds = array<i64: 1000, 16>}, {transform_indices = @transform_4, window_bounds = array<i64: 1000, 16>}, {pipeline_mode = #tpu.pipeline_mode<synchronous>, transform_indices = @transform_5, window_bounds = array<i64: 128, 256>}, {pipeline_mode = #tpu.pipeline_mode<synchronous>, transform_indices = @transform_6, window_bounds = array<i64: 128, 256>}, {pipeline_mode = #tpu.pipeline_mode<synchronous>, transform_indices = @transform_7, window_bounds = array<i64: 1, 256>}, {pipeline_mode = #tpu.pipeline_mode<synchronous>, transform_indices = @transform_8, window_bounds = array<i64: 256, 64>}, {pipeline_mode = #tpu.pipeline_mode<synchronous>, transform_indices = @transform_9, window_bounds = array<i64: 256, 64>}, {pipeline_mode = #tpu.pipeline_mode<synchronous>, transform_indices = @transform_10, window_bounds = array<i64: 1, 64>}, {transform_indices = @transform_11, window_bounds = array<i64: 1000, 64>}, {transform_indices = @transform_12, window_bounds = array<i64: 1000, 64>}]} {
    %get3A = arith.constant 0 : index
    %get3A_0 = arith.constant 0 : index
    %get3A_1 = vector.load %arg4[%get3A, %get3A_0] : memref<1000x16xf32, #tpu.memory_space<vmem>>, vector<1000x1xf32>
    %get3A_2 = arith.constant 0 : index
    %get3A_3 = arith.constant 0 : index
    %get3A_4 = vector.load %arg5[%get3A_2, %get3A_3] : memref<1000x16xf32, #tpu.memory_space<vmem>>, vector<1000x1xf32>
    %add3A = arith.addf %get3A_1, %get3A_4 : vector<1000x1xf32>
    %max3A = arith.constant 1.000000e+00 : f32
    %max3A_5 = vector.broadcast %max3A : f32 to vector<1000x1xf32>
    %max3A_6 = arith.maximumf %add3A, %max3A_5 : vector<1000x1xf32>
    %get3A_7 = arith.constant 0 : index
    %get3A_8 = arith.constant 0 : index
    %get3A_9 = vector.load %arg2[%get3A_7, %get3A_8] : memref<1000x128xf32, #tpu.memory_space<vmem>>, vector<1000x128xf32>
    %get3A_10 = arith.constant 0 : index
    %get3A_11 = arith.constant 0 : index
    %get3A_12 = vector.load %arg3[%get3A_10, %get3A_11] : memref<1000x128xf32, #tpu.memory_space<vmem>>, vector<1000x128xf32>
    %add3A_13 = arith.addf %get3A_9, %get3A_12 : vector<1000x128xf32>
    %div3A = vector.broadcast %max3A_6 : vector<1000x1xf32> to vector<1000x128xf32>
    %div3A_14 = arith.divf %add3A_13, %div3A : vector<1000x128xf32>
    %get3A_15 = arith.constant 0 : index
    %get3A_16 = arith.constant 0 : index
    %get3A_17 = vector.load %arg1[%get3A_15, %get3A_16] : memref<1000x128xf32, #tpu.memory_space<vmem>>, vector<1000x128xf32>
    %get3A_18 = arith.constant 0 : index
    %get3A_19 = arith.constant 0 : index
    %get3A_20 = vector.load %arg6[%get3A_18, %get3A_19] : memref<128x256xf32, #tpu.memory_space<vmem>>, vector<128x256xf32>
    %dot_general3A = arith.constant dense<0.000000e+00> : vector<1000x256xf32>
    %dot_general3A_21 = tpu.matmul %get3A_17, %get3A_20, %dot_general3A {dimension_numbers = #tpu.dot_dimension_numbers<[1], [0], [0], [1], [0, 0, 1, 1], [], []>, transpose_lhs_hint = false} : vector<1000x128xf32>, vector<128x256xf32>, vector<1000x256xf32> -> vector<1000x256xf32>
    %get3A_22 = arith.constant 0 : index
    %get3A_23 = arith.constant 0 : index
    %get3A_24 = vector.load %arg7[%get3A_22, %get3A_23] : memref<128x256xf32, #tpu.memory_space<vmem>>, vector<128x256xf32>
    %dot_general3A_25 = arith.constant dense<0.000000e+00> : vector<1000x256xf32>
    %dot_general3A_26 = tpu.matmul %div3A_14, %get3A_24, %dot_general3A_25 {dimension_numbers = #tpu.dot_dimension_numbers<[1], [0], [0], [1], [0, 0, 1, 1], [], []>, transpose_lhs_hint = false} : vector<1000x128xf32>, vector<128x256xf32>, vector<1000x256xf32> -> vector<1000x256xf32>
    %add3A_27 = arith.addf %dot_general3A_21, %dot_general3A_26 : vector<1000x256xf32>
    %get3A_28 = arith.constant 0 : index
    %get3A_29 = arith.constant 0 : index
    %get3A_30 = vector.load %arg8[%get3A_28, %get3A_29] : memref<1x256xf32, #tpu.memory_space<vmem>>, vector<1x256xf32>
    %add3A_31 = vector.broadcast %get3A_30 : vector<1x256xf32> to vector<1000x256xf32>
    %add3A_32 = arith.addf %add3A_27, %add3A_31 : vector<1000x256xf32>
    %max3A_33 = arith.constant 0.000000e+00 : f32
    %max3A_34 = vector.broadcast %max3A_33 : f32 to vector<1000x256xf32>
    %max3A_35 = arith.maximumf %add3A_32, %max3A_34 : vector<1000x256xf32>
    %get3A_36 = arith.constant 0 : index
    %get3A_37 = arith.constant 0 : index
    %get3A_38 = vector.load %arg10[%get3A_36, %get3A_37] : memref<256x64xf32, #tpu.memory_space<vmem>>, vector<256x64xf32>
    %dot_general3A_39 = arith.constant dense<0.000000e+00> : vector<1000x64xf32>
    %dot_general3A_40 = tpu.matmul %max3A_35, %get3A_38, %dot_general3A_39 {dimension_numbers = #tpu.dot_dimension_numbers<[1], [0], [0], [1], [0, 0, 1, 1], [], []>, transpose_lhs_hint = false} : vector<1000x256xf32>, vector<256x64xf32>, vector<1000x64xf32> -> vector<1000x64xf32>
    %swap3A = arith.constant 0 : index
    %swap3A_41 = arith.constant 0 : index
    %swap3A_42 = vector.load %arg12[%swap3A, %swap3A_41] : memref<1000x64xf32, #tpu.memory_space<vmem>>, vector<1000x64xf32>
    tpu.vector_store %arg12[%swap3A, %swap3A_41], %dot_general3A_40 {strides = array<i32>} : memref<1000x64xf32, #tpu.memory_space<vmem>>, vector<1000x64xf32>,
    %get3A_43 = arith.constant 0 : index
    %get3A_44 = arith.constant 0 : index
    %get3A_45 = vector.load %arg9[%get3A_43, %get3A_44] : memref<256x64xf32, #tpu.memory_space<vmem>>, vector<256x64xf32>
    %dot_general3A_46 = arith.constant dense<0.000000e+00> : vector<1000x64xf32>
    %dot_general3A_47 = tpu.matmul %max3A_35, %get3A_45, %dot_general3A_46 {dimension_numbers = #tpu.dot_dimension_numbers<[1], [0], [0], [1], [0, 0, 1, 1], [], []>, transpose_lhs_hint = false} : vector<1000x256xf32>, vector<256x64xf32>, vector<1000x64xf32> -> vector<1000x64xf32>
    %get3A_48 = arith.constant 0 : index
    %get3A_49 = arith.constant 0 : index
    %get3A_50 = vector.load %arg11[%get3A_48, %get3A_49] : memref<1x64xf32, #tpu.memory_space<vmem>>, vector<1x64xf32>
    %add3A_51 = vector.broadcast %get3A_50 : vector<1x64xf32> to vector<1000x64xf32>
    %add3A_52 = arith.addf %dot_general3A_47, %add3A_51 : vector<1000x64xf32>
    %swap3A_53 = arith.constant 0 : index
    %swap3A_54 = arith.constant 0 : index
    %swap3A_55 = vector.load %arg13[%swap3A_53, %swap3A_54] : memref<1000x64xf32, #tpu.memory_space<vmem>>, vector<1000x64xf32>
    tpu.vector_store %arg13[%swap3A_53, %swap3A_54], %add3A_52 {strides = array<i32>} : memref<1000x64xf32, #tpu.memory_space<vmem>>, vector<1000x64xf32>,
    return
  }
  func.func @transform_0(%arg0: i32) -> (i32, i32) {
    %c0_i32 = arith.constant 0 : i32
    %c0_i32_0 = arith.constant 0 : i32
    return %arg0, %c0_i32 : i32, i32
  }
  func.func @transform_1(%arg0: i32) -> (i32, i32) {
    %c0_i32 = arith.constant 0 : i32
    %c0_i32_0 = arith.constant 0 : i32
    return %arg0, %c0_i32 : i32, i32
  }
  func.func @transform_2(%arg0: i32) -> (i32, i32) {
    %c0_i32 = arith.constant 0 : i32
    %c0_i32_0 = arith.constant 0 : i32
    return %arg0, %c0_i32 : i32, i32
  }
  func.func @transform_3(%arg0: i32) -> (i32, i32) {
    %c0_i32 = arith.constant 0 : i32
    %c0_i32_0 = arith.constant 0 : i32
    return %arg0, %c0_i32 : i32, i32
  }
  func.func @transform_4(%arg0: i32) -> (i32, i32) {
    %c0_i32 = arith.constant 0 : i32
    %c0_i32_0 = arith.constant 0 : i32
    return %arg0, %c0_i32 : i32, i32
  }
  func.func @transform_5(%arg0: i32) -> (i32, i32) {
    %c0_i32 = arith.constant 0 : i32
    %c0_i32_0 = arith.constant 0 : i32
    %c0_i32_1 = arith.constant 0 : i32
    return %c0_i32, %c0_i32_0 : i32, i32
  }
  func.func @transform_6(%arg0: i32) -> (i32, i32) {
    %c0_i32 = arith.constant 0 : i32
    %c0_i32_0 = arith.constant 0 : i32
    %c0_i32_1 = arith.constant 0 : i32
    return %c0_i32, %c0_i32_0 : i32, i32
  }
  func.func @transform_7(%arg0: i32) -> (i32, i32) {
    %c0_i32 = arith.constant 0 : i32
    %c0_i32_0 = arith.constant 0 : i32
    %c0_i32_1 = arith.constant 0 : i32
    return %c0_i32, %c0_i32_0 : i32, i32
  }
  func.func @transform_8(%arg0: i32) -> (i32, i32) {
    %c0_i32 = arith.constant 0 : i32
    %c0_i32_0 = arith.constant 0 : i32
    %c0_i32_1 = arith.constant 0 : i32
    return %c0_i32, %c0_i32_0 : i32, i32
  }
  func.func @transform_9(%arg0: i32) -> (i32, i32) {
    %c0_i32 = arith.constant 0 : i32
    %c0_i32_0 = arith.constant 0 : i32
    %c0_i32_1 = arith.constant 0 : i32
    return %c0_i32, %c0_i32_0 : i32, i32
  }
  func.func @transform_10(%arg0: i32) -> (i32, i32) {
    %c0_i32 = arith.constant 0 : i32
    %c0_i32_0 = arith.constant 0 : i32
    %c0_i32_1 = arith.constant 0 : i32
    return %c0_i32, %c0_i32_0 : i32, i32
  }
  func.func @transform_11(%arg0: i32) -> (i32, i32) {
    %c0_i32 = arith.constant 0 : i32
    %c0_i32_0 = arith.constant 0 : i32
    return %arg0, %c0_i32 : i32, i32
  }
  func.func @transform_12(%arg0: i32) -> (i32, i32) {
    %c0_i32 = arith.constant 0 : i32
    %c0_i32_0 = arith.constant 0 : i32
    return %arg0, %c0_i32 : i32, i32
  }
}

module attributes {stable_mosaic.version = 14 : i64} {
  func.func @_tc2_body(%arg0: i32, %arg1: memref<1000x64xf32, #tpu.memory_space<vmem>>, %arg2: memref<1000x64xf32, #tpu.memory_space<vmem>>, %arg3: memref<1000x64xf32, #tpu.memory_space<vmem>>, %arg4: memref<1000x16xf32, #tpu.memory_space<vmem>>, %arg5: memref<1000x16xf32, #tpu.memory_space<vmem>>, %arg6: memref<1000x64xf32, #tpu.memory_space<vmem>>) attributes {dimension_semantics = [#tpu.dimension_semantics<arbitrary>], iteration_bounds = array<i64: 10>, scalar_prefetch = 0 : i64, scratch_operands = 0 : i64, tpu.core_type = #tpu.core_type<tc>, window_params = [{transform_indices = @transform_0, window_bounds = array<i64: 1000, 64>}, {transform_indices = @transform_1, window_bounds = array<i64: 1000, 64>}, {transform_indices = @transform_2, window_bounds = array<i64: 1000, 64>}, {transform_indices = @transform_3, window_bounds = array<i64: 1000, 16>}, {transform_indices = @transform_4, window_bounds = array<i64: 1000, 16>}, {transform_indices = @transform_5, window_bounds = array<i64: 1000, 64>}]} {
    %get3A = arith.constant 0 : index
    %get3A_0 = arith.constant 0 : index
    %get3A_1 = vector.load %arg4[%get3A, %get3A_0] : memref<1000x16xf32, #tpu.memory_space<vmem>>, vector<1000x1xf32>
    %get3A_2 = arith.constant 0 : index
    %get3A_3 = arith.constant 0 : index
    %get3A_4 = vector.load %arg5[%get3A_2, %get3A_3] : memref<1000x16xf32, #tpu.memory_space<vmem>>, vector<1000x1xf32>
    %add3A = arith.addf %get3A_1, %get3A_4 : vector<1000x1xf32>
    %max3A = arith.constant 1.000000e+00 : f32
    %max3A_5 = vector.broadcast %max3A : f32 to vector<1000x1xf32>
    %max3A_6 = arith.maximumf %add3A, %max3A_5 : vector<1000x1xf32>
    %get3A_7 = arith.constant 0 : index
    %get3A_8 = arith.constant 0 : index
    %get3A_9 = vector.load %arg1[%get3A_7, %get3A_8] : memref<1000x64xf32, #tpu.memory_space<vmem>>, vector<1000x64xf32>
    %get3A_10 = arith.constant 0 : index
    %get3A_11 = arith.constant 0 : index
    %get3A_12 = vector.load %arg2[%get3A_10, %get3A_11] : memref<1000x64xf32, #tpu.memory_space<vmem>>, vector<1000x64xf32>
    %get3A_13 = arith.constant 0 : index
    %get3A_14 = arith.constant 0 : index
    %get3A_15 = vector.load %arg3[%get3A_13, %get3A_14] : memref<1000x64xf32, #tpu.memory_space<vmem>>, vector<1000x64xf32>
    %add3A_16 = arith.addf %get3A_12, %get3A_15 : vector<1000x64xf32>
    %div3A = vector.broadcast %max3A_6 : vector<1000x1xf32> to vector<1000x64xf32>
    %div3A_17 = arith.divf %add3A_16, %div3A : vector<1000x64xf32>
    %add3A_18 = arith.addf %get3A_9, %div3A_17 : vector<1000x64xf32>
    %swap3A = arith.constant 0 : index
    %swap3A_19 = arith.constant 0 : index
    %swap3A_20 = vector.load %arg6[%swap3A, %swap3A_19] : memref<1000x64xf32, #tpu.memory_space<vmem>>, vector<1000x64xf32>
    tpu.vector_store %arg6[%swap3A, %swap3A_19], %add3A_18 {strides = array<i32>} : memref<1000x64xf32, #tpu.memory_space<vmem>>, vector<1000x64xf32>,
    return
  }
  func.func @transform_0(%arg0: i32) -> (i32, i32) {
    %c0_i32 = arith.constant 0 : i32
    %c0_i32_0 = arith.constant 0 : i32
    return %arg0, %c0_i32 : i32, i32
  }
  func.func @transform_1(%arg0: i32) -> (i32, i32) {
    %c0_i32 = arith.constant 0 : i32
    %c0_i32_0 = arith.constant 0 : i32
    return %arg0, %c0_i32 : i32, i32
  }
  func.func @transform_2(%arg0: i32) -> (i32, i32) {
    %c0_i32 = arith.constant 0 : i32
    %c0_i32_0 = arith.constant 0 : i32
    return %arg0, %c0_i32 : i32, i32
  }
  func.func @transform_3(%arg0: i32) -> (i32, i32) {
    %c0_i32 = arith.constant 0 : i32
    %c0_i32_0 = arith.constant 0 : i32
    return %arg0, %c0_i32 : i32, i32
  }
  func.func @transform_4(%arg0: i32) -> (i32, i32) {
    %c0_i32 = arith.constant 0 : i32
    %c0_i32_0 = arith.constant 0 : i32
    return %arg0, %c0_i32 : i32, i32
  }
  func.func @transform_5(%arg0: i32) -> (i32, i32) {
    %c0_i32 = arith.constant 0 : i32
    %c0_i32_0 = arith.constant 0 : i32
    return %arg0, %c0_i32 : i32, i32
  }
}

</mosaic_0001>

<sc_bundles>
// kernel: kernel.6.cloned.1.call-start
scs
__scs_entry_jumppad:
0x0: {  	(pc) =	sbr.rel $0x88, $3  }
0x1: {  	(tag) =	ssettag $0x0;
	lr =	simm.s32 $0x1  }
0x2: {  	[smem:$0x3F9A] =	sst lr;
	_ =	strace $0xD0000000  }
0x3: {  	_ = 	snop  }
0x4: {  	_ = 	snop  }
0x5: {  	_ = 	snop  }
0x6: {  	_ = 	snop  }
0x7: {  	_ = 	snop  }
__scs_overlays_trampoline_lowered:
0x8: {  	[smem:$0x3FA9] =	sst s0  }
0x9: {  	[smem:$0x3FAA] =	sst s1  }
0xa: {  	[smem:$0x3FAB] =	sst s2  }
0xb: {  	[smem:$0x3FAC] =	sst s3  }
0xc: {  	[smem:$0x3FAD] =	sst s4  }
0xd: {  	[smem:$0x3FAE] =	sst s5  }
0xe: {  	[smem:$0x3FAF] =	sst s6  }
0xf: {  	[smem:$0x3FB0] =	sst s7  }
0x10: {  	[smem:$0x3FB1] =	sst s8  }
0x11: {  	[smem:$0x3FB2] =	sst s9;
	s0 =	simm.s32 @!p0 $0x0  }
0x12: {  	s1 =	sld [smem:$0x3F98];
	s0 =	simm.s32 @p0 $0x1  }
0x13: {  	[smem:$0x3FB3] =	sst s0;
	s0 =	simm.s32 @!p1 $0x0  }
0x14: {  	s2 =	sld [smem:$0x3F97];
	s0 =	simm.s32 @p1 $0x1  }
0x15: {  	[smem:$0x3FB4] =	sst s0;
	s0 =	simm.s32 @!p2 $0x0  }
0x16: {  	s3 =	sld [smem:$0x3FDB];
	s0 =	simm.s32 @p2 $0x1  }
0x17: {  	s4 =	simm.s32 $0x1BF5;
	[smem:$0x3FB6] =	sst s0  }
0x18: {  	s0 =	sld [smem:$0x3F99];
	_ =	swait.ge [sflag:s4], $0x0  }
0x19: {  	s7 =	sld [smem:$0x3F9A]  }
0x1a: {  	s8 =	sadd.s32 $0xFFFFE003, lr  }
0x1b: {  	s9 =	sadd.s32 $0xFFFFFEF7, lr;
	s5 =	simm.s32 $0xFFFFFFFF;
	p2 =	slt.u32 s8, $0xFFFFF086  }
0x1c: {  	p1 =	slt.u32 s9, $0xF7A;
	s5 =	simm.s32 @!p2 $0x0  }
0x1d: {  	s5 =	simm.s32 @p1 $0x1;
	p0 =	seq.s32 s7, s2  }
0x1e: {  	s7 =	smul.u32 @!p0 $0xF7A, s2;
	p2 =	seq.s32 @!p0 s5, $0x0  }
0x1f: {  	s9 =	smul.u32 $0xF7A, s1;
	s8 =	simm.s32 @!p0 $0x1BF5;
	p2 =	por !p2, p0  }
0x20: {  	[sflag:s8] =	ssyncset.s32 @!p0 $0xFFFFF086;
	s6 =	sadd.s32 @!p0 s3, s7;
	s7 =	simm.s32 @!p0 $0x108  }
0x21: {  	s3 =	sadd.s32 s3, s9;
	s6 =	sadd.s32 @!p0 $0x88, s6;
	s7 =	simm.s32 @p2 $0x1082  }
0x22: {  	[simem:s7], [sflag:s8] =	dma.local @!p0 [hbm:s6], $0xF7A  }
0x23: {  	s9 =	sor.u32 $0xD0000000, s2;
	s6 =	simm.s32 $0x108;
	_ =	swait.ge @!p0 [sflag:s8], $0x0  }
0x24: {  	s3 =	sadd.s32 $0x88, s3;
	s6 =	simm.s32 @!p1 $0x1082;
	[sflag:s4] =	ssyncset.s32 $0xFFFFF086  }
0x25: {  	[simem:s6], [sflag:s4] =	dma.local [hbm:s3], $0xF7A  }
0x26: {  	[smem:$0x3F9A] =	sst s1;
	(tag) =	ssettag s2;
	_ =	strace s9  }
0x27: {  	s1 =	sld [smem:$0x3FAA]  }
0x28: {  	s2 =	sld [smem:$0x3FAB]  }
0x29: {  	s4 =	sld [smem:$0x3FAD]  }
0x2a: {  	p0 =	seq.s32 s5, $0x0;
	s5 =	sld [smem:$0x3FAE]  }
0x2b: {  	s6 =	sld [smem:$0x3FAF]  }
0x2c: {  	s7 =	sld [smem:$0x3FB0]  }
0x2d: {  	s3 =	simm.s32 $0x108;
	s8 =	sld [smem:$0x3FB1]  }
0x2e: {  	s3 =	simm.s32 @!p0 $0x1082;
	s9 =	sld [smem:$0x3FB2]  }
0x2f: {  	lr =	sadd.s32 s0, s3;
	s0 =	sld [smem:$0x3FA9]  }
0x30: {  	s3 =	sld [smem:$0x3FAC]  }
0x31: {  	[smem:$0x3FB5] =	sst s10  }
0x32: {  	s10 =	sld [smem:$0x3FB3];
	_ =	sdelay $0x3  }
0x33: {  	p0 =	seq.s32 s10, $0x1;
	s10 =	sld [smem:$0x3FB5];
	_ =	sdelay $0x3  }
0x34: {  	[smem:$0x3FB5] =	sst s10  }
0x35: {  	s10 =	sld [smem:$0x3FB4];
	_ =	sdelay $0x3  }
0x36: {  	p1 =	seq.s32 s10, $0x1;
	s10 =	sld [smem:$0x3FB5];
	_ =	sdelay $0x3  }
0x37: {  	[smem:$0x3FB5] =	sst s10  }
0x38: {  	s10 =	sld [smem:$0x3FB6]  }
0x39: {  	_ = 	snop;
	(pc) =	sbr.ind lr, $3  }
0x3a: {  	_ = 	snop  }
0x3b: {  	_ = 	snop  }
0x3c: {  	p2 =	seq.s32 s10, $0x1;
	s10 =	sld [smem:$0x3FB5]  }
0x3d: {  	_ =	shalt  }
0x3e: {  	_ =	shalt  }
0x3f: {  	_ =	shalt  }
0x40: {  	_ =	shalt  }
0x41: {  	_ =	shalt  }
0x42: {  	_ =	shalt  }
0x43: {  	_ =	shalt  }
0x44: {  	_ =	shalt  }
0x45: {  	_ =	shalt  }
0x46: {  	_ =	shalt  }
0x47: {  	_ =	shalt  }
0x48: {  	_ =	shalt  }
0x49: {  	_ =	shalt  }
0x4a: {  	_ =	shalt  }
0x4b: {  	_ =	shalt  }
0x4c: {  	_ =	shalt  }
0x4d: {  	_ =	shalt  }
0x4e: {  	_ =	shalt  }
0x4f: {  	_ =	shalt  }
0x50: {  	_ =	shalt  }
0x51: {  	_ =	shalt  }
0x52: {  	_ =	shalt  }
0x53: {  	_ =	shalt  }
0x54: {  	_ =	shalt  }
0x55: {  	_ =	shalt  }
0x56: {  	_ =	shalt  }
0x57: {  	_ =	shalt  }
0x58: {  	_ =	shalt  }
0x59: {  	_ =	shalt  }
0x5a: {  	_ =	shalt  }
0x5b: {  	_ =	shalt  }
0x5c: {  	_ =	shalt  }
0x5d: {  	_ =	shalt  }
0x5e: {  	_ =	shalt  }
0x5f: {  	_ =	shalt  }
0x60: {  	_ =	shalt  }
0x61: {  	_ =	shalt  }
0x62: {  	_ =	shalt  }
0x63: {  	_ =	shalt  }
0x64: {  	_ =	shalt  }
0x65: {  	_ =	shalt  }
0x66: {  	_ =	shalt  }
0x67: {  	_ =	shalt  }
0x68: {  	_ =	shalt  }
0x69: {  	_ =	shalt  }
0x6a: {  	_ =	shalt  }
0x6b: {  	_ =	shalt  }
0x6c: {  	_ =	shalt  }
0x6d: {  	_ =	shalt  }
0x6e: {  	_ =	shalt  }
0x6f: {  	_ =	shalt  }
0x70: {  	_ =	shalt  }
0x71: {  	_ =	shalt  }
0x72: {  	_ =	shalt  }
0x73: {  	_ =	shalt  }
0x74: {  	_ =	shalt  }
0x75: {  	_ =	shalt  }
0x76: {  	_ =	shalt  }
0x77: {  	_ =	shalt  }
0x78: {  	_ =	shalt  }
0x79: {  	_ =	shalt  }
0x7a: {  	_ =	shalt  }
0x7b: {  	_ =	shalt  }
0x7c: {  	_ =	shalt  }
0x7d: {  	_ =	shalt  }
0x7e: {  	_ =	shalt  }
0x7f: {  	_ =	shalt  }
0x80: {  	_ =	shalt  }
0x81: {  	_ =	shalt  }
0x82: {  	_ =	shalt  }
0x83: {  	_ =	shalt  }
0x84: {  	_ =	shalt  }
0x85: {  	_ =	shalt  }
0x86: {  	_ =	shalt  }
0x87: {  	_ =	shalt  }
.Lfunc_end0:
.L_simem_size_0:
called_computation_lowered:
.L_overlay_start_0:
0x88: {  	s2 =	sld [smem:$0x3FD9]  }
0x89: {  	s3 =	sld [smem:$0x3FFE];
	_ =	sdelay $0x1  }
0x8a: {  	s1 =	srdreg.scid  }
0x8b: {  	s0 =	sand.u32 $0x1, s1  }
0x8c: {  	s17 =	sshll.u32 s0, $0xA;
	s2 =	sadd.s32 s3, s2  }
0x8d: {  	s2 =	sadd.s32 s2, s17  }
0x8e: {  	[smem:$0x3FC1] =	sst s2  }
0x8f: {  	_ = 	snop  }
0x90: {  	s2 =	sld [smem:$0x3FC9]  }
0x91: {  	s18 =	sld [smem:$0x3FD0];
	(tm) =	ssettm $0x1  }
0x92: {  	s4 =	sld [smem:$0x3FFB];
	_ =	sdelay $0x3  }
0x93: {  	_ =	strace s4  }
0x94: {  	s4 =	sld [smem:$0x3FFC];
	_ =	sdelay $0x3  }
0x95: {  	_ =	strace s4  }
0x96: {  	s4 =	sld [smem:$0x3FFD];
	_ =	sdelay $0x3  }
0x97: {  	_ =	strace s4  }
0x98: {  	_ =	strace $0x8FFFFFFF  }
0x99: {  	s19 =	sld [smem:$0x3FDB];
	_ =	sdelay $0x1  }
0x9a: {  	s5 =	simm.s32 $_scs_section_size  }
0x9b: {  	s6 =	simm.s32 $_size__tile_overlayer_lowered;
	s7 =	simm.s32 $_tile_overlayer_lowered  }
0x9c: {  	s22 =	simm.s32 $0x1BFF;
	s21 =	sshll.u32 s7, $0x1;
	s4 =	sadd.s32 s5, s19  }
0x9d: {  	s8 =	simm.s32 $0x0;
	s20 =	sshll.u32 s6, $0x1;
	s6 =	sadd.s32 s21, s4  }
0x9e: {  	[timem:s8], [sflag:s22] =	dma.local [hbm:s6], s20  }
0x9f: {  	_ =	swait.ge [sflag:s22], s20  }
0xa0: {  	s5 =	ssub.s32 $0x0, s20;
	[sflag:s22] =	ssyncset.done $0x0  }
0xa1: {  	[sflag:s22] =	ssyncadd.s32 s5;
	_ =	sdelay $0x1  }
0xa2: {  	s23 =	simm.s32 $0x1B8B  }
0xa3: {  	_ =	swait.ge [sflag:s23], $0x1  }
0xa4: {  	[sflag:s23] =	ssyncset.done $0x0  }
0xa5: {  	s25 =	simm.s32 $0x1B8E;
	s24 =	sld [smem:$0x3FFE];
	[sflag:s23] =	ssyncadd.s32 $0xFFFFFFFF  }
0xa6: {  	s26 =	simm.s32 $execute0_lowered;
	[smem:$0x3FD2] =	sst s25  }
0xa7: {  	s6 =	sshll.u32 s26, $0x1;
	_ =	strace $0x80000046;
	[dreg:$0x1] =	wrdreg $0xFFFFFFFF  }
0xa8: {  	s28 =	simm.s32 $_size_execute0_lowered;
	s4 =	sadd.s32 s4, s6;
	[dreg:$0x0] =	wrdreg $0x0  }
0xa9: {  	s6 =	sshll.u32 s28, $0x1;
	[dreg:$0x2] =	wrdreg s4  }
0xaa: {  	[dreg:$0x3] =	wrdreg s6  }
0xab: {  	[dreg:$0x4] =	wrdreg $0xC0  }
0xac: {  	_ =	task [dreg:s8], $0x5FFFF  }
0xad: {  	[dreg:$0x1] =	wrdreg $0xFFFFFFFF  }
0xae: {  	[dreg:$0x0] =	wrdreg $0x60  }
0xaf: {  	[dreg:$0x2] =	wrdreg s2  }
0xb0: {  	[dreg:$0x3] =	wrdreg s18  }
0xb1: {  	[dreg:$0x4] =	wrdreg s24  }
0xb2: {  	[dreg:$0x5] =	wrdreg $0x0  }
0xb3: {  	[dreg:$0x6] =	wrdreg $0x13C000  }
0xb4: {  	[dreg:$0x7] =	wrdreg $0x9  }
0xb5: {  	_ =	task.clear_ibuf [dreg:s8], $0x8FFFF;
	_ =	strace $0x90000046  }
0xb6: {  	s29 =	simm.s32 $0x9;
	_ =	strace $0x80000048  }
0xb7: {  	_ =	swait.ge [sflag:s29], $0x1  }
0xb8: {  	[sflag:s29] =	ssyncadd.s32 $0xFFFFFFFF  }
0xb9: {  	_ =	strace $0x90000048  }
0xba: {  	_ =	sfence  }
0xbb: {  	s30 =	sld [smem:$0x0];
	_ =	sdelay $0x2  }
0xbc: {  	s31 =	sshll.u32 s1, $0xD;
	s1 =	sshrl.u32 s1, $0x2  }
0xbd: {  	s3 =	sand.u32 $0x4000, s31;
	s1 =	sadd.s32 s1, s30  }
0xbe: {  	s0 =	sor.u32 s3, s0;
	s1 =	sshll.u32 s1, $0x11  }
0xbf: {  	s0 =	sor.u32 s1, s0  }
0xc0: {  	s0 =	sadd.s32 $0x8F2B, s0  }
0xc1: {  	[sflag:s0] =	ssyncadd.remote.s32 $0x1  }
0xc2: {  	_ =	sfence.sel $0xFFFF  }
0xc3: {  	[dreg:$0x0] =	wrdreg $0xFFFFFFFF;
	(pc) =	sbr.abs _section_cstart, $3  }
0xc4: {  	[dreg:$0x1] =	wrdreg $0xFFFFFFFF  }
0xc5: {  	_ =	task.clear_ibuf [dreg:s8], $0x2FFFF;
	_ =	strace $0x9FFFFFFF  }
0xc6: {  	(tm) =	ssettm $0x7FFFFFFF  }
0xc7: {  	_ =	shalt  }
tec
execute0_lowered:
.L_overlay_start_1:
0x0: {  	(tag) =	ssettag $0x1  }
0x1: {  	s1 =	rddreg [dreg:$0x0]  }
0x2: {  	s0 =	rddreg [dreg:$0x2]  }
0x3: {  	s3 =	rddreg [dreg:$0x3]  }
0x4: {  	s4 =	rddreg [dreg:$0x4];
	s2 =	simm.s32 $0x0;
	s5 =	srdreg.scid  }
0x5: {  	s12 =	stileid.u32;
	s31 =	simm.s32 $0x17320;
	s28 =	simm.s32 $0x172D0  }
0x6: {  	s30 =	simm.s32 $0x172F8;
	[smem:$0x7FF] =	sst s2;
	s17 =	sadd.s32 $0x3800, s0  }
0x7: {  	s18 =	sadd.s32 $0x3200, s0;
	s2 =	sadd.s32 $0xDC00, s0;
	s6 =	sadd.s32 $0x35400, s0  }
0x8: {  	s5 =	sand.u32 $0x1, s5;
	s7 =	smul.u32 $0x4F000, s12;
	s8 =	sadd.s32 $0x8C00, s0  }
0x9: {  	s10 =	smul.u32 $0x13C00, s12;
	_ =	strace $0x80000047;
	[dreg:$0x6] =	wrdreg s17  }
0xa: {  	s0 =	sadd.s32 $0x3C00, s0;
	s26 =	smul.u32 $0x2780, s12;
	[dreg:$0x7] =	wrdreg s18  }
0xb: {  	s9 =	ssub.s32 $0x2, s5;
	p0 =	seq.s32 s5, $0x1;
	s7 =	sshrl.u32 s7, $0x2  }
0xc: {  	s13 =	sadd.s32 s10, s3;
	s2 =	smov.u32 @p0 s6;
	s15 =	sshrl.u32 s10, $0x3  }
0xd: {  	s7 =	sadd.s32 s7, s3;
	s2 =	sadd.s32 s2, s15;
	[dreg:$0x8] =	wrdreg s13  }
0xe: {  	s18 =	sshll.u32 s5, $0x4;
	s19 =	sadd.s32 $0x1400, s7;
	[dreg:$0x11] =	wrdreg s2  }
0xf: {  	s5 =	simm.s32 $0x16380;
	s20 =	sadd.s32 $0x2800, s7;
	[dreg:$0x9] =	wrdreg s19  }
0x10: {  	s11 =	sshrl.u32 s9, $0x1;
	s21 =	sadd.s32 $0x3C00, s7;
	[dreg:$0xa] =	wrdreg s20  }
0x11: {  	s16 =	sshrl.u32 s26, $0x3;
	s22 =	sadd.s32 $0x5000, s7;
	[dreg:$0xb] =	wrdreg s21  }
0x12: {  	s8 =	smov.u32 @p0 s0;
	s23 =	sadd.s32 $0x6400, s7;
	[dreg:$0xc] =	wrdreg s22  }
0x13: {  	s0 =	sor.u32 s12, s18;
	s24 =	sadd.s32 $0x7800, s7;
	[dreg:$0xd] =	wrdreg s23  }
0x14: {  	s10 =	simm.s32 $0x18720;
	s25 =	sadd.s32 $0x8C00, s7;
	[dreg:$0xe] =	wrdreg s24  }
0x15: {  	s12 =	simm.s32 $0x19B20;
	s14 =	sadd.s32 $0xA000, s7;
	[dreg:$0xf] =	wrdreg s25  }
0x16: {  	s18 =	simm.s32 $0x6;
	s17 =	sadd.s32 $0xB400, s7;
	[dreg:$0x10] =	wrdreg s14  }
0x17: {  	s6 =	simm.s32 $0x0;
	s2 =	sadd.s32 s8, s16;
	[dreg:$0x12] =	wrdreg s17  }
0x18: {  	s9 =	ssub.s32 s9, s11;
	[dreg:$0x13] =	wrdreg s2;
	s19 =	sadd.s32 $0xC800, s7  }
0x19: {  	s29 =	smul.u32 $0xFA, s0;
	s20 =	sadd.s32 $0xDC00, s7;
	[dreg:$0x14] =	wrdreg s19  }
0x1a: {  	s0 =	simm.s32 $0x7;
	s21 =	sadd.s32 $0xF000, s7;
	[dreg:$0x15] =	wrdreg s20  }
0x1b: {  	s15 =	simm.s32 $0x1C320;
	s22 =	sadd.s32 $0x10400, s7;
	[dreg:$0x16] =	wrdreg s21  }
0x1c: {  	s16 =	simm.s32 $0x1;
	s23 =	sadd.s32 $0x11800, s7;
	[dreg:$0x17] =	wrdreg s22  }
0x1d: {  	s24 =	sadd.s32 $0x12C00, s7;
	s25 =	sadd.s32 s26, s4;
	[dreg:$0x18] =	wrdreg s23  }
0x1e: {  	s26 =	smax.u32 s9, $0x1;
	s7 =	simm.s32 $0x28;
	[dreg:$0x19] =	wrdreg s24  }
0x1f: {  	s14 =	simm.s32 $0x1AF20;
	s17 =	simm.s32 $0x1D720;
	[dreg:$0x1a] =	wrdreg s25  }
0x20: {  	[dreg:$0x1b] =	wrdreg s26;
	s19 =	simm.s32 $0x2;
	s20 =	simm.s32 $0x3  }
0x21: {  	s21 =	simm.s32 $0x4;
	s22 =	simm.s32 $0x5;
	s23 =	simm.s32 $0x16B28  }
0x22: {  	v0 =	vimm.f32 $1.000000000e+00;
	s24 =	simm.s32 $0x17258;
	s25 =	simm.s32 $0x17280;
	s26 =	simm.s32 $0x172A8  }
.LBB2_1:
0x23: {  	[tilespmem:$0x1D720] =	vst v0  }
0x24: {  	[tilespmem:$0x1D730] =	vst v0  }
0x25: {  	[tilespmem:$0x1D740] =	vst v0  }
0x26: {  	[tilespmem:$0x1D750] =	vst v0  }
0x27: {  	[tilespmem:$0x1D760] =	vst v0  }
0x28: {  	[tilespmem:$0x1D770] =	vst v0  }
0x29: {  	[tilespmem:$0x1D780] =	vst v0  }
0x2a: {  	[tilespmem:$0x1D790] =	vst v0  }
0x2b: {  	[tilespmem:$0x1D7A0] =	vst v0  }
0x2c: {  	[tilespmem:$0x1D7B0] =	vst v0  }
0x2d: {  	[tilespmem:$0x1D7C0] =	vst v0  }
0x2e: {  	[tilespmem:$0x1D7D0] =	vst v0  }
0x2f: {  	[tilespmem:$0x1D7E0] =	vst v0  }
0x30: {  	[tilespmem:$0x1D7F0] =	vst v0  }
0x31: {  	[tilespmem:$0x1D800] =	vst v0  }
0x32: {  	[tilespmem:$0x1D810] =	vst v0  }
0x33: {  	[tilespmem:$0x1D820] =	vst v0  }
0x34: {  	[tilespmem:$0x1D830] =	vst v0  }
0x35: {  	[tilespmem:$0x1D840] =	vst v0  }
0x36: {  	[tilespmem:$0x1D850] =	vst v0  }
0x37: {  	[tilespmem:$0x1D860] =	vst v0  }
0x38: {  	[tilespmem:$0x1D870] =	vst v0  }
0x39: {  	[tilespmem:$0x1D880] =	vst v0  }
0x3a: {  	[tilespmem:$0x1D890] =	vst v0  }
0x3b: {  	[tilespmem:$0x1D8A0] =	vst v0  }
0x3c: {  	[tilespmem:$0x1D8B0] =	vst v0  }
0x3d: {  	[tilespmem:$0x1D8C0] =	vst v0  }
0x3e: {  	[tilespmem:$0x1D8D0] =	vst v0  }
0x3f: {  	[tilespmem:$0x1D8E0] =	vst v0  }
0x40: {  	[tilespmem:$0x1D8F0] =	vst v0  }
0x41: {  	[tilespmem:$0x1D900] =	vst v0  }
0x42: {  	[tilespmem:$0x1D910] =	vst v0  }
0x43: {  	[tilespmem:$0x1D920] =	vst v0  }
0x44: {  	[tilespmem:$0x1D930] =	vst v0  }
0x45: {  	[tilespmem:$0x1D940] =	vst v0  }
0x46: {  	[tilespmem:$0x1D950] =	vst v0  }
0x47: {  	[tilespmem:$0x1D960] =	vst v0  }
0x48: {  	[tilespmem:$0x1D970] =	vst v0  }
0x49: {  	[dreg:$0x1c] =	wrdreg s6;
	[tilespmem:$0x1D980] =	vst v0  }
0x4a: {  	[tilespmem:$0x1D990] =	vst v0;
	s2 =	simm.s32 $0x0;
	s11 =	rddreg [dreg:$0x6]  }
0x4b: {  	[tilespmem:s31], [sflag:$0x7] =	stream.linear.gather [hbm4b:s11+s2], $0x1400, $0x38;
	[tilespmem:$0x1D9A0] =	vst v63  }
0x4c: {  	_ =	swait.ge [sflag:s0], $0x1400  }
0x4d: {  	[sflag:s0] =	ssyncset.done $0x0  }
0x4e: {  	[sflag:s0] =	ssyncadd.s32 $0xFFFFEC00  }
0x4f: {  	[spmem:s13] =	stream.linear.scatter [tilespmem:s31], [sflag:$0x7], $0x1400, $0x38;
	[tilespmem:$0x1D9A0] =	vst v63  }
0x50: {  	_ =	swait.ge [sflag:s0], $0x1400  }
0x51: {  	[sflag:s0] =	ssyncset.done $0x0  }
0x52: {  	s8 =	rddreg [dreg:$0x9];
	[sflag:s0] =	ssyncadd.s32 $0xFFFFEC00  }
0x53: {  	[spmem:s8] =	stream.linear.scatter [tilespmem:s31], [sflag:$0x7], $0x1400, $0x38;
	[tilespmem:$0x1D9A0] =	vst v63  }
0x54: {  	_ =	swait.ge [sflag:s0], $0x1400  }
0x55: {  	[sflag:s0] =	ssyncset.done $0x0  }
0x56: {  	s9 =	rddreg [dreg:$0xa];
	[sflag:s0] =	ssyncadd.s32 $0xFFFFEC00  }
0x57: {  	[spmem:s9] =	stream.linear.scatter [tilespmem:s31], [sflag:$0x7], $0x1400, $0x38;
	[tilespmem:$0x1D9A0] =	vst v63  }
0x58: {  	_ =	swait.ge [sflag:s0], $0x1400  }
0x59: {  	[sflag:s0] =	ssyncset.done $0x0  }
0x5a: {  	s11 =	rddreg [dreg:$0xb];
	[sflag:s0] =	ssyncadd.s32 $0xFFFFEC00  }
0x5b: {  	[spmem:s11] =	stream.linear.scatter [tilespmem:s31], [sflag:$0x7], $0x1400, $0x38;
	[tilespmem:$0x1D9A0] =	vst v63  }
0x5c: {  	_ =	swait.ge [sflag:s0], $0x1400  }
0x5d: {  	[sflag:s0] =	ssyncset.done $0x0  }
0x5e: {  	s13 =	rddreg [dreg:$0xc];
	[sflag:s0] =	ssyncadd.s32 $0xFFFFEC00  }
0x5f: {  	[spmem:s13] =	stream.linear.scatter [tilespmem:s31], [sflag:$0x7], $0x1400, $0x38;
	[tilespmem:$0x1D9A0] =	vst v63  }
0x60: {  	_ =	swait.ge [sflag:s0], $0x1400  }
0x61: {  	[sflag:s0] =	ssyncset.done $0x0  }
0x62: {  	s6 =	rddreg [dreg:$0xd];
	[sflag:s0] =	ssyncadd.s32 $0xFFFFEC00  }
0x63: {  	[spmem:s6] =	stream.linear.scatter [tilespmem:s31], [sflag:$0x7], $0x1400, $0x38;
	[tilespmem:$0x1D9A0] =	vst v63  }
0x64: {  	_ =	swait.ge [sflag:s0], $0x1400  }
0x65: {  	[sflag:s0] =	ssyncset.done $0x0  }
0x66: {  	s8 =	rddreg [dreg:$0xe];
	[sflag:s0] =	ssyncadd.s32 $0xFFFFEC00  }
0x67: {  	[spmem:s8] =	stream.linear.scatter [tilespmem:s31], [sflag:$0x7], $0x1400, $0x38;
	[tilespmem:$0x1D9A0] =	vst v63  }
0x68: {  	_ =	swait.ge [sflag:s0], $0x1400  }
0x69: {  	[sflag:s0] =	ssyncset.done $0x0  }
0x6a: {  	s9 =	rddreg [dreg:$0xf];
	[sflag:s0] =	ssyncadd.s32 $0xFFFFEC00  }
0x6b: {  	[spmem:s9] =	stream.linear.scatter [tilespmem:s31], [sflag:$0x7], $0x1400, $0x38;
	[tilespmem:$0x1D9A0] =	vst v63  }
0x6c: {  	_ =	swait.ge [sflag:s0], $0x1400  }
0x6d: {  	[sflag:s0] =	ssyncset.done $0x0  }
0x6e: {  	s11 =	rddreg [dreg:$0x10];
	[sflag:s0] =	ssyncadd.s32 $0xFFFFEC00  }
0x6f: {  	[spmem:s11] =	stream.linear.scatter [tilespmem:s31], [sflag:$0x7], $0x1400, $0x38;
	[tilespmem:$0x1D9A0] =	vst v63  }
0x70: {  	_ =	swait.ge [sflag:s0], $0x1400  }
0x71: {  	[sflag:s0] =	ssyncset.done $0x0  }
0x72: {  	s13 =	rddreg [dreg:$0x12];
	[sflag:s0] =	ssyncadd.s32 $0xFFFFEC00  }
0x73: {  	[spmem:s13] =	stream.linear.scatter [tilespmem:s31], [sflag:$0x7], $0x1400, $0x38;
	[tilespmem:$0x1D9A0] =	vst v63  }
0x74: {  	_ =	swait.ge [sflag:s0], $0x1400  }
0x75: {  	[sflag:s0] =	ssyncset.done $0x0  }
0x76: {  	s6 =	rddreg [dreg:$0x14];
	[sflag:s0] =	ssyncadd.s32 $0xFFFFEC00  }
0x77: {  	[spmem:s6] =	stream.linear.scatter [tilespmem:s31], [sflag:$0x7], $0x1400, $0x38;
	[tilespmem:$0x1D9A0] =	vst v63  }
0x78: {  	_ =	swait.ge [sflag:s0], $0x1400  }
0x79: {  	[sflag:s0] =	ssyncset.done $0x0  }
0x7a: {  	s8 =	rddreg [dreg:$0x15];
	[sflag:s0] =	ssyncadd.s32 $0xFFFFEC00  }
0x7b: {  	[spmem:s8] =	stream.linear.scatter [tilespmem:s31], [sflag:$0x7], $0x1400, $0x38;
	[tilespmem:$0x1D9A0] =	vst v63  }
0x7c: {  	_ =	swait.ge [sflag:s0], $0x1400  }
0x7d: {  	[sflag:s0] =	ssyncset.done $0x0  }
0x7e: {  	s9 =	rddreg [dreg:$0x16];
	[sflag:s0] =	ssyncadd.s32 $0xFFFFEC00  }
0x7f: {  	[spmem:s9] =	stream.linear.scatter [tilespmem:s31], [sflag:$0x7], $0x1400, $0x38;
	[tilespmem:$0x1D9A0] =	vst v63  }
0x80: {  	_ =	swait.ge [sflag:s0], $0x1400  }
0x81: {  	[sflag:s0] =	ssyncset.done $0x0  }
0x82: {  	s11 =	rddreg [dreg:$0x17];
	[sflag:s0] =	ssyncadd.s32 $0xFFFFEC00  }
0x83: {  	[spmem:s11] =	stream.linear.scatter [tilespmem:s31], [sflag:$0x7], $0x1400, $0x38;
	[tilespmem:$0x1D9A0] =	vst v63  }
0x84: {  	_ =	swait.ge [sflag:s0], $0x1400  }
0x85: {  	[sflag:s0] =	ssyncset.done $0x0  }
0x86: {  	s13 =	rddreg [dreg:$0x18];
	[sflag:s0] =	ssyncadd.s32 $0xFFFFEC00  }
0x87: {  	[spmem:s13] =	stream.linear.scatter [tilespmem:s31], [sflag:$0x7], $0x1400, $0x38;
	[tilespmem:$0x1D9A0] =	vst v63  }
0x88: {  	s8 =	stileid.u32;
	_ =	swait.ge [sflag:s0], $0x1400  }
0x89: {  	s2 =	sshll.u32 s8, $0x6;
	[sflag:s0] =	ssyncset.done $0x0  }
0x8a: {  	s9 =	sor.u32 $0x1C07, s2;
	s6 =	rddreg [dreg:$0x19];
	[sflag:s0] =	ssyncadd.s32 $0xFFFFEC00  }
0x8b: {  	[spmem:s6] =	stream.linear.scatter [tilespmem:s31], [sflag:$0x7], $0x1000, $0x38;
	[tilespmem:$0x1D9A0] =	vst v63  }
0x8c: {  	_ =	swait.ge [sflag:s0], $0x1000;
	[dreg:$0x1d] =	wrdreg s9  }
0x8d: {  	s11 =	rddreg [dreg:$0x1a]  }
0x8e: {  	[sflag:s0] =	ssyncset.done $0x0;
	s13 =	rddreg [dreg:$0x7];
	s8 =	sshrl.u32 s11, $0x3  }
0x8f: {  	[sflag:s0] =	ssyncadd.s32 $0xFFFFF000;
	[dreg:$0x1e] =	wrdreg s8  }
0x90: {  	[spmem:s8], [sflag:s9] =	dma.local [hbm:s13], $0x4F0  }
0x91: {  	_ =	swait.ge [sflag:s0], $0x4F0  }
0x92: {  	[sflag:s0] =	ssyncset.done $0x0  }
0x93: {  	[sflag:s0] =	ssyncadd.s32 $0xFFFFFB10  }
0x94: {  	s9 =	simm.s32 $0x0;
	[bflag:$0x0] =	sbarrier.arrive $0xFFFF  }
.LBB2_2:
0x95: {  	s2 =	smul.u32 $0x32, s9;
	_ =	sdelay $0x1  }
0x96: {  	s2 =	sadd.s32 s29, s2  }
0x97: {  	s2 =	smul.u32 $0x28, s2;
	_ =	sdelay $0x1  }
0x98: {  	s6 =	rddreg [dreg:$0x1];
	s2 =	sshrl.u32 s2, $0x3  }
0x99: {  	s11 =	simm.s32 $0x0;
	s2 =	sadd.s32 s6, s2  }
0x9a: {  	[tilespmem:s5], [sflag:$0x7] =	stream.linear.gather [hbm4b:s2+s11], $0x7D0, $0x38;
	[tilespmem:$0x1D9A0] =	vst v63  }
0x9b: {  	_ =	swait.ge [sflag:s0], $0x7D0  }
0x9c: {  	[sflag:s0] =	ssyncset.done $0x0  }
0x9d: {  	s8 =	simm.s32 $0x16B50;
	s2 =	sadd.s32 $0x9C40, s2;
	[sflag:s0] =	ssyncadd.s32 $0xFFFFF830  }
0x9e: {  	[tilespmem:s8], [sflag:$0x7] =	stream.linear.gather [hbm4b:s2+s11], $0x7D0, $0x38;
	[tilespmem:$0x1D9A0] =	vst v63  }
0x9f: {  	_ =	swait.ge [sflag:s0], $0x7D0  }
0xa0: {  	[sflag:s0] =	ssyncset.done $0x0  }
0xa1: {  	[sflag:s0] =	ssyncadd.s32 $0xFFFFF830  }
0xa2: {  	[tilespmem:s31], [sflag:$0x1] =	stream.indirect.gather [hbm4b:s1+s7], $0x80, s5, s7, $0xb8;
	[tilespmem:$0x1D9A0] =	vst v63  }
0xa3: {  	s13 =	simm.s32 $0x163A8  }
0xa4: {  	[tilespmem:s10], [sflag:$0x2] =	stream.indirect.gather [hbm4b:s1+s7], $0x80, s13, s7, $0xb8;
	[tilespmem:$0x1D9A0] =	vst v63  }
0xa5: {  	s6 =	simm.s32 $0x163D0  }
0xa6: {  	[tilespmem:s12], [sflag:$0x3] =	stream.indirect.gather [hbm4b:s1+s7], $0x80, s6, s7, $0xb8;
	[tilespmem:$0x1D9A0] =	vst v63  }
0xa7: {  	s8 =	simm.s32 $0x163F8  }
0xa8: {  	[tilespmem:s14], [sflag:$0x4] =	stream.indirect.gather [hbm4b:s1+s7], $0x80, s8, s7, $0xb8;
	[tilespmem:$0x1D9A0] =	vst v63  }
0xa9: {  	s11 =	simm.s32 $0x16420  }
0xaa: {  	[tilespmem:s15], [sflag:$0x5] =	stream.indirect.gather [hbm4b:s1+s7], $0x80, s11, s7, $0xb8;
	[tilespmem:$0x1D9A0] =	vst v63  }
0xab: {  	_ =	swait.ge [sflag:s16], $0x1400  }
0xac: {  	[sflag:s16] =	ssyncset.done $0x0  }
0xad: {  	s13 =	simm.s32 $0x16B50;
	[sflag:s16] =	ssyncadd.s32 $0xFFFFEC00  }
0xae: {  	[spmem:s4] =	stream.indirect.scatter.add.f32 [tilespmem:s17], [sflag:$0x6], $0x10, s13, s7, $0xb8;
	[tilespmem:$0x1D9A0] =	vst v63  }
0xaf: {  	_ = 	snop  }
0xb0: {  	[spmem:s3] =	stream.indirect.scatter.add.f32 [tilespmem:s31], [sflag:$0x7], $0x80, s13, s7, $0xb8;
	[tilespmem:$0x1D9A0] =	vst v63  }
0xb1: {  	_ =	swait.ge [sflag:s0], $0x1400  }
0xb2: {  	[sflag:s0] =	ssyncset.done $0x0  }
0xb3: {  	[sflag:s0] =	ssyncadd.s32 $0xFFFFEC00  }
0xb4: {  	_ =	swait.ge [sflag:s18], $0x280  }
0xb5: {  	[sflag:s18] =	ssyncset.done $0x0  }
0xb6: {  	s6 =	simm.s32 $0x16448;
	[sflag:s18] =	ssyncadd.s32 $0xFFFFFD80  }
0xb7: {  	[tilespmem:s31], [sflag:$0x1] =	stream.indirect.gather [hbm4b:s1+s7], $0x80, s6, s7, $0xb8;
	[tilespmem:$0x1D9A0] =	vst v63  }
0xb8: {  	_ =	swait.ge [sflag:s19], $0x1400  }
0xb9: {  	[sflag:s19] =	ssyncset.done $0x0  }
0xba: {  	s8 =	simm.s32 $0x16B78;
	[sflag:s19] =	ssyncadd.s32 $0xFFFFEC00  }
0xbb: {  	[spmem:s4] =	stream.indirect.scatter.add.f32 [tilespmem:s17], [sflag:$0x6], $0x10, s8, s7, $0xb8;
	[tilespmem:$0x1D9A0] =	vst v63  }
0xbc: {  	_ = 	snop  }
0xbd: {  	[spmem:s3] =	stream.indirect.scatter.add.f32 [tilespmem:s10], [sflag:$0x7], $0x80, s8, s7, $0xb8;
	[tilespmem:$0x1D9A0] =	vst v63  }
0xbe: {  	_ =	swait.ge [sflag:s0], $0x1400  }
0xbf: {  	[sflag:s0] =	ssyncset.done $0x0  }
0xc0: {  	[sflag:s0] =	ssyncadd.s32 $0xFFFFEC00  }
0xc1: {  	_ =	swait.ge [sflag:s18], $0x280  }
0xc2: {  	[sflag:s18] =	ssyncset.done $0x0  }
0xc3: {  	s11 =	simm.s32 $0x16470;
	[sflag:s18] =	ssyncadd.s32 $0xFFFFFD80  }
0xc4: {  	[tilespmem:s10], [sflag:$0x2] =	stream.indirect.gather [hbm4b:s1+s7], $0x80, s11, s7, $0xb8;
	[tilespmem:$0x1D9A0] =	vst v63  }
0xc5: {  	_ =	swait.ge [sflag:s20], $0x1400  }
0xc6: {  	[sflag:s20] =	ssyncset.done $0x0  }
0xc7: {  	s13 =	simm.s32 $0x16BA0;
	[sflag:s20] =	ssyncadd.s32 $0xFFFFEC00  }
0xc8: {  	[spmem:s4] =	stream.indirect.scatter.add.f32 [tilespmem:s17], [sflag:$0x6], $0x10, s13, s7, $0xb8;
	[tilespmem:$0x1D9A0] =	vst v63  }
0xc9: {  	_ = 	snop  }
0xca: {  	[spmem:s3] =	stream.indirect.scatter.add.f32 [tilespmem:s12], [sflag:$0x7], $0x80, s13, s7, $0xb8;
	[tilespmem:$0x1D9A0] =	vst v63  }
0xcb: {  	_ =	swait.ge [sflag:s0], $0x1400  }
0xcc: {  	[sflag:s0] =	ssyncset.done $0x0  }
0xcd: {  	[sflag:s0] =	ssyncadd.s32 $0xFFFFEC00  }
0xce: {  	_ =	swait.ge [sflag:s18], $0x280  }
0xcf: {  	[sflag:s18] =	ssyncset.done $0x0  }
0xd0: {  	s6 =	simm.s32 $0x16498;
	[sflag:s18] =	ssyncadd.s32 $0xFFFFFD80  }
0xd1: {  	[tilespmem:s12], [sflag:$0x3] =	stream.indirect.gather [hbm4b:s1+s7], $0x80, s6, s7, $0xb8;
	[tilespmem:$0x1D9A0] =	vst v63  }
0xd2: {  	_ =	swait.ge [sflag:s21], $0x1400  }
0xd3: {  	[sflag:s21] =	ssyncset.done $0x0  }
0xd4: {  	s8 =	simm.s32 $0x16BC8;
	[sflag:s21] =	ssyncadd.s32 $0xFFFFEC00  }
0xd5: {  	[spmem:s4] =	stream.indirect.scatter.add.f32 [tilespmem:s17], [sflag:$0x6], $0x10, s8, s7, $0xb8;
	[tilespmem:$0x1D9A0] =	vst v63  }
0xd6: {  	_ = 	snop  }
0xd7: {  	[spmem:s3] =	stream.indirect.scatter.add.f32 [tilespmem:s14], [sflag:$0x7], $0x80, s8, s7, $0xb8;
	[tilespmem:$0x1D9A0] =	vst v63  }
0xd8: {  	_ =	swait.ge [sflag:s0], $0x1400  }
0xd9: {  	[sflag:s0] =	ssyncset.done $0x0  }
0xda: {  	[sflag:s0] =	ssyncadd.s32 $0xFFFFEC00  }
0xdb: {  	_ =	swait.ge [sflag:s18], $0x280  }
0xdc: {  	[sflag:s18] =	ssyncset.done $0x0  }
0xdd: {  	s11 =	simm.s32 $0x164C0;
	[sflag:s18] =	ssyncadd.s32 $0xFFFFFD80  }
0xde: {  	[tilespmem:s14], [sflag:$0x4] =	stream.indirect.gather [hbm4b:s1+s7], $0x80, s11, s7, $0xb8;
	[tilespmem:$0x1D9A0] =	vst v63  }
0xdf: {  	_ =	swait.ge [sflag:s22], $0x1400  }
0xe0: {  	[sflag:s22] =	ssyncset.done $0x0  }
0xe1: {  	s13 =	simm.s32 $0x16BF0;
	[sflag:s22] =	ssyncadd.s32 $0xFFFFEC00  }
0xe2: {  	[spmem:s4] =	stream.indirect.scatter.add.f32 [tilespmem:s17], [sflag:$0x6], $0x10, s13, s7, $0xb8;
	[tilespmem:$0x1D9A0] =	vst v63  }
0xe3: {  	_ = 	snop  }
0xe4: {  	[spmem:s3] =	stream.indirect.scatter.add.f32 [tilespmem:s15], [sflag:$0x7], $0x80, s13, s7, $0xb8;
	[tilespmem:$0x1D9A0] =	vst v63  }
0xe5: {  	_ =	swait.ge [sflag:s0], $0x1400  }
0xe6: {  	[sflag:s0] =	ssyncset.done $0x0  }
0xe7: {  	[sflag:s0] =	ssyncadd.s32 $0xFFFFEC00  }
0xe8: {  	_ =	swait.ge [sflag:s18], $0x280  }
0xe9: {  	s2 =	simm.s32 $0xC8;
	s6 =	simm.s32 $0x640;
	[sflag:s18] =	ssyncset.done $0x0  }
.LBB2_3:
0xea: {  	s13 =	sadd.s32 $0x16420, s2  }
0xeb: {  	[sflag:s18] =	ssyncadd.s32 $0xFFFFFD80;
	s8 =	smov.u32 s6;
	s11 =	sadd.s32 $0x320, s6  }
0xec: {  	[tilespmem:s15], [sflag:$0x5] =	stream.indirect.gather [hbm4b:s1+s7], $0x80, s13, s7, $0xb8;
	[tilespmem:$0x1D9A0] =	vst v63  }
0xed: {  	p0 =	sne.s32 s6, $0x1900;
	_ =	swait.ge [sflag:s16], $0x1400  }
0xee: {  	[sflag:s16] =	ssyncset.done $0x0  }
0xef: {  	s6 =	sadd.s32 $0x16B50, s2;
	[sflag:s16] =	ssyncadd.s32 $0xFFFFEC00  }
0xf0: {  	[spmem:s4] =	stream.indirect.scatter.add.f32 [tilespmem:s17], [sflag:$0x6], $0x10, s6, s7, $0xb8;
	[tilespmem:$0x1D9A0] =	vst v63  }
0xf1: {  	_ = 	snop  }
0xf2: {  	[spmem:s3] =	stream.indirect.scatter.add.f32 [tilespmem:s31], [sflag:$0x7], $0x80, s6, s7, $0xb8;
	[tilespmem:$0x1D9A0] =	vst v63  }
0xf3: {  	_ =	swait.ge [sflag:s0], $0x1400  }
0xf4: {  	[sflag:s0] =	ssyncset.done $0x0  }
0xf5: {  	[sflag:s0] =	ssyncadd.s32 $0xFFFFEC00  }
0xf6: {  	_ =	swait.ge [sflag:s18], $0x280  }
0xf7: {  	[sflag:s18] =	ssyncset.done $0x0  }
0xf8: {  	s6 =	sadd.s32 $0x16448, s2;
	[sflag:s18] =	ssyncadd.s32 $0xFFFFFD80  }
0xf9: {  	[tilespmem:s31], [sflag:$0x1] =	stream.indirect.gather [hbm4b:s1+s7], $0x80, s6, s7, $0xb8;
	[tilespmem:$0x1D9A0] =	vst v63  }
0xfa: {  	_ =	swait.ge [sflag:s19], $0x1400  }
0xfb: {  	[sflag:s19] =	ssyncset.done $0x0  }
0xfc: {  	s6 =	sadd.s32 $0x16B78, s2;
	[sflag:s19] =	ssyncadd.s32 $0xFFFFEC00  }
0xfd: {  	[spmem:s4] =	stream.indirect.scatter.add.f32 [tilespmem:s17], [sflag:$0x6], $0x10, s6, s7, $0xb8;
	[tilespmem:$0x1D9A0] =	vst v63  }
0xfe: {  	_ = 	snop  }
0xff: {  	[spmem:s3] =	stream.indirect.scatter.add.f32 [tilespmem:s10], [sflag:$0x7], $0x80, s6, s7, $0xb8;
	[tilespmem:$0x1D9A0] =	vst v63  }
0x100: {  	_ =	swait.ge [sflag:s0], $0x1400  }
0x101: {  	[sflag:s0] =	ssyncset.done $0x0  }
0x102: {  	[sflag:s0] =	ssyncadd.s32 $0xFFFFEC00  }
0x103: {  	_ =	swait.ge [sflag:s18], $0x280  }
0x104: {  	[sflag:s18] =	ssyncset.done $0x0  }
0x105: {  	s6 =	sadd.s32 $0x16470, s2;
	[sflag:s18] =	ssyncadd.s32 $0xFFFFFD80  }
0x106: {  	[tilespmem:s10], [sflag:$0x2] =	stream.indirect.gather [hbm4b:s1+s7], $0x80, s6, s7, $0xb8;
	[tilespmem:$0x1D9A0] =	vst v63  }
0x107: {  	_ =	swait.ge [sflag:s20], $0x1400  }
0x108: {  	[sflag:s20] =	ssyncset.done $0x0  }
0x109: {  	s6 =	sadd.s32 $0x16BA0, s2;
	[sflag:s20] =	ssyncadd.s32 $0xFFFFEC00  }
0x10a: {  	[spmem:s4] =	stream.indirect.scatter.add.f32 [tilespmem:s17], [sflag:$0x6], $0x10, s6, s7, $0xb8;
	[tilespmem:$0x1D9A0] =	vst v63  }
0x10b: {  	_ = 	snop  }
0x10c: {  	[spmem:s3] =	stream.indirect.scatter.add.f32 [tilespmem:s12], [sflag:$0x7], $0x80, s6, s7, $0xb8;
	[tilespmem:$0x1D9A0] =	vst v63  }
0x10d: {  	_ =	swait.ge [sflag:s0], $0x1400  }
0x10e: {  	[sflag:s0] =	ssyncset.done $0x0  }
0x10f: {  	[sflag:s0] =	ssyncadd.s32 $0xFFFFEC00  }
0x110: {  	_ =	swait.ge [sflag:s18], $0x280  }
0x111: {  	[sflag:s18] =	ssyncset.done $0x0  }
0x112: {  	s6 =	sadd.s32 $0x16498, s2;
	[sflag:s18] =	ssyncadd.s32 $0xFFFFFD80  }
0x113: {  	[tilespmem:s12], [sflag:$0x3] =	stream.indirect.gather [hbm4b:s1+s7], $0x80, s6, s7, $0xb8;
	[tilespmem:$0x1D9A0] =	vst v63  }
0x114: {  	_ =	swait.ge [sflag:s21], $0x1400  }
0x115: {  	[sflag:s21] =	ssyncset.done $0x0  }
0x116: {  	s6 =	sadd.s32 $0x16BC8, s2;
	[sflag:s21] =	ssyncadd.s32 $0xFFFFEC00  }
0x117: {  	[spmem:s4] =	stream.indirect.scatter.add.f32 [tilespmem:s17], [sflag:$0x6], $0x10, s6, s7, $0xb8;
	[tilespmem:$0x1D9A0] =	vst v63  }
0x118: {  	_ = 	snop  }
0x119: {  	[spmem:s3] =	stream.indirect.scatter.add.f32 [tilespmem:s14], [sflag:$0x7], $0x80, s6, s7, $0xb8;
	[tilespmem:$0x1D9A0] =	vst v63  }
0x11a: {  	_ =	swait.ge [sflag:s0], $0x1400  }
0x11b: {  	[sflag:s0] =	ssyncset.done $0x0  }
0x11c: {  	[sflag:s0] =	ssyncadd.s32 $0xFFFFEC00  }
0x11d: {  	_ =	swait.ge [sflag:s18], $0x280  }
0x11e: {  	[sflag:s18] =	ssyncset.done $0x0  }
0x11f: {  	s6 =	sadd.s32 $0x164C0, s2;
	[sflag:s18] =	ssyncadd.s32 $0xFFFFFD80  }
0x120: {  	[tilespmem:s14], [sflag:$0x4] =	stream.indirect.gather [hbm4b:s1+s7], $0x80, s6, s7, $0xb8;
	[tilespmem:$0x1D9A0] =	vst v63  }
0x121: {  	_ =	swait.ge [sflag:s22], $0x1400  }
0x122: {  	[sflag:s22] =	ssyncset.done $0x0  }
0x123: {  	s2 =	sadd.s32 $0x16BF0, s2;
	[sflag:s22] =	ssyncadd.s32 $0xFFFFEC00  }
0x124: {  	[spmem:s4] =	stream.indirect.scatter.add.f32 [tilespmem:s17], [sflag:$0x6], $0x10, s2, s7, $0xb8;
	[tilespmem:$0x1D9A0] =	vst v63  }
0x125: {  	_ = 	snop  }
0x126: {  	[spmem:s3] =	stream.indirect.scatter.add.f32 [tilespmem:s15], [sflag:$0x7], $0x80, s2, s7, $0xb8;
	[tilespmem:$0x1D9A0] =	vst v63  }
.Ltmp0:
0x127: {  	_ =	swait.ge [sflag:s0], $0x1400;
	(pc) =	sbr.rel @p0 .LBB2_3-.Ltmp0, $4  }
0x128: {  	[sflag:s0] =	ssyncset.done $0x0  }
0x129: {  	[sflag:s0] =	ssyncadd.s32 $0xFFFFEC00  }
0x12a: {  	_ =	swait.ge [sflag:s18], $0x280  }
0x12b: {  	s6 =	smov.u32 s11;
	s2 =	sshra.s32 s8, $0x2;
	[sflag:s18] =	ssyncset.done $0x0  }
0x12c: {  	s6 =	sadd.s32 $0x16420, s2;
	[sflag:s18] =	ssyncadd.s32 $0xFFFFFD80  }
0x12d: {  	[tilespmem:s15], [sflag:$0x5] =	stream.indirect.gather [hbm4b:s1+s7], $0x80, s6, s7, $0xb8;
	[tilespmem:$0x1D9A0] =	vst v63  }
0x12e: {  	_ =	swait.ge [sflag:s16], $0x1400  }
0x12f: {  	[sflag:s16] =	ssyncset.done $0x0  }
0x130: {  	s8 =	sadd.s32 $0x16B50, s2;
	[sflag:s16] =	ssyncadd.s32 $0xFFFFEC00  }
0x131: {  	[spmem:s4] =	stream.indirect.scatter.add.f32 [tilespmem:s17], [sflag:$0x6], $0x10, s8, s7, $0xb8;
	[tilespmem:$0x1D9A0] =	vst v63  }
0x132: {  	_ = 	snop  }
0x133: {  	[spmem:s3] =	stream.indirect.scatter.add.f32 [tilespmem:s31], [sflag:$0x7], $0x80, s8, s7, $0xb8;
	[tilespmem:$0x1D9A0] =	vst v63  }
0x134: {  	_ =	swait.ge [sflag:s0], $0x1400  }
0x135: {  	[sflag:s0] =	ssyncset.done $0x0  }
0x136: {  	[sflag:s0] =	ssyncadd.s32 $0xFFFFEC00  }
0x137: {  	_ =	swait.ge [sflag:s18], $0x280  }
0x138: {  	[sflag:s18] =	ssyncset.done $0x0  }
0x139: {  	s11 =	sadd.s32 $0x16448, s2;
	[sflag:s18] =	ssyncadd.s32 $0xFFFFFD80  }
0x13a: {  	[tilespmem:s31], [sflag:$0x1] =	stream.indirect.gather [hbm4b:s1+s7], $0x80, s11, s7, $0xb8;
	[tilespmem:$0x1D9A0] =	vst v63  }
0x13b: {  	_ =	swait.ge [sflag:s19], $0x1400  }
0x13c: {  	[sflag:s19] =	ssyncset.done $0x0  }
0x13d: {  	s13 =	sadd.s32 $0x16B78, s2;
	[sflag:s19] =	ssyncadd.s32 $0xFFFFEC00  }
0x13e: {  	[spmem:s4] =	stream.indirect.scatter.add.f32 [tilespmem:s17], [sflag:$0x6], $0x10, s13, s7, $0xb8;
	[tilespmem:$0x1D9A0] =	vst v63  }
0x13f: {  	_ = 	snop  }
0x140: {  	[spmem:s3] =	stream.indirect.scatter.add.f32 [tilespmem:s10], [sflag:$0x7], $0x80, s13, s7, $0xb8;
	[tilespmem:$0x1D9A0] =	vst v63  }
0x141: {  	_ =	swait.ge [sflag:s0], $0x1400  }
0x142: {  	[sflag:s0] =	ssyncset.done $0x0  }
0x143: {  	[sflag:s0] =	ssyncadd.s32 $0xFFFFEC00  }
0x144: {  	_ =	swait.ge [sflag:s18], $0x280  }
0x145: {  	[sflag:s18] =	ssyncset.done $0x0  }
0x146: {  	s8 =	sadd.s32 $0x16470, s2;
	[sflag:s18] =	ssyncadd.s32 $0xFFFFFD80  }
0x147: {  	[tilespmem:s10], [sflag:$0x2] =	stream.indirect.gather [hbm4b:s1+s7], $0x80, s8, s7, $0xb8;
	[tilespmem:$0x1D9A0] =	vst v63  }
0x148: {  	_ =	swait.ge [sflag:s20], $0x1400  }
0x149: {  	[sflag:s20] =	ssyncset.done $0x0  }
0x14a: {  	s11 =	sadd.s32 $0x16BA0, s2;
	[sflag:s20] =	ssyncadd.s32 $0xFFFFEC00  }
0x14b: {  	[spmem:s4] =	stream.indirect.scatter.add.f32 [tilespmem:s17], [sflag:$0x6], $0x10, s11, s7, $0xb8;
	[tilespmem:$0x1D9A0] =	vst v63  }
0x14c: {  	_ = 	snop  }
0x14d: {  	[spmem:s3] =	stream.indirect.scatter.add.f32 [tilespmem:s12], [sflag:$0x7], $0x80, s11, s7, $0xb8;
	[tilespmem:$0x1D9A0] =	vst v63  }
0x14e: {  	_ =	swait.ge [sflag:s0], $0x1400  }
0x14f: {  	[sflag:s0] =	ssyncset.done $0x0  }
0x150: {  	[sflag:s0] =	ssyncadd.s32 $0xFFFFEC00  }
0x151: {  	_ =	swait.ge [sflag:s18], $0x280  }
0x152: {  	[sflag:s18] =	ssyncset.done $0x0  }
0x153: {  	s13 =	sadd.s32 $0x16498, s2;
	[sflag:s18] =	ssyncadd.s32 $0xFFFFFD80  }
0x154: {  	[tilespmem:s12], [sflag:$0x3] =	stream.indirect.gather [hbm4b:s1+s7], $0x80, s13, s7, $0xb8;
	[tilespmem:$0x1D9A0] =	vst v63  }
0x155: {  	_ =	swait.ge [sflag:s21], $0x1400  }
0x156: {  	[sflag:s21] =	ssyncset.done $0x0  }
0x157: {  	s8 =	sadd.s32 $0x16BC8, s2;
	[sflag:s21] =	ssyncadd.s32 $0xFFFFEC00  }
0x158: {  	[spmem:s4] =	stream.indirect.scatter.add.f32 [tilespmem:s17], [sflag:$0x6], $0x10, s8, s7, $0xb8;
	[tilespmem:$0x1D9A0] =	vst v63  }
0x159: {  	_ = 	snop  }
0x15a: {  	[spmem:s3] =	stream.indirect.scatter.add.f32 [tilespmem:s14], [sflag:$0x7], $0x80, s8, s7, $0xb8;
	[tilespmem:$0x1D9A0] =	vst v63  }
0x15b: {  	_ =	swait.ge [sflag:s0], $0x1400  }
0x15c: {  	[sflag:s0] =	ssyncset.done $0x0  }
0x15d: {  	[sflag:s0] =	ssyncadd.s32 $0xFFFFEC00  }
0x15e: {  	_ =	swait.ge [sflag:s18], $0x280  }
0x15f: {  	[sflag:s18] =	ssyncset.done $0x0  }
0x160: {  	s11 =	sadd.s32 $0x164C0, s2;
	[sflag:s18] =	ssyncadd.s32 $0xFFFFFD80  }
0x161: {  	[tilespmem:s14], [sflag:$0x4] =	stream.indirect.gather [hbm4b:s1+s7], $0x80, s11, s7, $0xb8;
	[tilespmem:$0x1D9A0] =	vst v63  }
0x162: {  	_ =	swait.ge [sflag:s22], $0x1400  }
0x163: {  	[sflag:s22] =	ssyncset.done $0x0  }
0x164: {  	s13 =	sadd.s32 $0x16BF0, s2;
	[sflag:s22] =	ssyncadd.s32 $0xFFFFEC00  }
0x165: {  	[spmem:s4] =	stream.indirect.scatter.add.f32 [tilespmem:s17], [sflag:$0x6], $0x10, s13, s7, $0xb8;
	[tilespmem:$0x1D9A0] =	vst v63  }
0x166: {  	_ = 	snop  }
0x167: {  	[spmem:s3] =	stream.indirect.scatter.add.f32 [tilespmem:s15], [sflag:$0x7], $0x80, s13, s7, $0xb8;
	[tilespmem:$0x1D9A0] =	vst v63  }
0x168: {  	_ =	swait.ge [sflag:s0], $0x1400  }
0x169: {  	[sflag:s0] =	ssyncset.done $0x0  }
0x16a: {  	[sflag:s0] =	ssyncadd.s32 $0xFFFFEC00  }
0x16b: {  	_ =	swait.ge [sflag:s18], $0x280  }
0x16c: {  	[sflag:s18] =	ssyncset.done $0x0  }
0x16d: {  	[sflag:s18] =	ssyncadd.s32 $0xFFFFFD80  }
0x16e: {  	[tilespmem:s15], [sflag:$0x5] =	stream.indirect.gather [hbm4b:s1+s7], $0x80, s23, s7, $0xb8;
	[tilespmem:$0x1D9A0] =	vst v63  }
0x16f: {  	_ =	swait.ge [sflag:s16], $0x1400  }
0x170: {  	[sflag:s16] =	ssyncset.done $0x0  }
0x171: {  	[sflag:s16] =	ssyncadd.s32 $0xFFFFEC00  }
0x172: {  	[spmem:s4] =	stream.indirect.scatter.add.f32 [tilespmem:s17], [sflag:$0x6], $0x10, s24, s7, $0xb8;
	[tilespmem:$0x1D9A0] =	vst v63  }
0x173: {  	_ = 	snop  }
0x174: {  	[spmem:s3] =	stream.indirect.scatter.add.f32 [tilespmem:s31], [sflag:$0x7], $0x80, s24, s7, $0xb8;
	[tilespmem:$0x1D9A0] =	vst v63  }
0x175: {  	_ =	swait.ge [sflag:s0], $0x1400  }
0x176: {  	[sflag:s0] =	ssyncset.done $0x0  }
0x177: {  	[sflag:s0] =	ssyncadd.s32 $0xFFFFEC00  }
0x178: {  	_ =	swait.ge [sflag:s18], $0x280  }
0x179: {  	[sflag:s18] =	ssyncset.done $0x0  }
0x17a: {  	[sflag:s18] =	ssyncadd.s32 $0xFFFFFD80  }
0x17b: {  	_ =	swait.ge [sflag:s19], $0x1400  }
0x17c: {  	[sflag:s19] =	ssyncset.done $0x0  }
0x17d: {  	[sflag:s19] =	ssyncadd.s32 $0xFFFFEC00  }
0x17e: {  	[spmem:s4] =	stream.indirect.scatter.add.f32 [tilespmem:s17], [sflag:$0x6], $0x10, s25, s7, $0xb8;
	[tilespmem:$0x1D9A0] =	vst v63  }
0x17f: {  	_ = 	snop  }
0x180: {  	[spmem:s3] =	stream.indirect.scatter.add.f32 [tilespmem:s10], [sflag:$0x7], $0x80, s25, s7, $0xb8;
	[tilespmem:$0x1D9A0] =	vst v63  }
0x181: {  	_ =	swait.ge [sflag:s0], $0x1400  }
0x182: {  	[sflag:s0] =	ssyncset.done $0x0  }
0x183: {  	[sflag:s0] =	ssyncadd.s32 $0xFFFFEC00  }
0x184: {  	_ =	swait.ge [sflag:s18], $0x280  }
0x185: {  	[sflag:s18] =	ssyncset.done $0x0  }
0x186: {  	[sflag:s18] =	ssyncadd.s32 $0xFFFFFD80  }
0x187: {  	_ =	swait.ge [sflag:s20], $0x1400  }
0x188: {  	[sflag:s20] =	ssyncset.done $0x0  }
0x189: {  	[sflag:s20] =	ssyncadd.s32 $0xFFFFEC00  }
0x18a: {  	[spmem:s4] =	stream.indirect.scatter.add.f32 [tilespmem:s17], [sflag:$0x6], $0x10, s26, s7, $0xb8;
	[tilespmem:$0x1D9A0] =	vst v63  }
0x18b: {  	_ = 	snop  }
0x18c: {  	[spmem:s3] =	stream.indirect.scatter.add.f32 [tilespmem:s12], [sflag:$0x7], $0x80, s26, s7, $0xb8;
	[tilespmem:$0x1D9A0] =	vst v63  }
0x18d: {  	_ =	swait.ge [sflag:s0], $0x1400  }
0x18e: {  	[sflag:s0] =	ssyncset.done $0x0  }
0x18f: {  	[sflag:s0] =	ssyncadd.s32 $0xFFFFEC00  }
0x190: {  	_ =	swait.ge [sflag:s18], $0x280  }
0x191: {  	[sflag:s18] =	ssyncset.done $0x0  }
0x192: {  	[sflag:s18] =	ssyncadd.s32 $0xFFFFFD80  }
0x193: {  	_ =	swait.ge [sflag:s21], $0x1400  }
0x194: {  	[sflag:s21] =	ssyncset.done $0x0  }
0x195: {  	[sflag:s21] =	ssyncadd.s32 $0xFFFFEC00  }
0x196: {  	[spmem:s4] =	stream.indirect.scatter.add.f32 [tilespmem:s17], [sflag:$0x6], $0x10, s28, s7, $0xb8;
	[tilespmem:$0x1D9A0] =	vst v63  }
0x197: {  	_ = 	snop  }
0x198: {  	[spmem:s3] =	stream.indirect.scatter.add.f32 [tilespmem:s14], [sflag:$0x7], $0x80, s28, s7, $0xb8;
	[tilespmem:$0x1D9A0] =	vst v63  }
0x199: {  	_ =	swait.ge [sflag:s0], $0x1400  }
0x19a: {  	[sflag:s0] =	ssyncset.done $0x0  }
0x19b: {  	[sflag:s0] =	ssyncadd.s32 $0xFFFFEC00  }
0x19c: {  	_ =	swait.ge [sflag:s18], $0x280  }
0x19d: {  	[sflag:s18] =	ssyncset.done $0x0  }
0x19e: {  	[sflag:s18] =	ssyncadd.s32 $0xFFFFFD80  }
0x19f: {  	_ =	swait.ge [sflag:s22], $0x1400  }
0x1a0: {  	[sflag:s22] =	ssyncset.done $0x0  }
0x1a1: {  	[sflag:s22] =	ssyncadd.s32 $0xFFFFEC00  }
0x1a2: {  	[spmem:s4] =	stream.indirect.scatter.add.f32 [tilespmem:s17], [sflag:$0x6], $0x10, s30, s7, $0xb8;
	[tilespmem:$0x1D9A0] =	vst v63  }
0x1a3: {  	s9 =	sadd.s32 $0x1, s9  }
0x1a4: {  	[spmem:s3] =	stream.indirect.scatter.add.f32 [tilespmem:s15], [sflag:$0x7], $0x80, s30, s7, $0xb8;
	[tilespmem:$0x1D9A0] =	vst v63  }
0x1a5: {  	p0 =	sne.s32 s9, $0x5;
	_ =	swait.ge [sflag:s0], $0x1400  }
.Ltmp1:
0x1a6: {  	[sflag:s0] =	ssyncset.done $0x0;
	(pc) =	sbr.rel @p0 .LBB2_2-.Ltmp1, $4  }
0x1a7: {  	[sflag:s0] =	ssyncadd.s32 $0xFFFFEC00  }
0x1a8: {  	_ =	swait.ge [sflag:s18], $0x280  }
0x1a9: {  	[sflag:s18] =	ssyncset.done $0x0  }
0x1aa: {  	[sflag:s18] =	ssyncadd.s32 $0xFFFFFD80  }
0x1ab: {  	[bflag:$0x0] =	sbarrier.arrive $0xFFFF  }
0x1ac: {  	s13 =	rddreg [dreg:$0x8]  }
0x1ad: {  	s6 =	rddreg [dreg:$0x11]  }
0x1ae: {  	s8 =	rddreg [dreg:$0x1d];
	s2 =	sshrl.u32 s13, $0x3  }
0x1af: {  	[hbm:s6], [sflag:s8] =	dma.local [spmem:s2], $0x2780  }
0x1b0: {  	_ =	swait.ge [sflag:s0], $0x2780  }
0x1b1: {  	[sflag:s0] =	ssyncset.done $0x0;
	s9 =	rddreg [dreg:$0x13]  }
0x1b2: {  	s11 =	rddreg [dreg:$0x1e];
	[sflag:s0] =	ssyncadd.s32 $0xFFFFD880  }
0x1b3: {  	[hbm:s9], [sflag:s8] =	dma.local [spmem:s11], $0x4F0  }
0x1b4: {  	_ =	swait.ge [sflag:s0], $0x4F0  }
0x1b5: {  	s9 =	rddreg [dreg:$0x1c]  }
0x1b6: {  	s11 =	rddreg [dreg:$0x1b];
	s6 =	sadd.s32 $0x1, s9  }
0x1b7: {  	p0 =	sne.s32 s6, s11  }
.Ltmp2:
0x1b8: {  	_ = 	snop;
	(pc) =	sbr.rel @p0 .LBB2_1-.Ltmp2, $3  }
0x1b9: {  	_ =	sdelay $0x1  }
0x1ba: {  	[sflag:s0] =	ssyncset.done $0x0  }
0x1bb: {  	[sflag:s0] =	ssyncadd.s32 $0xFFFFFB10  }
0x1bc: {  	_ =	sfence.sel $0x180000  }
0x1bd: {  	[bflag:$0x0] =	sbarrier.arrive $0xFFFF  }
0x1be: {  	_ =	strace $0x90000047  }
0x1bf: {  	s0 =	stileid.u32;
	[bflag:$0x2] =	sbarrier.arrive $0xFFFF  }
0x1c0: {  	p0 =	sne.s32 s0, $0x0;
	s0 =	rddreg [dreg:$0x5]  }
0x1c1: {  	s0 =	sadd.s32 @!p0 $0x100000, s0  }
0x1c2: {  	[sflag:s0] =	ssyncadd.tile.s32 @!p0 $0x1;
	_ =	shalt  }
.Lfunc_end2:
_tile_overlayer_lowered:
.L_overlay_start_2:
0x1c3: {  	(tag) =	ssettag $0x2  }
0x1c4: {  	s0 =	rddreg [dreg:$0x0];
	s2 =	stileid.u32  }
0x1c5: {  	s1 =	rddreg [dreg:$0x1];
	p0 =	sne.s32 s2, $0x0  }
0x1c6: {  	s3 =	rddreg [dreg:$0x2];
	[bflag:$0x3] =	sbarrier.arrive $0xFFFF;
	s2 =	simm.s32 @!p0 $0x1C07  }
0x1c7: {  	[timem:s3], [sflag:s2] =	dma.local @!p0 [hbm:s0], s1  }
0x1c8: {  	s0 =	simm.s32 @!p0 $0x7  }
0x1c9: {  	_ =	swait.ge @!p0 [sflag:s0], s1  }
0x1ca: {  	s1 =	ssub.s32 @!p0 $0x0, s1;
	[sflag:s0] =	ssyncset.done @!p0 $0x0  }
0x1cb: {  	[sflag:s0] =	ssyncadd.s32 @!p0 s1  }
0x1cc: {  	[bflag:$0x3] =	sbarrier.arrive $0xFFFF  }
0x1cd: {  	_ =	shalt  }

// kernel: kernel.9.cloned.1.call-start
scs
__scs_entry_jumppad:
0x0: {  	(pc) =	sbr.rel $0x88, $3  }
0x1: {  	(tag) =	ssettag $0x0;
	lr =	simm.s32 $0x1  }
0x2: {  	[smem:$0x3F9A] =	sst lr;
	_ =	strace $0xD0000000  }
0x3: {  	_ = 	snop  }
0x4: {  	_ = 	snop  }
0x5: {  	_ = 	snop  }
0x6: {  	_ = 	snop  }
0x7: {  	_ = 	snop  }
__scs_overlays_trampoline_lowered:
0x8: {  	[smem:$0x3FA9] =	sst s0  }
0x9: {  	[smem:$0x3FAA] =	sst s1  }
0xa: {  	[smem:$0x3FAB] =	sst s2  }
0xb: {  	[smem:$0x3FAC] =	sst s3  }
0xc: {  	[smem:$0x3FAD] =	sst s4  }
0xd: {  	[smem:$0x3FAE] =	sst s5  }
0xe: {  	[smem:$0x3FAF] =	sst s6  }
0xf: {  	[smem:$0x3FB0] =	sst s7  }
0x10: {  	[smem:$0x3FB1] =	sst s8  }
0x11: {  	[smem:$0x3FB2] =	sst s9;
	s0 =	simm.s32 @!p0 $0x0  }
0x12: {  	s1 =	sld [smem:$0x3F98];
	s0 =	simm.s32 @p0 $0x1  }
0x13: {  	[smem:$0x3FB3] =	sst s0;
	s0 =	simm.s32 @!p1 $0x0  }
0x14: {  	s2 =	sld [smem:$0x3F97];
	s0 =	simm.s32 @p1 $0x1  }
0x15: {  	[smem:$0x3FB4] =	sst s0;
	s0 =	simm.s32 @!p2 $0x0  }
0x16: {  	s3 =	sld [smem:$0x3FDB];
	s0 =	simm.s32 @p2 $0x1  }
0x17: {  	s4 =	simm.s32 $0x1BF5;
	[smem:$0x3FB6] =	sst s0  }
0x18: {  	s0 =	sld [smem:$0x3F99];
	_ =	swait.ge [sflag:s4], $0x0  }
0x19: {  	s7 =	sld [smem:$0x3F9A]  }
0x1a: {  	s8 =	sadd.s32 $0xFFFFE003, lr  }
0x1b: {  	s9 =	sadd.s32 $0xFFFFFEF7, lr;
	s5 =	simm.s32 $0xFFFFFFFF;
	p2 =	slt.u32 s8, $0xFFFFF086  }
0x1c: {  	p1 =	slt.u32 s9, $0xF7A;
	s5 =	simm.s32 @!p2 $0x0  }
0x1d: {  	s5 =	simm.s32 @p1 $0x1;
	p0 =	seq.s32 s7, s2  }
0x1e: {  	s7 =	smul.u32 @!p0 $0xF7A, s2;
	p2 =	seq.s32 @!p0 s5, $0x0  }
0x1f: {  	s9 =	smul.u32 $0xF7A, s1;
	s8 =	simm.s32 @!p0 $0x1BF5;
	p2 =	por !p2, p0  }
0x20: {  	[sflag:s8] =	ssyncset.s32 @!p0 $0xFFFFF086;
	s6 =	sadd.s32 @!p0 s3, s7;
	s7 =	simm.s32 @!p0 $0x108  }
0x21: {  	s3 =	sadd.s32 s3, s9;
	s6 =	sadd.s32 @!p0 $0x88, s6;
	s7 =	simm.s32 @p2 $0x1082  }
0x22: {  	[simem:s7], [sflag:s8] =	dma.local @!p0 [hbm:s6], $0xF7A  }
0x23: {  	s9 =	sor.u32 $0xD0000000, s2;
	s6 =	simm.s32 $0x108;
	_ =	swait.ge @!p0 [sflag:s8], $0x0  }
0x24: {  	s3 =	sadd.s32 $0x88, s3;
	s6 =	simm.s32 @!p1 $0x1082;
	[sflag:s4] =	ssyncset.s32 $0xFFFFF086  }
0x25: {  	[simem:s6], [sflag:s4] =	dma.local [hbm:s3], $0xF7A  }
0x26: {  	[smem:$0x3F9A] =	sst s1;
	(tag) =	ssettag s2;
	_ =	strace s9  }
0x27: {  	s1 =	sld [smem:$0x3FAA]  }
0x28: {  	s2 =	sld [smem:$0x3FAB]  }
0x29: {  	s4 =	sld [smem:$0x3FAD]  }
0x2a: {  	p0 =	seq.s32 s5, $0x0;
	s5 =	sld [smem:$0x3FAE]  }
0x2b: {  	s6 =	sld [smem:$0x3FAF]  }
0x2c: {  	s7 =	sld [smem:$0x3FB0]  }
0x2d: {  	s3 =	simm.s32 $0x108;
	s8 =	sld [smem:$0x3FB1]  }
0x2e: {  	s3 =	simm.s32 @!p0 $0x1082;
	s9 =	sld [smem:$0x3FB2]  }
0x2f: {  	lr =	sadd.s32 s0, s3;
	s0 =	sld [smem:$0x3FA9]  }
0x30: {  	s3 =	sld [smem:$0x3FAC]  }
0x31: {  	[smem:$0x3FB5] =	sst s10  }
0x32: {  	s10 =	sld [smem:$0x3FB3];
	_ =	sdelay $0x3  }
0x33: {  	p0 =	seq.s32 s10, $0x1;
	s10 =	sld [smem:$0x3FB5];
	_ =	sdelay $0x3  }
0x34: {  	[smem:$0x3FB5] =	sst s10  }
0x35: {  	s10 =	sld [smem:$0x3FB4];
	_ =	sdelay $0x3  }
0x36: {  	p1 =	seq.s32 s10, $0x1;
	s10 =	sld [smem:$0x3FB5];
	_ =	sdelay $0x3  }
0x37: {  	[smem:$0x3FB5] =	sst s10  }
0x38: {  	s10 =	sld [smem:$0x3FB6]  }
0x39: {  	_ = 	snop;
	(pc) =	sbr.ind lr, $3  }
0x3a: {  	_ = 	snop  }
0x3b: {  	_ = 	snop  }
0x3c: {  	p2 =	seq.s32 s10, $0x1;
	s10 =	sld [smem:$0x3FB5]  }
0x3d: {  	_ =	shalt  }
0x3e: {  	_ =	shalt  }
0x3f: {  	_ =	shalt  }
0x40: {  	_ =	shalt  }
0x41: {  	_ =	shalt  }
0x42: {  	_ =	shalt  }
0x43: {  	_ =	shalt  }
0x44: {  	_ =	shalt  }
0x45: {  	_ =	shalt  }
0x46: {  	_ =	shalt  }
0x47: {  	_ =	shalt  }
0x48: {  	_ =	shalt  }
0x49: {  	_ =	shalt  }
0x4a: {  	_ =	shalt  }
0x4b: {  	_ =	shalt  }
0x4c: {  	_ =	shalt  }
0x4d: {  	_ =	shalt  }
0x4e: {  	_ =	shalt  }
0x4f: {  	_ =	shalt  }
0x50: {  	_ =	shalt  }
0x51: {  	_ =	shalt  }
0x52: {  	_ =	shalt  }
0x53: {  	_ =	shalt  }
0x54: {  	_ =	shalt  }
0x55: {  	_ =	shalt  }
0x56: {  	_ =	shalt  }
0x57: {  	_ =	shalt  }
0x58: {  	_ =	shalt  }
0x59: {  	_ =	shalt  }
0x5a: {  	_ =	shalt  }
0x5b: {  	_ =	shalt  }
0x5c: {  	_ =	shalt  }
0x5d: {  	_ =	shalt  }
0x5e: {  	_ =	shalt  }
0x5f: {  	_ =	shalt  }
0x60: {  	_ =	shalt  }
0x61: {  	_ =	shalt  }
0x62: {  	_ =	shalt  }
0x63: {  	_ =	shalt  }
0x64: {  	_ =	shalt  }
0x65: {  	_ =	shalt  }
0x66: {  	_ =	shalt  }
0x67: {  	_ =	shalt  }
0x68: {  	_ =	shalt  }
0x69: {  	_ =	shalt  }
0x6a: {  	_ =	shalt  }
0x6b: {  	_ =	shalt  }
0x6c: {  	_ =	shalt  }
0x6d: {  	_ =	shalt  }
0x6e: {  	_ =	shalt  }
0x6f: {  	_ =	shalt  }
0x70: {  	_ =	shalt  }
0x71: {  	_ =	shalt  }
0x72: {  	_ =	shalt  }
0x73: {  	_ =	shalt  }
0x74: {  	_ =	shalt  }
0x75: {  	_ =	shalt  }
0x76: {  	_ =	shalt  }
0x77: {  	_ =	shalt  }
0x78: {  	_ =	shalt  }
0x79: {  	_ =	shalt  }
0x7a: {  	_ =	shalt  }
0x7b: {  	_ =	shalt  }
0x7c: {  	_ =	shalt  }
0x7d: {  	_ =	shalt  }
0x7e: {  	_ =	shalt  }
0x7f: {  	_ =	shalt  }
0x80: {  	_ =	shalt  }
0x81: {  	_ =	shalt  }
0x82: {  	_ =	shalt  }
0x83: {  	_ =	shalt  }
0x84: {  	_ =	shalt  }
0x85: {  	_ =	shalt  }
0x86: {  	_ =	shalt  }
0x87: {  	_ =	shalt  }
.Lfunc_end0:
.L_simem_size_0:
called_computation.1_lowered:
.L_overlay_start_0:
0x88: {  	s2 =	sld [smem:$0x3FD9]  }
0x89: {  	s3 =	sld [smem:$0x3FFE];
	_ =	sdelay $0x1  }
0x8a: {  	s1 =	srdreg.scid  }
0x8b: {  	s0 =	sand.u32 $0x1, s1  }
0x8c: {  	s17 =	sshll.u32 s0, $0xA;
	s2 =	sadd.s32 s3, s2  }
0x8d: {  	s2 =	sadd.s32 s2, s17  }
0x8e: {  	[smem:$0x3FC1] =	sst s2  }
0x8f: {  	_ = 	snop  }
0x90: {  	s2 =	sld [smem:$0x3FD0];
	(tm) =	ssettm $0x1  }
0x91: {  	s18 =	sld [smem:$0x3FFB];
	_ =	sdelay $0x3  }
0x92: {  	_ =	strace s18  }
0x93: {  	s3 =	sld [smem:$0x3FFC];
	_ =	sdelay $0x3  }
0x94: {  	_ =	strace s3  }
0x95: {  	s3 =	sld [smem:$0x3FFD];
	_ =	sdelay $0x3  }
0x96: {  	_ =	strace s3  }
0x97: {  	_ =	strace $0x8FFFFFFF  }
0x98: {  	s19 =	sld [smem:$0x3FDB];
	_ =	sdelay $0x1  }
0x99: {  	s4 =	simm.s32 $_scs_section_size  }
0x9a: {  	s5 =	simm.s32 $_size__tile_overlayer_lowered;
	s6 =	simm.s32 $_tile_overlayer_lowered  }
0x9b: {  	s22 =	simm.s32 $0x1BFF;
	s21 =	sshll.u32 s6, $0x1;
	s3 =	sadd.s32 s4, s19  }
0x9c: {  	s7 =	simm.s32 $0x0;
	s20 =	sshll.u32 s5, $0x1;
	s5 =	sadd.s32 s21, s3  }
0x9d: {  	[timem:s7], [sflag:s22] =	dma.local [hbm:s5], s20  }
0x9e: {  	_ =	swait.ge [sflag:s22], s20  }
0x9f: {  	s4 =	ssub.s32 $0x0, s20;
	[sflag:s22] =	ssyncset.done $0x0  }
0xa0: {  	[sflag:s22] =	ssyncadd.s32 s4;
	_ =	sdelay $0x1  }
0xa1: {  	s23 =	simm.s32 $0x1B8B  }
0xa2: {  	_ =	swait.ge [sflag:s23], $0x1  }
0xa3: {  	[sflag:s23] =	ssyncset.done $0x0  }
0xa4: {  	s25 =	simm.s32 $0x1B8E;
	s24 =	sld [smem:$0x3FFE];
	[sflag:s23] =	ssyncadd.s32 $0xFFFFFFFF  }
0xa5: {  	s26 =	simm.s32 $execute0_lowered;
	[smem:$0x3FD2] =	sst s25  }
0xa6: {  	s5 =	sshll.u32 s26, $0x1;
	_ =	strace $0x80000049;
	[dreg:$0x1] =	wrdreg $0xFFFFFFFF  }
0xa7: {  	s28 =	simm.s32 $_size_execute0_lowered;
	s3 =	sadd.s32 s3, s5;
	[dreg:$0x0] =	wrdreg $0x0  }
0xa8: {  	s5 =	sshll.u32 s28, $0x1;
	[dreg:$0x2] =	wrdreg s3  }
0xa9: {  	[dreg:$0x3] =	wrdreg s5  }
0xaa: {  	[dreg:$0x4] =	wrdreg $0xC0  }
0xab: {  	_ =	task [dreg:s7], $0x5FFFF  }
0xac: {  	[dreg:$0x1] =	wrdreg $0xFFFFFFFF  }
0xad: {  	[dreg:$0x0] =	wrdreg $0x60  }
0xae: {  	[dreg:$0x2] =	wrdreg s24  }
0xaf: {  	[dreg:$0x3] =	wrdreg s2  }
0xb0: {  	[dreg:$0x4] =	wrdreg $0x0  }
0xb1: {  	[dreg:$0x5] =	wrdreg $0x9E000  }
0xb2: {  	[dreg:$0x6] =	wrdreg $0x9  }
0xb3: {  	_ =	task.clear_ibuf [dreg:s7], $0x7FFFF;
	_ =	strace $0x90000049  }
0xb4: {  	s29 =	simm.s32 $0x9;
	_ =	strace $0x8000004B  }
0xb5: {  	_ =	swait.ge [sflag:s29], $0x1  }
0xb6: {  	[sflag:s29] =	ssyncadd.s32 $0xFFFFFFFF  }
0xb7: {  	_ =	strace $0x9000004B  }
0xb8: {  	_ =	sfence  }
0xb9: {  	s30 =	sld [smem:$0x0];
	_ =	sdelay $0x2  }
0xba: {  	s31 =	sshll.u32 s1, $0xD;
	s1 =	sshrl.u32 s1, $0x2  }
0xbb: {  	s3 =	sand.u32 $0x4000, s31;
	s1 =	sadd.s32 s1, s30  }
0xbc: {  	s0 =	sor.u32 s3, s0;
	s1 =	sshll.u32 s1, $0x11  }
0xbd: {  	s0 =	sor.u32 s1, s0  }
0xbe: {  	s0 =	sadd.s32 $0x8F2B, s0  }
0xbf: {  	[sflag:s0] =	ssyncadd.remote.s32 $0x1  }
0xc0: {  	_ =	sfence.sel $0xFFFF  }
0xc1: {  	[dreg:$0x0] =	wrdreg $0xFFFFFFFF;
	(pc) =	sbr.abs _section_cstart, $3  }
0xc2: {  	[dreg:$0x1] =	wrdreg $0xFFFFFFFF  }
0xc3: {  	_ =	task.clear_ibuf [dreg:s7], $0x2FFFF;
	_ =	strace $0x9FFFFFFF  }
0xc4: {  	(tm) =	ssettm $0x7FFFFFFF  }
0xc5: {  	_ =	shalt  }
tec
execute0_lowered:
.L_overlay_start_1:
0x0: {  	(tag) =	ssettag $0x1  }
0x1: {  	s0 =	rddreg [dreg:$0x0]  }
0x2: {  	s3 =	rddreg [dreg:$0x1]  }
0x3: {  	s1 =	rddreg [dreg:$0x2]  }
0x4: {  	s2 =	rddreg [dreg:$0x3];
	s4 =	simm.s32 $0x0  }
0x5: {  	s14 =	stileid.u32;
	s17 =	srdreg.scid;
	s29 =	simm.s32 $0xE920  }
0x6: {  	s31 =	simm.s32 $0xFD20;
	[smem:$0x7FF] =	sst s4;
	s5 =	sadd.s32 $0x3C00, s0  }
0x7: {  	s6 =	sadd.s32 $0x5CC00, s0;
	s15 =	sadd.s32 $0x3800, s0;
	s16 =	sadd.s32 $0x3200, s0  }
0x8: {  	s7 =	smul.u32 $0x27800, s14;
	s8 =	sadd.s32 $0x21600, s0;
	s9 =	sadd.s32 $0x1C600, s0  }
0x9: {  	s4 =	sand.u32 $0x1, s17;
	s11 =	smul.u32 $0x9E00, s14;
	s0 =	sadd.s32 $0x17600, s0  }
0xa: {  	s23 =	smul.u32 $0x2780, s14;
	_ =	strace $0x8000004A;
	[dreg:$0x5] =	wrdreg s15  }
0xb: {  	s17 =	simm.s32 $0xD3E0;
	[dreg:$0x6] =	wrdreg s16;
	s10 =	ssub.s32 $0x2, s4  }
0xc: {  	s13 =	sshll.u32 s4, $0x4;
	p0 =	seq.s32 s4, $0x1;
	s4 =	simm.s32 $0x12520  }
0xd: {  	s7 =	sshrl.u32 s7, $0x2;
	s12 =	sshrl.u32 s10, $0x1;
	s15 =	sadd.s32 s11, s1  }
0xe: {  	s24 =	sor.u32 s14, s13;
	s25 =	sadd.s32 s23, s2;
	s26 =	sshrl.u32 s11, $0x3  }
0xf: {  	s28 =	sshrl.u32 s23, $0x3;
	s3 =	smov.u32 @p0 s8;
	s9 =	smov.u32 @p0 s0  }
0x10: {  	s23 =	simm.s32 $0x7;
	s8 =	simm.s32 $0x13920;
	[dreg:$0xf] =	wrdreg s25  }
0x11: {  	s11 =	simm.s32 $0x2;
	s3 =	sadd.s32 s3, s26;
	[dreg:$0x7] =	wrdreg s15  }
0x12: {  	s7 =	sadd.s32 s7, s1;
	s0 =	sadd.s32 s9, s28;
	[dreg:$0x11] =	wrdreg s3  }
0x13: {  	s13 =	simm.s32 $0x4;
	s18 =	sadd.s32 $0x1400, s7;
	[dreg:$0x12] =	wrdreg s0  }
0x14: {  	s14 =	simm.s32 $0x5;
	s19 =	sadd.s32 $0x2800, s7;
	[dreg:$0x8] =	wrdreg s18  }
0x15: {  	s10 =	ssub.s32 s10, s12;
	s20 =	sadd.s32 $0x3C00, s7;
	[dreg:$0x9] =	wrdreg s19  }
0x16: {  	s26 =	simm.s32 $0x50;
	s21 =	sadd.s32 $0x5000, s7;
	[dreg:$0xa] =	wrdreg s20  }
0x17: {  	s12 =	simm.s32 $0x3;
	s22 =	sadd.s32 $0x6400, s7;
	[dreg:$0xb] =	wrdreg s21  }
0x18: {  	s9 =	simm.s32 $0x0;
	s16 =	sadd.s32 $0x7800, s7;
	[dreg:$0xc] =	wrdreg s22  }
0x19: {  	s7 =	sadd.s32 $0x8C00, s7;
	s30 =	smax.u32 s10, $0x1;
	[dreg:$0xd] =	wrdreg s16  }
0x1a: {  	s3 =	simm.s32 $0x11120;
	s10 =	simm.s32 $0x6;
	[dreg:$0xe] =	wrdreg s7  }
0x1b: {  	s18 =	smul.u32 $0x7D, s24;
	[dreg:$0x10] =	wrdreg s30;
	s22 =	simm.s32 $0xD520  }
0x1c: {  	s24 =	simm.s32 $0xC580;
	s7 =	simm.s32 $0x1;
	s16 =	simm.s32 $0xD390  }
0x1d: {  	v0 =	vimm.f32 $1.000000000e+00;
	s19 =	simm.s32 $0xD430;
	s20 =	simm.s32 $0xD480;
	s21 =	simm.s32 $0xD4D0  }
.LBB2_1:
0x1e: {  	[tilespmem:$0x13920] =	vst v0  }
0x1f: {  	[tilespmem:$0x13930] =	vst v0  }
0x20: {  	[tilespmem:$0x13940] =	vst v0  }
0x21: {  	[tilespmem:$0x13950] =	vst v0  }
0x22: {  	[tilespmem:$0x13960] =	vst v0  }
0x23: {  	[tilespmem:$0x13970] =	vst v0  }
0x24: {  	[tilespmem:$0x13980] =	vst v0  }
0x25: {  	[tilespmem:$0x13990] =	vst v0  }
0x26: {  	[tilespmem:$0x139A0] =	vst v0  }
0x27: {  	[tilespmem:$0x139B0] =	vst v0  }
0x28: {  	[tilespmem:$0x139C0] =	vst v0  }
0x29: {  	[tilespmem:$0x139D0] =	vst v0  }
0x2a: {  	[tilespmem:$0x139E0] =	vst v0  }
0x2b: {  	[tilespmem:$0x139F0] =	vst v0  }
0x2c: {  	[tilespmem:$0x13A00] =	vst v0  }
0x2d: {  	[tilespmem:$0x13A10] =	vst v0  }
0x2e: {  	[tilespmem:$0x13A20] =	vst v0  }
0x2f: {  	[tilespmem:$0x13A30] =	vst v0  }
0x30: {  	[tilespmem:$0x13A40] =	vst v0  }
0x31: {  	[tilespmem:$0x13A50] =	vst v0  }
0x32: {  	[tilespmem:$0x13A60] =	vst v0  }
0x33: {  	[tilespmem:$0x13A70] =	vst v0  }
0x34: {  	[tilespmem:$0x13A80] =	vst v0  }
0x35: {  	[tilespmem:$0x13A90] =	vst v0  }
0x36: {  	[tilespmem:$0x13AA0] =	vst v0  }
0x37: {  	[tilespmem:$0x13AB0] =	vst v0  }
0x38: {  	[tilespmem:$0x13AC0] =	vst v0  }
0x39: {  	[tilespmem:$0x13AD0] =	vst v0  }
0x3a: {  	[tilespmem:$0x13AE0] =	vst v0  }
0x3b: {  	[tilespmem:$0x13AF0] =	vst v0  }
0x3c: {  	[tilespmem:$0x13B00] =	vst v0  }
0x3d: {  	[tilespmem:$0x13B10] =	vst v0  }
0x3e: {  	[tilespmem:$0x13B20] =	vst v0  }
0x3f: {  	[tilespmem:$0x13B30] =	vst v0  }
0x40: {  	[tilespmem:$0x13B40] =	vst v0  }
0x41: {  	[tilespmem:$0x13B50] =	vst v0  }
0x42: {  	[tilespmem:$0x13B60] =	vst v0  }
0x43: {  	[tilespmem:$0x13B70] =	vst v0  }
0x44: {  	[tilespmem:$0x13B80] =	vst v0  }
0x45: {  	[tilespmem:$0x13B90] =	vst v0  }
0x46: {  	[tilespmem:$0x13BA0] =	vst v0  }
0x47: {  	[tilespmem:$0x13BB0] =	vst v0  }
0x48: {  	[tilespmem:$0x13BC0] =	vst v0  }
0x49: {  	[tilespmem:$0x13BD0] =	vst v0  }
0x4a: {  	[tilespmem:$0x13BE0] =	vst v0  }
0x4b: {  	[tilespmem:$0x13BF0] =	vst v0  }
0x4c: {  	[tilespmem:$0x13C00] =	vst v0  }
0x4d: {  	[tilespmem:$0x13C10] =	vst v0  }
0x4e: {  	[tilespmem:$0x13C20] =	vst v0  }
0x4f: {  	[tilespmem:$0x13C30] =	vst v0  }
0x50: {  	[tilespmem:$0x13C40] =	vst v0  }
0x51: {  	[tilespmem:$0x13C50] =	vst v0  }
0x52: {  	[tilespmem:$0x13C60] =	vst v0  }
0x53: {  	[tilespmem:$0x13C70] =	vst v0  }
0x54: {  	[tilespmem:$0x13C80] =	vst v0  }
0x55: {  	[tilespmem:$0x13C90] =	vst v0  }
0x56: {  	[tilespmem:$0x13CA0] =	vst v0  }
0x57: {  	[tilespmem:$0x13CB0] =	vst v0  }
0x58: {  	[tilespmem:$0x13CC0] =	vst v0  }
0x59: {  	[tilespmem:$0x13CD0] =	vst v0  }
0x5a: {  	[tilespmem:$0x13CE0] =	vst v0  }
0x5b: {  	[tilespmem:$0x13CF0] =	vst v0  }
0x5c: {  	[tilespmem:$0x13D00] =	vst v0  }
0x5d: {  	[tilespmem:$0x13D10] =	vst v0  }
0x5e: {  	[tilespmem:$0x13D20] =	vst v0  }
0x5f: {  	[tilespmem:$0x13D30] =	vst v0  }
0x60: {  	[tilespmem:$0x13D40] =	vst v0  }
0x61: {  	[tilespmem:$0x13D50] =	vst v0  }
0x62: {  	[tilespmem:$0x13D60] =	vst v0  }
0x63: {  	[tilespmem:$0x13D70] =	vst v0  }
0x64: {  	[tilespmem:$0x13D80] =	vst v0  }
0x65: {  	[tilespmem:$0x13D90] =	vst v0  }
0x66: {  	[tilespmem:$0x13DA0] =	vst v0  }
0x67: {  	[tilespmem:$0x13DB0] =	vst v0  }
0x68: {  	[tilespmem:$0x13DC0] =	vst v0  }
0x69: {  	[tilespmem:$0x13DD0] =	vst v0  }
0x6a: {  	[tilespmem:$0x13DE0] =	vst v0  }
0x6b: {  	[tilespmem:$0x13DF0] =	vst v0  }
0x6c: {  	[dreg:$0x13] =	wrdreg s9;
	[tilespmem:$0x13E00] =	vst v0  }
0x6d: {  	[tilespmem:$0x13E10] =	vst v0;
	s0 =	simm.s32 $0x0;
	s25 =	rddreg [dreg:$0x5]  }
0x6e: {  	[tilespmem:s22], [sflag:$0x7] =	stream.linear.gather [hbm4b:s25+s0], $0x1400, $0x38;
	[tilespmem:$0x13E20] =	vst v63  }
0x6f: {  	_ =	swait.ge [sflag:s23], $0x1400  }
0x70: {  	[sflag:s23] =	ssyncset.done $0x0  }
0x71: {  	[sflag:s23] =	ssyncadd.s32 $0xFFFFEC00  }
0x72: {  	[spmem:s15] =	stream.linear.scatter [tilespmem:s22], [sflag:$0x7], $0x1400, $0x38;
	[tilespmem:$0x13E20] =	vst v63  }
0x73: {  	_ =	swait.ge [sflag:s23], $0x1400  }
0x74: {  	[sflag:s23] =	ssyncset.done $0x0  }
0x75: {  	s28 =	rddreg [dreg:$0x8];
	[sflag:s23] =	ssyncadd.s32 $0xFFFFEC00  }
0x76: {  	[spmem:s28] =	stream.linear.scatter [tilespmem:s22], [sflag:$0x7], $0x1400, $0x38;
	[tilespmem:$0x13E20] =	vst v63  }
0x77: {  	_ =	swait.ge [sflag:s23], $0x1400  }
0x78: {  	[sflag:s23] =	ssyncset.done $0x0  }
0x79: {  	s30 =	rddreg [dreg:$0x9];
	[sflag:s23] =	ssyncadd.s32 $0xFFFFEC00  }
0x7a: {  	[spmem:s30] =	stream.linear.scatter [tilespmem:s22], [sflag:$0x7], $0x1400, $0x38;
	[tilespmem:$0x13E20] =	vst v63  }
0x7b: {  	_ =	swait.ge [sflag:s23], $0x1400  }
0x7c: {  	[sflag:s23] =	ssyncset.done $0x0  }
0x7d: {  	s9 =	rddreg [dreg:$0xa];
	[sflag:s23] =	ssyncadd.s32 $0xFFFFEC00  }
0x7e: {  	[spmem:s9] =	stream.linear.scatter [tilespmem:s22], [sflag:$0x7], $0x1400, $0x38;
	[tilespmem:$0x13E20] =	vst v63  }
0x7f: {  	_ =	swait.ge [sflag:s23], $0x1400  }
0x80: {  	[sflag:s23] =	ssyncset.done $0x0  }
0x81: {  	s15 =	rddreg [dreg:$0xb];
	[sflag:s23] =	ssyncadd.s32 $0xFFFFEC00  }
0x82: {  	[spmem:s15] =	stream.linear.scatter [tilespmem:s22], [sflag:$0x7], $0x1400, $0x38;
	[tilespmem:$0x13E20] =	vst v63  }
0x83: {  	_ =	swait.ge [sflag:s23], $0x1400  }
0x84: {  	[sflag:s23] =	ssyncset.done $0x0  }
0x85: {  	s25 =	rddreg [dreg:$0xc];
	[sflag:s23] =	ssyncadd.s32 $0xFFFFEC00  }
0x86: {  	[spmem:s25] =	stream.linear.scatter [tilespmem:s22], [sflag:$0x7], $0x1400, $0x38;
	[tilespmem:$0x13E20] =	vst v63  }
0x87: {  	_ =	swait.ge [sflag:s23], $0x1400  }
0x88: {  	[sflag:s23] =	ssyncset.done $0x0  }
0x89: {  	s28 =	rddreg [dreg:$0xd];
	[sflag:s23] =	ssyncadd.s32 $0xFFFFEC00  }
0x8a: {  	[spmem:s28] =	stream.linear.scatter [tilespmem:s22], [sflag:$0x7], $0x1400, $0x38;
	[tilespmem:$0x13E20] =	vst v63  }
0x8b: {  	s9 =	stileid.u32;
	_ =	swait.ge [sflag:s23], $0x1400  }
0x8c: {  	s0 =	sshll.u32 s9, $0x6;
	[sflag:s23] =	ssyncset.done $0x0  }
0x8d: {  	s15 =	sor.u32 $0x1C07, s0;
	s30 =	rddreg [dreg:$0xe];
	[sflag:s23] =	ssyncadd.s32 $0xFFFFEC00  }
0x8e: {  	[spmem:s30] =	stream.linear.scatter [tilespmem:s22], [sflag:$0x7], $0x1200, $0x38;
	[tilespmem:$0x13E20] =	vst v63  }
0x8f: {  	_ =	swait.ge [sflag:s23], $0x1200;
	[dreg:$0x14] =	wrdreg s15  }
0x90: {  	s25 =	rddreg [dreg:$0xf]  }
0x91: {  	[sflag:s23] =	ssyncset.done $0x0;
	s30 =	rddreg [dreg:$0x6];
	s28 =	sshrl.u32 s25, $0x3  }
0x92: {  	[sflag:s23] =	ssyncadd.s32 $0xFFFFEE00;
	[dreg:$0x15] =	wrdreg s28  }
0x93: {  	[spmem:s28], [sflag:s15] =	dma.local [hbm:s30], $0x4F0  }
0x94: {  	_ =	swait.ge [sflag:s23], $0x4F0  }
0x95: {  	[sflag:s23] =	ssyncset.done $0x0  }
0x96: {  	[sflag:s23] =	ssyncadd.s32 $0xFFFFFB10  }
0x97: {  	s9 =	simm.s32 $0x0;
	[bflag:$0x0] =	sbarrier.arrive $0xFFFF  }
.LBB2_2:
0x98: {  	s0 =	smul.u32 $0x19, s9;
	_ =	sdelay $0x1  }
0x99: {  	s0 =	sadd.s32 s18, s0  }
0x9a: {  	s0 =	smul.u32 $0x50, s0;
	_ =	sdelay $0x1  }
0x9b: {  	s0 =	sshrl.u32 s0, $0x3  }
0x9c: {  	s25 =	simm.s32 $0x0;
	s0 =	sadd.s32 s6, s0  }
0x9d: {  	[tilespmem:s24], [sflag:$0x7] =	stream.linear.gather [hbm4b:s0+s25], $0x7D0, $0x38;
	[tilespmem:$0x13E20] =	vst v63  }
0x9e: {  	_ =	swait.ge [sflag:s23], $0x7D0  }
0x9f: {  	[sflag:s23] =	ssyncset.done $0x0  }
0xa0: {  	s15 =	simm.s32 $0xCD50;
	s0 =	sadd.s32 $0x9C40, s0;
	[sflag:s23] =	ssyncadd.s32 $0xFFFFF830  }
0xa1: {  	[tilespmem:s15], [sflag:$0x7] =	stream.linear.gather [hbm4b:s0+s25], $0x7D0, $0x38;
	[tilespmem:$0x13E20] =	vst v63  }
0xa2: {  	_ =	swait.ge [sflag:s23], $0x7D0  }
0xa3: {  	[sflag:s23] =	ssyncset.done $0x0  }
0xa4: {  	[sflag:s23] =	ssyncadd.s32 $0xFFFFF830  }
0xa5: {  	[tilespmem:s22], [sflag:$0x1] =	stream.indirect.gather [hbm4b:s5+s26], $0x40, s24, s26, $0xb8;
	[tilespmem:$0x13E20] =	vst v63  }
0xa6: {  	s30 =	simm.s32 $0xC5D0  }
0xa7: {  	[tilespmem:s29], [sflag:$0x2] =	stream.indirect.gather [hbm4b:s5+s26], $0x40, s30, s26, $0xb8;
	[tilespmem:$0x13E20] =	vst v63  }
0xa8: {  	s15 =	simm.s32 $0xC620  }
0xa9: {  	[tilespmem:s31], [sflag:$0x3] =	stream.indirect.gather [hbm4b:s5+s26], $0x40, s15, s26, $0xb8;
	[tilespmem:$0x13E20] =	vst v63  }
0xaa: {  	s25 =	simm.s32 $0xC670  }
0xab: {  	[tilespmem:s3], [sflag:$0x4] =	stream.indirect.gather [hbm4b:s5+s26], $0x40, s25, s26, $0xb8;
	[tilespmem:$0x13E20] =	vst v63  }
0xac: {  	s30 =	simm.s32 $0xC6C0  }
0xad: {  	[tilespmem:s4], [sflag:$0x5] =	stream.indirect.gather [hbm4b:s5+s26], $0x40, s30, s26, $0xb8;
	[tilespmem:$0x13E20] =	vst v63  }
0xae: {  	_ =	swait.ge [sflag:s7], $0x1400  }
0xaf: {  	[sflag:s7] =	ssyncset.done $0x0  }
0xb0: {  	s15 =	simm.s32 $0xCD50;
	[sflag:s7] =	ssyncadd.s32 $0xFFFFEC00  }
0xb1: {  	[spmem:s2] =	stream.indirect.scatter.add.f32 [tilespmem:s8], [sflag:$0x6], $0x10, s15, s26, $0xb8;
	[tilespmem:$0x13E20] =	vst v63  }
0xb2: {  	_ = 	snop  }
0xb3: {  	[spmem:s1] =	stream.indirect.scatter.add.f32 [tilespmem:s22], [sflag:$0x7], $0x40, s15, s26, $0xb8;
	[tilespmem:$0x13E20] =	vst v63  }
0xb4: {  	_ =	swait.ge [sflag:s23], $0x1400  }
0xb5: {  	[sflag:s23] =	ssyncset.done $0x0  }
0xb6: {  	[sflag:s23] =	ssyncadd.s32 $0xFFFFEC00  }
0xb7: {  	_ =	swait.ge [sflag:s10], $0x500  }
0xb8: {  	[sflag:s10] =	ssyncset.done $0x0  }
0xb9: {  	s25 =	simm.s32 $0xC710;
	[sflag:s10] =	ssyncadd.s32 $0xFFFFFB00  }
0xba: {  	[tilespmem:s22], [sflag:$0x1] =	stream.indirect.gather [hbm4b:s5+s26], $0x40, s25, s26, $0xb8;
	[tilespmem:$0x13E20] =	vst v63  }
0xbb: {  	_ =	swait.ge [sflag:s11], $0x1400  }
0xbc: {  	[sflag:s11] =	ssyncset.done $0x0  }
0xbd: {  	s30 =	simm.s32 $0xCDA0;
	[sflag:s11] =	ssyncadd.s32 $0xFFFFEC00  }
0xbe: {  	[spmem:s2] =	stream.indirect.scatter.add.f32 [tilespmem:s8], [sflag:$0x6], $0x10, s30, s26, $0xb8;
	[tilespmem:$0x13E20] =	vst v63  }
0xbf: {  	_ = 	snop  }
0xc0: {  	[spmem:s1] =	stream.indirect.scatter.add.f32 [tilespmem:s29], [sflag:$0x7], $0x40, s30, s26, $0xb8;
	[tilespmem:$0x13E20] =	vst v63  }
0xc1: {  	_ =	swait.ge [sflag:s23], $0x1400  }
0xc2: {  	[sflag:s23] =	ssyncset.done $0x0  }
0xc3: {  	[sflag:s23] =	ssyncadd.s32 $0xFFFFEC00  }
0xc4: {  	_ =	swait.ge [sflag:s10], $0x500  }
0xc5: {  	[sflag:s10] =	ssyncset.done $0x0  }
0xc6: {  	s15 =	simm.s32 $0xC760;
	[sflag:s10] =	ssyncadd.s32 $0xFFFFFB00  }
0xc7: {  	[tilespmem:s29], [sflag:$0x2] =	stream.indirect.gather [hbm4b:s5+s26], $0x40, s15, s26, $0xb8;
	[tilespmem:$0x13E20] =	vst v63  }
0xc8: {  	_ =	swait.ge [sflag:s12], $0x1400  }
0xc9: {  	[sflag:s12] =	ssyncset.done $0x0  }
0xca: {  	s25 =	simm.s32 $0xCDF0;
	[sflag:s12] =	ssyncadd.s32 $0xFFFFEC00  }
0xcb: {  	[spmem:s2] =	stream.indirect.scatter.add.f32 [tilespmem:s8], [sflag:$0x6], $0x10, s25, s26, $0xb8;
	[tilespmem:$0x13E20] =	vst v63  }
0xcc: {  	_ = 	snop  }
0xcd: {  	[spmem:s1] =	stream.indirect.scatter.add.f32 [tilespmem:s31], [sflag:$0x7], $0x40, s25, s26, $0xb8;
	[tilespmem:$0x13E20] =	vst v63  }
0xce: {  	_ =	swait.ge [sflag:s23], $0x1400  }
0xcf: {  	[sflag:s23] =	ssyncset.done $0x0  }
0xd0: {  	[sflag:s23] =	ssyncadd.s32 $0xFFFFEC00  }
0xd1: {  	_ =	swait.ge [sflag:s10], $0x500  }
0xd2: {  	[sflag:s10] =	ssyncset.done $0x0  }
0xd3: {  	s30 =	simm.s32 $0xC7B0;
	[sflag:s10] =	ssyncadd.s32 $0xFFFFFB00  }
0xd4: {  	[tilespmem:s31], [sflag:$0x3] =	stream.indirect.gather [hbm4b:s5+s26], $0x40, s30, s26, $0xb8;
	[tilespmem:$0x13E20] =	vst v63  }
0xd5: {  	_ =	swait.ge [sflag:s13], $0x1400  }
0xd6: {  	[sflag:s13] =	ssyncset.done $0x0  }
0xd7: {  	s15 =	simm.s32 $0xCE40;
	[sflag:s13] =	ssyncadd.s32 $0xFFFFEC00  }
0xd8: {  	[spmem:s2] =	stream.indirect.scatter.add.f32 [tilespmem:s8], [sflag:$0x6], $0x10, s15, s26, $0xb8;
	[tilespmem:$0x13E20] =	vst v63  }
0xd9: {  	_ = 	snop  }
0xda: {  	[spmem:s1] =	stream.indirect.scatter.add.f32 [tilespmem:s3], [sflag:$0x7], $0x40, s15, s26, $0xb8;
	[tilespmem:$0x13E20] =	vst v63  }
0xdb: {  	_ =	swait.ge [sflag:s23], $0x1400  }
0xdc: {  	[sflag:s23] =	ssyncset.done $0x0  }
0xdd: {  	[sflag:s23] =	ssyncadd.s32 $0xFFFFEC00  }
0xde: {  	_ =	swait.ge [sflag:s10], $0x500  }
0xdf: {  	[sflag:s10] =	ssyncset.done $0x0  }
0xe0: {  	s25 =	simm.s32 $0xC800;
	[sflag:s10] =	ssyncadd.s32 $0xFFFFFB00  }
0xe1: {  	[tilespmem:s3], [sflag:$0x4] =	stream.indirect.gather [hbm4b:s5+s26], $0x40, s25, s26, $0xb8;
	[tilespmem:$0x13E20] =	vst v63  }
0xe2: {  	_ =	swait.ge [sflag:s14], $0x1400  }
0xe3: {  	[sflag:s14] =	ssyncset.done $0x0  }
0xe4: {  	s30 =	simm.s32 $0xCE90;
	[sflag:s14] =	ssyncadd.s32 $0xFFFFEC00  }
0xe5: {  	[spmem:s2] =	stream.indirect.scatter.add.f32 [tilespmem:s8], [sflag:$0x6], $0x10, s30, s26, $0xb8;
	[tilespmem:$0x13E20] =	vst v63  }
0xe6: {  	_ = 	snop  }
0xe7: {  	[spmem:s1] =	stream.indirect.scatter.add.f32 [tilespmem:s4], [sflag:$0x7], $0x40, s30, s26, $0xb8;
	[tilespmem:$0x13E20] =	vst v63  }
0xe8: {  	_ =	swait.ge [sflag:s23], $0x1400  }
0xe9: {  	[sflag:s23] =	ssyncset.done $0x0  }
0xea: {  	[sflag:s23] =	ssyncadd.s32 $0xFFFFEC00  }
0xeb: {  	_ =	swait.ge [sflag:s10], $0x500  }
0xec: {  	s28 =	simm.s32 $0xC80;
	s25 =	simm.s32 $0x190;
	[sflag:s10] =	ssyncset.done $0x0  }
.LBB2_3:
0xed: {  	s15 =	sadd.s32 $0xC6C0, s25  }
0xee: {  	[sflag:s10] =	ssyncadd.s32 $0xFFFFFB00;
	s30 =	smov.u32 s28;
	s0 =	sadd.s32 $0x640, s28  }
0xef: {  	[tilespmem:s4], [sflag:$0x5] =	stream.indirect.gather [hbm4b:s5+s26], $0x40, s15, s26, $0xb8;
	[tilespmem:$0x13E20] =	vst v63  }
0xf0: {  	p0 =	sne.s32 s28, $0x12C0;
	_ =	swait.ge [sflag:s7], $0x1400  }
0xf1: {  	[sflag:s7] =	ssyncset.done $0x0  }
0xf2: {  	s15 =	sadd.s32 $0xCD50, s25;
	[sflag:s7] =	ssyncadd.s32 $0xFFFFEC00  }
0xf3: {  	[spmem:s2] =	stream.indirect.scatter.add.f32 [tilespmem:s8], [sflag:$0x6], $0x10, s15, s26, $0xb8;
	[tilespmem:$0x13E20] =	vst v63  }
0xf4: {  	_ = 	snop  }
0xf5: {  	[spmem:s1] =	stream.indirect.scatter.add.f32 [tilespmem:s22], [sflag:$0x7], $0x40, s15, s26, $0xb8;
	[tilespmem:$0x13E20] =	vst v63  }
0xf6: {  	_ =	swait.ge [sflag:s23], $0x1400  }
0xf7: {  	[sflag:s23] =	ssyncset.done $0x0  }
0xf8: {  	[sflag:s23] =	ssyncadd.s32 $0xFFFFEC00  }
0xf9: {  	_ =	swait.ge [sflag:s10], $0x500  }
0xfa: {  	[sflag:s10] =	ssyncset.done $0x0  }
0xfb: {  	s15 =	sadd.s32 $0xC710, s25;
	[sflag:s10] =	ssyncadd.s32 $0xFFFFFB00  }
0xfc: {  	[tilespmem:s22], [sflag:$0x1] =	stream.indirect.gather [hbm4b:s5+s26], $0x40, s15, s26, $0xb8;
	[tilespmem:$0x13E20] =	vst v63  }
0xfd: {  	_ =	swait.ge [sflag:s11], $0x1400  }
0xfe: {  	[sflag:s11] =	ssyncset.done $0x0  }
0xff: {  	s15 =	sadd.s32 $0xCDA0, s25;
	[sflag:s11] =	ssyncadd.s32 $0xFFFFEC00  }
0x100: {  	[spmem:s2] =	stream.indirect.scatter.add.f32 [tilespmem:s8], [sflag:$0x6], $0x10, s15, s26, $0xb8;
	[tilespmem:$0x13E20] =	vst v63  }
0x101: {  	_ = 	snop  }
0x102: {  	[spmem:s1] =	stream.indirect.scatter.add.f32 [tilespmem:s29], [sflag:$0x7], $0x40, s15, s26, $0xb8;
	[tilespmem:$0x13E20] =	vst v63  }
0x103: {  	_ =	swait.ge [sflag:s23], $0x1400  }
0x104: {  	[sflag:s23] =	ssyncset.done $0x0  }
0x105: {  	[sflag:s23] =	ssyncadd.s32 $0xFFFFEC00  }
0x106: {  	_ =	swait.ge [sflag:s10], $0x500  }
0x107: {  	[sflag:s10] =	ssyncset.done $0x0  }
0x108: {  	s15 =	sadd.s32 $0xC760, s25;
	[sflag:s10] =	ssyncadd.s32 $0xFFFFFB00  }
0x109: {  	[tilespmem:s29], [sflag:$0x2] =	stream.indirect.gather [hbm4b:s5+s26], $0x40, s15, s26, $0xb8;
	[tilespmem:$0x13E20] =	vst v63  }
0x10a: {  	_ =	swait.ge [sflag:s12], $0x1400  }
0x10b: {  	[sflag:s12] =	ssyncset.done $0x0  }
0x10c: {  	s15 =	sadd.s32 $0xCDF0, s25;
	[sflag:s12] =	ssyncadd.s32 $0xFFFFEC00  }
0x10d: {  	[spmem:s2] =	stream.indirect.scatter.add.f32 [tilespmem:s8], [sflag:$0x6], $0x10, s15, s26, $0xb8;
	[tilespmem:$0x13E20] =	vst v63  }
0x10e: {  	_ = 	snop  }
0x10f: {  	[spmem:s1] =	stream.indirect.scatter.add.f32 [tilespmem:s31], [sflag:$0x7], $0x40, s15, s26, $0xb8;
	[tilespmem:$0x13E20] =	vst v63  }
0x110: {  	_ =	swait.ge [sflag:s23], $0x1400  }
0x111: {  	[sflag:s23] =	ssyncset.done $0x0  }
0x112: {  	[sflag:s23] =	ssyncadd.s32 $0xFFFFEC00  }
0x113: {  	_ =	swait.ge [sflag:s10], $0x500  }
0x114: {  	[sflag:s10] =	ssyncset.done $0x0  }
0x115: {  	s15 =	sadd.s32 $0xC7B0, s25;
	[sflag:s10] =	ssyncadd.s32 $0xFFFFFB00  }
0x116: {  	[tilespmem:s31], [sflag:$0x3] =	stream.indirect.gather [hbm4b:s5+s26], $0x40, s15, s26, $0xb8;
	[tilespmem:$0x13E20] =	vst v63  }
0x117: {  	_ =	swait.ge [sflag:s13], $0x1400  }
0x118: {  	[sflag:s13] =	ssyncset.done $0x0  }
0x119: {  	s15 =	sadd.s32 $0xCE40, s25;
	[sflag:s13] =	ssyncadd.s32 $0xFFFFEC00  }
0x11a: {  	[spmem:s2] =	stream.indirect.scatter.add.f32 [tilespmem:s8], [sflag:$0x6], $0x10, s15, s26, $0xb8;
	[tilespmem:$0x13E20] =	vst v63  }
0x11b: {  	_ = 	snop  }
0x11c: {  	[spmem:s1] =	stream.indirect.scatter.add.f32 [tilespmem:s3], [sflag:$0x7], $0x40, s15, s26, $0xb8;
	[tilespmem:$0x13E20] =	vst v63  }
0x11d: {  	_ =	swait.ge [sflag:s23], $0x1400  }
0x11e: {  	[sflag:s23] =	ssyncset.done $0x0  }
0x11f: {  	[sflag:s23] =	ssyncadd.s32 $0xFFFFEC00  }
0x120: {  	_ =	swait.ge [sflag:s10], $0x500  }
0x121: {  	[sflag:s10] =	ssyncset.done $0x0  }
0x122: {  	s15 =	sadd.s32 $0xC800, s25;
	[sflag:s10] =	ssyncadd.s32 $0xFFFFFB00  }
0x123: {  	[tilespmem:s3], [sflag:$0x4] =	stream.indirect.gather [hbm4b:s5+s26], $0x40, s15, s26, $0xb8;
	[tilespmem:$0x13E20] =	vst v63  }
0x124: {  	_ =	swait.ge [sflag:s14], $0x1400  }
0x125: {  	[sflag:s14] =	ssyncset.done $0x0  }
0x126: {  	s15 =	sadd.s32 $0xCE90, s25;
	[sflag:s14] =	ssyncadd.s32 $0xFFFFEC00  }
0x127: {  	[spmem:s2] =	stream.indirect.scatter.add.f32 [tilespmem:s8], [sflag:$0x6], $0x10, s15, s26, $0xb8;
	[tilespmem:$0x13E20] =	vst v63  }
0x128: {  	_ = 	snop  }
0x129: {  	[spmem:s1] =	stream.indirect.scatter.add.f32 [tilespmem:s4], [sflag:$0x7], $0x40, s15, s26, $0xb8;
	[tilespmem:$0x13E20] =	vst v63  }
.Ltmp0:
0x12a: {  	_ =	swait.ge [sflag:s23], $0x1400;
	(pc) =	sbr.rel @p0 .LBB2_3-.Ltmp0, $4  }
0x12b: {  	[sflag:s23] =	ssyncset.done $0x0  }
0x12c: {  	[sflag:s23] =	ssyncadd.s32 $0xFFFFEC00  }
0x12d: {  	_ =	swait.ge [sflag:s10], $0x500  }
0x12e: {  	s28 =	smov.u32 s0;
	s25 =	sshra.s32 s30, $0x2;
	[sflag:s10] =	ssyncset.done $0x0  }
0x12f: {  	s0 =	sadd.s32 $0xC6C0, s25;
	[sflag:s10] =	ssyncadd.s32 $0xFFFFFB00  }
0x130: {  	[tilespmem:s4], [sflag:$0x5] =	stream.indirect.gather [hbm4b:s5+s26], $0x40, s0, s26, $0xb8;
	[tilespmem:$0x13E20] =	vst v63  }
0x131: {  	_ =	swait.ge [sflag:s7], $0x1400  }
0x132: {  	[sflag:s7] =	ssyncset.done $0x0  }
0x133: {  	s30 =	sadd.s32 $0xCD50, s25;
	[sflag:s7] =	ssyncadd.s32 $0xFFFFEC00  }
0x134: {  	[spmem:s2] =	stream.indirect.scatter.add.f32 [tilespmem:s8], [sflag:$0x6], $0x10, s30, s26, $0xb8;
	[tilespmem:$0x13E20] =	vst v63  }
0x135: {  	_ = 	snop  }
0x136: {  	[spmem:s1] =	stream.indirect.scatter.add.f32 [tilespmem:s22], [sflag:$0x7], $0x40, s30, s26, $0xb8;
	[tilespmem:$0x13E20] =	vst v63  }
0x137: {  	_ =	swait.ge [sflag:s23], $0x1400  }
0x138: {  	[sflag:s23] =	ssyncset.done $0x0  }
0x139: {  	[sflag:s23] =	ssyncadd.s32 $0xFFFFEC00  }
0x13a: {  	_ =	swait.ge [sflag:s10], $0x500  }
0x13b: {  	[sflag:s10] =	ssyncset.done $0x0  }
0x13c: {  	s15 =	sadd.s32 $0xC710, s25;
	[sflag:s10] =	ssyncadd.s32 $0xFFFFFB00  }
0x13d: {  	[tilespmem:s22], [sflag:$0x1] =	stream.indirect.gather [hbm4b:s5+s26], $0x40, s15, s26, $0xb8;
	[tilespmem:$0x13E20] =	vst v63  }
0x13e: {  	_ =	swait.ge [sflag:s11], $0x1400  }
0x13f: {  	[sflag:s11] =	ssyncset.done $0x0  }
0x140: {  	s28 =	sadd.s32 $0xCDA0, s25;
	[sflag:s11] =	ssyncadd.s32 $0xFFFFEC00  }
0x141: {  	[spmem:s2] =	stream.indirect.scatter.add.f32 [tilespmem:s8], [sflag:$0x6], $0x10, s28, s26, $0xb8;
	[tilespmem:$0x13E20] =	vst v63  }
0x142: {  	_ = 	snop  }
0x143: {  	[spmem:s1] =	stream.indirect.scatter.add.f32 [tilespmem:s29], [sflag:$0x7], $0x40, s28, s26, $0xb8;
	[tilespmem:$0x13E20] =	vst v63  }
0x144: {  	_ =	swait.ge [sflag:s23], $0x1400  }
0x145: {  	[sflag:s23] =	ssyncset.done $0x0  }
0x146: {  	[sflag:s23] =	ssyncadd.s32 $0xFFFFEC00  }
0x147: {  	_ =	swait.ge [sflag:s10], $0x500  }
0x148: {  	[sflag:s10] =	ssyncset.done $0x0  }
0x149: {  	s30 =	sadd.s32 $0xC760, s25;
	[sflag:s10] =	ssyncadd.s32 $0xFFFFFB00  }
0x14a: {  	[tilespmem:s29], [sflag:$0x2] =	stream.indirect.gather [hbm4b:s5+s26], $0x40, s30, s26, $0xb8;
	[tilespmem:$0x13E20] =	vst v63  }
0x14b: {  	_ =	swait.ge [sflag:s12], $0x1400  }
0x14c: {  	[sflag:s12] =	ssyncset.done $0x0  }
0x14d: {  	s15 =	sadd.s32 $0xCDF0, s25;
	[sflag:s12] =	ssyncadd.s32 $0xFFFFEC00  }
0x14e: {  	[spmem:s2] =	stream.indirect.scatter.add.f32 [tilespmem:s8], [sflag:$0x6], $0x10, s15, s26, $0xb8;
	[tilespmem:$0x13E20] =	vst v63  }
0x14f: {  	_ = 	snop  }
0x150: {  	[spmem:s1] =	stream.indirect.scatter.add.f32 [tilespmem:s31], [sflag:$0x7], $0x40, s15, s26, $0xb8;
	[tilespmem:$0x13E20] =	vst v63  }
0x151: {  	_ =	swait.ge [sflag:s23], $0x1400  }
0x152: {  	[sflag:s23] =	ssyncset.done $0x0  }
0x153: {  	[sflag:s23] =	ssyncadd.s32 $0xFFFFEC00  }
0x154: {  	_ =	swait.ge [sflag:s10], $0x500  }
0x155: {  	[sflag:s10] =	ssyncset.done $0x0  }
0x156: {  	s28 =	sadd.s32 $0xC7B0, s25;
	[sflag:s10] =	ssyncadd.s32 $0xFFFFFB00  }
0x157: {  	[tilespmem:s31], [sflag:$0x3] =	stream.indirect.gather [hbm4b:s5+s26], $0x40, s28, s26, $0xb8;
	[tilespmem:$0x13E20] =	vst v63  }
0x158: {  	_ =	swait.ge [sflag:s13], $0x1400  }
0x159: {  	[sflag:s13] =	ssyncset.done $0x0  }
0x15a: {  	s30 =	sadd.s32 $0xCE40, s25;
	[sflag:s13] =	ssyncadd.s32 $0xFFFFEC00  }
0x15b: {  	[spmem:s2] =	stream.indirect.scatter.add.f32 [tilespmem:s8], [sflag:$0x6], $0x10, s30, s26, $0xb8;
	[tilespmem:$0x13E20] =	vst v63  }
0x15c: {  	_ = 	snop  }
0x15d: {  	[spmem:s1] =	stream.indirect.scatter.add.f32 [tilespmem:s3], [sflag:$0x7], $0x40, s30, s26, $0xb8;
	[tilespmem:$0x13E20] =	vst v63  }
0x15e: {  	_ =	swait.ge [sflag:s23], $0x1400  }
0x15f: {  	[sflag:s23] =	ssyncset.done $0x0  }
0x160: {  	[sflag:s23] =	ssyncadd.s32 $0xFFFFEC00  }
0x161: {  	_ =	swait.ge [sflag:s10], $0x500  }
0x162: {  	[sflag:s10] =	ssyncset.done $0x0  }
0x163: {  	s15 =	sadd.s32 $0xC800, s25;
	[sflag:s10] =	ssyncadd.s32 $0xFFFFFB00  }
0x164: {  	[tilespmem:s3], [sflag:$0x4] =	stream.indirect.gather [hbm4b:s5+s26], $0x40, s15, s26, $0xb8;
	[tilespmem:$0x13E20] =	vst v63  }
0x165: {  	_ =	swait.ge [sflag:s14], $0x1400  }
0x166: {  	[sflag:s14] =	ssyncset.done $0x0  }
0x167: {  	s28 =	sadd.s32 $0xCE90, s25;
	[sflag:s14] =	ssyncadd.s32 $0xFFFFEC00  }
0x168: {  	[spmem:s2] =	stream.indirect.scatter.add.f32 [tilespmem:s8], [sflag:$0x6], $0x10, s28, s26, $0xb8;
	[tilespmem:$0x13E20] =	vst v63  }
0x169: {  	_ = 	snop  }
0x16a: {  	[spmem:s1] =	stream.indirect.scatter.add.f32 [tilespmem:s4], [sflag:$0x7], $0x40, s28, s26, $0xb8;
	[tilespmem:$0x13E20] =	vst v63  }
0x16b: {  	_ =	swait.ge [sflag:s23], $0x1400  }
0x16c: {  	[sflag:s23] =	ssyncset.done $0x0  }
0x16d: {  	[sflag:s23] =	ssyncadd.s32 $0xFFFFEC00  }
0x16e: {  	_ =	swait.ge [sflag:s10], $0x500  }
0x16f: {  	[sflag:s10] =	ssyncset.done $0x0  }
0x170: {  	s30 =	simm.s32 $0xCD00;
	[sflag:s10] =	ssyncadd.s32 $0xFFFFFB00  }
0x171: {  	[tilespmem:s4], [sflag:$0x5] =	stream.indirect.gather [hbm4b:s5+s26], $0x40, s30, s26, $0xb8;
	[tilespmem:$0x13E20] =	vst v63  }
0x172: {  	_ =	swait.ge [sflag:s7], $0x1400  }
0x173: {  	[sflag:s7] =	ssyncset.done $0x0  }
0x174: {  	[sflag:s7] =	ssyncadd.s32 $0xFFFFEC00  }
0x175: {  	[spmem:s2] =	stream.indirect.scatter.add.f32 [tilespmem:s8], [sflag:$0x6], $0x10, s16, s26, $0xb8;
	[tilespmem:$0x13E20] =	vst v63  }
0x176: {  	_ = 	snop  }
0x177: {  	[spmem:s1] =	stream.indirect.scatter.add.f32 [tilespmem:s22], [sflag:$0x7], $0x40, s16, s26, $0xb8;
	[tilespmem:$0x13E20] =	vst v63  }
0x178: {  	_ =	swait.ge [sflag:s23], $0x1400  }
0x179: {  	[sflag:s23] =	ssyncset.done $0x0  }
0x17a: {  	[sflag:s23] =	ssyncadd.s32 $0xFFFFEC00  }
0x17b: {  	_ =	swait.ge [sflag:s10], $0x500  }
0x17c: {  	[sflag:s10] =	ssyncset.done $0x0  }
0x17d: {  	[sflag:s10] =	ssyncadd.s32 $0xFFFFFB00  }
0x17e: {  	_ =	swait.ge [sflag:s11], $0x1400  }
0x17f: {  	[sflag:s11] =	ssyncset.done $0x0  }
0x180: {  	[sflag:s11] =	ssyncadd.s32 $0xFFFFEC00  }
0x181: {  	[spmem:s2] =	stream.indirect.scatter.add.f32 [tilespmem:s8], [sflag:$0x6], $0x10, s17, s26, $0xb8;
	[tilespmem:$0x13E20] =	vst v63  }
0x182: {  	_ = 	snop  }
0x183: {  	[spmem:s1] =	stream.indirect.scatter.add.f32 [tilespmem:s29], [sflag:$0x7], $0x40, s17, s26, $0xb8;
	[tilespmem:$0x13E20] =	vst v63  }
0x184: {  	_ =	swait.ge [sflag:s23], $0x1400  }
0x185: {  	[sflag:s23] =	ssyncset.done $0x0  }
0x186: {  	[sflag:s23] =	ssyncadd.s32 $0xFFFFEC00  }
0x187: {  	_ =	swait.ge [sflag:s10], $0x500  }
0x188: {  	[sflag:s10] =	ssyncset.done $0x0  }
0x189: {  	[sflag:s10] =	ssyncadd.s32 $0xFFFFFB00  }
0x18a: {  	_ =	swait.ge [sflag:s12], $0x1400  }
0x18b: {  	[sflag:s12] =	ssyncset.done $0x0  }
0x18c: {  	[sflag:s12] =	ssyncadd.s32 $0xFFFFEC00  }
0x18d: {  	[spmem:s2] =	stream.indirect.scatter.add.f32 [tilespmem:s8], [sflag:$0x6], $0x10, s19, s26, $0xb8;
	[tilespmem:$0x13E20] =	vst v63  }
0x18e: {  	_ = 	snop  }
0x18f: {  	[spmem:s1] =	stream.indirect.scatter.add.f32 [tilespmem:s31], [sflag:$0x7], $0x40, s19, s26, $0xb8;
	[tilespmem:$0x13E20] =	vst v63  }
0x190: {  	_ =	swait.ge [sflag:s23], $0x1400  }
0x191: {  	[sflag:s23] =	ssyncset.done $0x0  }
0x192: {  	[sflag:s23] =	ssyncadd.s32 $0xFFFFEC00  }
0x193: {  	_ =	swait.ge [sflag:s10], $0x500  }
0x194: {  	[sflag:s10] =	ssyncset.done $0x0  }
0x195: {  	[sflag:s10] =	ssyncadd.s32 $0xFFFFFB00  }
0x196: {  	_ =	swait.ge [sflag:s13], $0x1400  }
0x197: {  	[sflag:s13] =	ssyncset.done $0x0  }
0x198: {  	[sflag:s13] =	ssyncadd.s32 $0xFFFFEC00  }
0x199: {  	[spmem:s2] =	stream.indirect.scatter.add.f32 [tilespmem:s8], [sflag:$0x6], $0x10, s20, s26, $0xb8;
	[tilespmem:$0x13E20] =	vst v63  }
0x19a: {  	_ = 	snop  }
0x19b: {  	[spmem:s1] =	stream.indirect.scatter.add.f32 [tilespmem:s3], [sflag:$0x7], $0x40, s20, s26, $0xb8;
	[tilespmem:$0x13E20] =	vst v63  }
0x19c: {  	_ =	swait.ge [sflag:s23], $0x1400  }
0x19d: {  	[sflag:s23] =	ssyncset.done $0x0  }
0x19e: {  	[sflag:s23] =	ssyncadd.s32 $0xFFFFEC00  }
0x19f: {  	_ =	swait.ge [sflag:s10], $0x500  }
0x1a0: {  	[sflag:s10] =	ssyncset.done $0x0  }
0x1a1: {  	[sflag:s10] =	ssyncadd.s32 $0xFFFFFB00  }
0x1a2: {  	_ =	swait.ge [sflag:s14], $0x1400  }
0x1a3: {  	[sflag:s14] =	ssyncset.done $0x0  }
0x1a4: {  	[sflag:s14] =	ssyncadd.s32 $0xFFFFEC00  }
0x1a5: {  	[spmem:s2] =	stream.indirect.scatter.add.f32 [tilespmem:s8], [sflag:$0x6], $0x10, s21, s26, $0xb8;
	[tilespmem:$0x13E20] =	vst v63  }
0x1a6: {  	s9 =	sadd.s32 $0x1, s9  }
0x1a7: {  	[spmem:s1] =	stream.indirect.scatter.add.f32 [tilespmem:s4], [sflag:$0x7], $0x40, s21, s26, $0xb8;
	[tilespmem:$0x13E20] =	vst v63  }
0x1a8: {  	p0 =	sne.s32 s9, $0x5;
	_ =	swait.ge [sflag:s23], $0x1400  }
.Ltmp1:
0x1a9: {  	[sflag:s23] =	ssyncset.done $0x0;
	(pc) =	sbr.rel @p0 .LBB2_2-.Ltmp1, $4  }
0x1aa: {  	[sflag:s23] =	ssyncadd.s32 $0xFFFFEC00  }
0x1ab: {  	_ =	swait.ge [sflag:s10], $0x500  }
0x1ac: {  	[sflag:s10] =	ssyncset.done $0x0  }
0x1ad: {  	[sflag:s10] =	ssyncadd.s32 $0xFFFFFB00  }
0x1ae: {  	[bflag:$0x0] =	sbarrier.arrive $0xFFFF  }
0x1af: {  	s15 =	rddreg [dreg:$0x7]  }
0x1b0: {  	s9 =	rddreg [dreg:$0x11]  }
0x1b1: {  	s25 =	rddreg [dreg:$0x14];
	s0 =	sshrl.u32 s15, $0x3  }
0x1b2: {  	[hbm:s9], [sflag:s25] =	dma.local [spmem:s0], $0x13C0  }
0x1b3: {  	_ =	swait.ge [sflag:s23], $0x13C0  }
0x1b4: {  	[sflag:s23] =	ssyncset.done $0x0;
	s28 =	rddreg [dreg:$0x12]  }
0x1b5: {  	s30 =	rddreg [dreg:$0x15];
	[sflag:s23] =	ssyncadd.s32 $0xFFFFEC40  }
0x1b6: {  	[hbm:s28], [sflag:s25] =	dma.local [spmem:s30], $0x4F0  }
0x1b7: {  	_ =	swait.ge [sflag:s23], $0x4F0  }
0x1b8: {  	s28 =	rddreg [dreg:$0x13]  }
0x1b9: {  	s30 =	rddreg [dreg:$0x10];
	s9 =	sadd.s32 $0x1, s28  }
0x1ba: {  	p0 =	sne.s32 s9, s30  }
.Ltmp2:
0x1bb: {  	_ = 	snop;
	(pc) =	sbr.rel @p0 .LBB2_1-.Ltmp2, $3  }
0x1bc: {  	_ =	sdelay $0x1  }
0x1bd: {  	[sflag:s23] =	ssyncset.done $0x0  }
0x1be: {  	[sflag:s23] =	ssyncadd.s32 $0xFFFFFB10  }
0x1bf: {  	_ =	sfence.sel $0x180000  }
0x1c0: {  	[bflag:$0x0] =	sbarrier.arrive $0xFFFF  }
0x1c1: {  	_ =	strace $0x9000004A  }
0x1c2: {  	s0 =	stileid.u32;
	[bflag:$0x2] =	sbarrier.arrive $0xFFFF  }
0x1c3: {  	p0 =	sne.s32 s0, $0x0;
	s0 =	rddreg [dreg:$0x4]  }
0x1c4: {  	s0 =	sadd.s32 @!p0 $0x100000, s0  }
0x1c5: {  	[sflag:s0] =	ssyncadd.tile.s32 @!p0 $0x1;
	_ =	shalt  }
.Lfunc_end2:
_tile_overlayer_lowered:
.L_overlay_start_2:
0x1c6: {  	(tag) =	ssettag $0x2  }
0x1c7: {  	s0 =	rddreg [dreg:$0x0];
	s2 =	stileid.u32  }
0x1c8: {  	s1 =	rddreg [dreg:$0x1];
	p0 =	sne.s32 s2, $0x0  }
0x1c9: {  	s3 =	rddreg [dreg:$0x2];
	[bflag:$0x3] =	sbarrier.arrive $0xFFFF;
	s2 =	simm.s32 @!p0 $0x1C07  }
0x1ca: {  	[timem:s3], [sflag:s2] =	dma.local @!p0 [hbm:s0], s1  }
0x1cb: {  	s0 =	simm.s32 @!p0 $0x7  }
0x1cc: {  	_ =	swait.ge @!p0 [sflag:s0], s1  }
0x1cd: {  	s1 =	ssub.s32 @!p0 $0x0, s1;
	[sflag:s0] =	ssyncset.done @!p0 $0x0  }
0x1ce: {  	[sflag:s0] =	ssyncadd.s32 @!p0 s1  }
0x1cf: {  	[bflag:$0x3] =	sbarrier.arrive $0xFFFF  }
0x1d0: {  	_ =	shalt  }

</sc_bundles>
